<compile_context>
chip_gen: v7x
topology: tpu7x:2x2x1
jax: 0.10.2.dev20260603
libtpu: 0.0.44.dev20260713+nightly
codegen_flags: <defaults>
</compile_context>

<pallas_src>
import functools

import jax
import jax.numpy as jnp
from jax import lax
from jax.experimental import pallas as pl
from jax.experimental.pallas import tpu as pltpu
from jax.experimental.pallas import tpu_sc as plsc

VOCAB = 30522
H = 1024
MAXPOS = 4096
WIDTH = 256
LEVELS = 16
B = 4
L = 4096
EPS = 1e-12

TOKENS = B * L
NC = 2
NS = 16
NW = NC * NS
K = 4
LC = L // K
TOK_C = B * LC
PER_W = TOK_C // NW
CHUNK = 32
NCHUNK = PER_W // CHUNK


@functools.cache
def _make_sc_gather():
  @functools.partial(
    pl.kernel,
    mesh=plsc.VectorSubcoreMesh(core_axis_name="c", subcore_axis_name="s"),
    out_type=jax.ShapeDtypeStruct((TOK_C, H), jnp.float32),
    scratch_types=[
        pltpu.VMEM((PER_W,), jnp.int32),
        pltpu.VMEM((CHUNK, H), jnp.float32),
        pltpu.VMEM((CHUNK, H), jnp.float32),
        pltpu.SemaphoreType.DMA,
        pltpu.SemaphoreType.DMA,
        pltpu.SemaphoreType.DMA,
        pltpu.SemaphoreType.DMA,
    ],
  )
  def _sc_gather(idx_hbm, table_hbm, out_hbm, idx_v, rows0, rows1,
                 gsem0, gsem1, osem0, osem1):
    wid = lax.axis_index("s") * NC + lax.axis_index("c")
    base = wid * PER_W
    pltpu.sync_copy(idx_hbm.at[pl.ds(base, PER_W)], idx_v)

    bufs = (rows0, rows1)
    gsems = (gsem0, gsem1)
    osems = (osem0, osem1)

    def gather(c):
        return pltpu.make_async_copy(
            table_hbm.at[idx_v.at[pl.ds(c * CHUNK, CHUNK)]],
            bufs[c % 2],
            gsems[c % 2],
        )

    def writeout(c):
        return pltpu.make_async_copy(
            bufs[c % 2],
            out_hbm.at[pl.ds(base + c * CHUNK, CHUNK)],
            osems[c % 2],
        )

    gather(0).start()
    for c in range(NCHUNK):
        if c + 1 < NCHUNK:
            if c >= 1:
                writeout(c - 1).wait()
            gather(c + 1).start()
        gather(c).wait()
        writeout(c).start()
    writeout(NCHUNK - 2).wait()
    writeout(NCHUNK - 1).wait()

  return _sc_gather




def _gelu_exact(z):
    return 0.5 * z * (1.0 + lax.erf(z * jnp.float32(0.7071067811865476)))


def _make_ln_body(c, has_prev):
    def body(*refs):
        if has_prev:
            (g_ref, tt_ref, te_ref, gamma_ref, beta_ref,
             w1, b1, w2, b2, w3, b3, gain, _buf, out_ref, pe_ref) = refs
        else:
            (g_ref, tt_ref, te_ref, gamma_ref, beta_ref,
             w1, b1, w2, b2, w3, b3, gain, out_ref, pe_ref) = refs
        b = pl.program_id(0)

        te = te_ref[...]
        t0 = te[0:1, :]
        td = te[1:2, :] - t0

        @pl.when(b == 0)
        def _():
            pos = (c * LC + lax.broadcasted_iota(jnp.int32, (1, LC), 1)
                   ).astype(jnp.float32)
            x = pos / jnp.float32(MAXPOS - 1)
            y = x
            cv = jnp.zeros_like(y)
            weight = 0.5
            for _ in range(LEVELS):
                t = jnp.floor(y * 3.0)
                cv = cv + jnp.where(t == 2.0, jnp.float32(weight), 0.0)
                y = y * 3.0 - t
                weight = weight * 0.5
            cv = jnp.clip(cv, 0.0, 1.0)

            h = _gelu_exact(
                lax.dot_general(cv, w1[...], (((0,), (0,)), ((), ())),
                                preferred_element_type=jnp.float32) + b1[...])
            h = _gelu_exact(
                lax.dot_general(h, w2[...], (((1,), (0,)), ((), ())),
                                preferred_element_type=jnp.float32) + b2[...]
            )
            pe = lax.dot_general(h, w3[...], (((1,), (0,)), ((), ())),
                                 preferred_element_type=jnp.float32) + b3[...]
            pe_ref[...] = gain[...] * pe + t0

        tsel = lax.dot_general(tt_ref[0], td, (((0,), (0,)), ((), ())),
                               preferred_element_type=jnp.float32)
        emb = (g_ref[...] + pe_ref[...]) + tsel
        ones = jnp.ones((H, 1), dtype=jnp.float32)
        rcp = jnp.float32(1.0 / H)
        mean = lax.dot_general(emb, ones, (((1,), (0,)), ((), ())),
                               preferred_element_type=jnp.float32) * rcp
        msq = lax.dot_general(emb * emb, ones, (((1,), (0,)), ((), ())),
                              preferred_element_type=jnp.float32) * rcp
        var = msq - mean * mean
        inv = lax.rsqrt(var + EPS)
        cc = (emb - mean) * inv
        out_ref[...] = cc * gamma_ref[...] + beta_ref[...]

    return body


@functools.cache
def _make_ln_call(c, has_prev):
    zero = lambda b: (0, 0)
    in_specs = [
        pl.BlockSpec((LC, H), lambda b: (b, 0)),
        pl.BlockSpec((1, 1, LC), lambda b: (b, 0, 0)),
        pl.BlockSpec((2, H), zero),
        pl.BlockSpec((1, H), zero),
        pl.BlockSpec((1, H), zero),
        pl.BlockSpec((1, WIDTH), zero),
        pl.BlockSpec((1, WIDTH), zero),
        pl.BlockSpec((WIDTH, WIDTH), zero),
        pl.BlockSpec((1, WIDTH), zero),
        pl.BlockSpec((WIDTH, H), zero),
        pl.BlockSpec((1, H), zero),
        pl.BlockSpec((1, 1), zero),
    ]
    kwargs = {}
    if has_prev:
        in_specs.append(pl.BlockSpec(memory_space=pl.ANY))
        kwargs['input_output_aliases'] = {12: 0}
    return pl.pallas_call(
        _make_ln_body(c, has_prev),
        grid=(B,),
        in_specs=in_specs,
        out_specs=pl.BlockSpec((LC, H), lambda b: (b * K + c, 0)),
        out_shape=jax.ShapeDtypeStruct((TOKENS, H), jnp.float32),
        scratch_shapes=[pltpu.VMEM((LC, H), jnp.float32)],
        **kwargs,
    )


def kernel(input_ids, token_type_ids, word_emb, type_emb, W1, b1, W2, b2,
           W3, b3, pos_gain, gamma, beta):
    sc_gather = _make_sc_gather()
    ids = input_ids.astype(jnp.int32).reshape(B, K, LC)
    tts = token_type_ids.astype(jnp.float32).reshape(B, K, LC)
    args = (type_emb, gamma.reshape(1, H), beta.reshape(1, H),
            W1, b1.reshape(1, WIDTH), W2, b2.reshape(1, WIDTH), W3,
            b3.reshape(1, H), pos_gain.reshape(1, 1))

    gathered = [sc_gather(ids[:, c, :].reshape(TOK_C), word_emb)
                for c in range(K)]
    out = None
    for c in range(K):
        tt_c = tts[:, c, :].reshape(B, 1, LC)
        ln = _make_ln_call(c, out is not None)
        if out is None:
            out = ln(gathered[c], tt_c, *args)
        else:
            out = ln(gathered[c], tt_c, *args, out)
    return out.reshape(B, L, H)

# --- scband reference (transcript-rebuilt; emitter-appended) ---
"""Pipeline reference for scband-bert-cantor-embeddings-90254442758272 (READ-ONLY COPY).

The authoritative reference and input builder live on the scoring server;
editing this copy changes nothing except your own understanding.
"""

import jax, jax.numpy as jnp
import numpy as np

VOCAB = 30522
H = 1024
TYPES = 2
MAXPOS = 4096
WIDTH = 256
LEVELS = 16
B = 4
L = 4096
EPS = 1e-12


def cantor_staircase_scalar(pos, max_pos, levels):
    x = pos.astype(jnp.float32) / float(max_pos - 1)
    y = x
    out = jnp.zeros_like(y)
    weight = 0.5
    for _ in range(levels):
        t = jnp.floor(y * 3.0)
        bit = jnp.where(t == 2.0, jnp.ones_like(y), jnp.zeros_like(y))
        out = out + bit * weight
        y = y * 3.0 - t
        weight = weight * 0.5
    return jnp.clip(out, 0.0, 1.0)


def setup_inputs(seed: int = 0) -> dict:
    key = jax.random.key(seed)
    ks = jax.random.split(key, 12)
    input_ids = jax.random.randint(ks[0], (B, L), 0, VOCAB, dtype=jnp.int64) if jax.config.read('jax_enable_x64') else jax.random.randint(ks[0], (B, L), 0, VOCAB)
    token_type_ids = jax.random.randint(ks[1], (B, L), 0, TYPES)
    word_emb = jax.random.normal(ks[2], (VOCAB, H), dtype=jnp.float32) * 0.02
    word_emb = word_emb.at[0].set(0.0)  # padding_idx=0
    type_emb = jax.random.normal(ks[3], (TYPES, H), dtype=jnp.float32) * 0.02
    W1 = jax.random.normal(ks[4], (1, WIDTH), dtype=jnp.float32) * 0.5
    b1 = jnp.zeros((WIDTH,), dtype=jnp.float32)
    W2 = jax.random.normal(ks[5], (WIDTH, WIDTH), dtype=jnp.float32) * (1.0 / np.sqrt(WIDTH))
    b2 = jnp.zeros((WIDTH,), dtype=jnp.float32)
    W3 = jax.random.normal(ks[6], (WIDTH, H), dtype=jnp.float32) * (1.0 / np.sqrt(WIDTH))
    b3 = jnp.zeros((H,), dtype=jnp.float32)
    pos_gain = jnp.asarray(0.1, dtype=jnp.float32)
    gamma = jnp.ones((H,), dtype=jnp.float32)
    beta = jnp.zeros((H,), dtype=jnp.float32)
    return {
        'input_ids': input_ids,
        'token_type_ids': token_type_ids,
        'word_emb': word_emb,
        'type_emb': type_emb,
        'W1': W1, 'b1': b1, 'W2': W2, 'b2': b2, 'W3': W3, 'b3': b3,
        'pos_gain': pos_gain,
        'gamma': gamma, 'beta': beta,
    }


def reference(input_ids, token_type_ids, word_emb, type_emb, W1, b1, W2, b2, W3, b3, pos_gain, gamma, beta):
    # embedding lookups (gather)
    inputs_embeds = jnp.take(word_emb, input_ids, axis=0)           # [B, L, H]
    token_type_embeddings = jnp.take(type_emb, token_type_ids, axis=0)  # [B, L, H]

    # position ids (past_key_values_length = 0)
    pos_ids = jnp.clip(jnp.arange(L), 0, MAXPOS - 1)                # [L]
    cantor_vals = cantor_staircase_scalar(pos_ids, MAXPOS, LEVELS)  # [L]
    cantor_vals = jnp.broadcast_to(cantor_vals[None, :], (input_ids.shape[0], L))  # [B, L]

    # CantorProjector MLP: 1 -> 256 -> 256 -> H, exact (erf) GELU, dropout p=0
    x = cantor_vals[..., None]                                      # [B, L, 1]
    h = jax.nn.gelu(x @ W1 + b1, approximate=False)
    h = jax.nn.gelu(h @ W2 + b2, approximate=False)
    pe = h @ W3 + b3                                                # [B, L, H]
    pos_proj = pos_gain * pe

    embeddings = inputs_embeds + token_type_embeddings + pos_proj

    # LayerNorm (biased variance, as torch)
    mean = jnp.mean(embeddings, axis=-1, keepdims=True)
    var = jnp.mean(jnp.square(embeddings - mean), axis=-1, keepdims=True)
    out = (embeddings - mean) / jnp.sqrt(var + EPS) * gamma + beta
    # dropout prob = 0.0 -> identity
    return out

if __name__ == "__main__":
    import jax
    _d = setup_inputs()
    print(jax.jit(kernel)(*tuple(_d.values())))

</pallas_src>

<mosaic_0001>
#map = affine_map<(d0, d1) -> (0)>
#map1 = affine_map<(d0, d1) -> (0, 0)>
module attributes {stable_mosaic.version = 14 : i64} {
  func.func @_sc_gather(%arg0: i32, %arg1: i32, %arg2: memref<4096xi32, #tpu.memory_space<hbm>>, %arg3: memref<30522x1024xf32, #tpu.memory_space<hbm>>, %arg4: memref<4096x1024xf32, #tpu.memory_space<hbm>>, %arg5: memref<128xi32, #tpu.memory_space<vmem>>, %arg6: memref<32x1024xf32, #tpu.memory_space<vmem>>, %arg7: memref<32x1024xf32, #tpu.memory_space<vmem>>, %arg8: memref<!tpu.dma_semaphore, #tpu.memory_space<semaphore_mem>>, %arg9: memref<!tpu.dma_semaphore, #tpu.memory_space<semaphore_mem>>, %arg10: memref<!tpu.dma_semaphore, #tpu.memory_space<semaphore_mem>>, %arg11: memref<!tpu.dma_semaphore, #tpu.memory_space<semaphore_mem>>) attributes {dimension_semantics = [#tpu.dimension_semantics<core_parallel>, #tpu.dimension_semantics<subcore_parallel>], iteration_bounds = array<i64: 2, 16>, scalar_prefetch = 0 : i64, scratch_operands = 7 : i64, tpu.core_type = #tpu.core_type<sc_vector_subcore>, window_params = [{transform_indices = #map}, {transform_indices = #map1}, {transform_indices = #map1}]} {
    %mul3A = arith.constant 2 : i32
    %mul3A_0 = arith.muli %arg1, %mul3A : i32
    %add3A = arith.addi %mul3A_0, %arg0 : i32
    %mul3A_1 = arith.constant 128 : i32
    %mul3A_2 = arith.muli %add3A, %mul3A_1 : i32
    "tpu.region"() ({
      %run_scoped3A = tpu.sem_alloc : memref<!tpu.dma_semaphore, #tpu.memory_space<semaphore_mem>>
      %dma_start3A_89 = tpu.memref_slice %arg2[%mul3A_2] : memref<4096xi32, #tpu.memory_space<hbm>> -> memref<128xi32, #tpu.memory_space<hbm>>
      %dma_start3A_90 = tpu.memref_slice %arg2[%mul3A_2] : memref<4096xi32, #tpu.memory_space<hbm>> -> memref<128xi32, #tpu.memory_space<hbm>>
      tpu.enqueue_dma source(%dma_start3A_90 : memref<128xi32, #tpu.memory_space<hbm>>) target(%arg5 : memref<128xi32, #tpu.memory_space<vmem>>) target_semaphore(%run_scoped3A : memref<!tpu.dma_semaphore, #tpu.memory_space<semaphore_mem>>)
      %dma_wait3A_91 = tpu.memref_slice %arg2[%mul3A_2] : memref<4096xi32, #tpu.memory_space<hbm>> -> memref<128xi32, #tpu.memory_space<hbm>>
      %dma_wait3A_92 = tpu.memref_slice %arg2[%mul3A_2] : memref<4096xi32, #tpu.memory_space<hbm>> -> memref<128xi32, #tpu.memory_space<hbm>>
      tpu.wait_dma2 semaphore(%run_scoped3A : memref<!tpu.dma_semaphore, #tpu.memory_space<semaphore_mem>>) src(%dma_wait3A_92 : memref<128xi32, #tpu.memory_space<hbm>>) dst(%arg5 : memref<128xi32, #tpu.memory_space<vmem>>)
      tpu.yield
    }) : () -> ()
    %dma_start3A = arith.constant 0 : i32
    %dma_start3A_3 = tpu.memref_slice %arg5[%dma_start3A] : memref<128xi32, #tpu.memory_space<vmem>> -> memref<32xi32, #tpu.memory_space<vmem>>
    %dma_start3A_4 = arith.constant 0 : i32
    %dma_start3A_5 = arith.constant 0 : i32
    %dma_start3A_6 = tpu.memref_slice %arg3[%dma_start3A_4, %dma_start3A_5] : memref<30522x1024xf32, #tpu.memory_space<hbm>> -> memref<30522x1024xf32, #tpu.memory_space<hbm>>
    tpu.enqueue_indirect_dma source(%dma_start3A_6 : memref<30522x1024xf32, #tpu.memory_space<hbm>>) target(%arg6 : memref<32x1024xf32, #tpu.memory_space<vmem>>) offsets(%dma_start3A_3 : memref<32xi32, #tpu.memory_space<vmem>>) semaphore(%arg8 : memref<!tpu.dma_semaphore, #tpu.memory_space<semaphore_mem>>)
    %dma_start3A_7 = arith.constant 32 : i32
    %dma_start3A_8 = tpu.memref_slice %arg5[%dma_start3A_7] : memref<128xi32, #tpu.memory_space<vmem>> -> memref<32xi32, #tpu.memory_space<vmem>>
    %dma_start3A_9 = arith.constant 0 : i32
    %dma_start3A_10 = arith.constant 0 : i32
    %dma_start3A_11 = tpu.memref_slice %arg3[%dma_start3A_9, %dma_start3A_10] : memref<30522x1024xf32, #tpu.memory_space<hbm>> -> memref<30522x1024xf32, #tpu.memory_space<hbm>>
    tpu.enqueue_indirect_dma source(%dma_start3A_11 : memref<30522x1024xf32, #tpu.memory_space<hbm>>) target(%arg7 : memref<32x1024xf32, #tpu.memory_space<vmem>>) offsets(%dma_start3A_8 : memref<32xi32, #tpu.memory_space<vmem>>) semaphore(%arg9 : memref<!tpu.dma_semaphore, #tpu.memory_space<semaphore_mem>>)
    %dma_wait3A = arith.constant 0 : i32
    %dma_wait3A_12 = tpu.memref_slice %arg5[%dma_wait3A] : memref<128xi32, #tpu.memory_space<vmem>> -> memref<32xi32, #tpu.memory_space<vmem>>
    %dma_wait3A_13 = arith.constant 0 : i32
    %dma_wait3A_14 = arith.constant 0 : i32
    %dma_wait3A_15 = tpu.memref_slice %arg3[%dma_wait3A_13, %dma_wait3A_14] : memref<30522x1024xf32, #tpu.memory_space<hbm>> -> memref<30522x1024xf32, #tpu.memory_space<hbm>>
    tpu.wait_indirect_dma semaphore(%arg8 : memref<!tpu.dma_semaphore, #tpu.memory_space<semaphore_mem>>) src(%dma_wait3A_15 : memref<30522x1024xf32, #tpu.memory_space<hbm>>) dst(%arg6 : memref<32x1024xf32, #tpu.memory_space<vmem>>)
    %add3A_16 = arith.constant 0 : i32
    %add3A_17 = arith.addi %mul3A_2, %add3A_16 : i32
    %dma_start3A_18 = arith.constant 0 : i32
    %dma_start3A_19 = tpu.memref_slice %arg4[%add3A_17, %dma_start3A_18] : memref<4096x1024xf32, #tpu.memory_space<hbm>> -> memref<32x1024xf32, #tpu.memory_space<hbm>>
    %dma_start3A_20 = arith.constant 0 : i32
    %dma_start3A_21 = tpu.memref_slice %arg4[%add3A_17, %dma_start3A_20] : memref<4096x1024xf32, #tpu.memory_space<hbm>> -> memref<32x1024xf32, #tpu.memory_space<hbm>>
    tpu.enqueue_dma source(%arg6 : memref<32x1024xf32, #tpu.memory_space<vmem>>) target(%dma_start3A_21 : memref<32x1024xf32, #tpu.memory_space<hbm>>) target_semaphore(%arg10 : memref<!tpu.dma_semaphore, #tpu.memory_space<semaphore_mem>>)
    %add3A_22 = arith.constant 0 : i32
    %add3A_23 = arith.addi %mul3A_2, %add3A_22 : i32
    %dma_wait3A_24 = arith.constant 0 : i32
    %dma_wait3A_25 = tpu.memref_slice %arg4[%add3A_23, %dma_wait3A_24] : memref<4096x1024xf32, #tpu.memory_space<hbm>> -> memref<32x1024xf32, #tpu.memory_space<hbm>>
    %dma_wait3A_26 = arith.constant 0 : i32
    %dma_wait3A_27 = tpu.memref_slice %arg4[%add3A_23, %dma_wait3A_26] : memref<4096x1024xf32, #tpu.memory_space<hbm>> -> memref<32x1024xf32, #tpu.memory_space<hbm>>
    tpu.wait_dma2 semaphore(%arg10 : memref<!tpu.dma_semaphore, #tpu.memory_space<semaphore_mem>>) src(%arg6 : memref<32x1024xf32, #tpu.memory_space<vmem>>) dst(%dma_wait3A_27 : memref<32x1024xf32, #tpu.memory_space<hbm>>)
    %dma_start3A_28 = arith.constant 64 : i32
    %dma_start3A_29 = tpu.memref_slice %arg5[%dma_start3A_28] : memref<128xi32, #tpu.memory_space<vmem>> -> memref<32xi32, #tpu.memory_space<vmem>>
    %dma_start3A_30 = arith.constant 0 : i32
    %dma_start3A_31 = arith.constant 0 : i32
    %dma_start3A_32 = tpu.memref_slice %arg3[%dma_start3A_30, %dma_start3A_31] : memref<30522x1024xf32, #tpu.memory_space<hbm>> -> memref<30522x1024xf32, #tpu.memory_space<hbm>>
    tpu.enqueue_indirect_dma source(%dma_start3A_32 : memref<30522x1024xf32, #tpu.memory_space<hbm>>) target(%arg6 : memref<32x1024xf32, #tpu.memory_space<vmem>>) offsets(%dma_start3A_29 : memref<32xi32, #tpu.memory_space<vmem>>) semaphore(%arg8 : memref<!tpu.dma_semaphore, #tpu.memory_space<semaphore_mem>>)
    %dma_wait3A_33 = arith.constant 32 : i32
    %dma_wait3A_34 = tpu.memref_slice %arg5[%dma_wait3A_33] : memref<128xi32, #tpu.memory_space<vmem>> -> memref<32xi32, #tpu.memory_space<vmem>>
    %dma_wait3A_35 = arith.constant 0 : i32
    %dma_wait3A_36 = arith.constant 0 : i32
    %dma_wait3A_37 = tpu.memref_slice %arg3[%dma_wait3A_35, %dma_wait3A_36] : memref<30522x1024xf32, #tpu.memory_space<hbm>> -> memref<30522x1024xf32, #tpu.memory_space<hbm>>
    tpu.wait_indirect_dma semaphore(%arg9 : memref<!tpu.dma_semaphore, #tpu.memory_space<semaphore_mem>>) src(%dma_wait3A_37 : memref<30522x1024xf32, #tpu.memory_space<hbm>>) dst(%arg7 : memref<32x1024xf32, #tpu.memory_space<vmem>>)
    %add3A_38 = arith.constant 32 : i32
    %add3A_39 = arith.addi %mul3A_2, %add3A_38 : i32
    %dma_start3A_40 = arith.constant 0 : i32
    %dma_start3A_41 = tpu.memref_slice %arg4[%add3A_39, %dma_start3A_40] : memref<4096x1024xf32, #tpu.memory_space<hbm>> -> memref<32x1024xf32, #tpu.memory_space<hbm>>
    %dma_start3A_42 = arith.constant 0 : i32
    %dma_start3A_43 = tpu.memref_slice %arg4[%add3A_39, %dma_start3A_42] : memref<4096x1024xf32, #tpu.memory_space<hbm>> -> memref<32x1024xf32, #tpu.memory_space<hbm>>
    tpu.enqueue_dma source(%arg7 : memref<32x1024xf32, #tpu.memory_space<vmem>>) target(%dma_start3A_43 : memref<32x1024xf32, #tpu.memory_space<hbm>>) target_semaphore(%arg11 : memref<!tpu.dma_semaphore, #tpu.memory_space<semaphore_mem>>)
    %add3A_44 = arith.constant 32 : i32
    %add3A_45 = arith.addi %mul3A_2, %add3A_44 : i32
    %dma_wait3A_46 = arith.constant 0 : i32
    %dma_wait3A_47 = tpu.memref_slice %arg4[%add3A_45, %dma_wait3A_46] : memref<4096x1024xf32, #tpu.memory_space<hbm>> -> memref<32x1024xf32, #tpu.memory_space<hbm>>
    %dma_wait3A_48 = arith.constant 0 : i32
    %dma_wait3A_49 = tpu.memref_slice %arg4[%add3A_45, %dma_wait3A_48] : memref<4096x1024xf32, #tpu.memory_space<hbm>> -> memref<32x1024xf32, #tpu.memory_space<hbm>>
    tpu.wait_dma2 semaphore(%arg11 : memref<!tpu.dma_semaphore, #tpu.memory_space<semaphore_mem>>) src(%arg7 : memref<32x1024xf32, #tpu.memory_space<vmem>>) dst(%dma_wait3A_49 : memref<32x1024xf32, #tpu.memory_space<hbm>>)
    %dma_start3A_50 = arith.constant 96 : i32
    %dma_start3A_51 = tpu.memref_slice %arg5[%dma_start3A_50] : memref<128xi32, #tpu.memory_space<vmem>> -> memref<32xi32, #tpu.memory_space<vmem>>
    %dma_start3A_52 = arith.constant 0 : i32
    %dma_start3A_53 = arith.constant 0 : i32
    %dma_start3A_54 = tpu.memref_slice %arg3[%dma_start3A_52, %dma_start3A_53] : memref<30522x1024xf32, #tpu.memory_space<hbm>> -> memref<30522x1024xf32, #tpu.memory_space<hbm>>
    tpu.enqueue_indirect_dma source(%dma_start3A_54 : memref<30522x1024xf32, #tpu.memory_space<hbm>>) target(%arg7 : memref<32x1024xf32, #tpu.memory_space<vmem>>) offsets(%dma_start3A_51 : memref<32xi32, #tpu.memory_space<vmem>>) semaphore(%arg9 : memref<!tpu.dma_semaphore, #tpu.memory_space<semaphore_mem>>)
    %dma_wait3A_55 = arith.constant 64 : i32
    %dma_wait3A_56 = tpu.memref_slice %arg5[%dma_wait3A_55] : memref<128xi32, #tpu.memory_space<vmem>> -> memref<32xi32, #tpu.memory_space<vmem>>
    %dma_wait3A_57 = arith.constant 0 : i32
    %dma_wait3A_58 = arith.constant 0 : i32
    %dma_wait3A_59 = tpu.memref_slice %arg3[%dma_wait3A_57, %dma_wait3A_58] : memref<30522x1024xf32, #tpu.memory_space<hbm>> -> memref<30522x1024xf32, #tpu.memory_space<hbm>>
    tpu.wait_indirect_dma semaphore(%arg8 : memref<!tpu.dma_semaphore, #tpu.memory_space<semaphore_mem>>) src(%dma_wait3A_59 : memref<30522x1024xf32, #tpu.memory_space<hbm>>) dst(%arg6 : memref<32x1024xf32, #tpu.memory_space<vmem>>)
    %add3A_60 = arith.constant 64 : i32
    %add3A_61 = arith.addi %mul3A_2, %add3A_60 : i32
    %dma_start3A_62 = arith.constant 0 : i32
    %dma_start3A_63 = tpu.memref_slice %arg4[%add3A_61, %dma_start3A_62] : memref<4096x1024xf32, #tpu.memory_space<hbm>> -> memref<32x1024xf32, #tpu.memory_space<hbm>>
    %dma_start3A_64 = arith.constant 0 : i32
    %dma_start3A_65 = tpu.memref_slice %arg4[%add3A_61, %dma_start3A_64] : memref<4096x1024xf32, #tpu.memory_space<hbm>> -> memref<32x1024xf32, #tpu.memory_space<hbm>>
    tpu.enqueue_dma source(%arg6 : memref<32x1024xf32, #tpu.memory_space<vmem>>) target(%dma_start3A_65 : memref<32x1024xf32, #tpu.memory_space<hbm>>) target_semaphore(%arg10 : memref<!tpu.dma_semaphore, #tpu.memory_space<semaphore_mem>>)
    %dma_wait3A_66 = arith.constant 96 : i32
    %dma_wait3A_67 = tpu.memref_slice %arg5[%dma_wait3A_66] : memref<128xi32, #tpu.memory_space<vmem>> -> memref<32xi32, #tpu.memory_space<vmem>>
    %dma_wait3A_68 = arith.constant 0 : i32
    %dma_wait3A_69 = arith.constant 0 : i32
    %dma_wait3A_70 = tpu.memref_slice %arg3[%dma_wait3A_68, %dma_wait3A_69] : memref<30522x1024xf32, #tpu.memory_space<hbm>> -> memref<30522x1024xf32, #tpu.memory_space<hbm>>
    tpu.wait_indirect_dma semaphore(%arg9 : memref<!tpu.dma_semaphore, #tpu.memory_space<semaphore_mem>>) src(%dma_wait3A_70 : memref<30522x1024xf32, #tpu.memory_space<hbm>>) dst(%arg7 : memref<32x1024xf32, #tpu.memory_space<vmem>>)
    %add3A_71 = arith.constant 96 : i32
    %add3A_72 = arith.addi %mul3A_2, %add3A_71 : i32
    %dma_start3A_73 = arith.constant 0 : i32
    %dma_start3A_74 = tpu.memref_slice %arg4[%add3A_72, %dma_start3A_73] : memref<4096x1024xf32, #tpu.memory_space<hbm>> -> memref<32x1024xf32, #tpu.memory_space<hbm>>
    %dma_start3A_75 = arith.constant 0 : i32
    %dma_start3A_76 = tpu.memref_slice %arg4[%add3A_72, %dma_start3A_75] : memref<4096x1024xf32, #tpu.memory_space<hbm>> -> memref<32x1024xf32, #tpu.memory_space<hbm>>
    tpu.enqueue_dma source(%arg7 : memref<32x1024xf32, #tpu.memory_space<vmem>>) target(%dma_start3A_76 : memref<32x1024xf32, #tpu.memory_space<hbm>>) target_semaphore(%arg11 : memref<!tpu.dma_semaphore, #tpu.memory_space<semaphore_mem>>)
    %add3A_77 = arith.constant 64 : i32
    %add3A_78 = arith.addi %mul3A_2, %add3A_77 : i32
    %dma_wait3A_79 = arith.constant 0 : i32
    %dma_wait3A_80 = tpu.memref_slice %arg4[%add3A_78, %dma_wait3A_79] : memref<4096x1024xf32, #tpu.memory_space<hbm>> -> memref<32x1024xf32, #tpu.memory_space<hbm>>
    %dma_wait3A_81 = arith.constant 0 : i32
    %dma_wait3A_82 = tpu.memref_slice %arg4[%add3A_78, %dma_wait3A_81] : memref<4096x1024xf32, #tpu.memory_space<hbm>> -> memref<32x1024xf32, #tpu.memory_space<hbm>>
    tpu.wait_dma2 semaphore(%arg10 : memref<!tpu.dma_semaphore, #tpu.memory_space<semaphore_mem>>) src(%arg6 : memref<32x1024xf32, #tpu.memory_space<vmem>>) dst(%dma_wait3A_82 : memref<32x1024xf32, #tpu.memory_space<hbm>>)
    %add3A_83 = arith.constant 96 : i32
    %add3A_84 = arith.addi %mul3A_2, %add3A_83 : i32
    %dma_wait3A_85 = arith.constant 0 : i32
    %dma_wait3A_86 = tpu.memref_slice %arg4[%add3A_84, %dma_wait3A_85] : memref<4096x1024xf32, #tpu.memory_space<hbm>> -> memref<32x1024xf32, #tpu.memory_space<hbm>>
    %dma_wait3A_87 = arith.constant 0 : i32
    %dma_wait3A_88 = tpu.memref_slice %arg4[%add3A_84, %dma_wait3A_87] : memref<4096x1024xf32, #tpu.memory_space<hbm>> -> memref<32x1024xf32, #tpu.memory_space<hbm>>
    tpu.wait_dma2 semaphore(%arg11 : memref<!tpu.dma_semaphore, #tpu.memory_space<semaphore_mem>>) src(%arg7 : memref<32x1024xf32, #tpu.memory_space<vmem>>) dst(%dma_wait3A_88 : memref<32x1024xf32, #tpu.memory_space<hbm>>)
    return
  }
}

#map = affine_map<(d0, d1) -> (0)>
#map1 = affine_map<(d0, d1) -> (0, 0)>
module attributes {stable_mosaic.version = 14 : i64} {
  func.func @_sc_gather(%arg0: i32, %arg1: i32, %arg2: memref<4096xi32, #tpu.memory_space<hbm>>, %arg3: memref<30522x1024xf32, #tpu.memory_space<hbm>>, %arg4: memref<4096x1024xf32, #tpu.memory_space<hbm>>, %arg5: memref<128xi32, #tpu.memory_space<vmem>>, %arg6: memref<32x1024xf32, #tpu.memory_space<vmem>>, %arg7: memref<32x1024xf32, #tpu.memory_space<vmem>>, %arg8: memref<!tpu.dma_semaphore, #tpu.memory_space<semaphore_mem>>, %arg9: memref<!tpu.dma_semaphore, #tpu.memory_space<semaphore_mem>>, %arg10: memref<!tpu.dma_semaphore, #tpu.memory_space<semaphore_mem>>, %arg11: memref<!tpu.dma_semaphore, #tpu.memory_space<semaphore_mem>>) attributes {dimension_semantics = [#tpu.dimension_semantics<core_parallel>, #tpu.dimension_semantics<subcore_parallel>], iteration_bounds = array<i64: 2, 16>, scalar_prefetch = 0 : i64, scratch_operands = 7 : i64, tpu.core_type = #tpu.core_type<sc_vector_subcore>, window_params = [{transform_indices = #map}, {transform_indices = #map1}, {transform_indices = #map1}]} {
    %mul3A = arith.constant 2 : i32
    %mul3A_0 = arith.muli %arg1, %mul3A : i32
    %add3A = arith.addi %mul3A_0, %arg0 : i32
    %mul3A_1 = arith.constant 128 : i32
    %mul3A_2 = arith.muli %add3A, %mul3A_1 : i32
    "tpu.region"() ({
      %run_scoped3A = tpu.sem_alloc : memref<!tpu.dma_semaphore, #tpu.memory_space<semaphore_mem>>
      %dma_start3A_89 = tpu.memref_slice %arg2[%mul3A_2] : memref<4096xi32, #tpu.memory_space<hbm>> -> memref<128xi32, #tpu.memory_space<hbm>>
      %dma_start3A_90 = tpu.memref_slice %arg2[%mul3A_2] : memref<4096xi32, #tpu.memory_space<hbm>> -> memref<128xi32, #tpu.memory_space<hbm>>
      tpu.enqueue_dma source(%dma_start3A_90 : memref<128xi32, #tpu.memory_space<hbm>>) target(%arg5 : memref<128xi32, #tpu.memory_space<vmem>>) target_semaphore(%run_scoped3A : memref<!tpu.dma_semaphore, #tpu.memory_space<semaphore_mem>>)
      %dma_wait3A_91 = tpu.memref_slice %arg2[%mul3A_2] : memref<4096xi32, #tpu.memory_space<hbm>> -> memref<128xi32, #tpu.memory_space<hbm>>
      %dma_wait3A_92 = tpu.memref_slice %arg2[%mul3A_2] : memref<4096xi32, #tpu.memory_space<hbm>> -> memref<128xi32, #tpu.memory_space<hbm>>
      tpu.wait_dma2 semaphore(%run_scoped3A : memref<!tpu.dma_semaphore, #tpu.memory_space<semaphore_mem>>) src(%dma_wait3A_92 : memref<128xi32, #tpu.memory_space<hbm>>) dst(%arg5 : memref<128xi32, #tpu.memory_space<vmem>>)
      tpu.yield
    }) : () -> ()
    %dma_start3A = arith.constant 0 : i32
    %dma_start3A_3 = tpu.memref_slice %arg5[%dma_start3A] : memref<128xi32, #tpu.memory_space<vmem>> -> memref<32xi32, #tpu.memory_space<vmem>>
    %dma_start3A_4 = arith.constant 0 : i32
    %dma_start3A_5 = arith.constant 0 : i32
    %dma_start3A_6 = tpu.memref_slice %arg3[%dma_start3A_4, %dma_start3A_5] : memref<30522x1024xf32, #tpu.memory_space<hbm>> -> memref<30522x1024xf32, #tpu.memory_space<hbm>>
    tpu.enqueue_indirect_dma source(%dma_start3A_6 : memref<30522x1024xf32, #tpu.memory_space<hbm>>) target(%arg6 : memref<32x1024xf32, #tpu.memory_space<vmem>>) offsets(%dma_start3A_3 : memref<32xi32, #tpu.memory_space<vmem>>) semaphore(%arg8 : memref<!tpu.dma_semaphore, #tpu.memory_space<semaphore_mem>>)
    %dma_start3A_7 = arith.constant 32 : i32
    %dma_start3A_8 = tpu.memref_slice %arg5[%dma_start3A_7] : memref<128xi32, #tpu.memory_space<vmem>> -> memref<32xi32, #tpu.memory_space<vmem>>
    %dma_start3A_9 = arith.constant 0 : i32
    %dma_start3A_10 = arith.constant 0 : i32
    %dma_start3A_11 = tpu.memref_slice %arg3[%dma_start3A_9, %dma_start3A_10] : memref<30522x1024xf32, #tpu.memory_space<hbm>> -> memref<30522x1024xf32, #tpu.memory_space<hbm>>
    tpu.enqueue_indirect_dma source(%dma_start3A_11 : memref<30522x1024xf32, #tpu.memory_space<hbm>>) target(%arg7 : memref<32x1024xf32, #tpu.memory_space<vmem>>) offsets(%dma_start3A_8 : memref<32xi32, #tpu.memory_space<vmem>>) semaphore(%arg9 : memref<!tpu.dma_semaphore, #tpu.memory_space<semaphore_mem>>)
    %dma_wait3A = arith.constant 0 : i32
    %dma_wait3A_12 = tpu.memref_slice %arg5[%dma_wait3A] : memref<128xi32, #tpu.memory_space<vmem>> -> memref<32xi32, #tpu.memory_space<vmem>>
    %dma_wait3A_13 = arith.constant 0 : i32
    %dma_wait3A_14 = arith.constant 0 : i32
    %dma_wait3A_15 = tpu.memref_slice %arg3[%dma_wait3A_13, %dma_wait3A_14] : memref<30522x1024xf32, #tpu.memory_space<hbm>> -> memref<30522x1024xf32, #tpu.memory_space<hbm>>
    tpu.wait_indirect_dma semaphore(%arg8 : memref<!tpu.dma_semaphore, #tpu.memory_space<semaphore_mem>>) src(%dma_wait3A_15 : memref<30522x1024xf32, #tpu.memory_space<hbm>>) dst(%arg6 : memref<32x1024xf32, #tpu.memory_space<vmem>>)
    %add3A_16 = arith.constant 0 : i32
    %add3A_17 = arith.addi %mul3A_2, %add3A_16 : i32
    %dma_start3A_18 = arith.constant 0 : i32
    %dma_start3A_19 = tpu.memref_slice %arg4[%add3A_17, %dma_start3A_18] : memref<4096x1024xf32, #tpu.memory_space<hbm>> -> memref<32x1024xf32, #tpu.memory_space<hbm>>
    %dma_start3A_20 = arith.constant 0 : i32
    %dma_start3A_21 = tpu.memref_slice %arg4[%add3A_17, %dma_start3A_20] : memref<4096x1024xf32, #tpu.memory_space<hbm>> -> memref<32x1024xf32, #tpu.memory_space<hbm>>
    tpu.enqueue_dma source(%arg6 : memref<32x1024xf32, #tpu.memory_space<vmem>>) target(%dma_start3A_21 : memref<32x1024xf32, #tpu.memory_space<hbm>>) target_semaphore(%arg10 : memref<!tpu.dma_semaphore, #tpu.memory_space<semaphore_mem>>)
    %add3A_22 = arith.constant 0 : i32
    %add3A_23 = arith.addi %mul3A_2, %add3A_22 : i32
    %dma_wait3A_24 = arith.constant 0 : i32
    %dma_wait3A_25 = tpu.memref_slice %arg4[%add3A_23, %dma_wait3A_24] : memref<4096x1024xf32, #tpu.memory_space<hbm>> -> memref<32x1024xf32, #tpu.memory_space<hbm>>
    %dma_wait3A_26 = arith.constant 0 : i32
    %dma_wait3A_27 = tpu.memref_slice %arg4[%add3A_23, %dma_wait3A_26] : memref<4096x1024xf32, #tpu.memory_space<hbm>> -> memref<32x1024xf32, #tpu.memory_space<hbm>>
    tpu.wait_dma2 semaphore(%arg10 : memref<!tpu.dma_semaphore, #tpu.memory_space<semaphore_mem>>) src(%arg6 : memref<32x1024xf32, #tpu.memory_space<vmem>>) dst(%dma_wait3A_27 : memref<32x1024xf32, #tpu.memory_space<hbm>>)
    %dma_start3A_28 = arith.constant 64 : i32
    %dma_start3A_29 = tpu.memref_slice %arg5[%dma_start3A_28] : memref<128xi32, #tpu.memory_space<vmem>> -> memref<32xi32, #tpu.memory_space<vmem>>
    %dma_start3A_30 = arith.constant 0 : i32
    %dma_start3A_31 = arith.constant 0 : i32
    %dma_start3A_32 = tpu.memref_slice %arg3[%dma_start3A_30, %dma_start3A_31] : memref<30522x1024xf32, #tpu.memory_space<hbm>> -> memref<30522x1024xf32, #tpu.memory_space<hbm>>
    tpu.enqueue_indirect_dma source(%dma_start3A_32 : memref<30522x1024xf32, #tpu.memory_space<hbm>>) target(%arg6 : memref<32x1024xf32, #tpu.memory_space<vmem>>) offsets(%dma_start3A_29 : memref<32xi32, #tpu.memory_space<vmem>>) semaphore(%arg8 : memref<!tpu.dma_semaphore, #tpu.memory_space<semaphore_mem>>)
    %dma_wait3A_33 = arith.constant 32 : i32
    %dma_wait3A_34 = tpu.memref_slice %arg5[%dma_wait3A_33] : memref<128xi32, #tpu.memory_space<vmem>> -> memref<32xi32, #tpu.memory_space<vmem>>
    %dma_wait3A_35 = arith.constant 0 : i32
    %dma_wait3A_36 = arith.constant 0 : i32
    %dma_wait3A_37 = tpu.memref_slice %arg3[%dma_wait3A_35, %dma_wait3A_36] : memref<30522x1024xf32, #tpu.memory_space<hbm>> -> memref<30522x1024xf32, #tpu.memory_space<hbm>>
    tpu.wait_indirect_dma semaphore(%arg9 : memref<!tpu.dma_semaphore, #tpu.memory_space<semaphore_mem>>) src(%dma_wait3A_37 : memref<30522x1024xf32, #tpu.memory_space<hbm>>) dst(%arg7 : memref<32x1024xf32, #tpu.memory_space<vmem>>)
    %add3A_38 = arith.constant 32 : i32
    %add3A_39 = arith.addi %mul3A_2, %add3A_38 : i32
    %dma_start3A_40 = arith.constant 0 : i32
    %dma_start3A_41 = tpu.memref_slice %arg4[%add3A_39, %dma_start3A_40] : memref<4096x1024xf32, #tpu.memory_space<hbm>> -> memref<32x1024xf32, #tpu.memory_space<hbm>>
    %dma_start3A_42 = arith.constant 0 : i32
    %dma_start3A_43 = tpu.memref_slice %arg4[%add3A_39, %dma_start3A_42] : memref<4096x1024xf32, #tpu.memory_space<hbm>> -> memref<32x1024xf32, #tpu.memory_space<hbm>>
    tpu.enqueue_dma source(%arg7 : memref<32x1024xf32, #tpu.memory_space<vmem>>) target(%dma_start3A_43 : memref<32x1024xf32, #tpu.memory_space<hbm>>) target_semaphore(%arg11 : memref<!tpu.dma_semaphore, #tpu.memory_space<semaphore_mem>>)
    %add3A_44 = arith.constant 32 : i32
    %add3A_45 = arith.addi %mul3A_2, %add3A_44 : i32
    %dma_wait3A_46 = arith.constant 0 : i32
    %dma_wait3A_47 = tpu.memref_slice %arg4[%add3A_45, %dma_wait3A_46] : memref<4096x1024xf32, #tpu.memory_space<hbm>> -> memref<32x1024xf32, #tpu.memory_space<hbm>>
    %dma_wait3A_48 = arith.constant 0 : i32
    %dma_wait3A_49 = tpu.memref_slice %arg4[%add3A_45, %dma_wait3A_48] : memref<4096x1024xf32, #tpu.memory_space<hbm>> -> memref<32x1024xf32, #tpu.memory_space<hbm>>
    tpu.wait_dma2 semaphore(%arg11 : memref<!tpu.dma_semaphore, #tpu.memory_space<semaphore_mem>>) src(%arg7 : memref<32x1024xf32, #tpu.memory_space<vmem>>) dst(%dma_wait3A_49 : memref<32x1024xf32, #tpu.memory_space<hbm>>)
    %dma_start3A_50 = arith.constant 96 : i32
    %dma_start3A_51 = tpu.memref_slice %arg5[%dma_start3A_50] : memref<128xi32, #tpu.memory_space<vmem>> -> memref<32xi32, #tpu.memory_space<vmem>>
    %dma_start3A_52 = arith.constant 0 : i32
    %dma_start3A_53 = arith.constant 0 : i32
    %dma_start3A_54 = tpu.memref_slice %arg3[%dma_start3A_52, %dma_start3A_53] : memref<30522x1024xf32, #tpu.memory_space<hbm>> -> memref<30522x1024xf32, #tpu.memory_space<hbm>>
    tpu.enqueue_indirect_dma source(%dma_start3A_54 : memref<30522x1024xf32, #tpu.memory_space<hbm>>) target(%arg7 : memref<32x1024xf32, #tpu.memory_space<vmem>>) offsets(%dma_start3A_51 : memref<32xi32, #tpu.memory_space<vmem>>) semaphore(%arg9 : memref<!tpu.dma_semaphore, #tpu.memory_space<semaphore_mem>>)
    %dma_wait3A_55 = arith.constant 64 : i32
    %dma_wait3A_56 = tpu.memref_slice %arg5[%dma_wait3A_55] : memref<128xi32, #tpu.memory_space<vmem>> -> memref<32xi32, #tpu.memory_space<vmem>>
    %dma_wait3A_57 = arith.constant 0 : i32
    %dma_wait3A_58 = arith.constant 0 : i32
    %dma_wait3A_59 = tpu.memref_slice %arg3[%dma_wait3A_57, %dma_wait3A_58] : memref<30522x1024xf32, #tpu.memory_space<hbm>> -> memref<30522x1024xf32, #tpu.memory_space<hbm>>
    tpu.wait_indirect_dma semaphore(%arg8 : memref<!tpu.dma_semaphore, #tpu.memory_space<semaphore_mem>>) src(%dma_wait3A_59 : memref<30522x1024xf32, #tpu.memory_space<hbm>>) dst(%arg6 : memref<32x1024xf32, #tpu.memory_space<vmem>>)
    %add3A_60 = arith.constant 64 : i32
    %add3A_61 = arith.addi %mul3A_2, %add3A_60 : i32
    %dma_start3A_62 = arith.constant 0 : i32
    %dma_start3A_63 = tpu.memref_slice %arg4[%add3A_61, %dma_start3A_62] : memref<4096x1024xf32, #tpu.memory_space<hbm>> -> memref<32x1024xf32, #tpu.memory_space<hbm>>
    %dma_start3A_64 = arith.constant 0 : i32
    %dma_start3A_65 = tpu.memref_slice %arg4[%add3A_61, %dma_start3A_64] : memref<4096x1024xf32, #tpu.memory_space<hbm>> -> memref<32x1024xf32, #tpu.memory_space<hbm>>
    tpu.enqueue_dma source(%arg6 : memref<32x1024xf32, #tpu.memory_space<vmem>>) target(%dma_start3A_65 : memref<32x1024xf32, #tpu.memory_space<hbm>>) target_semaphore(%arg10 : memref<!tpu.dma_semaphore, #tpu.memory_space<semaphore_mem>>)
    %dma_wait3A_66 = arith.constant 96 : i32
    %dma_wait3A_67 = tpu.memref_slice %arg5[%dma_wait3A_66] : memref<128xi32, #tpu.memory_space<vmem>> -> memref<32xi32, #tpu.memory_space<vmem>>
    %dma_wait3A_68 = arith.constant 0 : i32
    %dma_wait3A_69 = arith.constant 0 : i32
    %dma_wait3A_70 = tpu.memref_slice %arg3[%dma_wait3A_68, %dma_wait3A_69] : memref<30522x1024xf32, #tpu.memory_space<hbm>> -> memref<30522x1024xf32, #tpu.memory_space<hbm>>
    tpu.wait_indirect_dma semaphore(%arg9 : memref<!tpu.dma_semaphore, #tpu.memory_space<semaphore_mem>>) src(%dma_wait3A_70 : memref<30522x1024xf32, #tpu.memory_space<hbm>>) dst(%arg7 : memref<32x1024xf32, #tpu.memory_space<vmem>>)
    %add3A_71 = arith.constant 96 : i32
    %add3A_72 = arith.addi %mul3A_2, %add3A_71 : i32
    %dma_start3A_73 = arith.constant 0 : i32
    %dma_start3A_74 = tpu.memref_slice %arg4[%add3A_72, %dma_start3A_73] : memref<4096x1024xf32, #tpu.memory_space<hbm>> -> memref<32x1024xf32, #tpu.memory_space<hbm>>
    %dma_start3A_75 = arith.constant 0 : i32
    %dma_start3A_76 = tpu.memref_slice %arg4[%add3A_72, %dma_start3A_75] : memref<4096x1024xf32, #tpu.memory_space<hbm>> -> memref<32x1024xf32, #tpu.memory_space<hbm>>
    tpu.enqueue_dma source(%arg7 : memref<32x1024xf32, #tpu.memory_space<vmem>>) target(%dma_start3A_76 : memref<32x1024xf32, #tpu.memory_space<hbm>>) target_semaphore(%arg11 : memref<!tpu.dma_semaphore, #tpu.memory_space<semaphore_mem>>)
    %add3A_77 = arith.constant 64 : i32
    %add3A_78 = arith.addi %mul3A_2, %add3A_77 : i32
    %dma_wait3A_79 = arith.constant 0 : i32
    %dma_wait3A_80 = tpu.memref_slice %arg4[%add3A_78, %dma_wait3A_79] : memref<4096x1024xf32, #tpu.memory_space<hbm>> -> memref<32x1024xf32, #tpu.memory_space<hbm>>
    %dma_wait3A_81 = arith.constant 0 : i32
    %dma_wait3A_82 = tpu.memref_slice %arg4[%add3A_78, %dma_wait3A_81] : memref<4096x1024xf32, #tpu.memory_space<hbm>> -> memref<32x1024xf32, #tpu.memory_space<hbm>>
    tpu.wait_dma2 semaphore(%arg10 : memref<!tpu.dma_semaphore, #tpu.memory_space<semaphore_mem>>) src(%arg6 : memref<32x1024xf32, #tpu.memory_space<vmem>>) dst(%dma_wait3A_82 : memref<32x1024xf32, #tpu.memory_space<hbm>>)
    %add3A_83 = arith.constant 96 : i32
    %add3A_84 = arith.addi %mul3A_2, %add3A_83 : i32
    %dma_wait3A_85 = arith.constant 0 : i32
    %dma_wait3A_86 = tpu.memref_slice %arg4[%add3A_84, %dma_wait3A_85] : memref<4096x1024xf32, #tpu.memory_space<hbm>> -> memref<32x1024xf32, #tpu.memory_space<hbm>>
    %dma_wait3A_87 = arith.constant 0 : i32
    %dma_wait3A_88 = tpu.memref_slice %arg4[%add3A_84, %dma_wait3A_87] : memref<4096x1024xf32, #tpu.memory_space<hbm>> -> memref<32x1024xf32, #tpu.memory_space<hbm>>
    tpu.wait_dma2 semaphore(%arg11 : memref<!tpu.dma_semaphore, #tpu.memory_space<semaphore_mem>>) src(%arg7 : memref<32x1024xf32, #tpu.memory_space<vmem>>) dst(%dma_wait3A_88 : memref<32x1024xf32, #tpu.memory_space<hbm>>)
    return
  }
}

#map = affine_map<(d0, d1) -> (0)>
#map1 = affine_map<(d0, d1) -> (0, 0)>
module attributes {stable_mosaic.version = 14 : i64} {
  func.func @_sc_gather(%arg0: i32, %arg1: i32, %arg2: memref<4096xi32, #tpu.memory_space<hbm>>, %arg3: memref<30522x1024xf32, #tpu.memory_space<hbm>>, %arg4: memref<4096x1024xf32, #tpu.memory_space<hbm>>, %arg5: memref<128xi32, #tpu.memory_space<vmem>>, %arg6: memref<32x1024xf32, #tpu.memory_space<vmem>>, %arg7: memref<32x1024xf32, #tpu.memory_space<vmem>>, %arg8: memref<!tpu.dma_semaphore, #tpu.memory_space<semaphore_mem>>, %arg9: memref<!tpu.dma_semaphore, #tpu.memory_space<semaphore_mem>>, %arg10: memref<!tpu.dma_semaphore, #tpu.memory_space<semaphore_mem>>, %arg11: memref<!tpu.dma_semaphore, #tpu.memory_space<semaphore_mem>>) attributes {dimension_semantics = [#tpu.dimension_semantics<core_parallel>, #tpu.dimension_semantics<subcore_parallel>], iteration_bounds = array<i64: 2, 16>, scalar_prefetch = 0 : i64, scratch_operands = 7 : i64, tpu.core_type = #tpu.core_type<sc_vector_subcore>, window_params = [{transform_indices = #map}, {transform_indices = #map1}, {transform_indices = #map1}]} {
    %mul3A = arith.constant 2 : i32
    %mul3A_0 = arith.muli %arg1, %mul3A : i32
    %add3A = arith.addi %mul3A_0, %arg0 : i32
    %mul3A_1 = arith.constant 128 : i32
    %mul3A_2 = arith.muli %add3A, %mul3A_1 : i32
    "tpu.region"() ({
      %run_scoped3A = tpu.sem_alloc : memref<!tpu.dma_semaphore, #tpu.memory_space<semaphore_mem>>
      %dma_start3A_89 = tpu.memref_slice %arg2[%mul3A_2] : memref<4096xi32, #tpu.memory_space<hbm>> -> memref<128xi32, #tpu.memory_space<hbm>>
      %dma_start3A_90 = tpu.memref_slice %arg2[%mul3A_2] : memref<4096xi32, #tpu.memory_space<hbm>> -> memref<128xi32, #tpu.memory_space<hbm>>
      tpu.enqueue_dma source(%dma_start3A_90 : memref<128xi32, #tpu.memory_space<hbm>>) target(%arg5 : memref<128xi32, #tpu.memory_space<vmem>>) target_semaphore(%run_scoped3A : memref<!tpu.dma_semaphore, #tpu.memory_space<semaphore_mem>>)
      %dma_wait3A_91 = tpu.memref_slice %arg2[%mul3A_2] : memref<4096xi32, #tpu.memory_space<hbm>> -> memref<128xi32, #tpu.memory_space<hbm>>
      %dma_wait3A_92 = tpu.memref_slice %arg2[%mul3A_2] : memref<4096xi32, #tpu.memory_space<hbm>> -> memref<128xi32, #tpu.memory_space<hbm>>
      tpu.wait_dma2 semaphore(%run_scoped3A : memref<!tpu.dma_semaphore, #tpu.memory_space<semaphore_mem>>) src(%dma_wait3A_92 : memref<128xi32, #tpu.memory_space<hbm>>) dst(%arg5 : memref<128xi32, #tpu.memory_space<vmem>>)
      tpu.yield
    }) : () -> ()
    %dma_start3A = arith.constant 0 : i32
    %dma_start3A_3 = tpu.memref_slice %arg5[%dma_start3A] : memref<128xi32, #tpu.memory_space<vmem>> -> memref<32xi32, #tpu.memory_space<vmem>>
    %dma_start3A_4 = arith.constant 0 : i32
    %dma_start3A_5 = arith.constant 0 : i32
    %dma_start3A_6 = tpu.memref_slice %arg3[%dma_start3A_4, %dma_start3A_5] : memref<30522x1024xf32, #tpu.memory_space<hbm>> -> memref<30522x1024xf32, #tpu.memory_space<hbm>>
    tpu.enqueue_indirect_dma source(%dma_start3A_6 : memref<30522x1024xf32, #tpu.memory_space<hbm>>) target(%arg6 : memref<32x1024xf32, #tpu.memory_space<vmem>>) offsets(%dma_start3A_3 : memref<32xi32, #tpu.memory_space<vmem>>) semaphore(%arg8 : memref<!tpu.dma_semaphore, #tpu.memory_space<semaphore_mem>>)
    %dma_start3A_7 = arith.constant 32 : i32
    %dma_start3A_8 = tpu.memref_slice %arg5[%dma_start3A_7] : memref<128xi32, #tpu.memory_space<vmem>> -> memref<32xi32, #tpu.memory_space<vmem>>
    %dma_start3A_9 = arith.constant 0 : i32
    %dma_start3A_10 = arith.constant 0 : i32
    %dma_start3A_11 = tpu.memref_slice %arg3[%dma_start3A_9, %dma_start3A_10] : memref<30522x1024xf32, #tpu.memory_space<hbm>> -> memref<30522x1024xf32, #tpu.memory_space<hbm>>
    tpu.enqueue_indirect_dma source(%dma_start3A_11 : memref<30522x1024xf32, #tpu.memory_space<hbm>>) target(%arg7 : memref<32x1024xf32, #tpu.memory_space<vmem>>) offsets(%dma_start3A_8 : memref<32xi32, #tpu.memory_space<vmem>>) semaphore(%arg9 : memref<!tpu.dma_semaphore, #tpu.memory_space<semaphore_mem>>)
    %dma_wait3A = arith.constant 0 : i32
    %dma_wait3A_12 = tpu.memref_slice %arg5[%dma_wait3A] : memref<128xi32, #tpu.memory_space<vmem>> -> memref<32xi32, #tpu.memory_space<vmem>>
    %dma_wait3A_13 = arith.constant 0 : i32
    %dma_wait3A_14 = arith.constant 0 : i32
    %dma_wait3A_15 = tpu.memref_slice %arg3[%dma_wait3A_13, %dma_wait3A_14] : memref<30522x1024xf32, #tpu.memory_space<hbm>> -> memref<30522x1024xf32, #tpu.memory_space<hbm>>
    tpu.wait_indirect_dma semaphore(%arg8 : memref<!tpu.dma_semaphore, #tpu.memory_space<semaphore_mem>>) src(%dma_wait3A_15 : memref<30522x1024xf32, #tpu.memory_space<hbm>>) dst(%arg6 : memref<32x1024xf32, #tpu.memory_space<vmem>>)
    %add3A_16 = arith.constant 0 : i32
    %add3A_17 = arith.addi %mul3A_2, %add3A_16 : i32
    %dma_start3A_18 = arith.constant 0 : i32
    %dma_start3A_19 = tpu.memref_slice %arg4[%add3A_17, %dma_start3A_18] : memref<4096x1024xf32, #tpu.memory_space<hbm>> -> memref<32x1024xf32, #tpu.memory_space<hbm>>
    %dma_start3A_20 = arith.constant 0 : i32
    %dma_start3A_21 = tpu.memref_slice %arg4[%add3A_17, %dma_start3A_20] : memref<4096x1024xf32, #tpu.memory_space<hbm>> -> memref<32x1024xf32, #tpu.memory_space<hbm>>
    tpu.enqueue_dma source(%arg6 : memref<32x1024xf32, #tpu.memory_space<vmem>>) target(%dma_start3A_21 : memref<32x1024xf32, #tpu.memory_space<hbm>>) target_semaphore(%arg10 : memref<!tpu.dma_semaphore, #tpu.memory_space<semaphore_mem>>)
    %add3A_22 = arith.constant 0 : i32
    %add3A_23 = arith.addi %mul3A_2, %add3A_22 : i32
    %dma_wait3A_24 = arith.constant 0 : i32
    %dma_wait3A_25 = tpu.memref_slice %arg4[%add3A_23, %dma_wait3A_24] : memref<4096x1024xf32, #tpu.memory_space<hbm>> -> memref<32x1024xf32, #tpu.memory_space<hbm>>
    %dma_wait3A_26 = arith.constant 0 : i32
    %dma_wait3A_27 = tpu.memref_slice %arg4[%add3A_23, %dma_wait3A_26] : memref<4096x1024xf32, #tpu.memory_space<hbm>> -> memref<32x1024xf32, #tpu.memory_space<hbm>>
    tpu.wait_dma2 semaphore(%arg10 : memref<!tpu.dma_semaphore, #tpu.memory_space<semaphore_mem>>) src(%arg6 : memref<32x1024xf32, #tpu.memory_space<vmem>>) dst(%dma_wait3A_27 : memref<32x1024xf32, #tpu.memory_space<hbm>>)
    %dma_start3A_28 = arith.constant 64 : i32
    %dma_start3A_29 = tpu.memref_slice %arg5[%dma_start3A_28] : memref<128xi32, #tpu.memory_space<vmem>> -> memref<32xi32, #tpu.memory_space<vmem>>
    %dma_start3A_30 = arith.constant 0 : i32
    %dma_start3A_31 = arith.constant 0 : i32
    %dma_start3A_32 = tpu.memref_slice %arg3[%dma_start3A_30, %dma_start3A_31] : memref<30522x1024xf32, #tpu.memory_space<hbm>> -> memref<30522x1024xf32, #tpu.memory_space<hbm>>
    tpu.enqueue_indirect_dma source(%dma_start3A_32 : memref<30522x1024xf32, #tpu.memory_space<hbm>>) target(%arg6 : memref<32x1024xf32, #tpu.memory_space<vmem>>) offsets(%dma_start3A_29 : memref<32xi32, #tpu.memory_space<vmem>>) semaphore(%arg8 : memref<!tpu.dma_semaphore, #tpu.memory_space<semaphore_mem>>)
    %dma_wait3A_33 = arith.constant 32 : i32
    %dma_wait3A_34 = tpu.memref_slice %arg5[%dma_wait3A_33] : memref<128xi32, #tpu.memory_space<vmem>> -> memref<32xi32, #tpu.memory_space<vmem>>
    %dma_wait3A_35 = arith.constant 0 : i32
    %dma_wait3A_36 = arith.constant 0 : i32
    %dma_wait3A_37 = tpu.memref_slice %arg3[%dma_wait3A_35, %dma_wait3A_36] : memref<30522x1024xf32, #tpu.memory_space<hbm>> -> memref<30522x1024xf32, #tpu.memory_space<hbm>>
    tpu.wait_indirect_dma semaphore(%arg9 : memref<!tpu.dma_semaphore, #tpu.memory_space<semaphore_mem>>) src(%dma_wait3A_37 : memref<30522x1024xf32, #tpu.memory_space<hbm>>) dst(%arg7 : memref<32x1024xf32, #tpu.memory_space<vmem>>)
    %add3A_38 = arith.constant 32 : i32
    %add3A_39 = arith.addi %mul3A_2, %add3A_38 : i32
    %dma_start3A_40 = arith.constant 0 : i32
    %dma_start3A_41 = tpu.memref_slice %arg4[%add3A_39, %dma_start3A_40] : memref<4096x1024xf32, #tpu.memory_space<hbm>> -> memref<32x1024xf32, #tpu.memory_space<hbm>>
    %dma_start3A_42 = arith.constant 0 : i32
    %dma_start3A_43 = tpu.memref_slice %arg4[%add3A_39, %dma_start3A_42] : memref<4096x1024xf32, #tpu.memory_space<hbm>> -> memref<32x1024xf32, #tpu.memory_space<hbm>>
    tpu.enqueue_dma source(%arg7 : memref<32x1024xf32, #tpu.memory_space<vmem>>) target(%dma_start3A_43 : memref<32x1024xf32, #tpu.memory_space<hbm>>) target_semaphore(%arg11 : memref<!tpu.dma_semaphore, #tpu.memory_space<semaphore_mem>>)
    %add3A_44 = arith.constant 32 : i32
    %add3A_45 = arith.addi %mul3A_2, %add3A_44 : i32
    %dma_wait3A_46 = arith.constant 0 : i32
    %dma_wait3A_47 = tpu.memref_slice %arg4[%add3A_45, %dma_wait3A_46] : memref<4096x1024xf32, #tpu.memory_space<hbm>> -> memref<32x1024xf32, #tpu.memory_space<hbm>>
    %dma_wait3A_48 = arith.constant 0 : i32
    %dma_wait3A_49 = tpu.memref_slice %arg4[%add3A_45, %dma_wait3A_48] : memref<4096x1024xf32, #tpu.memory_space<hbm>> -> memref<32x1024xf32, #tpu.memory_space<hbm>>
    tpu.wait_dma2 semaphore(%arg11 : memref<!tpu.dma_semaphore, #tpu.memory_space<semaphore_mem>>) src(%arg7 : memref<32x1024xf32, #tpu.memory_space<vmem>>) dst(%dma_wait3A_49 : memref<32x1024xf32, #tpu.memory_space<hbm>>)
    %dma_start3A_50 = arith.constant 96 : i32
    %dma_start3A_51 = tpu.memref_slice %arg5[%dma_start3A_50] : memref<128xi32, #tpu.memory_space<vmem>> -> memref<32xi32, #tpu.memory_space<vmem>>
    %dma_start3A_52 = arith.constant 0 : i32
    %dma_start3A_53 = arith.constant 0 : i32
    %dma_start3A_54 = tpu.memref_slice %arg3[%dma_start3A_52, %dma_start3A_53] : memref<30522x1024xf32, #tpu.memory_space<hbm>> -> memref<30522x1024xf32, #tpu.memory_space<hbm>>
    tpu.enqueue_indirect_dma source(%dma_start3A_54 : memref<30522x1024xf32, #tpu.memory_space<hbm>>) target(%arg7 : memref<32x1024xf32, #tpu.memory_space<vmem>>) offsets(%dma_start3A_51 : memref<32xi32, #tpu.memory_space<vmem>>) semaphore(%arg9 : memref<!tpu.dma_semaphore, #tpu.memory_space<semaphore_mem>>)
    %dma_wait3A_55 = arith.constant 64 : i32
    %dma_wait3A_56 = tpu.memref_slice %arg5[%dma_wait3A_55] : memref<128xi32, #tpu.memory_space<vmem>> -> memref<32xi32, #tpu.memory_space<vmem>>
    %dma_wait3A_57 = arith.constant 0 : i32
    %dma_wait3A_58 = arith.constant 0 : i32
    %dma_wait3A_59 = tpu.memref_slice %arg3[%dma_wait3A_57, %dma_wait3A_58] : memref<30522x1024xf32, #tpu.memory_space<hbm>> -> memref<30522x1024xf32, #tpu.memory_space<hbm>>
    tpu.wait_indirect_dma semaphore(%arg8 : memref<!tpu.dma_semaphore, #tpu.memory_space<semaphore_mem>>) src(%dma_wait3A_59 : memref<30522x1024xf32, #tpu.memory_space<hbm>>) dst(%arg6 : memref<32x1024xf32, #tpu.memory_space<vmem>>)
    %add3A_60 = arith.constant 64 : i32
    %add3A_61 = arith.addi %mul3A_2, %add3A_60 : i32
    %dma_start3A_62 = arith.constant 0 : i32
    %dma_start3A_63 = tpu.memref_slice %arg4[%add3A_61, %dma_start3A_62] : memref<4096x1024xf32, #tpu.memory_space<hbm>> -> memref<32x1024xf32, #tpu.memory_space<hbm>>
    %dma_start3A_64 = arith.constant 0 : i32
    %dma_start3A_65 = tpu.memref_slice %arg4[%add3A_61, %dma_start3A_64] : memref<4096x1024xf32, #tpu.memory_space<hbm>> -> memref<32x1024xf32, #tpu.memory_space<hbm>>
    tpu.enqueue_dma source(%arg6 : memref<32x1024xf32, #tpu.memory_space<vmem>>) target(%dma_start3A_65 : memref<32x1024xf32, #tpu.memory_space<hbm>>) target_semaphore(%arg10 : memref<!tpu.dma_semaphore, #tpu.memory_space<semaphore_mem>>)
    %dma_wait3A_66 = arith.constant 96 : i32
    %dma_wait3A_67 = tpu.memref_slice %arg5[%dma_wait3A_66] : memref<128xi32, #tpu.memory_space<vmem>> -> memref<32xi32, #tpu.memory_space<vmem>>
    %dma_wait3A_68 = arith.constant 0 : i32
    %dma_wait3A_69 = arith.constant 0 : i32
    %dma_wait3A_70 = tpu.memref_slice %arg3[%dma_wait3A_68, %dma_wait3A_69] : memref<30522x1024xf32, #tpu.memory_space<hbm>> -> memref<30522x1024xf32, #tpu.memory_space<hbm>>
    tpu.wait_indirect_dma semaphore(%arg9 : memref<!tpu.dma_semaphore, #tpu.memory_space<semaphore_mem>>) src(%dma_wait3A_70 : memref<30522x1024xf32, #tpu.memory_space<hbm>>) dst(%arg7 : memref<32x1024xf32, #tpu.memory_space<vmem>>)
    %add3A_71 = arith.constant 96 : i32
    %add3A_72 = arith.addi %mul3A_2, %add3A_71 : i32
    %dma_start3A_73 = arith.constant 0 : i32
    %dma_start3A_74 = tpu.memref_slice %arg4[%add3A_72, %dma_start3A_73] : memref<4096x1024xf32, #tpu.memory_space<hbm>> -> memref<32x1024xf32, #tpu.memory_space<hbm>>
    %dma_start3A_75 = arith.constant 0 : i32
    %dma_start3A_76 = tpu.memref_slice %arg4[%add3A_72, %dma_start3A_75] : memref<4096x1024xf32, #tpu.memory_space<hbm>> -> memref<32x1024xf32, #tpu.memory_space<hbm>>
    tpu.enqueue_dma source(%arg7 : memref<32x1024xf32, #tpu.memory_space<vmem>>) target(%dma_start3A_76 : memref<32x1024xf32, #tpu.memory_space<hbm>>) target_semaphore(%arg11 : memref<!tpu.dma_semaphore, #tpu.memory_space<semaphore_mem>>)
    %add3A_77 = arith.constant 64 : i32
    %add3A_78 = arith.addi %mul3A_2, %add3A_77 : i32
    %dma_wait3A_79 = arith.constant 0 : i32
    %dma_wait3A_80 = tpu.memref_slice %arg4[%add3A_78, %dma_wait3A_79] : memref<4096x1024xf32, #tpu.memory_space<hbm>> -> memref<32x1024xf32, #tpu.memory_space<hbm>>
    %dma_wait3A_81 = arith.constant 0 : i32
    %dma_wait3A_82 = tpu.memref_slice %arg4[%add3A_78, %dma_wait3A_81] : memref<4096x1024xf32, #tpu.memory_space<hbm>> -> memref<32x1024xf32, #tpu.memory_space<hbm>>
    tpu.wait_dma2 semaphore(%arg10 : memref<!tpu.dma_semaphore, #tpu.memory_space<semaphore_mem>>) src(%arg6 : memref<32x1024xf32, #tpu.memory_space<vmem>>) dst(%dma_wait3A_82 : memref<32x1024xf32, #tpu.memory_space<hbm>>)
    %add3A_83 = arith.constant 96 : i32
    %add3A_84 = arith.addi %mul3A_2, %add3A_83 : i32
    %dma_wait3A_85 = arith.constant 0 : i32
    %dma_wait3A_86 = tpu.memref_slice %arg4[%add3A_84, %dma_wait3A_85] : memref<4096x1024xf32, #tpu.memory_space<hbm>> -> memref<32x1024xf32, #tpu.memory_space<hbm>>
    %dma_wait3A_87 = arith.constant 0 : i32
    %dma_wait3A_88 = tpu.memref_slice %arg4[%add3A_84, %dma_wait3A_87] : memref<4096x1024xf32, #tpu.memory_space<hbm>> -> memref<32x1024xf32, #tpu.memory_space<hbm>>
    tpu.wait_dma2 semaphore(%arg11 : memref<!tpu.dma_semaphore, #tpu.memory_space<semaphore_mem>>) src(%arg7 : memref<32x1024xf32, #tpu.memory_space<vmem>>) dst(%dma_wait3A_88 : memref<32x1024xf32, #tpu.memory_space<hbm>>)
    return
  }
}

#map = affine_map<(d0, d1) -> (0)>
#map1 = affine_map<(d0, d1) -> (0, 0)>
module attributes {stable_mosaic.version = 14 : i64} {
  func.func @_sc_gather(%arg0: i32, %arg1: i32, %arg2: memref<4096xi32, #tpu.memory_space<hbm>>, %arg3: memref<30522x1024xf32, #tpu.memory_space<hbm>>, %arg4: memref<4096x1024xf32, #tpu.memory_space<hbm>>, %arg5: memref<128xi32, #tpu.memory_space<vmem>>, %arg6: memref<32x1024xf32, #tpu.memory_space<vmem>>, %arg7: memref<32x1024xf32, #tpu.memory_space<vmem>>, %arg8: memref<!tpu.dma_semaphore, #tpu.memory_space<semaphore_mem>>, %arg9: memref<!tpu.dma_semaphore, #tpu.memory_space<semaphore_mem>>, %arg10: memref<!tpu.dma_semaphore, #tpu.memory_space<semaphore_mem>>, %arg11: memref<!tpu.dma_semaphore, #tpu.memory_space<semaphore_mem>>) attributes {dimension_semantics = [#tpu.dimension_semantics<core_parallel>, #tpu.dimension_semantics<subcore_parallel>], iteration_bounds = array<i64: 2, 16>, scalar_prefetch = 0 : i64, scratch_operands = 7 : i64, tpu.core_type = #tpu.core_type<sc_vector_subcore>, window_params = [{transform_indices = #map}, {transform_indices = #map1}, {transform_indices = #map1}]} {
    %mul3A = arith.constant 2 : i32
    %mul3A_0 = arith.muli %arg1, %mul3A : i32
    %add3A = arith.addi %mul3A_0, %arg0 : i32
    %mul3A_1 = arith.constant 128 : i32
    %mul3A_2 = arith.muli %add3A, %mul3A_1 : i32
    "tpu.region"() ({
      %run_scoped3A = tpu.sem_alloc : memref<!tpu.dma_semaphore, #tpu.memory_space<semaphore_mem>>
      %dma_start3A_89 = tpu.memref_slice %arg2[%mul3A_2] : memref<4096xi32, #tpu.memory_space<hbm>> -> memref<128xi32, #tpu.memory_space<hbm>>
      %dma_start3A_90 = tpu.memref_slice %arg2[%mul3A_2] : memref<4096xi32, #tpu.memory_space<hbm>> -> memref<128xi32, #tpu.memory_space<hbm>>
      tpu.enqueue_dma source(%dma_start3A_90 : memref<128xi32, #tpu.memory_space<hbm>>) target(%arg5 : memref<128xi32, #tpu.memory_space<vmem>>) target_semaphore(%run_scoped3A : memref<!tpu.dma_semaphore, #tpu.memory_space<semaphore_mem>>)
      %dma_wait3A_91 = tpu.memref_slice %arg2[%mul3A_2] : memref<4096xi32, #tpu.memory_space<hbm>> -> memref<128xi32, #tpu.memory_space<hbm>>
      %dma_wait3A_92 = tpu.memref_slice %arg2[%mul3A_2] : memref<4096xi32, #tpu.memory_space<hbm>> -> memref<128xi32, #tpu.memory_space<hbm>>
      tpu.wait_dma2 semaphore(%run_scoped3A : memref<!tpu.dma_semaphore, #tpu.memory_space<semaphore_mem>>) src(%dma_wait3A_92 : memref<128xi32, #tpu.memory_space<hbm>>) dst(%arg5 : memref<128xi32, #tpu.memory_space<vmem>>)
      tpu.yield
    }) : () -> ()
    %dma_start3A = arith.constant 0 : i32
    %dma_start3A_3 = tpu.memref_slice %arg5[%dma_start3A] : memref<128xi32, #tpu.memory_space<vmem>> -> memref<32xi32, #tpu.memory_space<vmem>>
    %dma_start3A_4 = arith.constant 0 : i32
    %dma_start3A_5 = arith.constant 0 : i32
    %dma_start3A_6 = tpu.memref_slice %arg3[%dma_start3A_4, %dma_start3A_5] : memref<30522x1024xf32, #tpu.memory_space<hbm>> -> memref<30522x1024xf32, #tpu.memory_space<hbm>>
    tpu.enqueue_indirect_dma source(%dma_start3A_6 : memref<30522x1024xf32, #tpu.memory_space<hbm>>) target(%arg6 : memref<32x1024xf32, #tpu.memory_space<vmem>>) offsets(%dma_start3A_3 : memref<32xi32, #tpu.memory_space<vmem>>) semaphore(%arg8 : memref<!tpu.dma_semaphore, #tpu.memory_space<semaphore_mem>>)
    %dma_start3A_7 = arith.constant 32 : i32
    %dma_start3A_8 = tpu.memref_slice %arg5[%dma_start3A_7] : memref<128xi32, #tpu.memory_space<vmem>> -> memref<32xi32, #tpu.memory_space<vmem>>
    %dma_start3A_9 = arith.constant 0 : i32
    %dma_start3A_10 = arith.constant 0 : i32
    %dma_start3A_11 = tpu.memref_slice %arg3[%dma_start3A_9, %dma_start3A_10] : memref<30522x1024xf32, #tpu.memory_space<hbm>> -> memref<30522x1024xf32, #tpu.memory_space<hbm>>
    tpu.enqueue_indirect_dma source(%dma_start3A_11 : memref<30522x1024xf32, #tpu.memory_space<hbm>>) target(%arg7 : memref<32x1024xf32, #tpu.memory_space<vmem>>) offsets(%dma_start3A_8 : memref<32xi32, #tpu.memory_space<vmem>>) semaphore(%arg9 : memref<!tpu.dma_semaphore, #tpu.memory_space<semaphore_mem>>)
    %dma_wait3A = arith.constant 0 : i32
    %dma_wait3A_12 = tpu.memref_slice %arg5[%dma_wait3A] : memref<128xi32, #tpu.memory_space<vmem>> -> memref<32xi32, #tpu.memory_space<vmem>>
    %dma_wait3A_13 = arith.constant 0 : i32
    %dma_wait3A_14 = arith.constant 0 : i32
    %dma_wait3A_15 = tpu.memref_slice %arg3[%dma_wait3A_13, %dma_wait3A_14] : memref<30522x1024xf32, #tpu.memory_space<hbm>> -> memref<30522x1024xf32, #tpu.memory_space<hbm>>
    tpu.wait_indirect_dma semaphore(%arg8 : memref<!tpu.dma_semaphore, #tpu.memory_space<semaphore_mem>>) src(%dma_wait3A_15 : memref<30522x1024xf32, #tpu.memory_space<hbm>>) dst(%arg6 : memref<32x1024xf32, #tpu.memory_space<vmem>>)
    %add3A_16 = arith.constant 0 : i32
    %add3A_17 = arith.addi %mul3A_2, %add3A_16 : i32
    %dma_start3A_18 = arith.constant 0 : i32
    %dma_start3A_19 = tpu.memref_slice %arg4[%add3A_17, %dma_start3A_18] : memref<4096x1024xf32, #tpu.memory_space<hbm>> -> memref<32x1024xf32, #tpu.memory_space<hbm>>
    %dma_start3A_20 = arith.constant 0 : i32
    %dma_start3A_21 = tpu.memref_slice %arg4[%add3A_17, %dma_start3A_20] : memref<4096x1024xf32, #tpu.memory_space<hbm>> -> memref<32x1024xf32, #tpu.memory_space<hbm>>
    tpu.enqueue_dma source(%arg6 : memref<32x1024xf32, #tpu.memory_space<vmem>>) target(%dma_start3A_21 : memref<32x1024xf32, #tpu.memory_space<hbm>>) target_semaphore(%arg10 : memref<!tpu.dma_semaphore, #tpu.memory_space<semaphore_mem>>)
    %add3A_22 = arith.constant 0 : i32
    %add3A_23 = arith.addi %mul3A_2, %add3A_22 : i32
    %dma_wait3A_24 = arith.constant 0 : i32
    %dma_wait3A_25 = tpu.memref_slice %arg4[%add3A_23, %dma_wait3A_24] : memref<4096x1024xf32, #tpu.memory_space<hbm>> -> memref<32x1024xf32, #tpu.memory_space<hbm>>
    %dma_wait3A_26 = arith.constant 0 : i32
    %dma_wait3A_27 = tpu.memref_slice %arg4[%add3A_23, %dma_wait3A_26] : memref<4096x1024xf32, #tpu.memory_space<hbm>> -> memref<32x1024xf32, #tpu.memory_space<hbm>>
    tpu.wait_dma2 semaphore(%arg10 : memref<!tpu.dma_semaphore, #tpu.memory_space<semaphore_mem>>) src(%arg6 : memref<32x1024xf32, #tpu.memory_space<vmem>>) dst(%dma_wait3A_27 : memref<32x1024xf32, #tpu.memory_space<hbm>>)
    %dma_start3A_28 = arith.constant 64 : i32
    %dma_start3A_29 = tpu.memref_slice %arg5[%dma_start3A_28] : memref<128xi32, #tpu.memory_space<vmem>> -> memref<32xi32, #tpu.memory_space<vmem>>
    %dma_start3A_30 = arith.constant 0 : i32
    %dma_start3A_31 = arith.constant 0 : i32
    %dma_start3A_32 = tpu.memref_slice %arg3[%dma_start3A_30, %dma_start3A_31] : memref<30522x1024xf32, #tpu.memory_space<hbm>> -> memref<30522x1024xf32, #tpu.memory_space<hbm>>
    tpu.enqueue_indirect_dma source(%dma_start3A_32 : memref<30522x1024xf32, #tpu.memory_space<hbm>>) target(%arg6 : memref<32x1024xf32, #tpu.memory_space<vmem>>) offsets(%dma_start3A_29 : memref<32xi32, #tpu.memory_space<vmem>>) semaphore(%arg8 : memref<!tpu.dma_semaphore, #tpu.memory_space<semaphore_mem>>)
    %dma_wait3A_33 = arith.constant 32 : i32
    %dma_wait3A_34 = tpu.memref_slice %arg5[%dma_wait3A_33] : memref<128xi32, #tpu.memory_space<vmem>> -> memref<32xi32, #tpu.memory_space<vmem>>
    %dma_wait3A_35 = arith.constant 0 : i32
    %dma_wait3A_36 = arith.constant 0 : i32
    %dma_wait3A_37 = tpu.memref_slice %arg3[%dma_wait3A_35, %dma_wait3A_36] : memref<30522x1024xf32, #tpu.memory_space<hbm>> -> memref<30522x1024xf32, #tpu.memory_space<hbm>>
    tpu.wait_indirect_dma semaphore(%arg9 : memref<!tpu.dma_semaphore, #tpu.memory_space<semaphore_mem>>) src(%dma_wait3A_37 : memref<30522x1024xf32, #tpu.memory_space<hbm>>) dst(%arg7 : memref<32x1024xf32, #tpu.memory_space<vmem>>)
    %add3A_38 = arith.constant 32 : i32
    %add3A_39 = arith.addi %mul3A_2, %add3A_38 : i32
    %dma_start3A_40 = arith.constant 0 : i32
    %dma_start3A_41 = tpu.memref_slice %arg4[%add3A_39, %dma_start3A_40] : memref<4096x1024xf32, #tpu.memory_space<hbm>> -> memref<32x1024xf32, #tpu.memory_space<hbm>>
    %dma_start3A_42 = arith.constant 0 : i32
    %dma_start3A_43 = tpu.memref_slice %arg4[%add3A_39, %dma_start3A_42] : memref<4096x1024xf32, #tpu.memory_space<hbm>> -> memref<32x1024xf32, #tpu.memory_space<hbm>>
    tpu.enqueue_dma source(%arg7 : memref<32x1024xf32, #tpu.memory_space<vmem>>) target(%dma_start3A_43 : memref<32x1024xf32, #tpu.memory_space<hbm>>) target_semaphore(%arg11 : memref<!tpu.dma_semaphore, #tpu.memory_space<semaphore_mem>>)
    %add3A_44 = arith.constant 32 : i32
    %add3A_45 = arith.addi %mul3A_2, %add3A_44 : i32
    %dma_wait3A_46 = arith.constant 0 : i32
    %dma_wait3A_47 = tpu.memref_slice %arg4[%add3A_45, %dma_wait3A_46] : memref<4096x1024xf32, #tpu.memory_space<hbm>> -> memref<32x1024xf32, #tpu.memory_space<hbm>>
    %dma_wait3A_48 = arith.constant 0 : i32
    %dma_wait3A_49 = tpu.memref_slice %arg4[%add3A_45, %dma_wait3A_48] : memref<4096x1024xf32, #tpu.memory_space<hbm>> -> memref<32x1024xf32, #tpu.memory_space<hbm>>
    tpu.wait_dma2 semaphore(%arg11 : memref<!tpu.dma_semaphore, #tpu.memory_space<semaphore_mem>>) src(%arg7 : memref<32x1024xf32, #tpu.memory_space<vmem>>) dst(%dma_wait3A_49 : memref<32x1024xf32, #tpu.memory_space<hbm>>)
    %dma_start3A_50 = arith.constant 96 : i32
    %dma_start3A_51 = tpu.memref_slice %arg5[%dma_start3A_50] : memref<128xi32, #tpu.memory_space<vmem>> -> memref<32xi32, #tpu.memory_space<vmem>>
    %dma_start3A_52 = arith.constant 0 : i32
    %dma_start3A_53 = arith.constant 0 : i32
    %dma_start3A_54 = tpu.memref_slice %arg3[%dma_start3A_52, %dma_start3A_53] : memref<30522x1024xf32, #tpu.memory_space<hbm>> -> memref<30522x1024xf32, #tpu.memory_space<hbm>>
    tpu.enqueue_indirect_dma source(%dma_start3A_54 : memref<30522x1024xf32, #tpu.memory_space<hbm>>) target(%arg7 : memref<32x1024xf32, #tpu.memory_space<vmem>>) offsets(%dma_start3A_51 : memref<32xi32, #tpu.memory_space<vmem>>) semaphore(%arg9 : memref<!tpu.dma_semaphore, #tpu.memory_space<semaphore_mem>>)
    %dma_wait3A_55 = arith.constant 64 : i32
    %dma_wait3A_56 = tpu.memref_slice %arg5[%dma_wait3A_55] : memref<128xi32, #tpu.memory_space<vmem>> -> memref<32xi32, #tpu.memory_space<vmem>>
    %dma_wait3A_57 = arith.constant 0 : i32
    %dma_wait3A_58 = arith.constant 0 : i32
    %dma_wait3A_59 = tpu.memref_slice %arg3[%dma_wait3A_57, %dma_wait3A_58] : memref<30522x1024xf32, #tpu.memory_space<hbm>> -> memref<30522x1024xf32, #tpu.memory_space<hbm>>
    tpu.wait_indirect_dma semaphore(%arg8 : memref<!tpu.dma_semaphore, #tpu.memory_space<semaphore_mem>>) src(%dma_wait3A_59 : memref<30522x1024xf32, #tpu.memory_space<hbm>>) dst(%arg6 : memref<32x1024xf32, #tpu.memory_space<vmem>>)
    %add3A_60 = arith.constant 64 : i32
    %add3A_61 = arith.addi %mul3A_2, %add3A_60 : i32
    %dma_start3A_62 = arith.constant 0 : i32
    %dma_start3A_63 = tpu.memref_slice %arg4[%add3A_61, %dma_start3A_62] : memref<4096x1024xf32, #tpu.memory_space<hbm>> -> memref<32x1024xf32, #tpu.memory_space<hbm>>
    %dma_start3A_64 = arith.constant 0 : i32
    %dma_start3A_65 = tpu.memref_slice %arg4[%add3A_61, %dma_start3A_64] : memref<4096x1024xf32, #tpu.memory_space<hbm>> -> memref<32x1024xf32, #tpu.memory_space<hbm>>
    tpu.enqueue_dma source(%arg6 : memref<32x1024xf32, #tpu.memory_space<vmem>>) target(%dma_start3A_65 : memref<32x1024xf32, #tpu.memory_space<hbm>>) target_semaphore(%arg10 : memref<!tpu.dma_semaphore, #tpu.memory_space<semaphore_mem>>)
    %dma_wait3A_66 = arith.constant 96 : i32
    %dma_wait3A_67 = tpu.memref_slice %arg5[%dma_wait3A_66] : memref<128xi32, #tpu.memory_space<vmem>> -> memref<32xi32, #tpu.memory_space<vmem>>
    %dma_wait3A_68 = arith.constant 0 : i32
    %dma_wait3A_69 = arith.constant 0 : i32
    %dma_wait3A_70 = tpu.memref_slice %arg3[%dma_wait3A_68, %dma_wait3A_69] : memref<30522x1024xf32, #tpu.memory_space<hbm>> -> memref<30522x1024xf32, #tpu.memory_space<hbm>>
    tpu.wait_indirect_dma semaphore(%arg9 : memref<!tpu.dma_semaphore, #tpu.memory_space<semaphore_mem>>) src(%dma_wait3A_70 : memref<30522x1024xf32, #tpu.memory_space<hbm>>) dst(%arg7 : memref<32x1024xf32, #tpu.memory_space<vmem>>)
    %add3A_71 = arith.constant 96 : i32
    %add3A_72 = arith.addi %mul3A_2, %add3A_71 : i32
    %dma_start3A_73 = arith.constant 0 : i32
    %dma_start3A_74 = tpu.memref_slice %arg4[%add3A_72, %dma_start3A_73] : memref<4096x1024xf32, #tpu.memory_space<hbm>> -> memref<32x1024xf32, #tpu.memory_space<hbm>>
    %dma_start3A_75 = arith.constant 0 : i32
    %dma_start3A_76 = tpu.memref_slice %arg4[%add3A_72, %dma_start3A_75] : memref<4096x1024xf32, #tpu.memory_space<hbm>> -> memref<32x1024xf32, #tpu.memory_space<hbm>>
    tpu.enqueue_dma source(%arg7 : memref<32x1024xf32, #tpu.memory_space<vmem>>) target(%dma_start3A_76 : memref<32x1024xf32, #tpu.memory_space<hbm>>) target_semaphore(%arg11 : memref<!tpu.dma_semaphore, #tpu.memory_space<semaphore_mem>>)
    %add3A_77 = arith.constant 64 : i32
    %add3A_78 = arith.addi %mul3A_2, %add3A_77 : i32
    %dma_wait3A_79 = arith.constant 0 : i32
    %dma_wait3A_80 = tpu.memref_slice %arg4[%add3A_78, %dma_wait3A_79] : memref<4096x1024xf32, #tpu.memory_space<hbm>> -> memref<32x1024xf32, #tpu.memory_space<hbm>>
    %dma_wait3A_81 = arith.constant 0 : i32
    %dma_wait3A_82 = tpu.memref_slice %arg4[%add3A_78, %dma_wait3A_81] : memref<4096x1024xf32, #tpu.memory_space<hbm>> -> memref<32x1024xf32, #tpu.memory_space<hbm>>
    tpu.wait_dma2 semaphore(%arg10 : memref<!tpu.dma_semaphore, #tpu.memory_space<semaphore_mem>>) src(%arg6 : memref<32x1024xf32, #tpu.memory_space<vmem>>) dst(%dma_wait3A_82 : memref<32x1024xf32, #tpu.memory_space<hbm>>)
    %add3A_83 = arith.constant 96 : i32
    %add3A_84 = arith.addi %mul3A_2, %add3A_83 : i32
    %dma_wait3A_85 = arith.constant 0 : i32
    %dma_wait3A_86 = tpu.memref_slice %arg4[%add3A_84, %dma_wait3A_85] : memref<4096x1024xf32, #tpu.memory_space<hbm>> -> memref<32x1024xf32, #tpu.memory_space<hbm>>
    %dma_wait3A_87 = arith.constant 0 : i32
    %dma_wait3A_88 = tpu.memref_slice %arg4[%add3A_84, %dma_wait3A_87] : memref<4096x1024xf32, #tpu.memory_space<hbm>> -> memref<32x1024xf32, #tpu.memory_space<hbm>>
    tpu.wait_dma2 semaphore(%arg11 : memref<!tpu.dma_semaphore, #tpu.memory_space<semaphore_mem>>) src(%arg7 : memref<32x1024xf32, #tpu.memory_space<vmem>>) dst(%dma_wait3A_88 : memref<32x1024xf32, #tpu.memory_space<hbm>>)
    return
  }
}

module attributes {stable_mosaic.version = 14 : i64} {
  func.func @body(%arg0: i32, %arg1: memref<1024x1024xf32, #tpu.memory_space<vmem>>, %arg2: memref<1x1x1024xf32, #tpu.memory_space<vmem>>, %arg3: memref<2x1024xf32, #tpu.memory_space<vmem>>, %arg4: memref<1x1024xf32, #tpu.memory_space<vmem>>, %arg5: memref<1x1024xf32, #tpu.memory_space<vmem>>, %arg6: memref<1x256xf32, #tpu.memory_space<vmem>>, %arg7: memref<1x256xf32, #tpu.memory_space<vmem>>, %arg8: memref<256x256xf32, #tpu.memory_space<vmem>>, %arg9: memref<1x256xf32, #tpu.memory_space<vmem>>, %arg10: memref<256x1024xf32, #tpu.memory_space<vmem>>, %arg11: memref<1x1024xf32, #tpu.memory_space<vmem>>, %arg12: memref<1x1xf32, #tpu.memory_space<vmem>>, %arg13: memref<16384x1024xf32, #tpu.memory_space<any>>, %arg14: memref<1024x1024xf32, #tpu.memory_space<vmem>>, %arg15: memref<1024x1024xf32, #tpu.memory_space<vmem>>) attributes {dimension_semantics = [#tpu.dimension_semantics<arbitrary>], iteration_bounds = array<i64: 4>, scalar_prefetch = 0 : i64, scratch_operands = 1 : i64, tpu.core_type = #tpu.core_type<tc>, window_params = [{transform_indices = @transform_0, window_bounds = array<i64: 1024, 1024>}, {transform_indices = @transform_1, window_bounds = array<i64: 1, 1, 1024>}, {pipeline_mode = #tpu.pipeline_mode<synchronous>, transform_indices = @transform_2, window_bounds = array<i64: 2, 1024>}, {pipeline_mode = #tpu.pipeline_mode<synchronous>, transform_indices = @transform_3, window_bounds = array<i64: 1, 1024>}, {pipeline_mode = #tpu.pipeline_mode<synchronous>, transform_indices = @transform_4, window_bounds = array<i64: 1, 1024>}, {pipeline_mode = #tpu.pipeline_mode<synchronous>, transform_indices = @transform_5, window_bounds = array<i64: 1, 256>}, {pipeline_mode = #tpu.pipeline_mode<synchronous>, transform_indices = @transform_6, window_bounds = array<i64: 1, 256>}, {pipeline_mode = #tpu.pipeline_mode<synchronous>, transform_indices = @transform_7, window_bounds = array<i64: 256, 256>}, {pipeline_mode = #tpu.pipeline_mode<synchronous>, transform_indices = @transform_8, window_bounds = array<i64: 1, 256>}, {pipeline_mode = #tpu.pipeline_mode<synchronous>, transform_indices = @transform_9, window_bounds = array<i64: 256, 1024>}, {pipeline_mode = #tpu.pipeline_mode<synchronous>, transform_indices = @transform_10, window_bounds = array<i64: 1, 1024>}, {pipeline_mode = #tpu.pipeline_mode<synchronous>, transform_indices = @transform_11, window_bounds = array<i64: 1, 1>}, {}, {transform_indices = @transform_13, window_bounds = array<i64: 1024, 1024>}]} {
    %get3A = arith.constant 0 : index
    %get3A_0 = arith.constant 0 : index
    %get3A_1 = vector.load %arg3[%get3A, %get3A_0] : memref<2x1024xf32, #tpu.memory_space<vmem>>, vector<2x1024xf32>
    %slice3A = vector.extract_strided_slice %get3A_1 {offsets = [0, 0], sizes = [1, 1024], strides = [1, 1]} : vector<2x1024xf32> to vector<1x1024xf32>
    %slice3A_2 = vector.extract_strided_slice %get3A_1 {offsets = [1, 0], sizes = [1, 1024], strides = [1, 1]} : vector<2x1024xf32> to vector<1x1024xf32>
    %sub3A = arith.subf %slice3A_2, %slice3A : vector<1x1024xf32>
    %eq3A = arith.constant 0 : i32
    %eq3A_3 = arith.cmpi eq, %arg0, %eq3A : i32
    %convert_element_type3A = arith.extui %eq3A_3 : i1 to i32
    %cond3A = arith.constant 0 : i32
    %cond3A_4 = arith.cmpi ne, %convert_element_type3A, %cond3A : i32
    scf.if %cond3A_4 {
      %iota3A = tpu.iota {dimensions = array<i32: 1>} : vector<1x1024xi32>
      %add3A_50 = arith.constant 1024 : i32
      %add3A_51 = vector.broadcast %add3A_50 : i32 to vector<1x1024xi32>
      %add3A_52 = arith.addi %add3A_51, %iota3A : vector<1x1024xi32>
      %convert_element_type3A_53 = arith.sitofp %add3A_52 : vector<1x1024xi32> to vector<1x1024xf32>
      %div3A = arith.constant 4.095000e+03 : f32
      %div3A_54 = vector.broadcast %div3A : f32 to vector<1x1024xf32>
      %div3A_55 = arith.divf %convert_element_type3A_53, %div3A_54 : vector<1x1024xf32>
      %broadcast_in_dim3A_56 = arith.constant 0.000000e+00 : f32
      %broadcast_in_dim3A_57 = vector.broadcast %broadcast_in_dim3A_56 : f32 to vector<1x1024xf32>
      %mul3A_58 = arith.constant 3.000000e+00 : f32
      %mul3A_59 = vector.broadcast %mul3A_58 : f32 to vector<1x1024xf32>
      %mul3A_60 = arith.mulf %div3A_55, %mul3A_59 : vector<1x1024xf32>
      %floor3A = math.floor %mul3A_60 : vector<1x1024xf32>
      %eq3A_61 = arith.constant 2.000000e+00 : f32
      %eq3A_62 = vector.broadcast %eq3A_61 : f32 to vector<1x1024xf32>
      %eq3A_63 = arith.cmpf oeq, %floor3A, %eq3A_62 : vector<1x1024xf32>
      %jit3A = arith.constant 5.000000e-01 : f32
      %jit3A_64 = arith.constant 0.000000e+00 : f32
      %broadcast_in_dim3A_65 = vector.broadcast %jit3A : f32 to vector<1x1024xf32>
      %broadcast_in_dim3A_66 = vector.broadcast %jit3A_64 : f32 to vector<1x1024xf32>
      %select_n3A = arith.select %eq3A_63, %broadcast_in_dim3A_65, %broadcast_in_dim3A_66 : vector<1x1024xi1>, vector<1x1024xf32>
      %add3A_67 = arith.addf %broadcast_in_dim3A_57, %select_n3A : vector<1x1024xf32>
      %mul3A_68 = arith.constant 3.000000e+00 : f32
      %mul3A_69 = vector.broadcast %mul3A_68 : f32 to vector<1x1024xf32>
      %mul3A_70 = arith.mulf %div3A_55, %mul3A_69 : vector<1x1024xf32>
      %sub3A_71 = arith.subf %mul3A_70, %floor3A : vector<1x1024xf32>
      %mul3A_72 = arith.constant 3.000000e+00 : f32
      %mul3A_73 = vector.broadcast %mul3A_72 : f32 to vector<1x1024xf32>
      %mul3A_74 = arith.mulf %sub3A_71, %mul3A_73 : vector<1x1024xf32>
      %floor3A_75 = math.floor %mul3A_74 : vector<1x1024xf32>
      %eq3A_76 = arith.constant 2.000000e+00 : f32
      %eq3A_77 = vector.broadcast %eq3A_76 : f32 to vector<1x1024xf32>
      %eq3A_78 = arith.cmpf oeq, %floor3A_75, %eq3A_77 : vector<1x1024xf32>
      %jit3A_79 = arith.constant 2.500000e-01 : f32
      %jit3A_80 = arith.constant 0.000000e+00 : f32
      %broadcast_in_dim3A_81 = vector.broadcast %jit3A_79 : f32 to vector<1x1024xf32>
      %broadcast_in_dim3A_82 = vector.broadcast %jit3A_80 : f32 to vector<1x1024xf32>
      %select_n3A_83 = arith.select %eq3A_78, %broadcast_in_dim3A_81, %broadcast_in_dim3A_82 : vector<1x1024xi1>, vector<1x1024xf32>
      %add3A_84 = arith.addf %add3A_67, %select_n3A_83 : vector<1x1024xf32>
      %mul3A_85 = arith.constant 3.000000e+00 : f32
      %mul3A_86 = vector.broadcast %mul3A_85 : f32 to vector<1x1024xf32>
      %mul3A_87 = arith.mulf %sub3A_71, %mul3A_86 : vector<1x1024xf32>
      %sub3A_88 = arith.subf %mul3A_87, %floor3A_75 : vector<1x1024xf32>
      %mul3A_89 = arith.constant 3.000000e+00 : f32
      %mul3A_90 = vector.broadcast %mul3A_89 : f32 to vector<1x1024xf32>
      %mul3A_91 = arith.mulf %sub3A_88, %mul3A_90 : vector<1x1024xf32>
      %floor3A_92 = math.floor %mul3A_91 : vector<1x1024xf32>
      %eq3A_93 = arith.constant 2.000000e+00 : f32
      %eq3A_94 = vector.broadcast %eq3A_93 : f32 to vector<1x1024xf32>
      %eq3A_95 = arith.cmpf oeq, %floor3A_92, %eq3A_94 : vector<1x1024xf32>
      %jit3A_96 = arith.constant 1.250000e-01 : f32
      %jit3A_97 = arith.constant 0.000000e+00 : f32
      %broadcast_in_dim3A_98 = vector.broadcast %jit3A_96 : f32 to vector<1x1024xf32>
      %broadcast_in_dim3A_99 = vector.broadcast %jit3A_97 : f32 to vector<1x1024xf32>
      %select_n3A_100 = arith.select %eq3A_95, %broadcast_in_dim3A_98, %broadcast_in_dim3A_99 : vector<1x1024xi1>, vector<1x1024xf32>
      %add3A_101 = arith.addf %add3A_84, %select_n3A_100 : vector<1x1024xf32>
      %mul3A_102 = arith.constant 3.000000e+00 : f32
      %mul3A_103 = vector.broadcast %mul3A_102 : f32 to vector<1x1024xf32>
      %mul3A_104 = arith.mulf %sub3A_88, %mul3A_103 : vector<1x1024xf32>
      %sub3A_105 = arith.subf %mul3A_104, %floor3A_92 : vector<1x1024xf32>
      %mul3A_106 = arith.constant 3.000000e+00 : f32
      %mul3A_107 = vector.broadcast %mul3A_106 : f32 to vector<1x1024xf32>
      %mul3A_108 = arith.mulf %sub3A_105, %mul3A_107 : vector<1x1024xf32>
      %floor3A_109 = math.floor %mul3A_108 : vector<1x1024xf32>
      %eq3A_110 = arith.constant 2.000000e+00 : f32
      %eq3A_111 = vector.broadcast %eq3A_110 : f32 to vector<1x1024xf32>
      %eq3A_112 = arith.cmpf oeq, %floor3A_109, %eq3A_111 : vector<1x1024xf32>
      %jit3A_113 = arith.constant 6.250000e-02 : f32
      %jit3A_114 = arith.constant 0.000000e+00 : f32
      %broadcast_in_dim3A_115 = vector.broadcast %jit3A_113 : f32 to vector<1x1024xf32>
      %broadcast_in_dim3A_116 = vector.broadcast %jit3A_114 : f32 to vector<1x1024xf32>
      %select_n3A_117 = arith.select %eq3A_112, %broadcast_in_dim3A_115, %broadcast_in_dim3A_116 : vector<1x1024xi1>, vector<1x1024xf32>
      %add3A_118 = arith.addf %add3A_101, %select_n3A_117 : vector<1x1024xf32>
      %mul3A_119 = arith.constant 3.000000e+00 : f32
      %mul3A_120 = vector.broadcast %mul3A_119 : f32 to vector<1x1024xf32>
      %mul3A_121 = arith.mulf %sub3A_105, %mul3A_120 : vector<1x1024xf32>
      %sub3A_122 = arith.subf %mul3A_121, %floor3A_109 : vector<1x1024xf32>
      %mul3A_123 = arith.constant 3.000000e+00 : f32
      %mul3A_124 = vector.broadcast %mul3A_123 : f32 to vector<1x1024xf32>
      %mul3A_125 = arith.mulf %sub3A_122, %mul3A_124 : vector<1x1024xf32>
      %floor3A_126 = math.floor %mul3A_125 : vector<1x1024xf32>
      %eq3A_127 = arith.constant 2.000000e+00 : f32
      %eq3A_128 = vector.broadcast %eq3A_127 : f32 to vector<1x1024xf32>
      %eq3A_129 = arith.cmpf oeq, %floor3A_126, %eq3A_128 : vector<1x1024xf32>
      %jit3A_130 = arith.constant 3.125000e-02 : f32
      %jit3A_131 = arith.constant 0.000000e+00 : f32
      %broadcast_in_dim3A_132 = vector.broadcast %jit3A_130 : f32 to vector<1x1024xf32>
      %broadcast_in_dim3A_133 = vector.broadcast %jit3A_131 : f32 to vector<1x1024xf32>
      %select_n3A_134 = arith.select %eq3A_129, %broadcast_in_dim3A_132, %broadcast_in_dim3A_133 : vector<1x1024xi1>, vector<1x1024xf32>
      %add3A_135 = arith.addf %add3A_118, %select_n3A_134 : vector<1x1024xf32>
      %mul3A_136 = arith.constant 3.000000e+00 : f32
      %mul3A_137 = vector.broadcast %mul3A_136 : f32 to vector<1x1024xf32>
      %mul3A_138 = arith.mulf %sub3A_122, %mul3A_137 : vector<1x1024xf32>
      %sub3A_139 = arith.subf %mul3A_138, %floor3A_126 : vector<1x1024xf32>
      %mul3A_140 = arith.constant 3.000000e+00 : f32
      %mul3A_141 = vector.broadcast %mul3A_140 : f32 to vector<1x1024xf32>
      %mul3A_142 = arith.mulf %sub3A_139, %mul3A_141 : vector<1x1024xf32>
      %floor3A_143 = math.floor %mul3A_142 : vector<1x1024xf32>
      %eq3A_144 = arith.constant 2.000000e+00 : f32
      %eq3A_145 = vector.broadcast %eq3A_144 : f32 to vector<1x1024xf32>
      %eq3A_146 = arith.cmpf oeq, %floor3A_143, %eq3A_145 : vector<1x1024xf32>
      %jit3A_147 = arith.constant 1.562500e-02 : f32
      %jit3A_148 = arith.constant 0.000000e+00 : f32
      %broadcast_in_dim3A_149 = vector.broadcast %jit3A_147 : f32 to vector<1x1024xf32>
      %broadcast_in_dim3A_150 = vector.broadcast %jit3A_148 : f32 to vector<1x1024xf32>
      %select_n3A_151 = arith.select %eq3A_146, %broadcast_in_dim3A_149, %broadcast_in_dim3A_150 : vector<1x1024xi1>, vector<1x1024xf32>
      %add3A_152 = arith.addf %add3A_135, %select_n3A_151 : vector<1x1024xf32>
      %mul3A_153 = arith.constant 3.000000e+00 : f32
      %mul3A_154 = vector.broadcast %mul3A_153 : f32 to vector<1x1024xf32>
      %mul3A_155 = arith.mulf %sub3A_139, %mul3A_154 : vector<1x1024xf32>
      %sub3A_156 = arith.subf %mul3A_155, %floor3A_143 : vector<1x1024xf32>
      %mul3A_157 = arith.constant 3.000000e+00 : f32
      %mul3A_158 = vector.broadcast %mul3A_157 : f32 to vector<1x1024xf32>
      %mul3A_159 = arith.mulf %sub3A_156, %mul3A_158 : vector<1x1024xf32>
      %floor3A_160 = math.floor %mul3A_159 : vector<1x1024xf32>
      %eq3A_161 = arith.constant 2.000000e+00 : f32
      %eq3A_162 = vector.broadcast %eq3A_161 : f32 to vector<1x1024xf32>
      %eq3A_163 = arith.cmpf oeq, %floor3A_160, %eq3A_162 : vector<1x1024xf32>
      %jit3A_164 = arith.constant 7.812500e-03 : f32
      %jit3A_165 = arith.constant 0.000000e+00 : f32
      %broadcast_in_dim3A_166 = vector.broadcast %jit3A_164 : f32 to vector<1x1024xf32>
      %broadcast_in_dim3A_167 = vector.broadcast %jit3A_165 : f32 to vector<1x1024xf32>
      %select_n3A_168 = arith.select %eq3A_163, %broadcast_in_dim3A_166, %broadcast_in_dim3A_167 : vector<1x1024xi1>, vector<1x1024xf32>
      %add3A_169 = arith.addf %add3A_152, %select_n3A_168 : vector<1x1024xf32>
      %mul3A_170 = arith.constant 3.000000e+00 : f32
      %mul3A_171 = vector.broadcast %mul3A_170 : f32 to vector<1x1024xf32>
      %mul3A_172 = arith.mulf %sub3A_156, %mul3A_171 : vector<1x1024xf32>
      %sub3A_173 = arith.subf %mul3A_172, %floor3A_160 : vector<1x1024xf32>
      %mul3A_174 = arith.constant 3.000000e+00 : f32
      %mul3A_175 = vector.broadcast %mul3A_174 : f32 to vector<1x1024xf32>
      %mul3A_176 = arith.mulf %sub3A_173, %mul3A_175 : vector<1x1024xf32>
      %floor3A_177 = math.floor %mul3A_176 : vector<1x1024xf32>
      %eq3A_178 = arith.constant 2.000000e+00 : f32
      %eq3A_179 = vector.broadcast %eq3A_178 : f32 to vector<1x1024xf32>
      %eq3A_180 = arith.cmpf oeq, %floor3A_177, %eq3A_179 : vector<1x1024xf32>
      %jit3A_181 = arith.constant 3.906250e-03 : f32
      %jit3A_182 = arith.constant 0.000000e+00 : f32
      %broadcast_in_dim3A_183 = vector.broadcast %jit3A_181 : f32 to vector<1x1024xf32>
      %broadcast_in_dim3A_184 = vector.broadcast %jit3A_182 : f32 to vector<1x1024xf32>
      %select_n3A_185 = arith.select %eq3A_180, %broadcast_in_dim3A_183, %broadcast_in_dim3A_184 : vector<1x1024xi1>, vector<1x1024xf32>
      %add3A_186 = arith.addf %add3A_169, %select_n3A_185 : vector<1x1024xf32>
      %mul3A_187 = arith.constant 3.000000e+00 : f32
      %mul3A_188 = vector.broadcast %mul3A_187 : f32 to vector<1x1024xf32>
      %mul3A_189 = arith.mulf %sub3A_173, %mul3A_188 : vector<1x1024xf32>
      %sub3A_190 = arith.subf %mul3A_189, %floor3A_177 : vector<1x1024xf32>
      %mul3A_191 = arith.constant 3.000000e+00 : f32
      %mul3A_192 = vector.broadcast %mul3A_191 : f32 to vector<1x1024xf32>
      %mul3A_193 = arith.mulf %sub3A_190, %mul3A_192 : vector<1x1024xf32>
      %floor3A_194 = math.floor %mul3A_193 : vector<1x1024xf32>
      %eq3A_195 = arith.constant 2.000000e+00 : f32
      %eq3A_196 = vector.broadcast %eq3A_195 : f32 to vector<1x1024xf32>
      %eq3A_197 = arith.cmpf oeq, %floor3A_194, %eq3A_196 : vector<1x1024xf32>
      %jit3A_198 = arith.constant 0.001953125 : f32
      %jit3A_199 = arith.constant 0.000000e+00 : f32
      %broadcast_in_dim3A_200 = vector.broadcast %jit3A_198 : f32 to vector<1x1024xf32>
      %broadcast_in_dim3A_201 = vector.broadcast %jit3A_199 : f32 to vector<1x1024xf32>
      %select_n3A_202 = arith.select %eq3A_197, %broadcast_in_dim3A_200, %broadcast_in_dim3A_201 : vector<1x1024xi1>, vector<1x1024xf32>
      %add3A_203 = arith.addf %add3A_186, %select_n3A_202 : vector<1x1024xf32>
      %mul3A_204 = arith.constant 3.000000e+00 : f32
      %mul3A_205 = vector.broadcast %mul3A_204 : f32 to vector<1x1024xf32>
      %mul3A_206 = arith.mulf %sub3A_190, %mul3A_205 : vector<1x1024xf32>
      %sub3A_207 = arith.subf %mul3A_206, %floor3A_194 : vector<1x1024xf32>
      %mul3A_208 = arith.constant 3.000000e+00 : f32
      %mul3A_209 = vector.broadcast %mul3A_208 : f32 to vector<1x1024xf32>
      %mul3A_210 = arith.mulf %sub3A_207, %mul3A_209 : vector<1x1024xf32>
      %floor3A_211 = math.floor %mul3A_210 : vector<1x1024xf32>
      %eq3A_212 = arith.constant 2.000000e+00 : f32
      %eq3A_213 = vector.broadcast %eq3A_212 : f32 to vector<1x1024xf32>
      %eq3A_214 = arith.cmpf oeq, %floor3A_211, %eq3A_213 : vector<1x1024xf32>
      %jit3A_215 = arith.constant 9.765625E-4 : f32
      %jit3A_216 = arith.constant 0.000000e+00 : f32
      %broadcast_in_dim3A_217 = vector.broadcast %jit3A_215 : f32 to vector<1x1024xf32>
      %broadcast_in_dim3A_218 = vector.broadcast %jit3A_216 : f32 to vector<1x1024xf32>
      %select_n3A_219 = arith.select %eq3A_214, %broadcast_in_dim3A_217, %broadcast_in_dim3A_218 : vector<1x1024xi1>, vector<1x1024xf32>
      %add3A_220 = arith.addf %add3A_203, %select_n3A_219 : vector<1x1024xf32>
      %mul3A_221 = arith.constant 3.000000e+00 : f32
      %mul3A_222 = vector.broadcast %mul3A_221 : f32 to vector<1x1024xf32>
      %mul3A_223 = arith.mulf %sub3A_207, %mul3A_222 : vector<1x1024xf32>
      %sub3A_224 = arith.subf %mul3A_223, %floor3A_211 : vector<1x1024xf32>
      %mul3A_225 = arith.constant 3.000000e+00 : f32
      %mul3A_226 = vector.broadcast %mul3A_225 : f32 to vector<1x1024xf32>
      %mul3A_227 = arith.mulf %sub3A_224, %mul3A_226 : vector<1x1024xf32>
      %floor3A_228 = math.floor %mul3A_227 : vector<1x1024xf32>
      %eq3A_229 = arith.constant 2.000000e+00 : f32
      %eq3A_230 = vector.broadcast %eq3A_229 : f32 to vector<1x1024xf32>
      %eq3A_231 = arith.cmpf oeq, %floor3A_228, %eq3A_230 : vector<1x1024xf32>
      %jit3A_232 = arith.constant 4.8828125E-4 : f32
      %jit3A_233 = arith.constant 0.000000e+00 : f32
      %broadcast_in_dim3A_234 = vector.broadcast %jit3A_232 : f32 to vector<1x1024xf32>
      %broadcast_in_dim3A_235 = vector.broadcast %jit3A_233 : f32 to vector<1x1024xf32>
      %select_n3A_236 = arith.select %eq3A_231, %broadcast_in_dim3A_234, %broadcast_in_dim3A_235 : vector<1x1024xi1>, vector<1x1024xf32>
      %add3A_237 = arith.addf %add3A_220, %select_n3A_236 : vector<1x1024xf32>
      %mul3A_238 = arith.constant 3.000000e+00 : f32
      %mul3A_239 = vector.broadcast %mul3A_238 : f32 to vector<1x1024xf32>
      %mul3A_240 = arith.mulf %sub3A_224, %mul3A_239 : vector<1x1024xf32>
      %sub3A_241 = arith.subf %mul3A_240, %floor3A_228 : vector<1x1024xf32>
      %mul3A_242 = arith.constant 3.000000e+00 : f32
      %mul3A_243 = vector.broadcast %mul3A_242 : f32 to vector<1x1024xf32>
      %mul3A_244 = arith.mulf %sub3A_241, %mul3A_243 : vector<1x1024xf32>
      %floor3A_245 = math.floor %mul3A_244 : vector<1x1024xf32>
      %eq3A_246 = arith.constant 2.000000e+00 : f32
      %eq3A_247 = vector.broadcast %eq3A_246 : f32 to vector<1x1024xf32>
      %eq3A_248 = arith.cmpf oeq, %floor3A_245, %eq3A_247 : vector<1x1024xf32>
      %jit3A_249 = arith.constant 2.44140625E-4 : f32
      %jit3A_250 = arith.constant 0.000000e+00 : f32
      %broadcast_in_dim3A_251 = vector.broadcast %jit3A_249 : f32 to vector<1x1024xf32>
      %broadcast_in_dim3A_252 = vector.broadcast %jit3A_250 : f32 to vector<1x1024xf32>
      %select_n3A_253 = arith.select %eq3A_248, %broadcast_in_dim3A_251, %broadcast_in_dim3A_252 : vector<1x1024xi1>, vector<1x1024xf32>
      %add3A_254 = arith.addf %add3A_237, %select_n3A_253 : vector<1x1024xf32>
      %mul3A_255 = arith.constant 3.000000e+00 : f32
      %mul3A_256 = vector.broadcast %mul3A_255 : f32 to vector<1x1024xf32>
      %mul3A_257 = arith.mulf %sub3A_241, %mul3A_256 : vector<1x1024xf32>
      %sub3A_258 = arith.subf %mul3A_257, %floor3A_245 : vector<1x1024xf32>
      %mul3A_259 = arith.constant 3.000000e+00 : f32
      %mul3A_260 = vector.broadcast %mul3A_259 : f32 to vector<1x1024xf32>
      %mul3A_261 = arith.mulf %sub3A_258, %mul3A_260 : vector<1x1024xf32>
      %floor3A_262 = math.floor %mul3A_261 : vector<1x1024xf32>
      %eq3A_263 = arith.constant 2.000000e+00 : f32
      %eq3A_264 = vector.broadcast %eq3A_263 : f32 to vector<1x1024xf32>
      %eq3A_265 = arith.cmpf oeq, %floor3A_262, %eq3A_264 : vector<1x1024xf32>
      %jit3A_266 = arith.constant 1.22070313E-4 : f32
      %jit3A_267 = arith.constant 0.000000e+00 : f32
      %broadcast_in_dim3A_268 = vector.broadcast %jit3A_266 : f32 to vector<1x1024xf32>
      %broadcast_in_dim3A_269 = vector.broadcast %jit3A_267 : f32 to vector<1x1024xf32>
      %select_n3A_270 = arith.select %eq3A_265, %broadcast_in_dim3A_268, %broadcast_in_dim3A_269 : vector<1x1024xi1>, vector<1x1024xf32>
      %add3A_271 = arith.addf %add3A_254, %select_n3A_270 : vector<1x1024xf32>
      %mul3A_272 = arith.constant 3.000000e+00 : f32
      %mul3A_273 = vector.broadcast %mul3A_272 : f32 to vector<1x1024xf32>
      %mul3A_274 = arith.mulf %sub3A_258, %mul3A_273 : vector<1x1024xf32>
      %sub3A_275 = arith.subf %mul3A_274, %floor3A_262 : vector<1x1024xf32>
      %mul3A_276 = arith.constant 3.000000e+00 : f32
      %mul3A_277 = vector.broadcast %mul3A_276 : f32 to vector<1x1024xf32>
      %mul3A_278 = arith.mulf %sub3A_275, %mul3A_277 : vector<1x1024xf32>
      %floor3A_279 = math.floor %mul3A_278 : vector<1x1024xf32>
      %eq3A_280 = arith.constant 2.000000e+00 : f32
      %eq3A_281 = vector.broadcast %eq3A_280 : f32 to vector<1x1024xf32>
      %eq3A_282 = arith.cmpf oeq, %floor3A_279, %eq3A_281 : vector<1x1024xf32>
      %jit3A_283 = arith.constant 6.10351563E-5 : f32
      %jit3A_284 = arith.constant 0.000000e+00 : f32
      %broadcast_in_dim3A_285 = vector.broadcast %jit3A_283 : f32 to vector<1x1024xf32>
      %broadcast_in_dim3A_286 = vector.broadcast %jit3A_284 : f32 to vector<1x1024xf32>
      %select_n3A_287 = arith.select %eq3A_282, %broadcast_in_dim3A_285, %broadcast_in_dim3A_286 : vector<1x1024xi1>, vector<1x1024xf32>
      %add3A_288 = arith.addf %add3A_271, %select_n3A_287 : vector<1x1024xf32>
      %mul3A_289 = arith.constant 3.000000e+00 : f32
      %mul3A_290 = vector.broadcast %mul3A_289 : f32 to vector<1x1024xf32>
      %mul3A_291 = arith.mulf %sub3A_275, %mul3A_290 : vector<1x1024xf32>
      %sub3A_292 = arith.subf %mul3A_291, %floor3A_279 : vector<1x1024xf32>
      %mul3A_293 = arith.constant 3.000000e+00 : f32
      %mul3A_294 = vector.broadcast %mul3A_293 : f32 to vector<1x1024xf32>
      %mul3A_295 = arith.mulf %sub3A_292, %mul3A_294 : vector<1x1024xf32>
      %floor3A_296 = math.floor %mul3A_295 : vector<1x1024xf32>
      %eq3A_297 = arith.constant 2.000000e+00 : f32
      %eq3A_298 = vector.broadcast %eq3A_297 : f32 to vector<1x1024xf32>
      %eq3A_299 = arith.cmpf oeq, %floor3A_296, %eq3A_298 : vector<1x1024xf32>
      %jit3A_300 = arith.constant 3.05175781E-5 : f32
      %jit3A_301 = arith.constant 0.000000e+00 : f32
      %broadcast_in_dim3A_302 = vector.broadcast %jit3A_300 : f32 to vector<1x1024xf32>
      %broadcast_in_dim3A_303 = vector.broadcast %jit3A_301 : f32 to vector<1x1024xf32>
      %select_n3A_304 = arith.select %eq3A_299, %broadcast_in_dim3A_302, %broadcast_in_dim3A_303 : vector<1x1024xi1>, vector<1x1024xf32>
      %add3A_305 = arith.addf %add3A_288, %select_n3A_304 : vector<1x1024xf32>
      %mul3A_306 = arith.constant 3.000000e+00 : f32
      %mul3A_307 = vector.broadcast %mul3A_306 : f32 to vector<1x1024xf32>
      %mul3A_308 = arith.mulf %sub3A_292, %mul3A_307 : vector<1x1024xf32>
      %sub3A_309 = arith.subf %mul3A_308, %floor3A_296 : vector<1x1024xf32>
      %mul3A_310 = arith.constant 3.000000e+00 : f32
      %mul3A_311 = vector.broadcast %mul3A_310 : f32 to vector<1x1024xf32>
      %mul3A_312 = arith.mulf %sub3A_309, %mul3A_311 : vector<1x1024xf32>
      %floor3A_313 = math.floor %mul3A_312 : vector<1x1024xf32>
      %eq3A_314 = arith.constant 2.000000e+00 : f32
      %eq3A_315 = vector.broadcast %eq3A_314 : f32 to vector<1x1024xf32>
      %eq3A_316 = arith.cmpf oeq, %floor3A_313, %eq3A_315 : vector<1x1024xf32>
      %jit3A_317 = arith.constant 1.52587891E-5 : f32
      %jit3A_318 = arith.constant 0.000000e+00 : f32
      %broadcast_in_dim3A_319 = vector.broadcast %jit3A_317 : f32 to vector<1x1024xf32>
      %broadcast_in_dim3A_320 = vector.broadcast %jit3A_318 : f32 to vector<1x1024xf32>
      %select_n3A_321 = arith.select %eq3A_316, %broadcast_in_dim3A_319, %broadcast_in_dim3A_320 : vector<1x1024xi1>, vector<1x1024xf32>
      %add3A_322 = arith.addf %add3A_305, %select_n3A_321 : vector<1x1024xf32>
      %jit3A_323 = arith.constant 0.000000e+00 : f32
      %jit3A_324 = arith.constant 1.000000e+00 : f32
      %max3A = vector.broadcast %jit3A_323 : f32 to vector<1x1024xf32>
      %max3A_325 = arith.maximumf %max3A, %add3A_322 : vector<1x1024xf32>
      %min3A = vector.broadcast %jit3A_324 : f32 to vector<1x1024xf32>
      %min3A_326 = arith.minimumf %min3A, %max3A_325 : vector<1x1024xf32>
      %get3A_327 = arith.constant 0 : index
      %get3A_328 = arith.constant 0 : index
      %get3A_329 = vector.load %arg6[%get3A_327, %get3A_328] : memref<1x256xf32, #tpu.memory_space<vmem>>, vector<1x256xf32>
      %dot_general3A_330 = arith.constant dense<0.000000e+00> : vector<1024x256xf32>
      %dot_general3A_331 = tpu.matmul %min3A_326, %get3A_329, %dot_general3A_330 {dimension_numbers = #tpu.dot_dimension_numbers<[0], [0], [1], [1], [0, 1, 1, 1], [], []>, transpose_lhs_hint = false} : vector<1x1024xf32>, vector<1x256xf32>, vector<1024x256xf32> -> vector<1024x256xf32>
      %get3A_332 = arith.constant 0 : index
      %get3A_333 = arith.constant 0 : index
      %get3A_334 = vector.load %arg7[%get3A_332, %get3A_333] : memref<1x256xf32, #tpu.memory_space<vmem>>, vector<1x256xf32>
      %add3A_335 = vector.broadcast %get3A_334 : vector<1x256xf32> to vector<1024x256xf32>
      %add3A_336 = arith.addf %dot_general3A_331, %add3A_335 : vector<1024x256xf32>
      %mul3A_337 = arith.constant 5.000000e-01 : f32
      %mul3A_338 = vector.broadcast %mul3A_337 : f32 to vector<1024x256xf32>
      %mul3A_339 = arith.mulf %mul3A_338, %add3A_336 : vector<1024x256xf32>
      %mul3A_340 = arith.constant 0.707106769 : f32
      %mul3A_341 = vector.broadcast %mul3A_340 : f32 to vector<1024x256xf32>
      %mul3A_342 = arith.mulf %add3A_336, %mul3A_341 : vector<1024x256xf32>
      %erf3A = math.erf %mul3A_342 : vector<1024x256xf32>
      %add3A_343 = arith.constant 1.000000e+00 : f32
      %add3A_344 = vector.broadcast %add3A_343 : f32 to vector<1024x256xf32>
      %add3A_345 = arith.addf %add3A_344, %erf3A : vector<1024x256xf32>
      %mul3A_346 = arith.mulf %mul3A_339, %add3A_345 : vector<1024x256xf32>
      %get3A_347 = arith.constant 0 : index
      %get3A_348 = arith.constant 0 : index
      %get3A_349 = vector.load %arg8[%get3A_347, %get3A_348] : memref<256x256xf32, #tpu.memory_space<vmem>>, vector<256x256xf32>
      %dot_general3A_350 = arith.constant dense<0.000000e+00> : vector<1024x256xf32>
      %dot_general3A_351 = tpu.matmul %mul3A_346, %get3A_349, %dot_general3A_350 {dimension_numbers = #tpu.dot_dimension_numbers<[1], [0], [0], [1], [0, 0, 1, 1], [], []>, transpose_lhs_hint = false} : vector<1024x256xf32>, vector<256x256xf32>, vector<1024x256xf32> -> vector<1024x256xf32>
      %get3A_352 = arith.constant 0 : index
      %get3A_353 = arith.constant 0 : index
      %get3A_354 = vector.load %arg9[%get3A_352, %get3A_353] : memref<1x256xf32, #tpu.memory_space<vmem>>, vector<1x256xf32>
      %add3A_355 = vector.broadcast %get3A_354 : vector<1x256xf32> to vector<1024x256xf32>
      %add3A_356 = arith.addf %dot_general3A_351, %add3A_355 : vector<1024x256xf32>
      %mul3A_357 = arith.constant 5.000000e-01 : f32
      %mul3A_358 = vector.broadcast %mul3A_357 : f32 to vector<1024x256xf32>
      %mul3A_359 = arith.mulf %mul3A_358, %add3A_356 : vector<1024x256xf32>
      %mul3A_360 = arith.constant 0.707106769 : f32
      %mul3A_361 = vector.broadcast %mul3A_360 : f32 to vector<1024x256xf32>
      %mul3A_362 = arith.mulf %add3A_356, %mul3A_361 : vector<1024x256xf32>
      %erf3A_363 = math.erf %mul3A_362 : vector<1024x256xf32>
      %add3A_364 = arith.constant 1.000000e+00 : f32
      %add3A_365 = vector.broadcast %add3A_364 : f32 to vector<1024x256xf32>
      %add3A_366 = arith.addf %add3A_365, %erf3A_363 : vector<1024x256xf32>
      %mul3A_367 = arith.mulf %mul3A_359, %add3A_366 : vector<1024x256xf32>
      %get3A_368 = arith.constant 0 : index
      %get3A_369 = arith.constant 0 : index
      %get3A_370 = vector.load %arg10[%get3A_368, %get3A_369] : memref<256x1024xf32, #tpu.memory_space<vmem>>, vector<256x1024xf32>
      %dot_general3A_371 = arith.constant dense<0.000000e+00> : vector<1024x1024xf32>
      %dot_general3A_372 = tpu.matmul %mul3A_367, %get3A_370, %dot_general3A_371 {dimension_numbers = #tpu.dot_dimension_numbers<[1], [0], [0], [1], [0, 0, 1, 1], [], []>, transpose_lhs_hint = false} : vector<1024x256xf32>, vector<256x1024xf32>, vector<1024x1024xf32> -> vector<1024x1024xf32>
      %get3A_373 = arith.constant 0 : index
      %get3A_374 = arith.constant 0 : index
      %get3A_375 = vector.load %arg11[%get3A_373, %get3A_374] : memref<1x1024xf32, #tpu.memory_space<vmem>>, vector<1x1024xf32>
      %add3A_376 = vector.broadcast %get3A_375 : vector<1x1024xf32> to vector<1024x1024xf32>
      %add3A_377 = arith.addf %dot_general3A_372, %add3A_376 : vector<1024x1024xf32>
      %get3A_378 = arith.constant 0 : index
      %get3A_379 = arith.constant 0 : index
      %get3A_380 = vector.load %arg12[%get3A_378, %get3A_379] : memref<1x1xf32, #tpu.memory_space<vmem>>, vector<1x1xf32>
      %mul3A_381 = vector.broadcast %get3A_380 : vector<1x1xf32> to vector<1024x1024xf32>
      %mul3A_382 = arith.mulf %mul3A_381, %add3A_377 : vector<1024x1024xf32>
      %add3A_383 = vector.broadcast %slice3A : vector<1x1024xf32> to vector<1024x1024xf32>
      %add3A_384 = arith.addf %mul3A_382, %add3A_383 : vector<1024x1024xf32>
      %swap3A_385 = arith.constant 0 : index
      %swap3A_386 = arith.constant 0 : index
      %swap3A_387 = vector.load %arg15[%swap3A_385, %swap3A_386] : memref<1024x1024xf32, #tpu.memory_space<vmem>>, vector<1024x1024xf32>
      tpu.vector_store %arg15[%swap3A_385, %swap3A_386], %add3A_384 {strides = array<i32>} : memref<1024x1024xf32, #tpu.memory_space<vmem>>, vector<1024x1024xf32>,
    } else {
    }
    %get3A_5 = arith.constant 0 : index
    %get3A_6 = arith.constant 0 : index
    %get3A_7 = arith.constant 0 : index
    %get3A_8 = vector.load %arg2[%get3A_5, %get3A_6, %get3A_7] : memref<1x1x1024xf32, #tpu.memory_space<vmem>>, vector<1x1x1024xf32>
    %get3A_9 = vector.shape_cast %get3A_8 : vector<1x1x1024xf32> to vector<1x1024xf32>
    %dot_general3A = arith.constant dense<0.000000e+00> : vector<1024x1024xf32>
    %dot_general3A_10 = tpu.matmul %get3A_9, %sub3A, %dot_general3A {dimension_numbers = #tpu.dot_dimension_numbers<[0], [0], [1], [1], [0, 1, 1, 1], [], []>, transpose_lhs_hint = false} : vector<1x1024xf32>, vector<1x1024xf32>, vector<1024x1024xf32> -> vector<1024x1024xf32>
    %get3A_11 = arith.constant 0 : index
    %get3A_12 = arith.constant 0 : index
    %get3A_13 = vector.load %arg1[%get3A_11, %get3A_12] : memref<1024x1024xf32, #tpu.memory_space<vmem>>, vector<1024x1024xf32>
    %get3A_14 = arith.constant 0 : index
    %get3A_15 = arith.constant 0 : index
    %get3A_16 = vector.load %arg15[%get3A_14, %get3A_15] : memref<1024x1024xf32, #tpu.memory_space<vmem>>, vector<1024x1024xf32>
    %add3A = arith.addf %get3A_13, %get3A_16 : vector<1024x1024xf32>
    %add3A_17 = arith.addf %add3A, %dot_general3A_10 : vector<1024x1024xf32>
    %broadcast_in_dim3A = arith.constant 1.000000e+00 : f32
    %broadcast_in_dim3A_18 = vector.broadcast %broadcast_in_dim3A : f32 to vector<1024x1xf32>
    %dot_general3A_19 = arith.constant dense<0.000000e+00> : vector<1024x1xf32>
    %dot_general3A_20 = tpu.matmul %add3A_17, %broadcast_in_dim3A_18, %dot_general3A_19 {dimension_numbers = #tpu.dot_dimension_numbers<[1], [0], [0], [1], [0, 0, 1, 1], [], []>, transpose_lhs_hint = false} : vector<1024x1024xf32>, vector<1024x1xf32>, vector<1024x1xf32> -> vector<1024x1xf32>
    %mul3A = arith.constant 9.765625E-4 : f32
    %mul3A_21 = vector.broadcast %mul3A : f32 to vector<1024x1xf32>
    %mul3A_22 = arith.mulf %dot_general3A_20, %mul3A_21 : vector<1024x1xf32>
    %mul3A_23 = arith.mulf %add3A_17, %add3A_17 : vector<1024x1024xf32>
    %dot_general3A_24 = arith.constant dense<0.000000e+00> : vector<1024x1xf32>
    %dot_general3A_25 = tpu.matmul %mul3A_23, %broadcast_in_dim3A_18, %dot_general3A_24 {dimension_numbers = #tpu.dot_dimension_numbers<[1], [0], [0], [1], [0, 0, 1, 1], [], []>, transpose_lhs_hint = false} : vector<1024x1024xf32>, vector<1024x1xf32>, vector<1024x1xf32> -> vector<1024x1xf32>
    %mul3A_26 = arith.constant 9.765625E-4 : f32
    %mul3A_27 = vector.broadcast %mul3A_26 : f32 to vector<1024x1xf32>
    %mul3A_28 = arith.mulf %dot_general3A_25, %mul3A_27 : vector<1024x1xf32>
    %mul3A_29 = arith.mulf %mul3A_22, %mul3A_22 : vector<1024x1xf32>
    %sub3A_30 = arith.subf %mul3A_28, %mul3A_29 : vector<1024x1xf32>
    %add3A_31 = arith.constant 9.99999996E-13 : f32
    %add3A_32 = vector.broadcast %add3A_31 : f32 to vector<1024x1xf32>
    %add3A_33 = arith.addf %sub3A_30, %add3A_32 : vector<1024x1xf32>
    %rsqrt3A = math.rsqrt %add3A_33 : vector<1024x1xf32>
    %sub3A_34 = vector.broadcast %mul3A_22 : vector<1024x1xf32> to vector<1024x1024xf32>
    %sub3A_35 = arith.subf %add3A_17, %sub3A_34 : vector<1024x1024xf32>
    %mul3A_36 = vector.broadcast %rsqrt3A : vector<1024x1xf32> to vector<1024x1024xf32>
    %mul3A_37 = arith.mulf %sub3A_35, %mul3A_36 : vector<1024x1024xf32>
    %get3A_38 = arith.constant 0 : index
    %get3A_39 = arith.constant 0 : index
    %get3A_40 = vector.load %arg4[%get3A_38, %get3A_39] : memref<1x1024xf32, #tpu.memory_space<vmem>>, vector<1x1024xf32>
    %mul3A_41 = vector.broadcast %get3A_40 : vector<1x1024xf32> to vector<1024x1024xf32>
    %mul3A_42 = arith.mulf %mul3A_37, %mul3A_41 : vector<1024x1024xf32>
    %get3A_43 = arith.constant 0 : index
    %get3A_44 = arith.constant 0 : index
    %get3A_45 = vector.load %arg5[%get3A_43, %get3A_44] : memref<1x1024xf32, #tpu.memory_space<vmem>>, vector<1x1024xf32>
    %add3A_46 = vector.broadcast %get3A_45 : vector<1x1024xf32> to vector<1024x1024xf32>
    %add3A_47 = arith.addf %mul3A_42, %add3A_46 : vector<1024x1024xf32>
    %swap3A = arith.constant 0 : index
    %swap3A_48 = arith.constant 0 : index
    %swap3A_49 = vector.load %arg14[%swap3A, %swap3A_48] : memref<1024x1024xf32, #tpu.memory_space<vmem>>, vector<1024x1024xf32>
    tpu.vector_store %arg14[%swap3A, %swap3A_48], %add3A_47 {strides = array<i32>} : memref<1024x1024xf32, #tpu.memory_space<vmem>>, vector<1024x1024xf32>,
    return
  }
  func.func @transform_0(%arg0: i32) -> (i32, i32) {
    %c0_i32 = arith.constant 0 : i32
    %c0_i32_0 = arith.constant 0 : i32
    return %arg0, %c0_i32 : i32, i32
  }
  func.func @transform_1(%arg0: i32) -> (i32, i32, i32) {
    %c0_i32 = arith.constant 0 : i32
    %c0_i32_0 = arith.constant 0 : i32
    %c0_i32_1 = arith.constant 0 : i32
    return %arg0, %c0_i32, %c0_i32_0 : i32, i32, i32
  }
  func.func @transform_2(%arg0: i32) -> (i32, i32) {
    %c0_i32 = arith.constant 0 : i32
    %c0_i32_0 = arith.constant 0 : i32
    %c0_i32_1 = arith.constant 0 : i32
    return %c0_i32, %c0_i32_0 : i32, i32
  }
  func.func @transform_3(%arg0: i32) -> (i32, i32) {
    %c0_i32 = arith.constant 0 : i32
    %c0_i32_0 = arith.constant 0 : i32
    %c0_i32_1 = arith.constant 0 : i32
    return %c0_i32, %c0_i32_0 : i32, i32
  }
  func.func @transform_4(%arg0: i32) -> (i32, i32) {
    %c0_i32 = arith.constant 0 : i32
    %c0_i32_0 = arith.constant 0 : i32
    %c0_i32_1 = arith.constant 0 : i32
    return %c0_i32, %c0_i32_0 : i32, i32
  }
  func.func @transform_5(%arg0: i32) -> (i32, i32) {
    %c0_i32 = arith.constant 0 : i32
    %c0_i32_0 = arith.constant 0 : i32
    %c0_i32_1 = arith.constant 0 : i32
    return %c0_i32, %c0_i32_0 : i32, i32
  }
  func.func @transform_6(%arg0: i32) -> (i32, i32) {
    %c0_i32 = arith.constant 0 : i32
    %c0_i32_0 = arith.constant 0 : i32
    %c0_i32_1 = arith.constant 0 : i32
    return %c0_i32, %c0_i32_0 : i32, i32
  }
  func.func @transform_7(%arg0: i32) -> (i32, i32) {
    %c0_i32 = arith.constant 0 : i32
    %c0_i32_0 = arith.constant 0 : i32
    %c0_i32_1 = arith.constant 0 : i32
    return %c0_i32, %c0_i32_0 : i32, i32
  }
  func.func @transform_8(%arg0: i32) -> (i32, i32) {
    %c0_i32 = arith.constant 0 : i32
    %c0_i32_0 = arith.constant 0 : i32
    %c0_i32_1 = arith.constant 0 : i32
    return %c0_i32, %c0_i32_0 : i32, i32
  }
  func.func @transform_9(%arg0: i32) -> (i32, i32) {
    %c0_i32 = arith.constant 0 : i32
    %c0_i32_0 = arith.constant 0 : i32
    %c0_i32_1 = arith.constant 0 : i32
    return %c0_i32, %c0_i32_0 : i32, i32
  }
  func.func @transform_10(%arg0: i32) -> (i32, i32) {
    %c0_i32 = arith.constant 0 : i32
    %c0_i32_0 = arith.constant 0 : i32
    %c0_i32_1 = arith.constant 0 : i32
    return %c0_i32, %c0_i32_0 : i32, i32
  }
  func.func @transform_11(%arg0: i32) -> (i32, i32) {
    %c0_i32 = arith.constant 0 : i32
    %c0_i32_0 = arith.constant 0 : i32
    %c0_i32_1 = arith.constant 0 : i32
    return %c0_i32, %c0_i32_0 : i32, i32
  }
  func.func @transform_13(%arg0: i32) -> (i32, i32) {
    %mul3A = arith.constant 4 : i32
    %mul3A_0 = arith.muli %arg0, %mul3A : i32
    %add3A = arith.constant 1 : i32
    %add3A_1 = arith.addi %mul3A_0, %add3A : i32
    %c0_i32 = arith.constant 0 : i32
    %c0_i32_2 = arith.constant 0 : i32
    return %add3A_1, %c0_i32 : i32, i32
  }
}

module attributes {stable_mosaic.version = 14 : i64} {
  func.func @body(%arg0: i32, %arg1: memref<1024x1024xf32, #tpu.memory_space<vmem>>, %arg2: memref<1x1x1024xf32, #tpu.memory_space<vmem>>, %arg3: memref<2x1024xf32, #tpu.memory_space<vmem>>, %arg4: memref<1x1024xf32, #tpu.memory_space<vmem>>, %arg5: memref<1x1024xf32, #tpu.memory_space<vmem>>, %arg6: memref<1x256xf32, #tpu.memory_space<vmem>>, %arg7: memref<1x256xf32, #tpu.memory_space<vmem>>, %arg8: memref<256x256xf32, #tpu.memory_space<vmem>>, %arg9: memref<1x256xf32, #tpu.memory_space<vmem>>, %arg10: memref<256x1024xf32, #tpu.memory_space<vmem>>, %arg11: memref<1x1024xf32, #tpu.memory_space<vmem>>, %arg12: memref<1x1xf32, #tpu.memory_space<vmem>>, %arg13: memref<16384x1024xf32, #tpu.memory_space<any>>, %arg14: memref<1024x1024xf32, #tpu.memory_space<vmem>>, %arg15: memref<1024x1024xf32, #tpu.memory_space<vmem>>) attributes {dimension_semantics = [#tpu.dimension_semantics<arbitrary>], iteration_bounds = array<i64: 4>, scalar_prefetch = 0 : i64, scratch_operands = 1 : i64, tpu.core_type = #tpu.core_type<tc>, window_params = [{transform_indices = @transform_0, window_bounds = array<i64: 1024, 1024>}, {transform_indices = @transform_1, window_bounds = array<i64: 1, 1, 1024>}, {pipeline_mode = #tpu.pipeline_mode<synchronous>, transform_indices = @transform_2, window_bounds = array<i64: 2, 1024>}, {pipeline_mode = #tpu.pipeline_mode<synchronous>, transform_indices = @transform_3, window_bounds = array<i64: 1, 1024>}, {pipeline_mode = #tpu.pipeline_mode<synchronous>, transform_indices = @transform_4, window_bounds = array<i64: 1, 1024>}, {pipeline_mode = #tpu.pipeline_mode<synchronous>, transform_indices = @transform_5, window_bounds = array<i64: 1, 256>}, {pipeline_mode = #tpu.pipeline_mode<synchronous>, transform_indices = @transform_6, window_bounds = array<i64: 1, 256>}, {pipeline_mode = #tpu.pipeline_mode<synchronous>, transform_indices = @transform_7, window_bounds = array<i64: 256, 256>}, {pipeline_mode = #tpu.pipeline_mode<synchronous>, transform_indices = @transform_8, window_bounds = array<i64: 1, 256>}, {pipeline_mode = #tpu.pipeline_mode<synchronous>, transform_indices = @transform_9, window_bounds = array<i64: 256, 1024>}, {pipeline_mode = #tpu.pipeline_mode<synchronous>, transform_indices = @transform_10, window_bounds = array<i64: 1, 1024>}, {pipeline_mode = #tpu.pipeline_mode<synchronous>, transform_indices = @transform_11, window_bounds = array<i64: 1, 1>}, {}, {transform_indices = @transform_13, window_bounds = array<i64: 1024, 1024>}]} {
    %get3A = arith.constant 0 : index
    %get3A_0 = arith.constant 0 : index
    %get3A_1 = vector.load %arg3[%get3A, %get3A_0] : memref<2x1024xf32, #tpu.memory_space<vmem>>, vector<2x1024xf32>
    %slice3A = vector.extract_strided_slice %get3A_1 {offsets = [0, 0], sizes = [1, 1024], strides = [1, 1]} : vector<2x1024xf32> to vector<1x1024xf32>
    %slice3A_2 = vector.extract_strided_slice %get3A_1 {offsets = [1, 0], sizes = [1, 1024], strides = [1, 1]} : vector<2x1024xf32> to vector<1x1024xf32>
    %sub3A = arith.subf %slice3A_2, %slice3A : vector<1x1024xf32>
    %eq3A = arith.constant 0 : i32
    %eq3A_3 = arith.cmpi eq, %arg0, %eq3A : i32
    %convert_element_type3A = arith.extui %eq3A_3 : i1 to i32
    %cond3A = arith.constant 0 : i32
    %cond3A_4 = arith.cmpi ne, %convert_element_type3A, %cond3A : i32
    scf.if %cond3A_4 {
      %iota3A = tpu.iota {dimensions = array<i32: 1>} : vector<1x1024xi32>
      %add3A_50 = arith.constant 2048 : i32
      %add3A_51 = vector.broadcast %add3A_50 : i32 to vector<1x1024xi32>
      %add3A_52 = arith.addi %add3A_51, %iota3A : vector<1x1024xi32>
      %convert_element_type3A_53 = arith.sitofp %add3A_52 : vector<1x1024xi32> to vector<1x1024xf32>
      %div3A = arith.constant 4.095000e+03 : f32
      %div3A_54 = vector.broadcast %div3A : f32 to vector<1x1024xf32>
      %div3A_55 = arith.divf %convert_element_type3A_53, %div3A_54 : vector<1x1024xf32>
      %broadcast_in_dim3A_56 = arith.constant 0.000000e+00 : f32
      %broadcast_in_dim3A_57 = vector.broadcast %broadcast_in_dim3A_56 : f32 to vector<1x1024xf32>
      %mul3A_58 = arith.constant 3.000000e+00 : f32
      %mul3A_59 = vector.broadcast %mul3A_58 : f32 to vector<1x1024xf32>
      %mul3A_60 = arith.mulf %div3A_55, %mul3A_59 : vector<1x1024xf32>
      %floor3A = math.floor %mul3A_60 : vector<1x1024xf32>
      %eq3A_61 = arith.constant 2.000000e+00 : f32
      %eq3A_62 = vector.broadcast %eq3A_61 : f32 to vector<1x1024xf32>
      %eq3A_63 = arith.cmpf oeq, %floor3A, %eq3A_62 : vector<1x1024xf32>
      %jit3A = arith.constant 5.000000e-01 : f32
      %jit3A_64 = arith.constant 0.000000e+00 : f32
      %broadcast_in_dim3A_65 = vector.broadcast %jit3A : f32 to vector<1x1024xf32>
      %broadcast_in_dim3A_66 = vector.broadcast %jit3A_64 : f32 to vector<1x1024xf32>
      %select_n3A = arith.select %eq3A_63, %broadcast_in_dim3A_65, %broadcast_in_dim3A_66 : vector<1x1024xi1>, vector<1x1024xf32>
      %add3A_67 = arith.addf %broadcast_in_dim3A_57, %select_n3A : vector<1x1024xf32>
      %mul3A_68 = arith.constant 3.000000e+00 : f32
      %mul3A_69 = vector.broadcast %mul3A_68 : f32 to vector<1x1024xf32>
      %mul3A_70 = arith.mulf %div3A_55, %mul3A_69 : vector<1x1024xf32>
      %sub3A_71 = arith.subf %mul3A_70, %floor3A : vector<1x1024xf32>
      %mul3A_72 = arith.constant 3.000000e+00 : f32
      %mul3A_73 = vector.broadcast %mul3A_72 : f32 to vector<1x1024xf32>
      %mul3A_74 = arith.mulf %sub3A_71, %mul3A_73 : vector<1x1024xf32>
      %floor3A_75 = math.floor %mul3A_74 : vector<1x1024xf32>
      %eq3A_76 = arith.constant 2.000000e+00 : f32
      %eq3A_77 = vector.broadcast %eq3A_76 : f32 to vector<1x1024xf32>
      %eq3A_78 = arith.cmpf oeq, %floor3A_75, %eq3A_77 : vector<1x1024xf32>
      %jit3A_79 = arith.constant 2.500000e-01 : f32
      %jit3A_80 = arith.constant 0.000000e+00 : f32
      %broadcast_in_dim3A_81 = vector.broadcast %jit3A_79 : f32 to vector<1x1024xf32>
      %broadcast_in_dim3A_82 = vector.broadcast %jit3A_80 : f32 to vector<1x1024xf32>
      %select_n3A_83 = arith.select %eq3A_78, %broadcast_in_dim3A_81, %broadcast_in_dim3A_82 : vector<1x1024xi1>, vector<1x1024xf32>
      %add3A_84 = arith.addf %add3A_67, %select_n3A_83 : vector<1x1024xf32>
      %mul3A_85 = arith.constant 3.000000e+00 : f32
      %mul3A_86 = vector.broadcast %mul3A_85 : f32 to vector<1x1024xf32>
      %mul3A_87 = arith.mulf %sub3A_71, %mul3A_86 : vector<1x1024xf32>
      %sub3A_88 = arith.subf %mul3A_87, %floor3A_75 : vector<1x1024xf32>
      %mul3A_89 = arith.constant 3.000000e+00 : f32
      %mul3A_90 = vector.broadcast %mul3A_89 : f32 to vector<1x1024xf32>
      %mul3A_91 = arith.mulf %sub3A_88, %mul3A_90 : vector<1x1024xf32>
      %floor3A_92 = math.floor %mul3A_91 : vector<1x1024xf32>
      %eq3A_93 = arith.constant 2.000000e+00 : f32
      %eq3A_94 = vector.broadcast %eq3A_93 : f32 to vector<1x1024xf32>
      %eq3A_95 = arith.cmpf oeq, %floor3A_92, %eq3A_94 : vector<1x1024xf32>
      %jit3A_96 = arith.constant 1.250000e-01 : f32
      %jit3A_97 = arith.constant 0.000000e+00 : f32
      %broadcast_in_dim3A_98 = vector.broadcast %jit3A_96 : f32 to vector<1x1024xf32>
      %broadcast_in_dim3A_99 = vector.broadcast %jit3A_97 : f32 to vector<1x1024xf32>
      %select_n3A_100 = arith.select %eq3A_95, %broadcast_in_dim3A_98, %broadcast_in_dim3A_99 : vector<1x1024xi1>, vector<1x1024xf32>
      %add3A_101 = arith.addf %add3A_84, %select_n3A_100 : vector<1x1024xf32>
      %mul3A_102 = arith.constant 3.000000e+00 : f32
      %mul3A_103 = vector.broadcast %mul3A_102 : f32 to vector<1x1024xf32>
      %mul3A_104 = arith.mulf %sub3A_88, %mul3A_103 : vector<1x1024xf32>
      %sub3A_105 = arith.subf %mul3A_104, %floor3A_92 : vector<1x1024xf32>
      %mul3A_106 = arith.constant 3.000000e+00 : f32
      %mul3A_107 = vector.broadcast %mul3A_106 : f32 to vector<1x1024xf32>
      %mul3A_108 = arith.mulf %sub3A_105, %mul3A_107 : vector<1x1024xf32>
      %floor3A_109 = math.floor %mul3A_108 : vector<1x1024xf32>
      %eq3A_110 = arith.constant 2.000000e+00 : f32
      %eq3A_111 = vector.broadcast %eq3A_110 : f32 to vector<1x1024xf32>
      %eq3A_112 = arith.cmpf oeq, %floor3A_109, %eq3A_111 : vector<1x1024xf32>
      %jit3A_113 = arith.constant 6.250000e-02 : f32
      %jit3A_114 = arith.constant 0.000000e+00 : f32
      %broadcast_in_dim3A_115 = vector.broadcast %jit3A_113 : f32 to vector<1x1024xf32>
      %broadcast_in_dim3A_116 = vector.broadcast %jit3A_114 : f32 to vector<1x1024xf32>
      %select_n3A_117 = arith.select %eq3A_112, %broadcast_in_dim3A_115, %broadcast_in_dim3A_116 : vector<1x1024xi1>, vector<1x1024xf32>
      %add3A_118 = arith.addf %add3A_101, %select_n3A_117 : vector<1x1024xf32>
      %mul3A_119 = arith.constant 3.000000e+00 : f32
      %mul3A_120 = vector.broadcast %mul3A_119 : f32 to vector<1x1024xf32>
      %mul3A_121 = arith.mulf %sub3A_105, %mul3A_120 : vector<1x1024xf32>
      %sub3A_122 = arith.subf %mul3A_121, %floor3A_109 : vector<1x1024xf32>
      %mul3A_123 = arith.constant 3.000000e+00 : f32
      %mul3A_124 = vector.broadcast %mul3A_123 : f32 to vector<1x1024xf32>
      %mul3A_125 = arith.mulf %sub3A_122, %mul3A_124 : vector<1x1024xf32>
      %floor3A_126 = math.floor %mul3A_125 : vector<1x1024xf32>
      %eq3A_127 = arith.constant 2.000000e+00 : f32
      %eq3A_128 = vector.broadcast %eq3A_127 : f32 to vector<1x1024xf32>
      %eq3A_129 = arith.cmpf oeq, %floor3A_126, %eq3A_128 : vector<1x1024xf32>
      %jit3A_130 = arith.constant 3.125000e-02 : f32
      %jit3A_131 = arith.constant 0.000000e+00 : f32
      %broadcast_in_dim3A_132 = vector.broadcast %jit3A_130 : f32 to vector<1x1024xf32>
      %broadcast_in_dim3A_133 = vector.broadcast %jit3A_131 : f32 to vector<1x1024xf32>
      %select_n3A_134 = arith.select %eq3A_129, %broadcast_in_dim3A_132, %broadcast_in_dim3A_133 : vector<1x1024xi1>, vector<1x1024xf32>
      %add3A_135 = arith.addf %add3A_118, %select_n3A_134 : vector<1x1024xf32>
      %mul3A_136 = arith.constant 3.000000e+00 : f32
      %mul3A_137 = vector.broadcast %mul3A_136 : f32 to vector<1x1024xf32>
      %mul3A_138 = arith.mulf %sub3A_122, %mul3A_137 : vector<1x1024xf32>
      %sub3A_139 = arith.subf %mul3A_138, %floor3A_126 : vector<1x1024xf32>
      %mul3A_140 = arith.constant 3.000000e+00 : f32
      %mul3A_141 = vector.broadcast %mul3A_140 : f32 to vector<1x1024xf32>
      %mul3A_142 = arith.mulf %sub3A_139, %mul3A_141 : vector<1x1024xf32>
      %floor3A_143 = math.floor %mul3A_142 : vector<1x1024xf32>
      %eq3A_144 = arith.constant 2.000000e+00 : f32
      %eq3A_145 = vector.broadcast %eq3A_144 : f32 to vector<1x1024xf32>
      %eq3A_146 = arith.cmpf oeq, %floor3A_143, %eq3A_145 : vector<1x1024xf32>
      %jit3A_147 = arith.constant 1.562500e-02 : f32
      %jit3A_148 = arith.constant 0.000000e+00 : f32
      %broadcast_in_dim3A_149 = vector.broadcast %jit3A_147 : f32 to vector<1x1024xf32>
      %broadcast_in_dim3A_150 = vector.broadcast %jit3A_148 : f32 to vector<1x1024xf32>
      %select_n3A_151 = arith.select %eq3A_146, %broadcast_in_dim3A_149, %broadcast_in_dim3A_150 : vector<1x1024xi1>, vector<1x1024xf32>
      %add3A_152 = arith.addf %add3A_135, %select_n3A_151 : vector<1x1024xf32>
      %mul3A_153 = arith.constant 3.000000e+00 : f32
      %mul3A_154 = vector.broadcast %mul3A_153 : f32 to vector<1x1024xf32>
      %mul3A_155 = arith.mulf %sub3A_139, %mul3A_154 : vector<1x1024xf32>
      %sub3A_156 = arith.subf %mul3A_155, %floor3A_143 : vector<1x1024xf32>
      %mul3A_157 = arith.constant 3.000000e+00 : f32
      %mul3A_158 = vector.broadcast %mul3A_157 : f32 to vector<1x1024xf32>
      %mul3A_159 = arith.mulf %sub3A_156, %mul3A_158 : vector<1x1024xf32>
      %floor3A_160 = math.floor %mul3A_159 : vector<1x1024xf32>
      %eq3A_161 = arith.constant 2.000000e+00 : f32
      %eq3A_162 = vector.broadcast %eq3A_161 : f32 to vector<1x1024xf32>
      %eq3A_163 = arith.cmpf oeq, %floor3A_160, %eq3A_162 : vector<1x1024xf32>
      %jit3A_164 = arith.constant 7.812500e-03 : f32
      %jit3A_165 = arith.constant 0.000000e+00 : f32
      %broadcast_in_dim3A_166 = vector.broadcast %jit3A_164 : f32 to vector<1x1024xf32>
      %broadcast_in_dim3A_167 = vector.broadcast %jit3A_165 : f32 to vector<1x1024xf32>
      %select_n3A_168 = arith.select %eq3A_163, %broadcast_in_dim3A_166, %broadcast_in_dim3A_167 : vector<1x1024xi1>, vector<1x1024xf32>
      %add3A_169 = arith.addf %add3A_152, %select_n3A_168 : vector<1x1024xf32>
      %mul3A_170 = arith.constant 3.000000e+00 : f32
      %mul3A_171 = vector.broadcast %mul3A_170 : f32 to vector<1x1024xf32>
      %mul3A_172 = arith.mulf %sub3A_156, %mul3A_171 : vector<1x1024xf32>
      %sub3A_173 = arith.subf %mul3A_172, %floor3A_160 : vector<1x1024xf32>
      %mul3A_174 = arith.constant 3.000000e+00 : f32
      %mul3A_175 = vector.broadcast %mul3A_174 : f32 to vector<1x1024xf32>
      %mul3A_176 = arith.mulf %sub3A_173, %mul3A_175 : vector<1x1024xf32>
      %floor3A_177 = math.floor %mul3A_176 : vector<1x1024xf32>
      %eq3A_178 = arith.constant 2.000000e+00 : f32
      %eq3A_179 = vector.broadcast %eq3A_178 : f32 to vector<1x1024xf32>
      %eq3A_180 = arith.cmpf oeq, %floor3A_177, %eq3A_179 : vector<1x1024xf32>
      %jit3A_181 = arith.constant 3.906250e-03 : f32
      %jit3A_182 = arith.constant 0.000000e+00 : f32
      %broadcast_in_dim3A_183 = vector.broadcast %jit3A_181 : f32 to vector<1x1024xf32>
      %broadcast_in_dim3A_184 = vector.broadcast %jit3A_182 : f32 to vector<1x1024xf32>
      %select_n3A_185 = arith.select %eq3A_180, %broadcast_in_dim3A_183, %broadcast_in_dim3A_184 : vector<1x1024xi1>, vector<1x1024xf32>
      %add3A_186 = arith.addf %add3A_169, %select_n3A_185 : vector<1x1024xf32>
      %mul3A_187 = arith.constant 3.000000e+00 : f32
      %mul3A_188 = vector.broadcast %mul3A_187 : f32 to vector<1x1024xf32>
      %mul3A_189 = arith.mulf %sub3A_173, %mul3A_188 : vector<1x1024xf32>
      %sub3A_190 = arith.subf %mul3A_189, %floor3A_177 : vector<1x1024xf32>
      %mul3A_191 = arith.constant 3.000000e+00 : f32
      %mul3A_192 = vector.broadcast %mul3A_191 : f32 to vector<1x1024xf32>
      %mul3A_193 = arith.mulf %sub3A_190, %mul3A_192 : vector<1x1024xf32>
      %floor3A_194 = math.floor %mul3A_193 : vector<1x1024xf32>
      %eq3A_195 = arith.constant 2.000000e+00 : f32
      %eq3A_196 = vector.broadcast %eq3A_195 : f32 to vector<1x1024xf32>
      %eq3A_197 = arith.cmpf oeq, %floor3A_194, %eq3A_196 : vector<1x1024xf32>
      %jit3A_198 = arith.constant 0.001953125 : f32
      %jit3A_199 = arith.constant 0.000000e+00 : f32
      %broadcast_in_dim3A_200 = vector.broadcast %jit3A_198 : f32 to vector<1x1024xf32>
      %broadcast_in_dim3A_201 = vector.broadcast %jit3A_199 : f32 to vector<1x1024xf32>
      %select_n3A_202 = arith.select %eq3A_197, %broadcast_in_dim3A_200, %broadcast_in_dim3A_201 : vector<1x1024xi1>, vector<1x1024xf32>
      %add3A_203 = arith.addf %add3A_186, %select_n3A_202 : vector<1x1024xf32>
      %mul3A_204 = arith.constant 3.000000e+00 : f32
      %mul3A_205 = vector.broadcast %mul3A_204 : f32 to vector<1x1024xf32>
      %mul3A_206 = arith.mulf %sub3A_190, %mul3A_205 : vector<1x1024xf32>
      %sub3A_207 = arith.subf %mul3A_206, %floor3A_194 : vector<1x1024xf32>
      %mul3A_208 = arith.constant 3.000000e+00 : f32
      %mul3A_209 = vector.broadcast %mul3A_208 : f32 to vector<1x1024xf32>
      %mul3A_210 = arith.mulf %sub3A_207, %mul3A_209 : vector<1x1024xf32>
      %floor3A_211 = math.floor %mul3A_210 : vector<1x1024xf32>
      %eq3A_212 = arith.constant 2.000000e+00 : f32
      %eq3A_213 = vector.broadcast %eq3A_212 : f32 to vector<1x1024xf32>
      %eq3A_214 = arith.cmpf oeq, %floor3A_211, %eq3A_213 : vector<1x1024xf32>
      %jit3A_215 = arith.constant 9.765625E-4 : f32
      %jit3A_216 = arith.constant 0.000000e+00 : f32
      %broadcast_in_dim3A_217 = vector.broadcast %jit3A_215 : f32 to vector<1x1024xf32>
      %broadcast_in_dim3A_218 = vector.broadcast %jit3A_216 : f32 to vector<1x1024xf32>
      %select_n3A_219 = arith.select %eq3A_214, %broadcast_in_dim3A_217, %broadcast_in_dim3A_218 : vector<1x1024xi1>, vector<1x1024xf32>
      %add3A_220 = arith.addf %add3A_203, %select_n3A_219 : vector<1x1024xf32>
      %mul3A_221 = arith.constant 3.000000e+00 : f32
      %mul3A_222 = vector.broadcast %mul3A_221 : f32 to vector<1x1024xf32>
      %mul3A_223 = arith.mulf %sub3A_207, %mul3A_222 : vector<1x1024xf32>
      %sub3A_224 = arith.subf %mul3A_223, %floor3A_211 : vector<1x1024xf32>
      %mul3A_225 = arith.constant 3.000000e+00 : f32
      %mul3A_226 = vector.broadcast %mul3A_225 : f32 to vector<1x1024xf32>
      %mul3A_227 = arith.mulf %sub3A_224, %mul3A_226 : vector<1x1024xf32>
      %floor3A_228 = math.floor %mul3A_227 : vector<1x1024xf32>
      %eq3A_229 = arith.constant 2.000000e+00 : f32
      %eq3A_230 = vector.broadcast %eq3A_229 : f32 to vector<1x1024xf32>
      %eq3A_231 = arith.cmpf oeq, %floor3A_228, %eq3A_230 : vector<1x1024xf32>
      %jit3A_232 = arith.constant 4.8828125E-4 : f32
      %jit3A_233 = arith.constant 0.000000e+00 : f32
      %broadcast_in_dim3A_234 = vector.broadcast %jit3A_232 : f32 to vector<1x1024xf32>
      %broadcast_in_dim3A_235 = vector.broadcast %jit3A_233 : f32 to vector<1x1024xf32>
      %select_n3A_236 = arith.select %eq3A_231, %broadcast_in_dim3A_234, %broadcast_in_dim3A_235 : vector<1x1024xi1>, vector<1x1024xf32>
      %add3A_237 = arith.addf %add3A_220, %select_n3A_236 : vector<1x1024xf32>
      %mul3A_238 = arith.constant 3.000000e+00 : f32
      %mul3A_239 = vector.broadcast %mul3A_238 : f32 to vector<1x1024xf32>
      %mul3A_240 = arith.mulf %sub3A_224, %mul3A_239 : vector<1x1024xf32>
      %sub3A_241 = arith.subf %mul3A_240, %floor3A_228 : vector<1x1024xf32>
      %mul3A_242 = arith.constant 3.000000e+00 : f32
      %mul3A_243 = vector.broadcast %mul3A_242 : f32 to vector<1x1024xf32>
      %mul3A_244 = arith.mulf %sub3A_241, %mul3A_243 : vector<1x1024xf32>
      %floor3A_245 = math.floor %mul3A_244 : vector<1x1024xf32>
      %eq3A_246 = arith.constant 2.000000e+00 : f32
      %eq3A_247 = vector.broadcast %eq3A_246 : f32 to vector<1x1024xf32>
      %eq3A_248 = arith.cmpf oeq, %floor3A_245, %eq3A_247 : vector<1x1024xf32>
      %jit3A_249 = arith.constant 2.44140625E-4 : f32
      %jit3A_250 = arith.constant 0.000000e+00 : f32
      %broadcast_in_dim3A_251 = vector.broadcast %jit3A_249 : f32 to vector<1x1024xf32>
      %broadcast_in_dim3A_252 = vector.broadcast %jit3A_250 : f32 to vector<1x1024xf32>
      %select_n3A_253 = arith.select %eq3A_248, %broadcast_in_dim3A_251, %broadcast_in_dim3A_252 : vector<1x1024xi1>, vector<1x1024xf32>
      %add3A_254 = arith.addf %add3A_237, %select_n3A_253 : vector<1x1024xf32>
      %mul3A_255 = arith.constant 3.000000e+00 : f32
      %mul3A_256 = vector.broadcast %mul3A_255 : f32 to vector<1x1024xf32>
      %mul3A_257 = arith.mulf %sub3A_241, %mul3A_256 : vector<1x1024xf32>
      %sub3A_258 = arith.subf %mul3A_257, %floor3A_245 : vector<1x1024xf32>
      %mul3A_259 = arith.constant 3.000000e+00 : f32
      %mul3A_260 = vector.broadcast %mul3A_259 : f32 to vector<1x1024xf32>
      %mul3A_261 = arith.mulf %sub3A_258, %mul3A_260 : vector<1x1024xf32>
      %floor3A_262 = math.floor %mul3A_261 : vector<1x1024xf32>
      %eq3A_263 = arith.constant 2.000000e+00 : f32
      %eq3A_264 = vector.broadcast %eq3A_263 : f32 to vector<1x1024xf32>
      %eq3A_265 = arith.cmpf oeq, %floor3A_262, %eq3A_264 : vector<1x1024xf32>
      %jit3A_266 = arith.constant 1.22070313E-4 : f32
      %jit3A_267 = arith.constant 0.000000e+00 : f32
      %broadcast_in_dim3A_268 = vector.broadcast %jit3A_266 : f32 to vector<1x1024xf32>
      %broadcast_in_dim3A_269 = vector.broadcast %jit3A_267 : f32 to vector<1x1024xf32>
      %select_n3A_270 = arith.select %eq3A_265, %broadcast_in_dim3A_268, %broadcast_in_dim3A_269 : vector<1x1024xi1>, vector<1x1024xf32>
      %add3A_271 = arith.addf %add3A_254, %select_n3A_270 : vector<1x1024xf32>
      %mul3A_272 = arith.constant 3.000000e+00 : f32
      %mul3A_273 = vector.broadcast %mul3A_272 : f32 to vector<1x1024xf32>
      %mul3A_274 = arith.mulf %sub3A_258, %mul3A_273 : vector<1x1024xf32>
      %sub3A_275 = arith.subf %mul3A_274, %floor3A_262 : vector<1x1024xf32>
      %mul3A_276 = arith.constant 3.000000e+00 : f32
      %mul3A_277 = vector.broadcast %mul3A_276 : f32 to vector<1x1024xf32>
      %mul3A_278 = arith.mulf %sub3A_275, %mul3A_277 : vector<1x1024xf32>
      %floor3A_279 = math.floor %mul3A_278 : vector<1x1024xf32>
      %eq3A_280 = arith.constant 2.000000e+00 : f32
      %eq3A_281 = vector.broadcast %eq3A_280 : f32 to vector<1x1024xf32>
      %eq3A_282 = arith.cmpf oeq, %floor3A_279, %eq3A_281 : vector<1x1024xf32>
      %jit3A_283 = arith.constant 6.10351563E-5 : f32
      %jit3A_284 = arith.constant 0.000000e+00 : f32
      %broadcast_in_dim3A_285 = vector.broadcast %jit3A_283 : f32 to vector<1x1024xf32>
      %broadcast_in_dim3A_286 = vector.broadcast %jit3A_284 : f32 to vector<1x1024xf32>
      %select_n3A_287 = arith.select %eq3A_282, %broadcast_in_dim3A_285, %broadcast_in_dim3A_286 : vector<1x1024xi1>, vector<1x1024xf32>
      %add3A_288 = arith.addf %add3A_271, %select_n3A_287 : vector<1x1024xf32>
      %mul3A_289 = arith.constant 3.000000e+00 : f32
      %mul3A_290 = vector.broadcast %mul3A_289 : f32 to vector<1x1024xf32>
      %mul3A_291 = arith.mulf %sub3A_275, %mul3A_290 : vector<1x1024xf32>
      %sub3A_292 = arith.subf %mul3A_291, %floor3A_279 : vector<1x1024xf32>
      %mul3A_293 = arith.constant 3.000000e+00 : f32
      %mul3A_294 = vector.broadcast %mul3A_293 : f32 to vector<1x1024xf32>
      %mul3A_295 = arith.mulf %sub3A_292, %mul3A_294 : vector<1x1024xf32>
      %floor3A_296 = math.floor %mul3A_295 : vector<1x1024xf32>
      %eq3A_297 = arith.constant 2.000000e+00 : f32
      %eq3A_298 = vector.broadcast %eq3A_297 : f32 to vector<1x1024xf32>
      %eq3A_299 = arith.cmpf oeq, %floor3A_296, %eq3A_298 : vector<1x1024xf32>
      %jit3A_300 = arith.constant 3.05175781E-5 : f32
      %jit3A_301 = arith.constant 0.000000e+00 : f32
      %broadcast_in_dim3A_302 = vector.broadcast %jit3A_300 : f32 to vector<1x1024xf32>
      %broadcast_in_dim3A_303 = vector.broadcast %jit3A_301 : f32 to vector<1x1024xf32>
      %select_n3A_304 = arith.select %eq3A_299, %broadcast_in_dim3A_302, %broadcast_in_dim3A_303 : vector<1x1024xi1>, vector<1x1024xf32>
      %add3A_305 = arith.addf %add3A_288, %select_n3A_304 : vector<1x1024xf32>
      %mul3A_306 = arith.constant 3.000000e+00 : f32
      %mul3A_307 = vector.broadcast %mul3A_306 : f32 to vector<1x1024xf32>
      %mul3A_308 = arith.mulf %sub3A_292, %mul3A_307 : vector<1x1024xf32>
      %sub3A_309 = arith.subf %mul3A_308, %floor3A_296 : vector<1x1024xf32>
      %mul3A_310 = arith.constant 3.000000e+00 : f32
      %mul3A_311 = vector.broadcast %mul3A_310 : f32 to vector<1x1024xf32>
      %mul3A_312 = arith.mulf %sub3A_309, %mul3A_311 : vector<1x1024xf32>
      %floor3A_313 = math.floor %mul3A_312 : vector<1x1024xf32>
      %eq3A_314 = arith.constant 2.000000e+00 : f32
      %eq3A_315 = vector.broadcast %eq3A_314 : f32 to vector<1x1024xf32>
      %eq3A_316 = arith.cmpf oeq, %floor3A_313, %eq3A_315 : vector<1x1024xf32>
      %jit3A_317 = arith.constant 1.52587891E-5 : f32
      %jit3A_318 = arith.constant 0.000000e+00 : f32
      %broadcast_in_dim3A_319 = vector.broadcast %jit3A_317 : f32 to vector<1x1024xf32>
      %broadcast_in_dim3A_320 = vector.broadcast %jit3A_318 : f32 to vector<1x1024xf32>
      %select_n3A_321 = arith.select %eq3A_316, %broadcast_in_dim3A_319, %broadcast_in_dim3A_320 : vector<1x1024xi1>, vector<1x1024xf32>
      %add3A_322 = arith.addf %add3A_305, %select_n3A_321 : vector<1x1024xf32>
      %jit3A_323 = arith.constant 0.000000e+00 : f32
      %jit3A_324 = arith.constant 1.000000e+00 : f32
      %max3A = vector.broadcast %jit3A_323 : f32 to vector<1x1024xf32>
      %max3A_325 = arith.maximumf %max3A, %add3A_322 : vector<1x1024xf32>
      %min3A = vector.broadcast %jit3A_324 : f32 to vector<1x1024xf32>
      %min3A_326 = arith.minimumf %min3A, %max3A_325 : vector<1x1024xf32>
      %get3A_327 = arith.constant 0 : index
      %get3A_328 = arith.constant 0 : index
      %get3A_329 = vector.load %arg6[%get3A_327, %get3A_328] : memref<1x256xf32, #tpu.memory_space<vmem>>, vector<1x256xf32>
      %dot_general3A_330 = arith.constant dense<0.000000e+00> : vector<1024x256xf32>
      %dot_general3A_331 = tpu.matmul %min3A_326, %get3A_329, %dot_general3A_330 {dimension_numbers = #tpu.dot_dimension_numbers<[0], [0], [1], [1], [0, 1, 1, 1], [], []>, transpose_lhs_hint = false} : vector<1x1024xf32>, vector<1x256xf32>, vector<1024x256xf32> -> vector<1024x256xf32>
      %get3A_332 = arith.constant 0 : index
      %get3A_333 = arith.constant 0 : index
      %get3A_334 = vector.load %arg7[%get3A_332, %get3A_333] : memref<1x256xf32, #tpu.memory_space<vmem>>, vector<1x256xf32>
      %add3A_335 = vector.broadcast %get3A_334 : vector<1x256xf32> to vector<1024x256xf32>
      %add3A_336 = arith.addf %dot_general3A_331, %add3A_335 : vector<1024x256xf32>
      %mul3A_337 = arith.constant 5.000000e-01 : f32
      %mul3A_338 = vector.broadcast %mul3A_337 : f32 to vector<1024x256xf32>
      %mul3A_339 = arith.mulf %mul3A_338, %add3A_336 : vector<1024x256xf32>
      %mul3A_340 = arith.constant 0.707106769 : f32
      %mul3A_341 = vector.broadcast %mul3A_340 : f32 to vector<1024x256xf32>
      %mul3A_342 = arith.mulf %add3A_336, %mul3A_341 : vector<1024x256xf32>
      %erf3A = math.erf %mul3A_342 : vector<1024x256xf32>
      %add3A_343 = arith.constant 1.000000e+00 : f32
      %add3A_344 = vector.broadcast %add3A_343 : f32 to vector<1024x256xf32>
      %add3A_345 = arith.addf %add3A_344, %erf3A : vector<1024x256xf32>
      %mul3A_346 = arith.mulf %mul3A_339, %add3A_345 : vector<1024x256xf32>
      %get3A_347 = arith.constant 0 : index
      %get3A_348 = arith.constant 0 : index
      %get3A_349 = vector.load %arg8[%get3A_347, %get3A_348] : memref<256x256xf32, #tpu.memory_space<vmem>>, vector<256x256xf32>
      %dot_general3A_350 = arith.constant dense<0.000000e+00> : vector<1024x256xf32>
      %dot_general3A_351 = tpu.matmul %mul3A_346, %get3A_349, %dot_general3A_350 {dimension_numbers = #tpu.dot_dimension_numbers<[1], [0], [0], [1], [0, 0, 1, 1], [], []>, transpose_lhs_hint = false} : vector<1024x256xf32>, vector<256x256xf32>, vector<1024x256xf32> -> vector<1024x256xf32>
      %get3A_352 = arith.constant 0 : index
      %get3A_353 = arith.constant 0 : index
      %get3A_354 = vector.load %arg9[%get3A_352, %get3A_353] : memref<1x256xf32, #tpu.memory_space<vmem>>, vector<1x256xf32>
      %add3A_355 = vector.broadcast %get3A_354 : vector<1x256xf32> to vector<1024x256xf32>
      %add3A_356 = arith.addf %dot_general3A_351, %add3A_355 : vector<1024x256xf32>
      %mul3A_357 = arith.constant 5.000000e-01 : f32
      %mul3A_358 = vector.broadcast %mul3A_357 : f32 to vector<1024x256xf32>
      %mul3A_359 = arith.mulf %mul3A_358, %add3A_356 : vector<1024x256xf32>
      %mul3A_360 = arith.constant 0.707106769 : f32
      %mul3A_361 = vector.broadcast %mul3A_360 : f32 to vector<1024x256xf32>
      %mul3A_362 = arith.mulf %add3A_356, %mul3A_361 : vector<1024x256xf32>
      %erf3A_363 = math.erf %mul3A_362 : vector<1024x256xf32>
      %add3A_364 = arith.constant 1.000000e+00 : f32
      %add3A_365 = vector.broadcast %add3A_364 : f32 to vector<1024x256xf32>
      %add3A_366 = arith.addf %add3A_365, %erf3A_363 : vector<1024x256xf32>
      %mul3A_367 = arith.mulf %mul3A_359, %add3A_366 : vector<1024x256xf32>
      %get3A_368 = arith.constant 0 : index
      %get3A_369 = arith.constant 0 : index
      %get3A_370 = vector.load %arg10[%get3A_368, %get3A_369] : memref<256x1024xf32, #tpu.memory_space<vmem>>, vector<256x1024xf32>
      %dot_general3A_371 = arith.constant dense<0.000000e+00> : vector<1024x1024xf32>
      %dot_general3A_372 = tpu.matmul %mul3A_367, %get3A_370, %dot_general3A_371 {dimension_numbers = #tpu.dot_dimension_numbers<[1], [0], [0], [1], [0, 0, 1, 1], [], []>, transpose_lhs_hint = false} : vector<1024x256xf32>, vector<256x1024xf32>, vector<1024x1024xf32> -> vector<1024x1024xf32>
      %get3A_373 = arith.constant 0 : index
      %get3A_374 = arith.constant 0 : index
      %get3A_375 = vector.load %arg11[%get3A_373, %get3A_374] : memref<1x1024xf32, #tpu.memory_space<vmem>>, vector<1x1024xf32>
      %add3A_376 = vector.broadcast %get3A_375 : vector<1x1024xf32> to vector<1024x1024xf32>
      %add3A_377 = arith.addf %dot_general3A_372, %add3A_376 : vector<1024x1024xf32>
      %get3A_378 = arith.constant 0 : index
      %get3A_379 = arith.constant 0 : index
      %get3A_380 = vector.load %arg12[%get3A_378, %get3A_379] : memref<1x1xf32, #tpu.memory_space<vmem>>, vector<1x1xf32>
      %mul3A_381 = vector.broadcast %get3A_380 : vector<1x1xf32> to vector<1024x1024xf32>
      %mul3A_382 = arith.mulf %mul3A_381, %add3A_377 : vector<1024x1024xf32>
      %add3A_383 = vector.broadcast %slice3A : vector<1x1024xf32> to vector<1024x1024xf32>
      %add3A_384 = arith.addf %mul3A_382, %add3A_383 : vector<1024x1024xf32>
      %swap3A_385 = arith.constant 0 : index
      %swap3A_386 = arith.constant 0 : index
      %swap3A_387 = vector.load %arg15[%swap3A_385, %swap3A_386] : memref<1024x1024xf32, #tpu.memory_space<vmem>>, vector<1024x1024xf32>
      tpu.vector_store %arg15[%swap3A_385, %swap3A_386], %add3A_384 {strides = array<i32>} : memref<1024x1024xf32, #tpu.memory_space<vmem>>, vector<1024x1024xf32>,
    } else {
    }
    %get3A_5 = arith.constant 0 : index
    %get3A_6 = arith.constant 0 : index
    %get3A_7 = arith.constant 0 : index
    %get3A_8 = vector.load %arg2[%get3A_5, %get3A_6, %get3A_7] : memref<1x1x1024xf32, #tpu.memory_space<vmem>>, vector<1x1x1024xf32>
    %get3A_9 = vector.shape_cast %get3A_8 : vector<1x1x1024xf32> to vector<1x1024xf32>
    %dot_general3A = arith.constant dense<0.000000e+00> : vector<1024x1024xf32>
    %dot_general3A_10 = tpu.matmul %get3A_9, %sub3A, %dot_general3A {dimension_numbers = #tpu.dot_dimension_numbers<[0], [0], [1], [1], [0, 1, 1, 1], [], []>, transpose_lhs_hint = false} : vector<1x1024xf32>, vector<1x1024xf32>, vector<1024x1024xf32> -> vector<1024x1024xf32>
    %get3A_11 = arith.constant 0 : index
    %get3A_12 = arith.constant 0 : index
    %get3A_13 = vector.load %arg1[%get3A_11, %get3A_12] : memref<1024x1024xf32, #tpu.memory_space<vmem>>, vector<1024x1024xf32>
    %get3A_14 = arith.constant 0 : index
    %get3A_15 = arith.constant 0 : index
    %get3A_16 = vector.load %arg15[%get3A_14, %get3A_15] : memref<1024x1024xf32, #tpu.memory_space<vmem>>, vector<1024x1024xf32>
    %add3A = arith.addf %get3A_13, %get3A_16 : vector<1024x1024xf32>
    %add3A_17 = arith.addf %add3A, %dot_general3A_10 : vector<1024x1024xf32>
    %broadcast_in_dim3A = arith.constant 1.000000e+00 : f32
    %broadcast_in_dim3A_18 = vector.broadcast %broadcast_in_dim3A : f32 to vector<1024x1xf32>
    %dot_general3A_19 = arith.constant dense<0.000000e+00> : vector<1024x1xf32>
    %dot_general3A_20 = tpu.matmul %add3A_17, %broadcast_in_dim3A_18, %dot_general3A_19 {dimension_numbers = #tpu.dot_dimension_numbers<[1], [0], [0], [1], [0, 0, 1, 1], [], []>, transpose_lhs_hint = false} : vector<1024x1024xf32>, vector<1024x1xf32>, vector<1024x1xf32> -> vector<1024x1xf32>
    %mul3A = arith.constant 9.765625E-4 : f32
    %mul3A_21 = vector.broadcast %mul3A : f32 to vector<1024x1xf32>
    %mul3A_22 = arith.mulf %dot_general3A_20, %mul3A_21 : vector<1024x1xf32>
    %mul3A_23 = arith.mulf %add3A_17, %add3A_17 : vector<1024x1024xf32>
    %dot_general3A_24 = arith.constant dense<0.000000e+00> : vector<1024x1xf32>
    %dot_general3A_25 = tpu.matmul %mul3A_23, %broadcast_in_dim3A_18, %dot_general3A_24 {dimension_numbers = #tpu.dot_dimension_numbers<[1], [0], [0], [1], [0, 0, 1, 1], [], []>, transpose_lhs_hint = false} : vector<1024x1024xf32>, vector<1024x1xf32>, vector<1024x1xf32> -> vector<1024x1xf32>
    %mul3A_26 = arith.constant 9.765625E-4 : f32
    %mul3A_27 = vector.broadcast %mul3A_26 : f32 to vector<1024x1xf32>
    %mul3A_28 = arith.mulf %dot_general3A_25, %mul3A_27 : vector<1024x1xf32>
    %mul3A_29 = arith.mulf %mul3A_22, %mul3A_22 : vector<1024x1xf32>
    %sub3A_30 = arith.subf %mul3A_28, %mul3A_29 : vector<1024x1xf32>
    %add3A_31 = arith.constant 9.99999996E-13 : f32
    %add3A_32 = vector.broadcast %add3A_31 : f32 to vector<1024x1xf32>
    %add3A_33 = arith.addf %sub3A_30, %add3A_32 : vector<1024x1xf32>
    %rsqrt3A = math.rsqrt %add3A_33 : vector<1024x1xf32>
    %sub3A_34 = vector.broadcast %mul3A_22 : vector<1024x1xf32> to vector<1024x1024xf32>
    %sub3A_35 = arith.subf %add3A_17, %sub3A_34 : vector<1024x1024xf32>
    %mul3A_36 = vector.broadcast %rsqrt3A : vector<1024x1xf32> to vector<1024x1024xf32>
    %mul3A_37 = arith.mulf %sub3A_35, %mul3A_36 : vector<1024x1024xf32>
    %get3A_38 = arith.constant 0 : index
    %get3A_39 = arith.constant 0 : index
    %get3A_40 = vector.load %arg4[%get3A_38, %get3A_39] : memref<1x1024xf32, #tpu.memory_space<vmem>>, vector<1x1024xf32>
    %mul3A_41 = vector.broadcast %get3A_40 : vector<1x1024xf32> to vector<1024x1024xf32>
    %mul3A_42 = arith.mulf %mul3A_37, %mul3A_41 : vector<1024x1024xf32>
    %get3A_43 = arith.constant 0 : index
    %get3A_44 = arith.constant 0 : index
    %get3A_45 = vector.load %arg5[%get3A_43, %get3A_44] : memref<1x1024xf32, #tpu.memory_space<vmem>>, vector<1x1024xf32>
    %add3A_46 = vector.broadcast %get3A_45 : vector<1x1024xf32> to vector<1024x1024xf32>
    %add3A_47 = arith.addf %mul3A_42, %add3A_46 : vector<1024x1024xf32>
    %swap3A = arith.constant 0 : index
    %swap3A_48 = arith.constant 0 : index
    %swap3A_49 = vector.load %arg14[%swap3A, %swap3A_48] : memref<1024x1024xf32, #tpu.memory_space<vmem>>, vector<1024x1024xf32>
    tpu.vector_store %arg14[%swap3A, %swap3A_48], %add3A_47 {strides = array<i32>} : memref<1024x1024xf32, #tpu.memory_space<vmem>>, vector<1024x1024xf32>,
    return
  }
  func.func @transform_0(%arg0: i32) -> (i32, i32) {
    %c0_i32 = arith.constant 0 : i32
    %c0_i32_0 = arith.constant 0 : i32
    return %arg0, %c0_i32 : i32, i32
  }
  func.func @transform_1(%arg0: i32) -> (i32, i32, i32) {
    %c0_i32 = arith.constant 0 : i32
    %c0_i32_0 = arith.constant 0 : i32
    %c0_i32_1 = arith.constant 0 : i32
    return %arg0, %c0_i32, %c0_i32_0 : i32, i32, i32
  }
  func.func @transform_2(%arg0: i32) -> (i32, i32) {
    %c0_i32 = arith.constant 0 : i32
    %c0_i32_0 = arith.constant 0 : i32
    %c0_i32_1 = arith.constant 0 : i32
    return %c0_i32, %c0_i32_0 : i32, i32
  }
  func.func @transform_3(%arg0: i32) -> (i32, i32) {
    %c0_i32 = arith.constant 0 : i32
    %c0_i32_0 = arith.constant 0 : i32
    %c0_i32_1 = arith.constant 0 : i32
    return %c0_i32, %c0_i32_0 : i32, i32
  }
  func.func @transform_4(%arg0: i32) -> (i32, i32) {
    %c0_i32 = arith.constant 0 : i32
    %c0_i32_0 = arith.constant 0 : i32
    %c0_i32_1 = arith.constant 0 : i32
    return %c0_i32, %c0_i32_0 : i32, i32
  }
  func.func @transform_5(%arg0: i32) -> (i32, i32) {
    %c0_i32 = arith.constant 0 : i32
    %c0_i32_0 = arith.constant 0 : i32
    %c0_i32_1 = arith.constant 0 : i32
    return %c0_i32, %c0_i32_0 : i32, i32
  }
  func.func @transform_6(%arg0: i32) -> (i32, i32) {
    %c0_i32 = arith.constant 0 : i32
    %c0_i32_0 = arith.constant 0 : i32
    %c0_i32_1 = arith.constant 0 : i32
    return %c0_i32, %c0_i32_0 : i32, i32
  }
  func.func @transform_7(%arg0: i32) -> (i32, i32) {
    %c0_i32 = arith.constant 0 : i32
    %c0_i32_0 = arith.constant 0 : i32
    %c0_i32_1 = arith.constant 0 : i32
    return %c0_i32, %c0_i32_0 : i32, i32
  }
  func.func @transform_8(%arg0: i32) -> (i32, i32) {
    %c0_i32 = arith.constant 0 : i32
    %c0_i32_0 = arith.constant 0 : i32
    %c0_i32_1 = arith.constant 0 : i32
    return %c0_i32, %c0_i32_0 : i32, i32
  }
  func.func @transform_9(%arg0: i32) -> (i32, i32) {
    %c0_i32 = arith.constant 0 : i32
    %c0_i32_0 = arith.constant 0 : i32
    %c0_i32_1 = arith.constant 0 : i32
    return %c0_i32, %c0_i32_0 : i32, i32
  }
  func.func @transform_10(%arg0: i32) -> (i32, i32) {
    %c0_i32 = arith.constant 0 : i32
    %c0_i32_0 = arith.constant 0 : i32
    %c0_i32_1 = arith.constant 0 : i32
    return %c0_i32, %c0_i32_0 : i32, i32
  }
  func.func @transform_11(%arg0: i32) -> (i32, i32) {
    %c0_i32 = arith.constant 0 : i32
    %c0_i32_0 = arith.constant 0 : i32
    %c0_i32_1 = arith.constant 0 : i32
    return %c0_i32, %c0_i32_0 : i32, i32
  }
  func.func @transform_13(%arg0: i32) -> (i32, i32) {
    %mul3A = arith.constant 4 : i32
    %mul3A_0 = arith.muli %arg0, %mul3A : i32
    %add3A = arith.constant 2 : i32
    %add3A_1 = arith.addi %mul3A_0, %add3A : i32
    %c0_i32 = arith.constant 0 : i32
    %c0_i32_2 = arith.constant 0 : i32
    return %add3A_1, %c0_i32 : i32, i32
  }
}

module attributes {stable_mosaic.version = 14 : i64} {
  func.func @body(%arg0: i32, %arg1: memref<1024x1024xf32, #tpu.memory_space<vmem>>, %arg2: memref<1x1x1024xf32, #tpu.memory_space<vmem>>, %arg3: memref<2x1024xf32, #tpu.memory_space<vmem>>, %arg4: memref<1x1024xf32, #tpu.memory_space<vmem>>, %arg5: memref<1x1024xf32, #tpu.memory_space<vmem>>, %arg6: memref<1x256xf32, #tpu.memory_space<vmem>>, %arg7: memref<1x256xf32, #tpu.memory_space<vmem>>, %arg8: memref<256x256xf32, #tpu.memory_space<vmem>>, %arg9: memref<1x256xf32, #tpu.memory_space<vmem>>, %arg10: memref<256x1024xf32, #tpu.memory_space<vmem>>, %arg11: memref<1x1024xf32, #tpu.memory_space<vmem>>, %arg12: memref<1x1xf32, #tpu.memory_space<vmem>>, %arg13: memref<1024x1024xf32, #tpu.memory_space<vmem>>, %arg14: memref<1024x1024xf32, #tpu.memory_space<vmem>>) attributes {dimension_semantics = [#tpu.dimension_semantics<arbitrary>], iteration_bounds = array<i64: 4>, scalar_prefetch = 0 : i64, scratch_operands = 1 : i64, tpu.core_type = #tpu.core_type<tc>, window_params = [{transform_indices = @transform_0, window_bounds = array<i64: 1024, 1024>}, {transform_indices = @transform_1, window_bounds = array<i64: 1, 1, 1024>}, {pipeline_mode = #tpu.pipeline_mode<synchronous>, transform_indices = @transform_2, window_bounds = array<i64: 2, 1024>}, {pipeline_mode = #tpu.pipeline_mode<synchronous>, transform_indices = @transform_3, window_bounds = array<i64: 1, 1024>}, {pipeline_mode = #tpu.pipeline_mode<synchronous>, transform_indices = @transform_4, window_bounds = array<i64: 1, 1024>}, {pipeline_mode = #tpu.pipeline_mode<synchronous>, transform_indices = @transform_5, window_bounds = array<i64: 1, 256>}, {pipeline_mode = #tpu.pipeline_mode<synchronous>, transform_indices = @transform_6, window_bounds = array<i64: 1, 256>}, {pipeline_mode = #tpu.pipeline_mode<synchronous>, transform_indices = @transform_7, window_bounds = array<i64: 256, 256>}, {pipeline_mode = #tpu.pipeline_mode<synchronous>, transform_indices = @transform_8, window_bounds = array<i64: 1, 256>}, {pipeline_mode = #tpu.pipeline_mode<synchronous>, transform_indices = @transform_9, window_bounds = array<i64: 256, 1024>}, {pipeline_mode = #tpu.pipeline_mode<synchronous>, transform_indices = @transform_10, window_bounds = array<i64: 1, 1024>}, {pipeline_mode = #tpu.pipeline_mode<synchronous>, transform_indices = @transform_11, window_bounds = array<i64: 1, 1>}, {transform_indices = @transform_12, window_bounds = array<i64: 1024, 1024>}]} {
    %get3A = arith.constant 0 : index
    %get3A_0 = arith.constant 0 : index
    %get3A_1 = vector.load %arg3[%get3A, %get3A_0] : memref<2x1024xf32, #tpu.memory_space<vmem>>, vector<2x1024xf32>
    %slice3A = vector.extract_strided_slice %get3A_1 {offsets = [0, 0], sizes = [1, 1024], strides = [1, 1]} : vector<2x1024xf32> to vector<1x1024xf32>
    %slice3A_2 = vector.extract_strided_slice %get3A_1 {offsets = [1, 0], sizes = [1, 1024], strides = [1, 1]} : vector<2x1024xf32> to vector<1x1024xf32>
    %sub3A = arith.subf %slice3A_2, %slice3A : vector<1x1024xf32>
    %eq3A = arith.constant 0 : i32
    %eq3A_3 = arith.cmpi eq, %arg0, %eq3A : i32
    %convert_element_type3A = arith.extui %eq3A_3 : i1 to i32
    %cond3A = arith.constant 0 : i32
    %cond3A_4 = arith.cmpi ne, %convert_element_type3A, %cond3A : i32
    scf.if %cond3A_4 {
      %iota3A = tpu.iota {dimensions = array<i32: 1>} : vector<1x1024xi32>
      %add3A_50 = arith.constant 0 : i32
      %add3A_51 = vector.broadcast %add3A_50 : i32 to vector<1x1024xi32>
      %add3A_52 = arith.addi %add3A_51, %iota3A : vector<1x1024xi32>
      %convert_element_type3A_53 = arith.sitofp %add3A_52 : vector<1x1024xi32> to vector<1x1024xf32>
      %div3A = arith.constant 4.095000e+03 : f32
      %div3A_54 = vector.broadcast %div3A : f32 to vector<1x1024xf32>
      %div3A_55 = arith.divf %convert_element_type3A_53, %div3A_54 : vector<1x1024xf32>
      %broadcast_in_dim3A_56 = arith.constant 0.000000e+00 : f32
      %broadcast_in_dim3A_57 = vector.broadcast %broadcast_in_dim3A_56 : f32 to vector<1x1024xf32>
      %mul3A_58 = arith.constant 3.000000e+00 : f32
      %mul3A_59 = vector.broadcast %mul3A_58 : f32 to vector<1x1024xf32>
      %mul3A_60 = arith.mulf %div3A_55, %mul3A_59 : vector<1x1024xf32>
      %floor3A = math.floor %mul3A_60 : vector<1x1024xf32>
      %eq3A_61 = arith.constant 2.000000e+00 : f32
      %eq3A_62 = vector.broadcast %eq3A_61 : f32 to vector<1x1024xf32>
      %eq3A_63 = arith.cmpf oeq, %floor3A, %eq3A_62 : vector<1x1024xf32>
      %jit3A = arith.constant 5.000000e-01 : f32
      %jit3A_64 = arith.constant 0.000000e+00 : f32
      %broadcast_in_dim3A_65 = vector.broadcast %jit3A : f32 to vector<1x1024xf32>
      %broadcast_in_dim3A_66 = vector.broadcast %jit3A_64 : f32 to vector<1x1024xf32>
      %select_n3A = arith.select %eq3A_63, %broadcast_in_dim3A_65, %broadcast_in_dim3A_66 : vector<1x1024xi1>, vector<1x1024xf32>
      %add3A_67 = arith.addf %broadcast_in_dim3A_57, %select_n3A : vector<1x1024xf32>
      %mul3A_68 = arith.constant 3.000000e+00 : f32
      %mul3A_69 = vector.broadcast %mul3A_68 : f32 to vector<1x1024xf32>
      %mul3A_70 = arith.mulf %div3A_55, %mul3A_69 : vector<1x1024xf32>
      %sub3A_71 = arith.subf %mul3A_70, %floor3A : vector<1x1024xf32>
      %mul3A_72 = arith.constant 3.000000e+00 : f32
      %mul3A_73 = vector.broadcast %mul3A_72 : f32 to vector<1x1024xf32>
      %mul3A_74 = arith.mulf %sub3A_71, %mul3A_73 : vector<1x1024xf32>
      %floor3A_75 = math.floor %mul3A_74 : vector<1x1024xf32>
      %eq3A_76 = arith.constant 2.000000e+00 : f32
      %eq3A_77 = vector.broadcast %eq3A_76 : f32 to vector<1x1024xf32>
      %eq3A_78 = arith.cmpf oeq, %floor3A_75, %eq3A_77 : vector<1x1024xf32>
      %jit3A_79 = arith.constant 2.500000e-01 : f32
      %jit3A_80 = arith.constant 0.000000e+00 : f32
      %broadcast_in_dim3A_81 = vector.broadcast %jit3A_79 : f32 to vector<1x1024xf32>
      %broadcast_in_dim3A_82 = vector.broadcast %jit3A_80 : f32 to vector<1x1024xf32>
      %select_n3A_83 = arith.select %eq3A_78, %broadcast_in_dim3A_81, %broadcast_in_dim3A_82 : vector<1x1024xi1>, vector<1x1024xf32>
      %add3A_84 = arith.addf %add3A_67, %select_n3A_83 : vector<1x1024xf32>
      %mul3A_85 = arith.constant 3.000000e+00 : f32
      %mul3A_86 = vector.broadcast %mul3A_85 : f32 to vector<1x1024xf32>
      %mul3A_87 = arith.mulf %sub3A_71, %mul3A_86 : vector<1x1024xf32>
      %sub3A_88 = arith.subf %mul3A_87, %floor3A_75 : vector<1x1024xf32>
      %mul3A_89 = arith.constant 3.000000e+00 : f32
      %mul3A_90 = vector.broadcast %mul3A_89 : f32 to vector<1x1024xf32>
      %mul3A_91 = arith.mulf %sub3A_88, %mul3A_90 : vector<1x1024xf32>
      %floor3A_92 = math.floor %mul3A_91 : vector<1x1024xf32>
      %eq3A_93 = arith.constant 2.000000e+00 : f32
      %eq3A_94 = vector.broadcast %eq3A_93 : f32 to vector<1x1024xf32>
      %eq3A_95 = arith.cmpf oeq, %floor3A_92, %eq3A_94 : vector<1x1024xf32>
      %jit3A_96 = arith.constant 1.250000e-01 : f32
      %jit3A_97 = arith.constant 0.000000e+00 : f32
      %broadcast_in_dim3A_98 = vector.broadcast %jit3A_96 : f32 to vector<1x1024xf32>
      %broadcast_in_dim3A_99 = vector.broadcast %jit3A_97 : f32 to vector<1x1024xf32>
      %select_n3A_100 = arith.select %eq3A_95, %broadcast_in_dim3A_98, %broadcast_in_dim3A_99 : vector<1x1024xi1>, vector<1x1024xf32>
      %add3A_101 = arith.addf %add3A_84, %select_n3A_100 : vector<1x1024xf32>
      %mul3A_102 = arith.constant 3.000000e+00 : f32
      %mul3A_103 = vector.broadcast %mul3A_102 : f32 to vector<1x1024xf32>
      %mul3A_104 = arith.mulf %sub3A_88, %mul3A_103 : vector<1x1024xf32>
      %sub3A_105 = arith.subf %mul3A_104, %floor3A_92 : vector<1x1024xf32>
      %mul3A_106 = arith.constant 3.000000e+00 : f32
      %mul3A_107 = vector.broadcast %mul3A_106 : f32 to vector<1x1024xf32>
      %mul3A_108 = arith.mulf %sub3A_105, %mul3A_107 : vector<1x1024xf32>
      %floor3A_109 = math.floor %mul3A_108 : vector<1x1024xf32>
      %eq3A_110 = arith.constant 2.000000e+00 : f32
      %eq3A_111 = vector.broadcast %eq3A_110 : f32 to vector<1x1024xf32>
      %eq3A_112 = arith.cmpf oeq, %floor3A_109, %eq3A_111 : vector<1x1024xf32>
      %jit3A_113 = arith.constant 6.250000e-02 : f32
      %jit3A_114 = arith.constant 0.000000e+00 : f32
      %broadcast_in_dim3A_115 = vector.broadcast %jit3A_113 : f32 to vector<1x1024xf32>
      %broadcast_in_dim3A_116 = vector.broadcast %jit3A_114 : f32 to vector<1x1024xf32>
      %select_n3A_117 = arith.select %eq3A_112, %broadcast_in_dim3A_115, %broadcast_in_dim3A_116 : vector<1x1024xi1>, vector<1x1024xf32>
      %add3A_118 = arith.addf %add3A_101, %select_n3A_117 : vector<1x1024xf32>
      %mul3A_119 = arith.constant 3.000000e+00 : f32
      %mul3A_120 = vector.broadcast %mul3A_119 : f32 to vector<1x1024xf32>
      %mul3A_121 = arith.mulf %sub3A_105, %mul3A_120 : vector<1x1024xf32>
      %sub3A_122 = arith.subf %mul3A_121, %floor3A_109 : vector<1x1024xf32>
      %mul3A_123 = arith.constant 3.000000e+00 : f32
      %mul3A_124 = vector.broadcast %mul3A_123 : f32 to vector<1x1024xf32>
      %mul3A_125 = arith.mulf %sub3A_122, %mul3A_124 : vector<1x1024xf32>
      %floor3A_126 = math.floor %mul3A_125 : vector<1x1024xf32>
      %eq3A_127 = arith.constant 2.000000e+00 : f32
      %eq3A_128 = vector.broadcast %eq3A_127 : f32 to vector<1x1024xf32>
      %eq3A_129 = arith.cmpf oeq, %floor3A_126, %eq3A_128 : vector<1x1024xf32>
      %jit3A_130 = arith.constant 3.125000e-02 : f32
      %jit3A_131 = arith.constant 0.000000e+00 : f32
      %broadcast_in_dim3A_132 = vector.broadcast %jit3A_130 : f32 to vector<1x1024xf32>
      %broadcast_in_dim3A_133 = vector.broadcast %jit3A_131 : f32 to vector<1x1024xf32>
      %select_n3A_134 = arith.select %eq3A_129, %broadcast_in_dim3A_132, %broadcast_in_dim3A_133 : vector<1x1024xi1>, vector<1x1024xf32>
      %add3A_135 = arith.addf %add3A_118, %select_n3A_134 : vector<1x1024xf32>
      %mul3A_136 = arith.constant 3.000000e+00 : f32
      %mul3A_137 = vector.broadcast %mul3A_136 : f32 to vector<1x1024xf32>
      %mul3A_138 = arith.mulf %sub3A_122, %mul3A_137 : vector<1x1024xf32>
      %sub3A_139 = arith.subf %mul3A_138, %floor3A_126 : vector<1x1024xf32>
      %mul3A_140 = arith.constant 3.000000e+00 : f32
      %mul3A_141 = vector.broadcast %mul3A_140 : f32 to vector<1x1024xf32>
      %mul3A_142 = arith.mulf %sub3A_139, %mul3A_141 : vector<1x1024xf32>
      %floor3A_143 = math.floor %mul3A_142 : vector<1x1024xf32>
      %eq3A_144 = arith.constant 2.000000e+00 : f32
      %eq3A_145 = vector.broadcast %eq3A_144 : f32 to vector<1x1024xf32>
      %eq3A_146 = arith.cmpf oeq, %floor3A_143, %eq3A_145 : vector<1x1024xf32>
      %jit3A_147 = arith.constant 1.562500e-02 : f32
      %jit3A_148 = arith.constant 0.000000e+00 : f32
      %broadcast_in_dim3A_149 = vector.broadcast %jit3A_147 : f32 to vector<1x1024xf32>
      %broadcast_in_dim3A_150 = vector.broadcast %jit3A_148 : f32 to vector<1x1024xf32>
      %select_n3A_151 = arith.select %eq3A_146, %broadcast_in_dim3A_149, %broadcast_in_dim3A_150 : vector<1x1024xi1>, vector<1x1024xf32>
      %add3A_152 = arith.addf %add3A_135, %select_n3A_151 : vector<1x1024xf32>
      %mul3A_153 = arith.constant 3.000000e+00 : f32
      %mul3A_154 = vector.broadcast %mul3A_153 : f32 to vector<1x1024xf32>
      %mul3A_155 = arith.mulf %sub3A_139, %mul3A_154 : vector<1x1024xf32>
      %sub3A_156 = arith.subf %mul3A_155, %floor3A_143 : vector<1x1024xf32>
      %mul3A_157 = arith.constant 3.000000e+00 : f32
      %mul3A_158 = vector.broadcast %mul3A_157 : f32 to vector<1x1024xf32>
      %mul3A_159 = arith.mulf %sub3A_156, %mul3A_158 : vector<1x1024xf32>
      %floor3A_160 = math.floor %mul3A_159 : vector<1x1024xf32>
      %eq3A_161 = arith.constant 2.000000e+00 : f32
      %eq3A_162 = vector.broadcast %eq3A_161 : f32 to vector<1x1024xf32>
      %eq3A_163 = arith.cmpf oeq, %floor3A_160, %eq3A_162 : vector<1x1024xf32>
      %jit3A_164 = arith.constant 7.812500e-03 : f32
      %jit3A_165 = arith.constant 0.000000e+00 : f32
      %broadcast_in_dim3A_166 = vector.broadcast %jit3A_164 : f32 to vector<1x1024xf32>
      %broadcast_in_dim3A_167 = vector.broadcast %jit3A_165 : f32 to vector<1x1024xf32>
      %select_n3A_168 = arith.select %eq3A_163, %broadcast_in_dim3A_166, %broadcast_in_dim3A_167 : vector<1x1024xi1>, vector<1x1024xf32>
      %add3A_169 = arith.addf %add3A_152, %select_n3A_168 : vector<1x1024xf32>
      %mul3A_170 = arith.constant 3.000000e+00 : f32
      %mul3A_171 = vector.broadcast %mul3A_170 : f32 to vector<1x1024xf32>
      %mul3A_172 = arith.mulf %sub3A_156, %mul3A_171 : vector<1x1024xf32>
      %sub3A_173 = arith.subf %mul3A_172, %floor3A_160 : vector<1x1024xf32>
      %mul3A_174 = arith.constant 3.000000e+00 : f32
      %mul3A_175 = vector.broadcast %mul3A_174 : f32 to vector<1x1024xf32>
      %mul3A_176 = arith.mulf %sub3A_173, %mul3A_175 : vector<1x1024xf32>
      %floor3A_177 = math.floor %mul3A_176 : vector<1x1024xf32>
      %eq3A_178 = arith.constant 2.000000e+00 : f32
      %eq3A_179 = vector.broadcast %eq3A_178 : f32 to vector<1x1024xf32>
      %eq3A_180 = arith.cmpf oeq, %floor3A_177, %eq3A_179 : vector<1x1024xf32>
      %jit3A_181 = arith.constant 3.906250e-03 : f32
      %jit3A_182 = arith.constant 0.000000e+00 : f32
      %broadcast_in_dim3A_183 = vector.broadcast %jit3A_181 : f32 to vector<1x1024xf32>
      %broadcast_in_dim3A_184 = vector.broadcast %jit3A_182 : f32 to vector<1x1024xf32>
      %select_n3A_185 = arith.select %eq3A_180, %broadcast_in_dim3A_183, %broadcast_in_dim3A_184 : vector<1x1024xi1>, vector<1x1024xf32>
      %add3A_186 = arith.addf %add3A_169, %select_n3A_185 : vector<1x1024xf32>
      %mul3A_187 = arith.constant 3.000000e+00 : f32
      %mul3A_188 = vector.broadcast %mul3A_187 : f32 to vector<1x1024xf32>
      %mul3A_189 = arith.mulf %sub3A_173, %mul3A_188 : vector<1x1024xf32>
      %sub3A_190 = arith.subf %mul3A_189, %floor3A_177 : vector<1x1024xf32>
      %mul3A_191 = arith.constant 3.000000e+00 : f32
      %mul3A_192 = vector.broadcast %mul3A_191 : f32 to vector<1x1024xf32>
      %mul3A_193 = arith.mulf %sub3A_190, %mul3A_192 : vector<1x1024xf32>
      %floor3A_194 = math.floor %mul3A_193 : vector<1x1024xf32>
      %eq3A_195 = arith.constant 2.000000e+00 : f32
      %eq3A_196 = vector.broadcast %eq3A_195 : f32 to vector<1x1024xf32>
      %eq3A_197 = arith.cmpf oeq, %floor3A_194, %eq3A_196 : vector<1x1024xf32>
      %jit3A_198 = arith.constant 0.001953125 : f32
      %jit3A_199 = arith.constant 0.000000e+00 : f32
      %broadcast_in_dim3A_200 = vector.broadcast %jit3A_198 : f32 to vector<1x1024xf32>
      %broadcast_in_dim3A_201 = vector.broadcast %jit3A_199 : f32 to vector<1x1024xf32>
      %select_n3A_202 = arith.select %eq3A_197, %broadcast_in_dim3A_200, %broadcast_in_dim3A_201 : vector<1x1024xi1>, vector<1x1024xf32>
      %add3A_203 = arith.addf %add3A_186, %select_n3A_202 : vector<1x1024xf32>
      %mul3A_204 = arith.constant 3.000000e+00 : f32
      %mul3A_205 = vector.broadcast %mul3A_204 : f32 to vector<1x1024xf32>
      %mul3A_206 = arith.mulf %sub3A_190, %mul3A_205 : vector<1x1024xf32>
      %sub3A_207 = arith.subf %mul3A_206, %floor3A_194 : vector<1x1024xf32>
      %mul3A_208 = arith.constant 3.000000e+00 : f32
      %mul3A_209 = vector.broadcast %mul3A_208 : f32 to vector<1x1024xf32>
      %mul3A_210 = arith.mulf %sub3A_207, %mul3A_209 : vector<1x1024xf32>
      %floor3A_211 = math.floor %mul3A_210 : vector<1x1024xf32>
      %eq3A_212 = arith.constant 2.000000e+00 : f32
      %eq3A_213 = vector.broadcast %eq3A_212 : f32 to vector<1x1024xf32>
      %eq3A_214 = arith.cmpf oeq, %floor3A_211, %eq3A_213 : vector<1x1024xf32>
      %jit3A_215 = arith.constant 9.765625E-4 : f32
      %jit3A_216 = arith.constant 0.000000e+00 : f32
      %broadcast_in_dim3A_217 = vector.broadcast %jit3A_215 : f32 to vector<1x1024xf32>
      %broadcast_in_dim3A_218 = vector.broadcast %jit3A_216 : f32 to vector<1x1024xf32>
      %select_n3A_219 = arith.select %eq3A_214, %broadcast_in_dim3A_217, %broadcast_in_dim3A_218 : vector<1x1024xi1>, vector<1x1024xf32>
      %add3A_220 = arith.addf %add3A_203, %select_n3A_219 : vector<1x1024xf32>
      %mul3A_221 = arith.constant 3.000000e+00 : f32
      %mul3A_222 = vector.broadcast %mul3A_221 : f32 to vector<1x1024xf32>
      %mul3A_223 = arith.mulf %sub3A_207, %mul3A_222 : vector<1x1024xf32>
      %sub3A_224 = arith.subf %mul3A_223, %floor3A_211 : vector<1x1024xf32>
      %mul3A_225 = arith.constant 3.000000e+00 : f32
      %mul3A_226 = vector.broadcast %mul3A_225 : f32 to vector<1x1024xf32>
      %mul3A_227 = arith.mulf %sub3A_224, %mul3A_226 : vector<1x1024xf32>
      %floor3A_228 = math.floor %mul3A_227 : vector<1x1024xf32>
      %eq3A_229 = arith.constant 2.000000e+00 : f32
      %eq3A_230 = vector.broadcast %eq3A_229 : f32 to vector<1x1024xf32>
      %eq3A_231 = arith.cmpf oeq, %floor3A_228, %eq3A_230 : vector<1x1024xf32>
      %jit3A_232 = arith.constant 4.8828125E-4 : f32
      %jit3A_233 = arith.constant 0.000000e+00 : f32
      %broadcast_in_dim3A_234 = vector.broadcast %jit3A_232 : f32 to vector<1x1024xf32>
      %broadcast_in_dim3A_235 = vector.broadcast %jit3A_233 : f32 to vector<1x1024xf32>
      %select_n3A_236 = arith.select %eq3A_231, %broadcast_in_dim3A_234, %broadcast_in_dim3A_235 : vector<1x1024xi1>, vector<1x1024xf32>
      %add3A_237 = arith.addf %add3A_220, %select_n3A_236 : vector<1x1024xf32>
      %mul3A_238 = arith.constant 3.000000e+00 : f32
      %mul3A_239 = vector.broadcast %mul3A_238 : f32 to vector<1x1024xf32>
      %mul3A_240 = arith.mulf %sub3A_224, %mul3A_239 : vector<1x1024xf32>
      %sub3A_241 = arith.subf %mul3A_240, %floor3A_228 : vector<1x1024xf32>
      %mul3A_242 = arith.constant 3.000000e+00 : f32
      %mul3A_243 = vector.broadcast %mul3A_242 : f32 to vector<1x1024xf32>
      %mul3A_244 = arith.mulf %sub3A_241, %mul3A_243 : vector<1x1024xf32>
      %floor3A_245 = math.floor %mul3A_244 : vector<1x1024xf32>
      %eq3A_246 = arith.constant 2.000000e+00 : f32
      %eq3A_247 = vector.broadcast %eq3A_246 : f32 to vector<1x1024xf32>
      %eq3A_248 = arith.cmpf oeq, %floor3A_245, %eq3A_247 : vector<1x1024xf32>
      %jit3A_249 = arith.constant 2.44140625E-4 : f32
      %jit3A_250 = arith.constant 0.000000e+00 : f32
      %broadcast_in_dim3A_251 = vector.broadcast %jit3A_249 : f32 to vector<1x1024xf32>
      %broadcast_in_dim3A_252 = vector.broadcast %jit3A_250 : f32 to vector<1x1024xf32>
      %select_n3A_253 = arith.select %eq3A_248, %broadcast_in_dim3A_251, %broadcast_in_dim3A_252 : vector<1x1024xi1>, vector<1x1024xf32>
      %add3A_254 = arith.addf %add3A_237, %select_n3A_253 : vector<1x1024xf32>
      %mul3A_255 = arith.constant 3.000000e+00 : f32
      %mul3A_256 = vector.broadcast %mul3A_255 : f32 to vector<1x1024xf32>
      %mul3A_257 = arith.mulf %sub3A_241, %mul3A_256 : vector<1x1024xf32>
      %sub3A_258 = arith.subf %mul3A_257, %floor3A_245 : vector<1x1024xf32>
      %mul3A_259 = arith.constant 3.000000e+00 : f32
      %mul3A_260 = vector.broadcast %mul3A_259 : f32 to vector<1x1024xf32>
      %mul3A_261 = arith.mulf %sub3A_258, %mul3A_260 : vector<1x1024xf32>
      %floor3A_262 = math.floor %mul3A_261 : vector<1x1024xf32>
      %eq3A_263 = arith.constant 2.000000e+00 : f32
      %eq3A_264 = vector.broadcast %eq3A_263 : f32 to vector<1x1024xf32>
      %eq3A_265 = arith.cmpf oeq, %floor3A_262, %eq3A_264 : vector<1x1024xf32>
      %jit3A_266 = arith.constant 1.22070313E-4 : f32
      %jit3A_267 = arith.constant 0.000000e+00 : f32
      %broadcast_in_dim3A_268 = vector.broadcast %jit3A_266 : f32 to vector<1x1024xf32>
      %broadcast_in_dim3A_269 = vector.broadcast %jit3A_267 : f32 to vector<1x1024xf32>
      %select_n3A_270 = arith.select %eq3A_265, %broadcast_in_dim3A_268, %broadcast_in_dim3A_269 : vector<1x1024xi1>, vector<1x1024xf32>
      %add3A_271 = arith.addf %add3A_254, %select_n3A_270 : vector<1x1024xf32>
      %mul3A_272 = arith.constant 3.000000e+00 : f32
      %mul3A_273 = vector.broadcast %mul3A_272 : f32 to vector<1x1024xf32>
      %mul3A_274 = arith.mulf %sub3A_258, %mul3A_273 : vector<1x1024xf32>
      %sub3A_275 = arith.subf %mul3A_274, %floor3A_262 : vector<1x1024xf32>
      %mul3A_276 = arith.constant 3.000000e+00 : f32
      %mul3A_277 = vector.broadcast %mul3A_276 : f32 to vector<1x1024xf32>
      %mul3A_278 = arith.mulf %sub3A_275, %mul3A_277 : vector<1x1024xf32>
      %floor3A_279 = math.floor %mul3A_278 : vector<1x1024xf32>
      %eq3A_280 = arith.constant 2.000000e+00 : f32
      %eq3A_281 = vector.broadcast %eq3A_280 : f32 to vector<1x1024xf32>
      %eq3A_282 = arith.cmpf oeq, %floor3A_279, %eq3A_281 : vector<1x1024xf32>
      %jit3A_283 = arith.constant 6.10351563E-5 : f32
      %jit3A_284 = arith.constant 0.000000e+00 : f32
      %broadcast_in_dim3A_285 = vector.broadcast %jit3A_283 : f32 to vector<1x1024xf32>
      %broadcast_in_dim3A_286 = vector.broadcast %jit3A_284 : f32 to vector<1x1024xf32>
      %select_n3A_287 = arith.select %eq3A_282, %broadcast_in_dim3A_285, %broadcast_in_dim3A_286 : vector<1x1024xi1>, vector<1x1024xf32>
      %add3A_288 = arith.addf %add3A_271, %select_n3A_287 : vector<1x1024xf32>
      %mul3A_289 = arith.constant 3.000000e+00 : f32
      %mul3A_290 = vector.broadcast %mul3A_289 : f32 to vector<1x1024xf32>
      %mul3A_291 = arith.mulf %sub3A_275, %mul3A_290 : vector<1x1024xf32>
      %sub3A_292 = arith.subf %mul3A_291, %floor3A_279 : vector<1x1024xf32>
      %mul3A_293 = arith.constant 3.000000e+00 : f32
      %mul3A_294 = vector.broadcast %mul3A_293 : f32 to vector<1x1024xf32>
      %mul3A_295 = arith.mulf %sub3A_292, %mul3A_294 : vector<1x1024xf32>
      %floor3A_296 = math.floor %mul3A_295 : vector<1x1024xf32>
      %eq3A_297 = arith.constant 2.000000e+00 : f32
      %eq3A_298 = vector.broadcast %eq3A_297 : f32 to vector<1x1024xf32>
      %eq3A_299 = arith.cmpf oeq, %floor3A_296, %eq3A_298 : vector<1x1024xf32>
      %jit3A_300 = arith.constant 3.05175781E-5 : f32
      %jit3A_301 = arith.constant 0.000000e+00 : f32
      %broadcast_in_dim3A_302 = vector.broadcast %jit3A_300 : f32 to vector<1x1024xf32>
      %broadcast_in_dim3A_303 = vector.broadcast %jit3A_301 : f32 to vector<1x1024xf32>
      %select_n3A_304 = arith.select %eq3A_299, %broadcast_in_dim3A_302, %broadcast_in_dim3A_303 : vector<1x1024xi1>, vector<1x1024xf32>
      %add3A_305 = arith.addf %add3A_288, %select_n3A_304 : vector<1x1024xf32>
      %mul3A_306 = arith.constant 3.000000e+00 : f32
      %mul3A_307 = vector.broadcast %mul3A_306 : f32 to vector<1x1024xf32>
      %mul3A_308 = arith.mulf %sub3A_292, %mul3A_307 : vector<1x1024xf32>
      %sub3A_309 = arith.subf %mul3A_308, %floor3A_296 : vector<1x1024xf32>
      %mul3A_310 = arith.constant 3.000000e+00 : f32
      %mul3A_311 = vector.broadcast %mul3A_310 : f32 to vector<1x1024xf32>
      %mul3A_312 = arith.mulf %sub3A_309, %mul3A_311 : vector<1x1024xf32>
      %floor3A_313 = math.floor %mul3A_312 : vector<1x1024xf32>
      %eq3A_314 = arith.constant 2.000000e+00 : f32
      %eq3A_315 = vector.broadcast %eq3A_314 : f32 to vector<1x1024xf32>
      %eq3A_316 = arith.cmpf oeq, %floor3A_313, %eq3A_315 : vector<1x1024xf32>
      %jit3A_317 = arith.constant 1.52587891E-5 : f32
      %jit3A_318 = arith.constant 0.000000e+00 : f32
      %broadcast_in_dim3A_319 = vector.broadcast %jit3A_317 : f32 to vector<1x1024xf32>
      %broadcast_in_dim3A_320 = vector.broadcast %jit3A_318 : f32 to vector<1x1024xf32>
      %select_n3A_321 = arith.select %eq3A_316, %broadcast_in_dim3A_319, %broadcast_in_dim3A_320 : vector<1x1024xi1>, vector<1x1024xf32>
      %add3A_322 = arith.addf %add3A_305, %select_n3A_321 : vector<1x1024xf32>
      %jit3A_323 = arith.constant 0.000000e+00 : f32
      %jit3A_324 = arith.constant 1.000000e+00 : f32
      %max3A = vector.broadcast %jit3A_323 : f32 to vector<1x1024xf32>
      %max3A_325 = arith.maximumf %max3A, %add3A_322 : vector<1x1024xf32>
      %min3A = vector.broadcast %jit3A_324 : f32 to vector<1x1024xf32>
      %min3A_326 = arith.minimumf %min3A, %max3A_325 : vector<1x1024xf32>
      %get3A_327 = arith.constant 0 : index
      %get3A_328 = arith.constant 0 : index
      %get3A_329 = vector.load %arg6[%get3A_327, %get3A_328] : memref<1x256xf32, #tpu.memory_space<vmem>>, vector<1x256xf32>
      %dot_general3A_330 = arith.constant dense<0.000000e+00> : vector<1024x256xf32>
      %dot_general3A_331 = tpu.matmul %min3A_326, %get3A_329, %dot_general3A_330 {dimension_numbers = #tpu.dot_dimension_numbers<[0], [0], [1], [1], [0, 1, 1, 1], [], []>, transpose_lhs_hint = false} : vector<1x1024xf32>, vector<1x256xf32>, vector<1024x256xf32> -> vector<1024x256xf32>
      %get3A_332 = arith.constant 0 : index
      %get3A_333 = arith.constant 0 : index
      %get3A_334 = vector.load %arg7[%get3A_332, %get3A_333] : memref<1x256xf32, #tpu.memory_space<vmem>>, vector<1x256xf32>
      %add3A_335 = vector.broadcast %get3A_334 : vector<1x256xf32> to vector<1024x256xf32>
      %add3A_336 = arith.addf %dot_general3A_331, %add3A_335 : vector<1024x256xf32>
      %mul3A_337 = arith.constant 5.000000e-01 : f32
      %mul3A_338 = vector.broadcast %mul3A_337 : f32 to vector<1024x256xf32>
      %mul3A_339 = arith.mulf %mul3A_338, %add3A_336 : vector<1024x256xf32>
      %mul3A_340 = arith.constant 0.707106769 : f32
      %mul3A_341 = vector.broadcast %mul3A_340 : f32 to vector<1024x256xf32>
      %mul3A_342 = arith.mulf %add3A_336, %mul3A_341 : vector<1024x256xf32>
      %erf3A = math.erf %mul3A_342 : vector<1024x256xf32>
      %add3A_343 = arith.constant 1.000000e+00 : f32
      %add3A_344 = vector.broadcast %add3A_343 : f32 to vector<1024x256xf32>
      %add3A_345 = arith.addf %add3A_344, %erf3A : vector<1024x256xf32>
      %mul3A_346 = arith.mulf %mul3A_339, %add3A_345 : vector<1024x256xf32>
      %get3A_347 = arith.constant 0 : index
      %get3A_348 = arith.constant 0 : index
      %get3A_349 = vector.load %arg8[%get3A_347, %get3A_348] : memref<256x256xf32, #tpu.memory_space<vmem>>, vector<256x256xf32>
      %dot_general3A_350 = arith.constant dense<0.000000e+00> : vector<1024x256xf32>
      %dot_general3A_351 = tpu.matmul %mul3A_346, %get3A_349, %dot_general3A_350 {dimension_numbers = #tpu.dot_dimension_numbers<[1], [0], [0], [1], [0, 0, 1, 1], [], []>, transpose_lhs_hint = false} : vector<1024x256xf32>, vector<256x256xf32>, vector<1024x256xf32> -> vector<1024x256xf32>
      %get3A_352 = arith.constant 0 : index
      %get3A_353 = arith.constant 0 : index
      %get3A_354 = vector.load %arg9[%get3A_352, %get3A_353] : memref<1x256xf32, #tpu.memory_space<vmem>>, vector<1x256xf32>
      %add3A_355 = vector.broadcast %get3A_354 : vector<1x256xf32> to vector<1024x256xf32>
      %add3A_356 = arith.addf %dot_general3A_351, %add3A_355 : vector<1024x256xf32>
      %mul3A_357 = arith.constant 5.000000e-01 : f32
      %mul3A_358 = vector.broadcast %mul3A_357 : f32 to vector<1024x256xf32>
      %mul3A_359 = arith.mulf %mul3A_358, %add3A_356 : vector<1024x256xf32>
      %mul3A_360 = arith.constant 0.707106769 : f32
      %mul3A_361 = vector.broadcast %mul3A_360 : f32 to vector<1024x256xf32>
      %mul3A_362 = arith.mulf %add3A_356, %mul3A_361 : vector<1024x256xf32>
      %erf3A_363 = math.erf %mul3A_362 : vector<1024x256xf32>
      %add3A_364 = arith.constant 1.000000e+00 : f32
      %add3A_365 = vector.broadcast %add3A_364 : f32 to vector<1024x256xf32>
      %add3A_366 = arith.addf %add3A_365, %erf3A_363 : vector<1024x256xf32>
      %mul3A_367 = arith.mulf %mul3A_359, %add3A_366 : vector<1024x256xf32>
      %get3A_368 = arith.constant 0 : index
      %get3A_369 = arith.constant 0 : index
      %get3A_370 = vector.load %arg10[%get3A_368, %get3A_369] : memref<256x1024xf32, #tpu.memory_space<vmem>>, vector<256x1024xf32>
      %dot_general3A_371 = arith.constant dense<0.000000e+00> : vector<1024x1024xf32>
      %dot_general3A_372 = tpu.matmul %mul3A_367, %get3A_370, %dot_general3A_371 {dimension_numbers = #tpu.dot_dimension_numbers<[1], [0], [0], [1], [0, 0, 1, 1], [], []>, transpose_lhs_hint = false} : vector<1024x256xf32>, vector<256x1024xf32>, vector<1024x1024xf32> -> vector<1024x1024xf32>
      %get3A_373 = arith.constant 0 : index
      %get3A_374 = arith.constant 0 : index
      %get3A_375 = vector.load %arg11[%get3A_373, %get3A_374] : memref<1x1024xf32, #tpu.memory_space<vmem>>, vector<1x1024xf32>
      %add3A_376 = vector.broadcast %get3A_375 : vector<1x1024xf32> to vector<1024x1024xf32>
      %add3A_377 = arith.addf %dot_general3A_372, %add3A_376 : vector<1024x1024xf32>
      %get3A_378 = arith.constant 0 : index
      %get3A_379 = arith.constant 0 : index
      %get3A_380 = vector.load %arg12[%get3A_378, %get3A_379] : memref<1x1xf32, #tpu.memory_space<vmem>>, vector<1x1xf32>
      %mul3A_381 = vector.broadcast %get3A_380 : vector<1x1xf32> to vector<1024x1024xf32>
      %mul3A_382 = arith.mulf %mul3A_381, %add3A_377 : vector<1024x1024xf32>
      %add3A_383 = vector.broadcast %slice3A : vector<1x1024xf32> to vector<1024x1024xf32>
      %add3A_384 = arith.addf %mul3A_382, %add3A_383 : vector<1024x1024xf32>
      %swap3A_385 = arith.constant 0 : index
      %swap3A_386 = arith.constant 0 : index
      %swap3A_387 = vector.load %arg14[%swap3A_385, %swap3A_386] : memref<1024x1024xf32, #tpu.memory_space<vmem>>, vector<1024x1024xf32>
      tpu.vector_store %arg14[%swap3A_385, %swap3A_386], %add3A_384 {strides = array<i32>} : memref<1024x1024xf32, #tpu.memory_space<vmem>>, vector<1024x1024xf32>,
    } else {
    }
    %get3A_5 = arith.constant 0 : index
    %get3A_6 = arith.constant 0 : index
    %get3A_7 = arith.constant 0 : index
    %get3A_8 = vector.load %arg2[%get3A_5, %get3A_6, %get3A_7] : memref<1x1x1024xf32, #tpu.memory_space<vmem>>, vector<1x1x1024xf32>
    %get3A_9 = vector.shape_cast %get3A_8 : vector<1x1x1024xf32> to vector<1x1024xf32>
    %dot_general3A = arith.constant dense<0.000000e+00> : vector<1024x1024xf32>
    %dot_general3A_10 = tpu.matmul %get3A_9, %sub3A, %dot_general3A {dimension_numbers = #tpu.dot_dimension_numbers<[0], [0], [1], [1], [0, 1, 1, 1], [], []>, transpose_lhs_hint = false} : vector<1x1024xf32>, vector<1x1024xf32>, vector<1024x1024xf32> -> vector<1024x1024xf32>
    %get3A_11 = arith.constant 0 : index
    %get3A_12 = arith.constant 0 : index
    %get3A_13 = vector.load %arg1[%get3A_11, %get3A_12] : memref<1024x1024xf32, #tpu.memory_space<vmem>>, vector<1024x1024xf32>
    %get3A_14 = arith.constant 0 : index
    %get3A_15 = arith.constant 0 : index
    %get3A_16 = vector.load %arg14[%get3A_14, %get3A_15] : memref<1024x1024xf32, #tpu.memory_space<vmem>>, vector<1024x1024xf32>
    %add3A = arith.addf %get3A_13, %get3A_16 : vector<1024x1024xf32>
    %add3A_17 = arith.addf %add3A, %dot_general3A_10 : vector<1024x1024xf32>
    %broadcast_in_dim3A = arith.constant 1.000000e+00 : f32
    %broadcast_in_dim3A_18 = vector.broadcast %broadcast_in_dim3A : f32 to vector<1024x1xf32>
    %dot_general3A_19 = arith.constant dense<0.000000e+00> : vector<1024x1xf32>
    %dot_general3A_20 = tpu.matmul %add3A_17, %broadcast_in_dim3A_18, %dot_general3A_19 {dimension_numbers = #tpu.dot_dimension_numbers<[1], [0], [0], [1], [0, 0, 1, 1], [], []>, transpose_lhs_hint = false} : vector<1024x1024xf32>, vector<1024x1xf32>, vector<1024x1xf32> -> vector<1024x1xf32>
    %mul3A = arith.constant 9.765625E-4 : f32
    %mul3A_21 = vector.broadcast %mul3A : f32 to vector<1024x1xf32>
    %mul3A_22 = arith.mulf %dot_general3A_20, %mul3A_21 : vector<1024x1xf32>
    %mul3A_23 = arith.mulf %add3A_17, %add3A_17 : vector<1024x1024xf32>
    %dot_general3A_24 = arith.constant dense<0.000000e+00> : vector<1024x1xf32>
    %dot_general3A_25 = tpu.matmul %mul3A_23, %broadcast_in_dim3A_18, %dot_general3A_24 {dimension_numbers = #tpu.dot_dimension_numbers<[1], [0], [0], [1], [0, 0, 1, 1], [], []>, transpose_lhs_hint = false} : vector<1024x1024xf32>, vector<1024x1xf32>, vector<1024x1xf32> -> vector<1024x1xf32>
    %mul3A_26 = arith.constant 9.765625E-4 : f32
    %mul3A_27 = vector.broadcast %mul3A_26 : f32 to vector<1024x1xf32>
    %mul3A_28 = arith.mulf %dot_general3A_25, %mul3A_27 : vector<1024x1xf32>
    %mul3A_29 = arith.mulf %mul3A_22, %mul3A_22 : vector<1024x1xf32>
    %sub3A_30 = arith.subf %mul3A_28, %mul3A_29 : vector<1024x1xf32>
    %add3A_31 = arith.constant 9.99999996E-13 : f32
    %add3A_32 = vector.broadcast %add3A_31 : f32 to vector<1024x1xf32>
    %add3A_33 = arith.addf %sub3A_30, %add3A_32 : vector<1024x1xf32>
    %rsqrt3A = math.rsqrt %add3A_33 : vector<1024x1xf32>
    %sub3A_34 = vector.broadcast %mul3A_22 : vector<1024x1xf32> to vector<1024x1024xf32>
    %sub3A_35 = arith.subf %add3A_17, %sub3A_34 : vector<1024x1024xf32>
    %mul3A_36 = vector.broadcast %rsqrt3A : vector<1024x1xf32> to vector<1024x1024xf32>
    %mul3A_37 = arith.mulf %sub3A_35, %mul3A_36 : vector<1024x1024xf32>
    %get3A_38 = arith.constant 0 : index
    %get3A_39 = arith.constant 0 : index
    %get3A_40 = vector.load %arg4[%get3A_38, %get3A_39] : memref<1x1024xf32, #tpu.memory_space<vmem>>, vector<1x1024xf32>
    %mul3A_41 = vector.broadcast %get3A_40 : vector<1x1024xf32> to vector<1024x1024xf32>
    %mul3A_42 = arith.mulf %mul3A_37, %mul3A_41 : vector<1024x1024xf32>
    %get3A_43 = arith.constant 0 : index
    %get3A_44 = arith.constant 0 : index
    %get3A_45 = vector.load %arg5[%get3A_43, %get3A_44] : memref<1x1024xf32, #tpu.memory_space<vmem>>, vector<1x1024xf32>
    %add3A_46 = vector.broadcast %get3A_45 : vector<1x1024xf32> to vector<1024x1024xf32>
    %add3A_47 = arith.addf %mul3A_42, %add3A_46 : vector<1024x1024xf32>
    %swap3A = arith.constant 0 : index
    %swap3A_48 = arith.constant 0 : index
    %swap3A_49 = vector.load %arg13[%swap3A, %swap3A_48] : memref<1024x1024xf32, #tpu.memory_space<vmem>>, vector<1024x1024xf32>
    tpu.vector_store %arg13[%swap3A, %swap3A_48], %add3A_47 {strides = array<i32>} : memref<1024x1024xf32, #tpu.memory_space<vmem>>, vector<1024x1024xf32>,
    return
  }
  func.func @transform_0(%arg0: i32) -> (i32, i32) {
    %c0_i32 = arith.constant 0 : i32
    %c0_i32_0 = arith.constant 0 : i32
    return %arg0, %c0_i32 : i32, i32
  }
  func.func @transform_1(%arg0: i32) -> (i32, i32, i32) {
    %c0_i32 = arith.constant 0 : i32
    %c0_i32_0 = arith.constant 0 : i32
    %c0_i32_1 = arith.constant 0 : i32
    return %arg0, %c0_i32, %c0_i32_0 : i32, i32, i32
  }
  func.func @transform_2(%arg0: i32) -> (i32, i32) {
    %c0_i32 = arith.constant 0 : i32
    %c0_i32_0 = arith.constant 0 : i32
    %c0_i32_1 = arith.constant 0 : i32
    return %c0_i32, %c0_i32_0 : i32, i32
  }
  func.func @transform_3(%arg0: i32) -> (i32, i32) {
    %c0_i32 = arith.constant 0 : i32
    %c0_i32_0 = arith.constant 0 : i32
    %c0_i32_1 = arith.constant 0 : i32
    return %c0_i32, %c0_i32_0 : i32, i32
  }
  func.func @transform_4(%arg0: i32) -> (i32, i32) {
    %c0_i32 = arith.constant 0 : i32
    %c0_i32_0 = arith.constant 0 : i32
    %c0_i32_1 = arith.constant 0 : i32
    return %c0_i32, %c0_i32_0 : i32, i32
  }
  func.func @transform_5(%arg0: i32) -> (i32, i32) {
    %c0_i32 = arith.constant 0 : i32
    %c0_i32_0 = arith.constant 0 : i32
    %c0_i32_1 = arith.constant 0 : i32
    return %c0_i32, %c0_i32_0 : i32, i32
  }
  func.func @transform_6(%arg0: i32) -> (i32, i32) {
    %c0_i32 = arith.constant 0 : i32
    %c0_i32_0 = arith.constant 0 : i32
    %c0_i32_1 = arith.constant 0 : i32
    return %c0_i32, %c0_i32_0 : i32, i32
  }
  func.func @transform_7(%arg0: i32) -> (i32, i32) {
    %c0_i32 = arith.constant 0 : i32
    %c0_i32_0 = arith.constant 0 : i32
    %c0_i32_1 = arith.constant 0 : i32
    return %c0_i32, %c0_i32_0 : i32, i32
  }
  func.func @transform_8(%arg0: i32) -> (i32, i32) {
    %c0_i32 = arith.constant 0 : i32
    %c0_i32_0 = arith.constant 0 : i32
    %c0_i32_1 = arith.constant 0 : i32
    return %c0_i32, %c0_i32_0 : i32, i32
  }
  func.func @transform_9(%arg0: i32) -> (i32, i32) {
    %c0_i32 = arith.constant 0 : i32
    %c0_i32_0 = arith.constant 0 : i32
    %c0_i32_1 = arith.constant 0 : i32
    return %c0_i32, %c0_i32_0 : i32, i32
  }
  func.func @transform_10(%arg0: i32) -> (i32, i32) {
    %c0_i32 = arith.constant 0 : i32
    %c0_i32_0 = arith.constant 0 : i32
    %c0_i32_1 = arith.constant 0 : i32
    return %c0_i32, %c0_i32_0 : i32, i32
  }
  func.func @transform_11(%arg0: i32) -> (i32, i32) {
    %c0_i32 = arith.constant 0 : i32
    %c0_i32_0 = arith.constant 0 : i32
    %c0_i32_1 = arith.constant 0 : i32
    return %c0_i32, %c0_i32_0 : i32, i32
  }
  func.func @transform_12(%arg0: i32) -> (i32, i32) {
    %mul3A = arith.constant 4 : i32
    %mul3A_0 = arith.muli %arg0, %mul3A : i32
    %add3A = arith.constant 0 : i32
    %add3A_1 = arith.addi %mul3A_0, %add3A : i32
    %c0_i32 = arith.constant 0 : i32
    %c0_i32_2 = arith.constant 0 : i32
    return %add3A_1, %c0_i32 : i32, i32
  }
}

module attributes {stable_mosaic.version = 14 : i64} {
  func.func @body(%arg0: i32, %arg1: memref<1024x1024xf32, #tpu.memory_space<vmem>>, %arg2: memref<1x1x1024xf32, #tpu.memory_space<vmem>>, %arg3: memref<2x1024xf32, #tpu.memory_space<vmem>>, %arg4: memref<1x1024xf32, #tpu.memory_space<vmem>>, %arg5: memref<1x1024xf32, #tpu.memory_space<vmem>>, %arg6: memref<1x256xf32, #tpu.memory_space<vmem>>, %arg7: memref<1x256xf32, #tpu.memory_space<vmem>>, %arg8: memref<256x256xf32, #tpu.memory_space<vmem>>, %arg9: memref<1x256xf32, #tpu.memory_space<vmem>>, %arg10: memref<256x1024xf32, #tpu.memory_space<vmem>>, %arg11: memref<1x1024xf32, #tpu.memory_space<vmem>>, %arg12: memref<1x1xf32, #tpu.memory_space<vmem>>, %arg13: memref<16384x1024xf32, #tpu.memory_space<any>>, %arg14: memref<1024x1024xf32, #tpu.memory_space<vmem>>, %arg15: memref<1024x1024xf32, #tpu.memory_space<vmem>>) attributes {dimension_semantics = [#tpu.dimension_semantics<arbitrary>], iteration_bounds = array<i64: 4>, scalar_prefetch = 0 : i64, scratch_operands = 1 : i64, tpu.core_type = #tpu.core_type<tc>, window_params = [{transform_indices = @transform_0, window_bounds = array<i64: 1024, 1024>}, {transform_indices = @transform_1, window_bounds = array<i64: 1, 1, 1024>}, {pipeline_mode = #tpu.pipeline_mode<synchronous>, transform_indices = @transform_2, window_bounds = array<i64: 2, 1024>}, {pipeline_mode = #tpu.pipeline_mode<synchronous>, transform_indices = @transform_3, window_bounds = array<i64: 1, 1024>}, {pipeline_mode = #tpu.pipeline_mode<synchronous>, transform_indices = @transform_4, window_bounds = array<i64: 1, 1024>}, {pipeline_mode = #tpu.pipeline_mode<synchronous>, transform_indices = @transform_5, window_bounds = array<i64: 1, 256>}, {pipeline_mode = #tpu.pipeline_mode<synchronous>, transform_indices = @transform_6, window_bounds = array<i64: 1, 256>}, {pipeline_mode = #tpu.pipeline_mode<synchronous>, transform_indices = @transform_7, window_bounds = array<i64: 256, 256>}, {pipeline_mode = #tpu.pipeline_mode<synchronous>, transform_indices = @transform_8, window_bounds = array<i64: 1, 256>}, {pipeline_mode = #tpu.pipeline_mode<synchronous>, transform_indices = @transform_9, window_bounds = array<i64: 256, 1024>}, {pipeline_mode = #tpu.pipeline_mode<synchronous>, transform_indices = @transform_10, window_bounds = array<i64: 1, 1024>}, {pipeline_mode = #tpu.pipeline_mode<synchronous>, transform_indices = @transform_11, window_bounds = array<i64: 1, 1>}, {}, {transform_indices = @transform_13, window_bounds = array<i64: 1024, 1024>}]} {
    %get3A = arith.constant 0 : index
    %get3A_0 = arith.constant 0 : index
    %get3A_1 = vector.load %arg3[%get3A, %get3A_0] : memref<2x1024xf32, #tpu.memory_space<vmem>>, vector<2x1024xf32>
    %slice3A = vector.extract_strided_slice %get3A_1 {offsets = [0, 0], sizes = [1, 1024], strides = [1, 1]} : vector<2x1024xf32> to vector<1x1024xf32>
    %slice3A_2 = vector.extract_strided_slice %get3A_1 {offsets = [1, 0], sizes = [1, 1024], strides = [1, 1]} : vector<2x1024xf32> to vector<1x1024xf32>
    %sub3A = arith.subf %slice3A_2, %slice3A : vector<1x1024xf32>
    %eq3A = arith.constant 0 : i32
    %eq3A_3 = arith.cmpi eq, %arg0, %eq3A : i32
    %convert_element_type3A = arith.extui %eq3A_3 : i1 to i32
    %cond3A = arith.constant 0 : i32
    %cond3A_4 = arith.cmpi ne, %convert_element_type3A, %cond3A : i32
    scf.if %cond3A_4 {
      %iota3A = tpu.iota {dimensions = array<i32: 1>} : vector<1x1024xi32>
      %add3A_50 = arith.constant 3072 : i32
      %add3A_51 = vector.broadcast %add3A_50 : i32 to vector<1x1024xi32>
      %add3A_52 = arith.addi %add3A_51, %iota3A : vector<1x1024xi32>
      %convert_element_type3A_53 = arith.sitofp %add3A_52 : vector<1x1024xi32> to vector<1x1024xf32>
      %div3A = arith.constant 4.095000e+03 : f32
      %div3A_54 = vector.broadcast %div3A : f32 to vector<1x1024xf32>
      %div3A_55 = arith.divf %convert_element_type3A_53, %div3A_54 : vector<1x1024xf32>
      %broadcast_in_dim3A_56 = arith.constant 0.000000e+00 : f32
      %broadcast_in_dim3A_57 = vector.broadcast %broadcast_in_dim3A_56 : f32 to vector<1x1024xf32>
      %mul3A_58 = arith.constant 3.000000e+00 : f32
      %mul3A_59 = vector.broadcast %mul3A_58 : f32 to vector<1x1024xf32>
      %mul3A_60 = arith.mulf %div3A_55, %mul3A_59 : vector<1x1024xf32>
      %floor3A = math.floor %mul3A_60 : vector<1x1024xf32>
      %eq3A_61 = arith.constant 2.000000e+00 : f32
      %eq3A_62 = vector.broadcast %eq3A_61 : f32 to vector<1x1024xf32>
      %eq3A_63 = arith.cmpf oeq, %floor3A, %eq3A_62 : vector<1x1024xf32>
      %jit3A = arith.constant 5.000000e-01 : f32
      %jit3A_64 = arith.constant 0.000000e+00 : f32
      %broadcast_in_dim3A_65 = vector.broadcast %jit3A : f32 to vector<1x1024xf32>
      %broadcast_in_dim3A_66 = vector.broadcast %jit3A_64 : f32 to vector<1x1024xf32>
      %select_n3A = arith.select %eq3A_63, %broadcast_in_dim3A_65, %broadcast_in_dim3A_66 : vector<1x1024xi1>, vector<1x1024xf32>
      %add3A_67 = arith.addf %broadcast_in_dim3A_57, %select_n3A : vector<1x1024xf32>
      %mul3A_68 = arith.constant 3.000000e+00 : f32
      %mul3A_69 = vector.broadcast %mul3A_68 : f32 to vector<1x1024xf32>
      %mul3A_70 = arith.mulf %div3A_55, %mul3A_69 : vector<1x1024xf32>
      %sub3A_71 = arith.subf %mul3A_70, %floor3A : vector<1x1024xf32>
      %mul3A_72 = arith.constant 3.000000e+00 : f32
      %mul3A_73 = vector.broadcast %mul3A_72 : f32 to vector<1x1024xf32>
      %mul3A_74 = arith.mulf %sub3A_71, %mul3A_73 : vector<1x1024xf32>
      %floor3A_75 = math.floor %mul3A_74 : vector<1x1024xf32>
      %eq3A_76 = arith.constant 2.000000e+00 : f32
      %eq3A_77 = vector.broadcast %eq3A_76 : f32 to vector<1x1024xf32>
      %eq3A_78 = arith.cmpf oeq, %floor3A_75, %eq3A_77 : vector<1x1024xf32>
      %jit3A_79 = arith.constant 2.500000e-01 : f32
      %jit3A_80 = arith.constant 0.000000e+00 : f32
      %broadcast_in_dim3A_81 = vector.broadcast %jit3A_79 : f32 to vector<1x1024xf32>
      %broadcast_in_dim3A_82 = vector.broadcast %jit3A_80 : f32 to vector<1x1024xf32>
      %select_n3A_83 = arith.select %eq3A_78, %broadcast_in_dim3A_81, %broadcast_in_dim3A_82 : vector<1x1024xi1>, vector<1x1024xf32>
      %add3A_84 = arith.addf %add3A_67, %select_n3A_83 : vector<1x1024xf32>
      %mul3A_85 = arith.constant 3.000000e+00 : f32
      %mul3A_86 = vector.broadcast %mul3A_85 : f32 to vector<1x1024xf32>
      %mul3A_87 = arith.mulf %sub3A_71, %mul3A_86 : vector<1x1024xf32>
      %sub3A_88 = arith.subf %mul3A_87, %floor3A_75 : vector<1x1024xf32>
      %mul3A_89 = arith.constant 3.000000e+00 : f32
      %mul3A_90 = vector.broadcast %mul3A_89 : f32 to vector<1x1024xf32>
      %mul3A_91 = arith.mulf %sub3A_88, %mul3A_90 : vector<1x1024xf32>
      %floor3A_92 = math.floor %mul3A_91 : vector<1x1024xf32>
      %eq3A_93 = arith.constant 2.000000e+00 : f32
      %eq3A_94 = vector.broadcast %eq3A_93 : f32 to vector<1x1024xf32>
      %eq3A_95 = arith.cmpf oeq, %floor3A_92, %eq3A_94 : vector<1x1024xf32>
      %jit3A_96 = arith.constant 1.250000e-01 : f32
      %jit3A_97 = arith.constant 0.000000e+00 : f32
      %broadcast_in_dim3A_98 = vector.broadcast %jit3A_96 : f32 to vector<1x1024xf32>
      %broadcast_in_dim3A_99 = vector.broadcast %jit3A_97 : f32 to vector<1x1024xf32>
      %select_n3A_100 = arith.select %eq3A_95, %broadcast_in_dim3A_98, %broadcast_in_dim3A_99 : vector<1x1024xi1>, vector<1x1024xf32>
      %add3A_101 = arith.addf %add3A_84, %select_n3A_100 : vector<1x1024xf32>
      %mul3A_102 = arith.constant 3.000000e+00 : f32
      %mul3A_103 = vector.broadcast %mul3A_102 : f32 to vector<1x1024xf32>
      %mul3A_104 = arith.mulf %sub3A_88, %mul3A_103 : vector<1x1024xf32>
      %sub3A_105 = arith.subf %mul3A_104, %floor3A_92 : vector<1x1024xf32>
      %mul3A_106 = arith.constant 3.000000e+00 : f32
      %mul3A_107 = vector.broadcast %mul3A_106 : f32 to vector<1x1024xf32>
      %mul3A_108 = arith.mulf %sub3A_105, %mul3A_107 : vector<1x1024xf32>
      %floor3A_109 = math.floor %mul3A_108 : vector<1x1024xf32>
      %eq3A_110 = arith.constant 2.000000e+00 : f32
      %eq3A_111 = vector.broadcast %eq3A_110 : f32 to vector<1x1024xf32>
      %eq3A_112 = arith.cmpf oeq, %floor3A_109, %eq3A_111 : vector<1x1024xf32>
      %jit3A_113 = arith.constant 6.250000e-02 : f32
      %jit3A_114 = arith.constant 0.000000e+00 : f32
      %broadcast_in_dim3A_115 = vector.broadcast %jit3A_113 : f32 to vector<1x1024xf32>
      %broadcast_in_dim3A_116 = vector.broadcast %jit3A_114 : f32 to vector<1x1024xf32>
      %select_n3A_117 = arith.select %eq3A_112, %broadcast_in_dim3A_115, %broadcast_in_dim3A_116 : vector<1x1024xi1>, vector<1x1024xf32>
      %add3A_118 = arith.addf %add3A_101, %select_n3A_117 : vector<1x1024xf32>
      %mul3A_119 = arith.constant 3.000000e+00 : f32
      %mul3A_120 = vector.broadcast %mul3A_119 : f32 to vector<1x1024xf32>
      %mul3A_121 = arith.mulf %sub3A_105, %mul3A_120 : vector<1x1024xf32>
      %sub3A_122 = arith.subf %mul3A_121, %floor3A_109 : vector<1x1024xf32>
      %mul3A_123 = arith.constant 3.000000e+00 : f32
      %mul3A_124 = vector.broadcast %mul3A_123 : f32 to vector<1x1024xf32>
      %mul3A_125 = arith.mulf %sub3A_122, %mul3A_124 : vector<1x1024xf32>
      %floor3A_126 = math.floor %mul3A_125 : vector<1x1024xf32>
      %eq3A_127 = arith.constant 2.000000e+00 : f32
      %eq3A_128 = vector.broadcast %eq3A_127 : f32 to vector<1x1024xf32>
      %eq3A_129 = arith.cmpf oeq, %floor3A_126, %eq3A_128 : vector<1x1024xf32>
      %jit3A_130 = arith.constant 3.125000e-02 : f32
      %jit3A_131 = arith.constant 0.000000e+00 : f32
      %broadcast_in_dim3A_132 = vector.broadcast %jit3A_130 : f32 to vector<1x1024xf32>
      %broadcast_in_dim3A_133 = vector.broadcast %jit3A_131 : f32 to vector<1x1024xf32>
      %select_n3A_134 = arith.select %eq3A_129, %broadcast_in_dim3A_132, %broadcast_in_dim3A_133 : vector<1x1024xi1>, vector<1x1024xf32>
      %add3A_135 = arith.addf %add3A_118, %select_n3A_134 : vector<1x1024xf32>
      %mul3A_136 = arith.constant 3.000000e+00 : f32
      %mul3A_137 = vector.broadcast %mul3A_136 : f32 to vector<1x1024xf32>
      %mul3A_138 = arith.mulf %sub3A_122, %mul3A_137 : vector<1x1024xf32>
      %sub3A_139 = arith.subf %mul3A_138, %floor3A_126 : vector<1x1024xf32>
      %mul3A_140 = arith.constant 3.000000e+00 : f32
      %mul3A_141 = vector.broadcast %mul3A_140 : f32 to vector<1x1024xf32>
      %mul3A_142 = arith.mulf %sub3A_139, %mul3A_141 : vector<1x1024xf32>
      %floor3A_143 = math.floor %mul3A_142 : vector<1x1024xf32>
      %eq3A_144 = arith.constant 2.000000e+00 : f32
      %eq3A_145 = vector.broadcast %eq3A_144 : f32 to vector<1x1024xf32>
      %eq3A_146 = arith.cmpf oeq, %floor3A_143, %eq3A_145 : vector<1x1024xf32>
      %jit3A_147 = arith.constant 1.562500e-02 : f32
      %jit3A_148 = arith.constant 0.000000e+00 : f32
      %broadcast_in_dim3A_149 = vector.broadcast %jit3A_147 : f32 to vector<1x1024xf32>
      %broadcast_in_dim3A_150 = vector.broadcast %jit3A_148 : f32 to vector<1x1024xf32>
      %select_n3A_151 = arith.select %eq3A_146, %broadcast_in_dim3A_149, %broadcast_in_dim3A_150 : vector<1x1024xi1>, vector<1x1024xf32>
      %add3A_152 = arith.addf %add3A_135, %select_n3A_151 : vector<1x1024xf32>
      %mul3A_153 = arith.constant 3.000000e+00 : f32
      %mul3A_154 = vector.broadcast %mul3A_153 : f32 to vector<1x1024xf32>
      %mul3A_155 = arith.mulf %sub3A_139, %mul3A_154 : vector<1x1024xf32>
      %sub3A_156 = arith.subf %mul3A_155, %floor3A_143 : vector<1x1024xf32>
      %mul3A_157 = arith.constant 3.000000e+00 : f32
      %mul3A_158 = vector.broadcast %mul3A_157 : f32 to vector<1x1024xf32>
      %mul3A_159 = arith.mulf %sub3A_156, %mul3A_158 : vector<1x1024xf32>
      %floor3A_160 = math.floor %mul3A_159 : vector<1x1024xf32>
      %eq3A_161 = arith.constant 2.000000e+00 : f32
      %eq3A_162 = vector.broadcast %eq3A_161 : f32 to vector<1x1024xf32>
      %eq3A_163 = arith.cmpf oeq, %floor3A_160, %eq3A_162 : vector<1x1024xf32>
      %jit3A_164 = arith.constant 7.812500e-03 : f32
      %jit3A_165 = arith.constant 0.000000e+00 : f32
      %broadcast_in_dim3A_166 = vector.broadcast %jit3A_164 : f32 to vector<1x1024xf32>
      %broadcast_in_dim3A_167 = vector.broadcast %jit3A_165 : f32 to vector<1x1024xf32>
      %select_n3A_168 = arith.select %eq3A_163, %broadcast_in_dim3A_166, %broadcast_in_dim3A_167 : vector<1x1024xi1>, vector<1x1024xf32>
      %add3A_169 = arith.addf %add3A_152, %select_n3A_168 : vector<1x1024xf32>
      %mul3A_170 = arith.constant 3.000000e+00 : f32
      %mul3A_171 = vector.broadcast %mul3A_170 : f32 to vector<1x1024xf32>
      %mul3A_172 = arith.mulf %sub3A_156, %mul3A_171 : vector<1x1024xf32>
      %sub3A_173 = arith.subf %mul3A_172, %floor3A_160 : vector<1x1024xf32>
      %mul3A_174 = arith.constant 3.000000e+00 : f32
      %mul3A_175 = vector.broadcast %mul3A_174 : f32 to vector<1x1024xf32>
      %mul3A_176 = arith.mulf %sub3A_173, %mul3A_175 : vector<1x1024xf32>
      %floor3A_177 = math.floor %mul3A_176 : vector<1x1024xf32>
      %eq3A_178 = arith.constant 2.000000e+00 : f32
      %eq3A_179 = vector.broadcast %eq3A_178 : f32 to vector<1x1024xf32>
      %eq3A_180 = arith.cmpf oeq, %floor3A_177, %eq3A_179 : vector<1x1024xf32>
      %jit3A_181 = arith.constant 3.906250e-03 : f32
      %jit3A_182 = arith.constant 0.000000e+00 : f32
      %broadcast_in_dim3A_183 = vector.broadcast %jit3A_181 : f32 to vector<1x1024xf32>
      %broadcast_in_dim3A_184 = vector.broadcast %jit3A_182 : f32 to vector<1x1024xf32>
      %select_n3A_185 = arith.select %eq3A_180, %broadcast_in_dim3A_183, %broadcast_in_dim3A_184 : vector<1x1024xi1>, vector<1x1024xf32>
      %add3A_186 = arith.addf %add3A_169, %select_n3A_185 : vector<1x1024xf32>
      %mul3A_187 = arith.constant 3.000000e+00 : f32
      %mul3A_188 = vector.broadcast %mul3A_187 : f32 to vector<1x1024xf32>
      %mul3A_189 = arith.mulf %sub3A_173, %mul3A_188 : vector<1x1024xf32>
      %sub3A_190 = arith.subf %mul3A_189, %floor3A_177 : vector<1x1024xf32>
      %mul3A_191 = arith.constant 3.000000e+00 : f32
      %mul3A_192 = vector.broadcast %mul3A_191 : f32 to vector<1x1024xf32>
      %mul3A_193 = arith.mulf %sub3A_190, %mul3A_192 : vector<1x1024xf32>
      %floor3A_194 = math.floor %mul3A_193 : vector<1x1024xf32>
      %eq3A_195 = arith.constant 2.000000e+00 : f32
      %eq3A_196 = vector.broadcast %eq3A_195 : f32 to vector<1x1024xf32>
      %eq3A_197 = arith.cmpf oeq, %floor3A_194, %eq3A_196 : vector<1x1024xf32>
      %jit3A_198 = arith.constant 0.001953125 : f32
      %jit3A_199 = arith.constant 0.000000e+00 : f32
      %broadcast_in_dim3A_200 = vector.broadcast %jit3A_198 : f32 to vector<1x1024xf32>
      %broadcast_in_dim3A_201 = vector.broadcast %jit3A_199 : f32 to vector<1x1024xf32>
      %select_n3A_202 = arith.select %eq3A_197, %broadcast_in_dim3A_200, %broadcast_in_dim3A_201 : vector<1x1024xi1>, vector<1x1024xf32>
      %add3A_203 = arith.addf %add3A_186, %select_n3A_202 : vector<1x1024xf32>
      %mul3A_204 = arith.constant 3.000000e+00 : f32
      %mul3A_205 = vector.broadcast %mul3A_204 : f32 to vector<1x1024xf32>
      %mul3A_206 = arith.mulf %sub3A_190, %mul3A_205 : vector<1x1024xf32>
      %sub3A_207 = arith.subf %mul3A_206, %floor3A_194 : vector<1x1024xf32>
      %mul3A_208 = arith.constant 3.000000e+00 : f32
      %mul3A_209 = vector.broadcast %mul3A_208 : f32 to vector<1x1024xf32>
      %mul3A_210 = arith.mulf %sub3A_207, %mul3A_209 : vector<1x1024xf32>
      %floor3A_211 = math.floor %mul3A_210 : vector<1x1024xf32>
      %eq3A_212 = arith.constant 2.000000e+00 : f32
      %eq3A_213 = vector.broadcast %eq3A_212 : f32 to vector<1x1024xf32>
      %eq3A_214 = arith.cmpf oeq, %floor3A_211, %eq3A_213 : vector<1x1024xf32>
      %jit3A_215 = arith.constant 9.765625E-4 : f32
      %jit3A_216 = arith.constant 0.000000e+00 : f32
      %broadcast_in_dim3A_217 = vector.broadcast %jit3A_215 : f32 to vector<1x1024xf32>
      %broadcast_in_dim3A_218 = vector.broadcast %jit3A_216 : f32 to vector<1x1024xf32>
      %select_n3A_219 = arith.select %eq3A_214, %broadcast_in_dim3A_217, %broadcast_in_dim3A_218 : vector<1x1024xi1>, vector<1x1024xf32>
      %add3A_220 = arith.addf %add3A_203, %select_n3A_219 : vector<1x1024xf32>
      %mul3A_221 = arith.constant 3.000000e+00 : f32
      %mul3A_222 = vector.broadcast %mul3A_221 : f32 to vector<1x1024xf32>
      %mul3A_223 = arith.mulf %sub3A_207, %mul3A_222 : vector<1x1024xf32>
      %sub3A_224 = arith.subf %mul3A_223, %floor3A_211 : vector<1x1024xf32>
      %mul3A_225 = arith.constant 3.000000e+00 : f32
      %mul3A_226 = vector.broadcast %mul3A_225 : f32 to vector<1x1024xf32>
      %mul3A_227 = arith.mulf %sub3A_224, %mul3A_226 : vector<1x1024xf32>
      %floor3A_228 = math.floor %mul3A_227 : vector<1x1024xf32>
      %eq3A_229 = arith.constant 2.000000e+00 : f32
      %eq3A_230 = vector.broadcast %eq3A_229 : f32 to vector<1x1024xf32>
      %eq3A_231 = arith.cmpf oeq, %floor3A_228, %eq3A_230 : vector<1x1024xf32>
      %jit3A_232 = arith.constant 4.8828125E-4 : f32
      %jit3A_233 = arith.constant 0.000000e+00 : f32
      %broadcast_in_dim3A_234 = vector.broadcast %jit3A_232 : f32 to vector<1x1024xf32>
      %broadcast_in_dim3A_235 = vector.broadcast %jit3A_233 : f32 to vector<1x1024xf32>
      %select_n3A_236 = arith.select %eq3A_231, %broadcast_in_dim3A_234, %broadcast_in_dim3A_235 : vector<1x1024xi1>, vector<1x1024xf32>
      %add3A_237 = arith.addf %add3A_220, %select_n3A_236 : vector<1x1024xf32>
      %mul3A_238 = arith.constant 3.000000e+00 : f32
      %mul3A_239 = vector.broadcast %mul3A_238 : f32 to vector<1x1024xf32>
      %mul3A_240 = arith.mulf %sub3A_224, %mul3A_239 : vector<1x1024xf32>
      %sub3A_241 = arith.subf %mul3A_240, %floor3A_228 : vector<1x1024xf32>
      %mul3A_242 = arith.constant 3.000000e+00 : f32
      %mul3A_243 = vector.broadcast %mul3A_242 : f32 to vector<1x1024xf32>
      %mul3A_244 = arith.mulf %sub3A_241, %mul3A_243 : vector<1x1024xf32>
      %floor3A_245 = math.floor %mul3A_244 : vector<1x1024xf32>
      %eq3A_246 = arith.constant 2.000000e+00 : f32
      %eq3A_247 = vector.broadcast %eq3A_246 : f32 to vector<1x1024xf32>
      %eq3A_248 = arith.cmpf oeq, %floor3A_245, %eq3A_247 : vector<1x1024xf32>
      %jit3A_249 = arith.constant 2.44140625E-4 : f32
      %jit3A_250 = arith.constant 0.000000e+00 : f32
      %broadcast_in_dim3A_251 = vector.broadcast %jit3A_249 : f32 to vector<1x1024xf32>
      %broadcast_in_dim3A_252 = vector.broadcast %jit3A_250 : f32 to vector<1x1024xf32>
      %select_n3A_253 = arith.select %eq3A_248, %broadcast_in_dim3A_251, %broadcast_in_dim3A_252 : vector<1x1024xi1>, vector<1x1024xf32>
      %add3A_254 = arith.addf %add3A_237, %select_n3A_253 : vector<1x1024xf32>
      %mul3A_255 = arith.constant 3.000000e+00 : f32
      %mul3A_256 = vector.broadcast %mul3A_255 : f32 to vector<1x1024xf32>
      %mul3A_257 = arith.mulf %sub3A_241, %mul3A_256 : vector<1x1024xf32>
      %sub3A_258 = arith.subf %mul3A_257, %floor3A_245 : vector<1x1024xf32>
      %mul3A_259 = arith.constant 3.000000e+00 : f32
      %mul3A_260 = vector.broadcast %mul3A_259 : f32 to vector<1x1024xf32>
      %mul3A_261 = arith.mulf %sub3A_258, %mul3A_260 : vector<1x1024xf32>
      %floor3A_262 = math.floor %mul3A_261 : vector<1x1024xf32>
      %eq3A_263 = arith.constant 2.000000e+00 : f32
      %eq3A_264 = vector.broadcast %eq3A_263 : f32 to vector<1x1024xf32>
      %eq3A_265 = arith.cmpf oeq, %floor3A_262, %eq3A_264 : vector<1x1024xf32>
      %jit3A_266 = arith.constant 1.22070313E-4 : f32
      %jit3A_267 = arith.constant 0.000000e+00 : f32
      %broadcast_in_dim3A_268 = vector.broadcast %jit3A_266 : f32 to vector<1x1024xf32>
      %broadcast_in_dim3A_269 = vector.broadcast %jit3A_267 : f32 to vector<1x1024xf32>
      %select_n3A_270 = arith.select %eq3A_265, %broadcast_in_dim3A_268, %broadcast_in_dim3A_269 : vector<1x1024xi1>, vector<1x1024xf32>
      %add3A_271 = arith.addf %add3A_254, %select_n3A_270 : vector<1x1024xf32>
      %mul3A_272 = arith.constant 3.000000e+00 : f32
      %mul3A_273 = vector.broadcast %mul3A_272 : f32 to vector<1x1024xf32>
      %mul3A_274 = arith.mulf %sub3A_258, %mul3A_273 : vector<1x1024xf32>
      %sub3A_275 = arith.subf %mul3A_274, %floor3A_262 : vector<1x1024xf32>
      %mul3A_276 = arith.constant 3.000000e+00 : f32
      %mul3A_277 = vector.broadcast %mul3A_276 : f32 to vector<1x1024xf32>
      %mul3A_278 = arith.mulf %sub3A_275, %mul3A_277 : vector<1x1024xf32>
      %floor3A_279 = math.floor %mul3A_278 : vector<1x1024xf32>
      %eq3A_280 = arith.constant 2.000000e+00 : f32
      %eq3A_281 = vector.broadcast %eq3A_280 : f32 to vector<1x1024xf32>
      %eq3A_282 = arith.cmpf oeq, %floor3A_279, %eq3A_281 : vector<1x1024xf32>
      %jit3A_283 = arith.constant 6.10351563E-5 : f32
      %jit3A_284 = arith.constant 0.000000e+00 : f32
      %broadcast_in_dim3A_285 = vector.broadcast %jit3A_283 : f32 to vector<1x1024xf32>
      %broadcast_in_dim3A_286 = vector.broadcast %jit3A_284 : f32 to vector<1x1024xf32>
      %select_n3A_287 = arith.select %eq3A_282, %broadcast_in_dim3A_285, %broadcast_in_dim3A_286 : vector<1x1024xi1>, vector<1x1024xf32>
      %add3A_288 = arith.addf %add3A_271, %select_n3A_287 : vector<1x1024xf32>
      %mul3A_289 = arith.constant 3.000000e+00 : f32
      %mul3A_290 = vector.broadcast %mul3A_289 : f32 to vector<1x1024xf32>
      %mul3A_291 = arith.mulf %sub3A_275, %mul3A_290 : vector<1x1024xf32>
      %sub3A_292 = arith.subf %mul3A_291, %floor3A_279 : vector<1x1024xf32>
      %mul3A_293 = arith.constant 3.000000e+00 : f32
      %mul3A_294 = vector.broadcast %mul3A_293 : f32 to vector<1x1024xf32>
      %mul3A_295 = arith.mulf %sub3A_292, %mul3A_294 : vector<1x1024xf32>
      %floor3A_296 = math.floor %mul3A_295 : vector<1x1024xf32>
      %eq3A_297 = arith.constant 2.000000e+00 : f32
      %eq3A_298 = vector.broadcast %eq3A_297 : f32 to vector<1x1024xf32>
      %eq3A_299 = arith.cmpf oeq, %floor3A_296, %eq3A_298 : vector<1x1024xf32>
      %jit3A_300 = arith.constant 3.05175781E-5 : f32
      %jit3A_301 = arith.constant 0.000000e+00 : f32
      %broadcast_in_dim3A_302 = vector.broadcast %jit3A_300 : f32 to vector<1x1024xf32>
      %broadcast_in_dim3A_303 = vector.broadcast %jit3A_301 : f32 to vector<1x1024xf32>
      %select_n3A_304 = arith.select %eq3A_299, %broadcast_in_dim3A_302, %broadcast_in_dim3A_303 : vector<1x1024xi1>, vector<1x1024xf32>
      %add3A_305 = arith.addf %add3A_288, %select_n3A_304 : vector<1x1024xf32>
      %mul3A_306 = arith.constant 3.000000e+00 : f32
      %mul3A_307 = vector.broadcast %mul3A_306 : f32 to vector<1x1024xf32>
      %mul3A_308 = arith.mulf %sub3A_292, %mul3A_307 : vector<1x1024xf32>
      %sub3A_309 = arith.subf %mul3A_308, %floor3A_296 : vector<1x1024xf32>
      %mul3A_310 = arith.constant 3.000000e+00 : f32
      %mul3A_311 = vector.broadcast %mul3A_310 : f32 to vector<1x1024xf32>
      %mul3A_312 = arith.mulf %sub3A_309, %mul3A_311 : vector<1x1024xf32>
      %floor3A_313 = math.floor %mul3A_312 : vector<1x1024xf32>
      %eq3A_314 = arith.constant 2.000000e+00 : f32
      %eq3A_315 = vector.broadcast %eq3A_314 : f32 to vector<1x1024xf32>
      %eq3A_316 = arith.cmpf oeq, %floor3A_313, %eq3A_315 : vector<1x1024xf32>
      %jit3A_317 = arith.constant 1.52587891E-5 : f32
      %jit3A_318 = arith.constant 0.000000e+00 : f32
      %broadcast_in_dim3A_319 = vector.broadcast %jit3A_317 : f32 to vector<1x1024xf32>
      %broadcast_in_dim3A_320 = vector.broadcast %jit3A_318 : f32 to vector<1x1024xf32>
      %select_n3A_321 = arith.select %eq3A_316, %broadcast_in_dim3A_319, %broadcast_in_dim3A_320 : vector<1x1024xi1>, vector<1x1024xf32>
      %add3A_322 = arith.addf %add3A_305, %select_n3A_321 : vector<1x1024xf32>
      %jit3A_323 = arith.constant 0.000000e+00 : f32
      %jit3A_324 = arith.constant 1.000000e+00 : f32
      %max3A = vector.broadcast %jit3A_323 : f32 to vector<1x1024xf32>
      %max3A_325 = arith.maximumf %max3A, %add3A_322 : vector<1x1024xf32>
      %min3A = vector.broadcast %jit3A_324 : f32 to vector<1x1024xf32>
      %min3A_326 = arith.minimumf %min3A, %max3A_325 : vector<1x1024xf32>
      %get3A_327 = arith.constant 0 : index
      %get3A_328 = arith.constant 0 : index
      %get3A_329 = vector.load %arg6[%get3A_327, %get3A_328] : memref<1x256xf32, #tpu.memory_space<vmem>>, vector<1x256xf32>
      %dot_general3A_330 = arith.constant dense<0.000000e+00> : vector<1024x256xf32>
      %dot_general3A_331 = tpu.matmul %min3A_326, %get3A_329, %dot_general3A_330 {dimension_numbers = #tpu.dot_dimension_numbers<[0], [0], [1], [1], [0, 1, 1, 1], [], []>, transpose_lhs_hint = false} : vector<1x1024xf32>, vector<1x256xf32>, vector<1024x256xf32> -> vector<1024x256xf32>
      %get3A_332 = arith.constant 0 : index
      %get3A_333 = arith.constant 0 : index
      %get3A_334 = vector.load %arg7[%get3A_332, %get3A_333] : memref<1x256xf32, #tpu.memory_space<vmem>>, vector<1x256xf32>
      %add3A_335 = vector.broadcast %get3A_334 : vector<1x256xf32> to vector<1024x256xf32>
      %add3A_336 = arith.addf %dot_general3A_331, %add3A_335 : vector<1024x256xf32>
      %mul3A_337 = arith.constant 5.000000e-01 : f32
      %mul3A_338 = vector.broadcast %mul3A_337 : f32 to vector<1024x256xf32>
      %mul3A_339 = arith.mulf %mul3A_338, %add3A_336 : vector<1024x256xf32>
      %mul3A_340 = arith.constant 0.707106769 : f32
      %mul3A_341 = vector.broadcast %mul3A_340 : f32 to vector<1024x256xf32>
      %mul3A_342 = arith.mulf %add3A_336, %mul3A_341 : vector<1024x256xf32>
      %erf3A = math.erf %mul3A_342 : vector<1024x256xf32>
      %add3A_343 = arith.constant 1.000000e+00 : f32
      %add3A_344 = vector.broadcast %add3A_343 : f32 to vector<1024x256xf32>
      %add3A_345 = arith.addf %add3A_344, %erf3A : vector<1024x256xf32>
      %mul3A_346 = arith.mulf %mul3A_339, %add3A_345 : vector<1024x256xf32>
      %get3A_347 = arith.constant 0 : index
      %get3A_348 = arith.constant 0 : index
      %get3A_349 = vector.load %arg8[%get3A_347, %get3A_348] : memref<256x256xf32, #tpu.memory_space<vmem>>, vector<256x256xf32>
      %dot_general3A_350 = arith.constant dense<0.000000e+00> : vector<1024x256xf32>
      %dot_general3A_351 = tpu.matmul %mul3A_346, %get3A_349, %dot_general3A_350 {dimension_numbers = #tpu.dot_dimension_numbers<[1], [0], [0], [1], [0, 0, 1, 1], [], []>, transpose_lhs_hint = false} : vector<1024x256xf32>, vector<256x256xf32>, vector<1024x256xf32> -> vector<1024x256xf32>
      %get3A_352 = arith.constant 0 : index
      %get3A_353 = arith.constant 0 : index
      %get3A_354 = vector.load %arg9[%get3A_352, %get3A_353] : memref<1x256xf32, #tpu.memory_space<vmem>>, vector<1x256xf32>
      %add3A_355 = vector.broadcast %get3A_354 : vector<1x256xf32> to vector<1024x256xf32>
      %add3A_356 = arith.addf %dot_general3A_351, %add3A_355 : vector<1024x256xf32>
      %mul3A_357 = arith.constant 5.000000e-01 : f32
      %mul3A_358 = vector.broadcast %mul3A_357 : f32 to vector<1024x256xf32>
      %mul3A_359 = arith.mulf %mul3A_358, %add3A_356 : vector<1024x256xf32>
      %mul3A_360 = arith.constant 0.707106769 : f32
      %mul3A_361 = vector.broadcast %mul3A_360 : f32 to vector<1024x256xf32>
      %mul3A_362 = arith.mulf %add3A_356, %mul3A_361 : vector<1024x256xf32>
      %erf3A_363 = math.erf %mul3A_362 : vector<1024x256xf32>
      %add3A_364 = arith.constant 1.000000e+00 : f32
      %add3A_365 = vector.broadcast %add3A_364 : f32 to vector<1024x256xf32>
      %add3A_366 = arith.addf %add3A_365, %erf3A_363 : vector<1024x256xf32>
      %mul3A_367 = arith.mulf %mul3A_359, %add3A_366 : vector<1024x256xf32>
      %get3A_368 = arith.constant 0 : index
      %get3A_369 = arith.constant 0 : index
      %get3A_370 = vector.load %arg10[%get3A_368, %get3A_369] : memref<256x1024xf32, #tpu.memory_space<vmem>>, vector<256x1024xf32>
      %dot_general3A_371 = arith.constant dense<0.000000e+00> : vector<1024x1024xf32>
      %dot_general3A_372 = tpu.matmul %mul3A_367, %get3A_370, %dot_general3A_371 {dimension_numbers = #tpu.dot_dimension_numbers<[1], [0], [0], [1], [0, 0, 1, 1], [], []>, transpose_lhs_hint = false} : vector<1024x256xf32>, vector<256x1024xf32>, vector<1024x1024xf32> -> vector<1024x1024xf32>
      %get3A_373 = arith.constant 0 : index
      %get3A_374 = arith.constant 0 : index
      %get3A_375 = vector.load %arg11[%get3A_373, %get3A_374] : memref<1x1024xf32, #tpu.memory_space<vmem>>, vector<1x1024xf32>
      %add3A_376 = vector.broadcast %get3A_375 : vector<1x1024xf32> to vector<1024x1024xf32>
      %add3A_377 = arith.addf %dot_general3A_372, %add3A_376 : vector<1024x1024xf32>
      %get3A_378 = arith.constant 0 : index
      %get3A_379 = arith.constant 0 : index
      %get3A_380 = vector.load %arg12[%get3A_378, %get3A_379] : memref<1x1xf32, #tpu.memory_space<vmem>>, vector<1x1xf32>
      %mul3A_381 = vector.broadcast %get3A_380 : vector<1x1xf32> to vector<1024x1024xf32>
      %mul3A_382 = arith.mulf %mul3A_381, %add3A_377 : vector<1024x1024xf32>
      %add3A_383 = vector.broadcast %slice3A : vector<1x1024xf32> to vector<1024x1024xf32>
      %add3A_384 = arith.addf %mul3A_382, %add3A_383 : vector<1024x1024xf32>
      %swap3A_385 = arith.constant 0 : index
      %swap3A_386 = arith.constant 0 : index
      %swap3A_387 = vector.load %arg15[%swap3A_385, %swap3A_386] : memref<1024x1024xf32, #tpu.memory_space<vmem>>, vector<1024x1024xf32>
      tpu.vector_store %arg15[%swap3A_385, %swap3A_386], %add3A_384 {strides = array<i32>} : memref<1024x1024xf32, #tpu.memory_space<vmem>>, vector<1024x1024xf32>,
    } else {
    }
    %get3A_5 = arith.constant 0 : index
    %get3A_6 = arith.constant 0 : index
    %get3A_7 = arith.constant 0 : index
    %get3A_8 = vector.load %arg2[%get3A_5, %get3A_6, %get3A_7] : memref<1x1x1024xf32, #tpu.memory_space<vmem>>, vector<1x1x1024xf32>
    %get3A_9 = vector.shape_cast %get3A_8 : vector<1x1x1024xf32> to vector<1x1024xf32>
    %dot_general3A = arith.constant dense<0.000000e+00> : vector<1024x1024xf32>
    %dot_general3A_10 = tpu.matmul %get3A_9, %sub3A, %dot_general3A {dimension_numbers = #tpu.dot_dimension_numbers<[0], [0], [1], [1], [0, 1, 1, 1], [], []>, transpose_lhs_hint = false} : vector<1x1024xf32>, vector<1x1024xf32>, vector<1024x1024xf32> -> vector<1024x1024xf32>
    %get3A_11 = arith.constant 0 : index
    %get3A_12 = arith.constant 0 : index
    %get3A_13 = vector.load %arg1[%get3A_11, %get3A_12] : memref<1024x1024xf32, #tpu.memory_space<vmem>>, vector<1024x1024xf32>
    %get3A_14 = arith.constant 0 : index
    %get3A_15 = arith.constant 0 : index
    %get3A_16 = vector.load %arg15[%get3A_14, %get3A_15] : memref<1024x1024xf32, #tpu.memory_space<vmem>>, vector<1024x1024xf32>
    %add3A = arith.addf %get3A_13, %get3A_16 : vector<1024x1024xf32>
    %add3A_17 = arith.addf %add3A, %dot_general3A_10 : vector<1024x1024xf32>
    %broadcast_in_dim3A = arith.constant 1.000000e+00 : f32
    %broadcast_in_dim3A_18 = vector.broadcast %broadcast_in_dim3A : f32 to vector<1024x1xf32>
    %dot_general3A_19 = arith.constant dense<0.000000e+00> : vector<1024x1xf32>
    %dot_general3A_20 = tpu.matmul %add3A_17, %broadcast_in_dim3A_18, %dot_general3A_19 {dimension_numbers = #tpu.dot_dimension_numbers<[1], [0], [0], [1], [0, 0, 1, 1], [], []>, transpose_lhs_hint = false} : vector<1024x1024xf32>, vector<1024x1xf32>, vector<1024x1xf32> -> vector<1024x1xf32>
    %mul3A = arith.constant 9.765625E-4 : f32
    %mul3A_21 = vector.broadcast %mul3A : f32 to vector<1024x1xf32>
    %mul3A_22 = arith.mulf %dot_general3A_20, %mul3A_21 : vector<1024x1xf32>
    %mul3A_23 = arith.mulf %add3A_17, %add3A_17 : vector<1024x1024xf32>
    %dot_general3A_24 = arith.constant dense<0.000000e+00> : vector<1024x1xf32>
    %dot_general3A_25 = tpu.matmul %mul3A_23, %broadcast_in_dim3A_18, %dot_general3A_24 {dimension_numbers = #tpu.dot_dimension_numbers<[1], [0], [0], [1], [0, 0, 1, 1], [], []>, transpose_lhs_hint = false} : vector<1024x1024xf32>, vector<1024x1xf32>, vector<1024x1xf32> -> vector<1024x1xf32>
    %mul3A_26 = arith.constant 9.765625E-4 : f32
    %mul3A_27 = vector.broadcast %mul3A_26 : f32 to vector<1024x1xf32>
    %mul3A_28 = arith.mulf %dot_general3A_25, %mul3A_27 : vector<1024x1xf32>
    %mul3A_29 = arith.mulf %mul3A_22, %mul3A_22 : vector<1024x1xf32>
    %sub3A_30 = arith.subf %mul3A_28, %mul3A_29 : vector<1024x1xf32>
    %add3A_31 = arith.constant 9.99999996E-13 : f32
    %add3A_32 = vector.broadcast %add3A_31 : f32 to vector<1024x1xf32>
    %add3A_33 = arith.addf %sub3A_30, %add3A_32 : vector<1024x1xf32>
    %rsqrt3A = math.rsqrt %add3A_33 : vector<1024x1xf32>
    %sub3A_34 = vector.broadcast %mul3A_22 : vector<1024x1xf32> to vector<1024x1024xf32>
    %sub3A_35 = arith.subf %add3A_17, %sub3A_34 : vector<1024x1024xf32>
    %mul3A_36 = vector.broadcast %rsqrt3A : vector<1024x1xf32> to vector<1024x1024xf32>
    %mul3A_37 = arith.mulf %sub3A_35, %mul3A_36 : vector<1024x1024xf32>
    %get3A_38 = arith.constant 0 : index
    %get3A_39 = arith.constant 0 : index
    %get3A_40 = vector.load %arg4[%get3A_38, %get3A_39] : memref<1x1024xf32, #tpu.memory_space<vmem>>, vector<1x1024xf32>
    %mul3A_41 = vector.broadcast %get3A_40 : vector<1x1024xf32> to vector<1024x1024xf32>
    %mul3A_42 = arith.mulf %mul3A_37, %mul3A_41 : vector<1024x1024xf32>
    %get3A_43 = arith.constant 0 : index
    %get3A_44 = arith.constant 0 : index
    %get3A_45 = vector.load %arg5[%get3A_43, %get3A_44] : memref<1x1024xf32, #tpu.memory_space<vmem>>, vector<1x1024xf32>
    %add3A_46 = vector.broadcast %get3A_45 : vector<1x1024xf32> to vector<1024x1024xf32>
    %add3A_47 = arith.addf %mul3A_42, %add3A_46 : vector<1024x1024xf32>
    %swap3A = arith.constant 0 : index
    %swap3A_48 = arith.constant 0 : index
    %swap3A_49 = vector.load %arg14[%swap3A, %swap3A_48] : memref<1024x1024xf32, #tpu.memory_space<vmem>>, vector<1024x1024xf32>
    tpu.vector_store %arg14[%swap3A, %swap3A_48], %add3A_47 {strides = array<i32>} : memref<1024x1024xf32, #tpu.memory_space<vmem>>, vector<1024x1024xf32>,
    return
  }
  func.func @transform_0(%arg0: i32) -> (i32, i32) {
    %c0_i32 = arith.constant 0 : i32
    %c0_i32_0 = arith.constant 0 : i32
    return %arg0, %c0_i32 : i32, i32
  }
  func.func @transform_1(%arg0: i32) -> (i32, i32, i32) {
    %c0_i32 = arith.constant 0 : i32
    %c0_i32_0 = arith.constant 0 : i32
    %c0_i32_1 = arith.constant 0 : i32
    return %arg0, %c0_i32, %c0_i32_0 : i32, i32, i32
  }
  func.func @transform_2(%arg0: i32) -> (i32, i32) {
    %c0_i32 = arith.constant 0 : i32
    %c0_i32_0 = arith.constant 0 : i32
    %c0_i32_1 = arith.constant 0 : i32
    return %c0_i32, %c0_i32_0 : i32, i32
  }
  func.func @transform_3(%arg0: i32) -> (i32, i32) {
    %c0_i32 = arith.constant 0 : i32
    %c0_i32_0 = arith.constant 0 : i32
    %c0_i32_1 = arith.constant 0 : i32
    return %c0_i32, %c0_i32_0 : i32, i32
  }
  func.func @transform_4(%arg0: i32) -> (i32, i32) {
    %c0_i32 = arith.constant 0 : i32
    %c0_i32_0 = arith.constant 0 : i32
    %c0_i32_1 = arith.constant 0 : i32
    return %c0_i32, %c0_i32_0 : i32, i32
  }
  func.func @transform_5(%arg0: i32) -> (i32, i32) {
    %c0_i32 = arith.constant 0 : i32
    %c0_i32_0 = arith.constant 0 : i32
    %c0_i32_1 = arith.constant 0 : i32
    return %c0_i32, %c0_i32_0 : i32, i32
  }
  func.func @transform_6(%arg0: i32) -> (i32, i32) {
    %c0_i32 = arith.constant 0 : i32
    %c0_i32_0 = arith.constant 0 : i32
    %c0_i32_1 = arith.constant 0 : i32
    return %c0_i32, %c0_i32_0 : i32, i32
  }
  func.func @transform_7(%arg0: i32) -> (i32, i32) {
    %c0_i32 = arith.constant 0 : i32
    %c0_i32_0 = arith.constant 0 : i32
    %c0_i32_1 = arith.constant 0 : i32
    return %c0_i32, %c0_i32_0 : i32, i32
  }
  func.func @transform_8(%arg0: i32) -> (i32, i32) {
    %c0_i32 = arith.constant 0 : i32
    %c0_i32_0 = arith.constant 0 : i32
    %c0_i32_1 = arith.constant 0 : i32
    return %c0_i32, %c0_i32_0 : i32, i32
  }
  func.func @transform_9(%arg0: i32) -> (i32, i32) {
    %c0_i32 = arith.constant 0 : i32
    %c0_i32_0 = arith.constant 0 : i32
    %c0_i32_1 = arith.constant 0 : i32
    return %c0_i32, %c0_i32_0 : i32, i32
  }
  func.func @transform_10(%arg0: i32) -> (i32, i32) {
    %c0_i32 = arith.constant 0 : i32
    %c0_i32_0 = arith.constant 0 : i32
    %c0_i32_1 = arith.constant 0 : i32
    return %c0_i32, %c0_i32_0 : i32, i32
  }
  func.func @transform_11(%arg0: i32) -> (i32, i32) {
    %c0_i32 = arith.constant 0 : i32
    %c0_i32_0 = arith.constant 0 : i32
    %c0_i32_1 = arith.constant 0 : i32
    return %c0_i32, %c0_i32_0 : i32, i32
  }
  func.func @transform_13(%arg0: i32) -> (i32, i32) {
    %mul3A = arith.constant 4 : i32
    %mul3A_0 = arith.muli %arg0, %mul3A : i32
    %add3A = arith.constant 3 : i32
    %add3A_1 = arith.addi %mul3A_0, %add3A : i32
    %c0_i32 = arith.constant 0 : i32
    %c0_i32_2 = arith.constant 0 : i32
    return %add3A_1, %c0_i32 : i32, i32
  }
}

</mosaic_0001>

<sc_bundles>
// kernel: kernel.10.cloned.1.call-start
scs
__scs_entry_jumppad:
0x0: {  	(pc) =	sbr.rel $0x88, $3  }
0x1: {  	(tag) =	ssettag $0x0;
	lr =	simm.s32 $0x1  }
0x2: {  	[smem:$0x3F94] =	sst lr;
	_ =	strace $0xD0000000  }
0x3: {  	_ = 	snop  }
0x4: {  	_ = 	snop  }
0x5: {  	_ = 	snop  }
0x6: {  	_ = 	snop  }
0x7: {  	_ = 	snop  }
__scs_overlays_trampoline_lowered:
0x8: {  	[smem:$0x3FA3] =	sst s0  }
0x9: {  	[smem:$0x3FA4] =	sst s1  }
0xa: {  	[smem:$0x3FA5] =	sst s2  }
0xb: {  	[smem:$0x3FA6] =	sst s3  }
0xc: {  	[smem:$0x3FA7] =	sst s4  }
0xd: {  	[smem:$0x3FA8] =	sst s5  }
0xe: {  	[smem:$0x3FA9] =	sst s6  }
0xf: {  	[smem:$0x3FAA] =	sst s7  }
0x10: {  	[smem:$0x3FAB] =	sst s8  }
0x11: {  	[smem:$0x3FAC] =	sst s9;
	s0 =	simm.s32 @!p0 $0x0  }
0x12: {  	s1 =	sld [smem:$0x3F92];
	s0 =	simm.s32 @p0 $0x1  }
0x13: {  	[smem:$0x3FAD] =	sst s0;
	s0 =	simm.s32 @!p1 $0x0  }
0x14: {  	s2 =	sld [smem:$0x3F91];
	s0 =	simm.s32 @p1 $0x1  }
0x15: {  	[smem:$0x3FAE] =	sst s0;
	s0 =	simm.s32 @!p2 $0x0  }
0x16: {  	s3 =	sld [smem:$0x3FDB];
	s0 =	simm.s32 @p2 $0x1  }
0x17: {  	s4 =	simm.s32 $0x1BF5;
	[smem:$0x3FB0] =	sst s0  }
0x18: {  	s0 =	sld [smem:$0x3F93];
	_ =	swait.ge [sflag:s4], $0x0  }
0x19: {  	s7 =	sld [smem:$0x3F94]  }
0x1a: {  	s8 =	sadd.s32 $0xFFFFE003, lr  }
0x1b: {  	s9 =	sadd.s32 $0xFFFFFEF7, lr;
	s5 =	simm.s32 $0xFFFFFFFF;
	p2 =	slt.u32 s8, $0xFFFFF086  }
0x1c: {  	p1 =	slt.u32 s9, $0xF7A;
	s5 =	simm.s32 @!p2 $0x0  }
0x1d: {  	s5 =	simm.s32 @p1 $0x1;
	p0 =	seq.s32 s7, s2  }
0x1e: {  	s7 =	smul.u32 @!p0 $0xF7A, s2;
	p2 =	seq.s32 @!p0 s5, $0x0  }
0x1f: {  	s9 =	smul.u32 $0xF7A, s1;
	s8 =	simm.s32 @!p0 $0x1BF5;
	p2 =	por !p2, p0  }
0x20: {  	[sflag:s8] =	ssyncset.s32 @!p0 $0xFFFFF086;
	s6 =	sadd.s32 @!p0 s3, s7;
	s7 =	simm.s32 @!p0 $0x108  }
0x21: {  	s3 =	sadd.s32 s3, s9;
	s6 =	sadd.s32 @!p0 $0x88, s6;
	s7 =	simm.s32 @p2 $0x1082  }
0x22: {  	[simem:s7], [sflag:s8] =	dma.local @!p0 [hbm:s6], $0xF7A  }
0x23: {  	s9 =	sor.u32 $0xD0000000, s2;
	s6 =	simm.s32 $0x108;
	_ =	swait.ge @!p0 [sflag:s8], $0x0  }
0x24: {  	s3 =	sadd.s32 $0x88, s3;
	s6 =	simm.s32 @!p1 $0x1082;
	[sflag:s4] =	ssyncset.s32 $0xFFFFF086  }
0x25: {  	[simem:s6], [sflag:s4] =	dma.local [hbm:s3], $0xF7A  }
0x26: {  	[smem:$0x3F94] =	sst s1;
	(tag) =	ssettag s2;
	_ =	strace s9  }
0x27: {  	s1 =	sld [smem:$0x3FA4]  }
0x28: {  	s2 =	sld [smem:$0x3FA5]  }
0x29: {  	s4 =	sld [smem:$0x3FA7]  }
0x2a: {  	p0 =	seq.s32 s5, $0x0;
	s5 =	sld [smem:$0x3FA8]  }
0x2b: {  	s6 =	sld [smem:$0x3FA9]  }
0x2c: {  	s7 =	sld [smem:$0x3FAA]  }
0x2d: {  	s3 =	simm.s32 $0x108;
	s8 =	sld [smem:$0x3FAB]  }
0x2e: {  	s3 =	simm.s32 @!p0 $0x1082;
	s9 =	sld [smem:$0x3FAC]  }
0x2f: {  	lr =	sadd.s32 s0, s3;
	s0 =	sld [smem:$0x3FA3]  }
0x30: {  	s3 =	sld [smem:$0x3FA6]  }
0x31: {  	[smem:$0x3FAF] =	sst s10  }
0x32: {  	s10 =	sld [smem:$0x3FAD];
	_ =	sdelay $0x3  }
0x33: {  	p0 =	seq.s32 s10, $0x1;
	s10 =	sld [smem:$0x3FAF];
	_ =	sdelay $0x3  }
0x34: {  	[smem:$0x3FAF] =	sst s10  }
0x35: {  	s10 =	sld [smem:$0x3FAE];
	_ =	sdelay $0x3  }
0x36: {  	p1 =	seq.s32 s10, $0x1;
	s10 =	sld [smem:$0x3FAF];
	_ =	sdelay $0x3  }
0x37: {  	[smem:$0x3FAF] =	sst s10  }
0x38: {  	s10 =	sld [smem:$0x3FB0]  }
0x39: {  	_ = 	snop;
	(pc) =	sbr.ind lr, $3  }
0x3a: {  	_ = 	snop  }
0x3b: {  	_ = 	snop  }
0x3c: {  	p2 =	seq.s32 s10, $0x1;
	s10 =	sld [smem:$0x3FAF]  }
0x3d: {  	_ =	shalt  }
0x3e: {  	_ =	shalt  }
0x3f: {  	_ =	shalt  }
0x40: {  	_ =	shalt  }
0x41: {  	_ =	shalt  }
0x42: {  	_ =	shalt  }
0x43: {  	_ =	shalt  }
0x44: {  	_ =	shalt  }
0x45: {  	_ =	shalt  }
0x46: {  	_ =	shalt  }
0x47: {  	_ =	shalt  }
0x48: {  	_ =	shalt  }
0x49: {  	_ =	shalt  }
0x4a: {  	_ =	shalt  }
0x4b: {  	_ =	shalt  }
0x4c: {  	_ =	shalt  }
0x4d: {  	_ =	shalt  }
0x4e: {  	_ =	shalt  }
0x4f: {  	_ =	shalt  }
0x50: {  	_ =	shalt  }
0x51: {  	_ =	shalt  }
0x52: {  	_ =	shalt  }
0x53: {  	_ =	shalt  }
0x54: {  	_ =	shalt  }
0x55: {  	_ =	shalt  }
0x56: {  	_ =	shalt  }
0x57: {  	_ =	shalt  }
0x58: {  	_ =	shalt  }
0x59: {  	_ =	shalt  }
0x5a: {  	_ =	shalt  }
0x5b: {  	_ =	shalt  }
0x5c: {  	_ =	shalt  }
0x5d: {  	_ =	shalt  }
0x5e: {  	_ =	shalt  }
0x5f: {  	_ =	shalt  }
0x60: {  	_ =	shalt  }
0x61: {  	_ =	shalt  }
0x62: {  	_ =	shalt  }
0x63: {  	_ =	shalt  }
0x64: {  	_ =	shalt  }
0x65: {  	_ =	shalt  }
0x66: {  	_ =	shalt  }
0x67: {  	_ =	shalt  }
0x68: {  	_ =	shalt  }
0x69: {  	_ =	shalt  }
0x6a: {  	_ =	shalt  }
0x6b: {  	_ =	shalt  }
0x6c: {  	_ =	shalt  }
0x6d: {  	_ =	shalt  }
0x6e: {  	_ =	shalt  }
0x6f: {  	_ =	shalt  }
0x70: {  	_ =	shalt  }
0x71: {  	_ =	shalt  }
0x72: {  	_ =	shalt  }
0x73: {  	_ =	shalt  }
0x74: {  	_ =	shalt  }
0x75: {  	_ =	shalt  }
0x76: {  	_ =	shalt  }
0x77: {  	_ =	shalt  }
0x78: {  	_ =	shalt  }
0x79: {  	_ =	shalt  }
0x7a: {  	_ =	shalt  }
0x7b: {  	_ =	shalt  }
0x7c: {  	_ =	shalt  }
0x7d: {  	_ =	shalt  }
0x7e: {  	_ =	shalt  }
0x7f: {  	_ =	shalt  }
0x80: {  	_ =	shalt  }
0x81: {  	_ =	shalt  }
0x82: {  	_ =	shalt  }
0x83: {  	_ =	shalt  }
0x84: {  	_ =	shalt  }
0x85: {  	_ =	shalt  }
0x86: {  	_ =	shalt  }
0x87: {  	_ =	shalt  }
.Lfunc_end0:
.L_simem_size_0:
called_computation_lowered:
.L_overlay_start_0:
0x88: {  	s2 =	sld [smem:$0x3FD9]  }
0x89: {  	s3 =	sld [smem:$0x3FFE];
	_ =	sdelay $0x1  }
0x8a: {  	s1 =	srdreg.scid  }
0x8b: {  	s0 =	sand.u32 $0x1, s1  }
0x8c: {  	s17 =	sshll.u32 s0, $0xA;
	s2 =	sadd.s32 s3, s2  }
0x8d: {  	s2 =	sadd.s32 s2, s17  }
0x8e: {  	[smem:$0x3FBB] =	sst s2  }
0x8f: {  	_ = 	snop  }
0x90: {  	s2 =	sld [smem:$0x3FC7]  }
0x91: {  	s18 =	sld [smem:$0x3FD0];
	(tm) =	ssettm $0x1  }
0x92: {  	s4 =	sld [smem:$0x3FFB];
	_ =	sdelay $0x3  }
0x93: {  	_ =	strace s4  }
0x94: {  	s4 =	sld [smem:$0x3FFC];
	_ =	sdelay $0x3  }
0x95: {  	_ =	strace s4  }
0x96: {  	s4 =	sld [smem:$0x3FFD];
	_ =	sdelay $0x3  }
0x97: {  	_ =	strace s4  }
0x98: {  	_ =	strace $0x8FFFFFFF  }
0x99: {  	s19 =	sld [smem:$0x3FDB];
	_ =	sdelay $0x1  }
0x9a: {  	s5 =	simm.s32 $_scs_section_size  }
0x9b: {  	s6 =	simm.s32 $_size__tile_overlayer_lowered;
	s7 =	simm.s32 $_tile_overlayer_lowered  }
0x9c: {  	s22 =	simm.s32 $0x1BFF;
	s21 =	sshll.u32 s7, $0x1;
	s4 =	sadd.s32 s5, s19  }
0x9d: {  	s8 =	simm.s32 $0x0;
	s20 =	sshll.u32 s6, $0x1;
	s6 =	sadd.s32 s21, s4  }
0x9e: {  	[timem:s8], [sflag:s22] =	dma.local [hbm:s6], s20  }
0x9f: {  	_ =	swait.ge [sflag:s22], s20  }
0xa0: {  	s5 =	ssub.s32 $0x0, s20;
	[sflag:s22] =	ssyncset.done $0x0  }
0xa1: {  	[sflag:s22] =	ssyncadd.s32 s5;
	_ =	sdelay $0x1  }
0xa2: {  	s23 =	simm.s32 $0x1B8B  }
0xa3: {  	_ =	swait.ge [sflag:s23], $0x1  }
0xa4: {  	[sflag:s23] =	ssyncset.done $0x0  }
0xa5: {  	s25 =	simm.s32 $0x1B8E;
	s24 =	sld [smem:$0x3FFE];
	[sflag:s23] =	ssyncadd.s32 $0xFFFFFFFF  }
0xa6: {  	s26 =	simm.s32 $execute0_lowered;
	[smem:$0x3FD2] =	sst s25  }
0xa7: {  	s6 =	sshll.u32 s26, $0x1;
	_ =	strace $0x80000046;
	[dreg:$0x1] =	wrdreg $0xFFFFFFFF  }
0xa8: {  	s28 =	simm.s32 $_size_execute0_lowered;
	s4 =	sadd.s32 s4, s6;
	[dreg:$0x0] =	wrdreg $0x0  }
0xa9: {  	s6 =	sshll.u32 s28, $0x1;
	[dreg:$0x2] =	wrdreg s4  }
0xaa: {  	[dreg:$0x3] =	wrdreg s6  }
0xab: {  	[dreg:$0x4] =	wrdreg $0xC0  }
0xac: {  	_ =	task [dreg:s8], $0x5FFFF  }
0xad: {  	[dreg:$0x1] =	wrdreg $0xFFFFFFFF  }
0xae: {  	[dreg:$0x0] =	wrdreg $0x60  }
0xaf: {  	[dreg:$0x2] =	wrdreg s24  }
0xb0: {  	[dreg:$0x3] =	wrdreg s2  }
0xb1: {  	[dreg:$0x4] =	wrdreg s18  }
0xb2: {  	[dreg:$0x5] =	wrdreg $0x9  }
0xb3: {  	_ =	task.clear_ibuf [dreg:s8], $0x6FFFF;
	_ =	strace $0x90000046  }
0xb4: {  	s29 =	simm.s32 $0x9;
	_ =	strace $0x80000048  }
0xb5: {  	_ =	swait.ge [sflag:s29], $0x1  }
0xb6: {  	[sflag:s29] =	ssyncadd.s32 $0xFFFFFFFF  }
0xb7: {  	_ =	strace $0x90000048  }
0xb8: {  	_ =	sfence  }
0xb9: {  	s30 =	sld [smem:$0x0];
	_ =	sdelay $0x2  }
0xba: {  	s31 =	sshll.u32 s1, $0xD;
	s1 =	sshrl.u32 s1, $0x2  }
0xbb: {  	s3 =	sand.u32 $0x4000, s31;
	s1 =	sadd.s32 s1, s30  }
0xbc: {  	s0 =	sor.u32 s3, s0;
	s1 =	sshll.u32 s1, $0x11  }
0xbd: {  	s0 =	sor.u32 s1, s0  }
0xbe: {  	s0 =	sadd.s32 $0x8F2B, s0  }
0xbf: {  	[sflag:s0] =	ssyncadd.remote.s32 $0x1  }
0xc0: {  	_ =	sfence.sel $0xFFFF  }
0xc1: {  	[dreg:$0x0] =	wrdreg $0xFFFFFFFF;
	(pc) =	sbr.abs _section_cstart, $3  }
0xc2: {  	[dreg:$0x1] =	wrdreg $0xFFFFFFFF  }
0xc3: {  	_ =	task.clear_ibuf [dreg:s8], $0x2FFFF;
	_ =	strace $0x9FFFFFFF  }
0xc4: {  	(tm) =	ssettm $0x7FFFFFFF  }
0xc5: {  	_ =	shalt  }
tec
execute0_lowered:
.L_overlay_start_1:
0x0: {  	(tag) =	ssettag $0x1  }
0x1: {  	s0 =	rddreg [dreg:$0x0]  }
0x2: {  	s2 =	rddreg [dreg:$0x1]  }
0x3: {  	s1 =	rddreg [dreg:$0x2]  }
0x4: {  	s3 =	srdreg.scid;
	s5 =	stileid.u32;
	s9 =	simm.s32 $0x1  }
0x5: {  	s21 =	simm.s32 $0x3;
	s22 =	simm.s32 $0x4;
	s28 =	simm.s32 $0x1880  }
0x6: {  	s29 =	simm.s32 $0x2080;
	s30 =	simm.s32 $0x2880;
	s31 =	simm.s32 $0x3080  }
0x7: {  	s11 =	simm.s32 $0x4880;
	s12 =	simm.s32 $0x5080;
	s13 =	simm.s32 $0x5880  }
0x8: {  	s14 =	simm.s32 $0x6080;
	s15 =	simm.s32 $0x6880;
	s16 =	simm.s32 $0x7080  }
0x9: {  	s17 =	simm.s32 $0x7880;
	s20 =	simm.s32 $0x8080;
	s18 =	simm.s32 $0x8880  }
0xa: {  	s19 =	simm.s32 $0x9080;
	s4 =	sand.u32 $0x1, s3;
	s3 =	simm.s32 $0x0  }
0xb: {  	s5 =	sshll.u32 s5, $0x8;
	s7 =	sadd.s32 $0x300, s2;
	s6 =	sshll.u32 s4, $0x7  }
0xc: {  	[smem:$0x7FF] =	sst s3;
	s4 =	ssub.s32 $0x2, s4;
	s5 =	sor.u32 s6, s5  }
0xd: {  	_ =	strace $0x80000047;
	s6 =	sshrl.u32 s5, $0x3;
	s5 =	sshll.u32 s5, $0x7  }
0xe: {  	s23 =	sshrl.u32 s4, $0x1;
	s0 =	sadd.s32 s6, s0;
	s1 =	sadd.s32 s1, s5  }
0xf: {  	s4 =	ssub.s32 s4, s23;
	s0 =	sadd.s32 $0x3000, s0;
	[dreg:$0x8] =	wrdreg s1  }
0x10: {  	s5 =	sadd.s32 $0x100, s2;
	s24 =	sadd.s32 $0x1000, s1;
	[dreg:$0x4] =	wrdreg s0  }
0x11: {  	s6 =	sadd.s32 $0x200, s2;
	s25 =	sadd.s32 $0x2000, s1;
	[dreg:$0x5] =	wrdreg s24  }
0x12: {  	v2 =	vlaneseq.u32;
	s8 =	smax.u32 s4, $0x1;
	s26 =	sadd.s32 $0x3000, s1;
	[dreg:$0x6] =	wrdreg s25  }
0x13: {  	vm0 =	vmmov $0xffff;
	v1 =	vshrl.u32 v2, $0x3;
	s4 =	simm.s32 $0x2;
	s1 =	simm.s32 $0x4080;
	[dreg:$0x7] =	wrdreg s26  }
0x14: {  	v0 =	vand.u32 $0x7, v2;
	v2 =	vor.u32 $0x8, v2;
	v1 =	vmul.u32 $0x8, v1;
	s26 =	simm.s32 $0x80;
	s24 =	simm.s32 $0x880;
	s25 =	simm.s32 $0x1080  }
.LBB2_1:
0x15: {  	s23 =	rddreg [dreg:$0x4];
	s0 =	simm.s32 $0x5  }
0x16: {  	[tilespmem:s3], [sflag:$0x5] =	stream.linear.gather [hbm4b:s23+s3], $0x80, $0x38;
	[tilespmem:$0x10080] =	vst v63  }
0x17: {  	_ =	swait.ge [sflag:s0], $0x80  }
0x18: {  	[sflag:s0] =	ssyncset.done $0x0  }
0x19: {  	[sflag:s0] =	ssyncadd.s32 $0xFFFFFF80  }
0x1a: {  	v3 =	vld [tilespmem:$0x0];
	_ =	sdelay $0x4  }
0x1b: {  	v4 =	vshll.u32 v3, $0x3  }
0x1c: {  	v3 =	vand.u32 $0x7, v3;
	v4 =	vand.u32 $0xFFFFFFC0, v4  }
0x1d: {  	v3 =	vor.u32 v3, v4  }
0x1e: {  	v4 =	vperm.xlane v3, v0;
	_ =	sdelay $0x1  }
0x1f: {  	v4 =	vadd.s32 v1, v4;
	_ =	sdelay $0x4  }
0x20: {  	[tilespmem:s26], [sflag:$0x1] =	stream.indirect_vreg.gather [hbm4b:s2+s3], $0x80, v4, vm0, $0xb8;
	[tilespmem:$0x10080] =	vst v63  }
0x21: {  	v3 =	vperm.xlane v3, v2  }
0x22: {  	[tilespmem:s24], [sflag:$0x1] =	stream.indirect_vreg.gather [hbm4b:s5+s3], $0x80, v4, vm0, $0xb8;
	[tilespmem:$0x10080] =	vst v63  }
0x23: {  	v3 =	vadd.s32 v1, v3  }
0x24: {  	[tilespmem:s25], [sflag:$0x1] =	stream.indirect_vreg.gather [hbm4b:s6+s3], $0x80, v4, vm0, $0xb8;
	[tilespmem:$0x10080] =	vst v63  }
0x25: {  	_ = 	snop  }
0x26: {  	[tilespmem:s28], [sflag:$0x1] =	stream.indirect_vreg.gather [hbm4b:s7+s3], $0x80, v4, vm0, $0xb8;
	[tilespmem:$0x10080] =	vst v63  }
0x27: {  	_ = 	snop  }
0x28: {  	[tilespmem:s29], [sflag:$0x1] =	stream.indirect_vreg.gather [hbm4b:s2+s3], $0x80, v3, vm0, $0xb8;
	[tilespmem:$0x10080] =	vst v63  }
0x29: {  	_ = 	snop  }
0x2a: {  	[tilespmem:s30], [sflag:$0x1] =	stream.indirect_vreg.gather [hbm4b:s5+s3], $0x80, v3, vm0, $0xb8;
	[tilespmem:$0x10080] =	vst v63  }
0x2b: {  	_ = 	snop  }
0x2c: {  	[tilespmem:s31], [sflag:$0x1] =	stream.indirect_vreg.gather [hbm4b:s6+s3], $0x80, v3, vm0, $0xb8;
	[tilespmem:$0x10080] =	vst v63  }
0x2d: {  	s0 =	simm.s32 $0x3880  }
0x2e: {  	[tilespmem:s0], [sflag:$0x1] =	stream.indirect_vreg.gather [hbm4b:s7+s3], $0x80, v3, vm0, $0xb8;
	[tilespmem:$0x10080] =	vst v63  }
0x2f: {  	v3 =	vld [tilespmem:$0x10];
	_ =	sdelay $0x4  }
0x30: {  	v57 =	vshll.u32 v3, $0x3  }
0x31: {  	v3 =	vand.u32 $0x7, v3;
	v4 =	vand.u32 $0xFFFFFFC0, v57  }
0x32: {  	v3 =	vor.u32 v3, v4  }
0x33: {  	v4 =	vperm.xlane v3, v0;
	_ =	sdelay $0x1  }
0x34: {  	v4 =	vadd.s32 v1, v4;
	_ =	sdelay $0x4  }
0x35: {  	[tilespmem:s1], [sflag:$0x1] =	stream.indirect_vreg.gather [hbm4b:s2+s3], $0x80, v4, vm0, $0xb8;
	[tilespmem:$0x10080] =	vst v63  }
0x36: {  	v3 =	vperm.xlane v3, v2  }
0x37: {  	[tilespmem:s11], [sflag:$0x1] =	stream.indirect_vreg.gather [hbm4b:s5+s3], $0x80, v4, vm0, $0xb8;
	[tilespmem:$0x10080] =	vst v63  }
0x38: {  	v3 =	vadd.s32 v1, v3  }
0x39: {  	[tilespmem:s12], [sflag:$0x1] =	stream.indirect_vreg.gather [hbm4b:s6+s3], $0x80, v4, vm0, $0xb8;
	[tilespmem:$0x10080] =	vst v63  }
0x3a: {  	_ = 	snop  }
0x3b: {  	[tilespmem:s13], [sflag:$0x1] =	stream.indirect_vreg.gather [hbm4b:s7+s3], $0x80, v4, vm0, $0xb8;
	[tilespmem:$0x10080] =	vst v63  }
0x3c: {  	_ = 	snop  }
0x3d: {  	[tilespmem:s14], [sflag:$0x1] =	stream.indirect_vreg.gather [hbm4b:s2+s3], $0x80, v3, vm0, $0xb8;
	[tilespmem:$0x10080] =	vst v63  }
0x3e: {  	_ = 	snop  }
0x3f: {  	[tilespmem:s15], [sflag:$0x1] =	stream.indirect_vreg.gather [hbm4b:s5+s3], $0x80, v3, vm0, $0xb8;
	[tilespmem:$0x10080] =	vst v63  }
0x40: {  	_ = 	snop  }
0x41: {  	[tilespmem:s16], [sflag:$0x1] =	stream.indirect_vreg.gather [hbm4b:s6+s3], $0x80, v3, vm0, $0xb8;
	[tilespmem:$0x10080] =	vst v63  }
0x42: {  	_ = 	snop  }
0x43: {  	[tilespmem:s17], [sflag:$0x1] =	stream.indirect_vreg.gather [hbm4b:s7+s3], $0x80, v3, vm0, $0xb8;
	[tilespmem:$0x10080] =	vst v63  }
0x44: {  	v3 =	vld [tilespmem:$0x20];
	_ =	sdelay $0x4  }
0x45: {  	v58 =	vshll.u32 v3, $0x3  }
0x46: {  	v3 =	vand.u32 $0x7, v3;
	v4 =	vand.u32 $0xFFFFFFC0, v58  }
0x47: {  	v3 =	vor.u32 v3, v4  }
0x48: {  	v4 =	vperm.xlane v3, v0;
	_ =	sdelay $0x1  }
0x49: {  	v4 =	vadd.s32 v1, v4;
	_ =	sdelay $0x4  }
0x4a: {  	[tilespmem:s20], [sflag:$0x2] =	stream.indirect_vreg.gather [hbm4b:s2+s3], $0x80, v4, vm0, $0xb8;
	[tilespmem:$0x10080] =	vst v63  }
0x4b: {  	v3 =	vperm.xlane v3, v2  }
0x4c: {  	[tilespmem:s18], [sflag:$0x2] =	stream.indirect_vreg.gather [hbm4b:s5+s3], $0x80, v4, vm0, $0xb8;
	[tilespmem:$0x10080] =	vst v63  }
0x4d: {  	v3 =	vadd.s32 v1, v3  }
0x4e: {  	[tilespmem:s19], [sflag:$0x2] =	stream.indirect_vreg.gather [hbm4b:s6+s3], $0x80, v4, vm0, $0xb8;
	[tilespmem:$0x10080] =	vst v63  }
0x4f: {  	s10 =	simm.s32 $0x9880  }
0x50: {  	[tilespmem:s10], [sflag:$0x2] =	stream.indirect_vreg.gather [hbm4b:s7+s3], $0x80, v4, vm0, $0xb8;
	[tilespmem:$0x10080] =	vst v63  }
0x51: {  	s10 =	simm.s32 $0xA080  }
0x52: {  	[tilespmem:s10], [sflag:$0x2] =	stream.indirect_vreg.gather [hbm4b:s2+s3], $0x80, v3, vm0, $0xb8;
	[tilespmem:$0x10080] =	vst v63  }
0x53: {  	s23 =	simm.s32 $0xA880  }
0x54: {  	[tilespmem:s23], [sflag:$0x2] =	stream.indirect_vreg.gather [hbm4b:s5+s3], $0x80, v3, vm0, $0xb8;
	[tilespmem:$0x10080] =	vst v63  }
0x55: {  	s23 =	simm.s32 $0xB080  }
0x56: {  	[tilespmem:s23], [sflag:$0x2] =	stream.indirect_vreg.gather [hbm4b:s6+s3], $0x80, v3, vm0, $0xb8;
	[tilespmem:$0x10080] =	vst v63  }
0x57: {  	s23 =	simm.s32 $0xB880  }
0x58: {  	[tilespmem:s23], [sflag:$0x2] =	stream.indirect_vreg.gather [hbm4b:s7+s3], $0x80, v3, vm0, $0xb8;
	[tilespmem:$0x10080] =	vst v63  }
0x59: {  	v3 =	vld [tilespmem:$0x30];
	_ =	sdelay $0x4  }
0x5a: {  	v59 =	vshll.u32 v3, $0x3  }
0x5b: {  	v3 =	vand.u32 $0x7, v3;
	v4 =	vand.u32 $0xFFFFFFC0, v59  }
0x5c: {  	v3 =	vor.u32 v3, v4  }
0x5d: {  	v4 =	vperm.xlane v3, v0;
	_ =	sdelay $0x1  }
0x5e: {  	v4 =	vadd.s32 v1, v4;
	_ =	sdelay $0x3  }
0x5f: {  	s23 =	simm.s32 $0xC080  }
0x60: {  	[tilespmem:s23], [sflag:$0x2] =	stream.indirect_vreg.gather [hbm4b:s2+s3], $0x80, v4, vm0, $0xb8;
	[tilespmem:$0x10080] =	vst v63  }
0x61: {  	v3 =	vperm.xlane v3, v2;
	s23 =	simm.s32 $0xC880  }
0x62: {  	[tilespmem:s23], [sflag:$0x2] =	stream.indirect_vreg.gather [hbm4b:s5+s3], $0x80, v4, vm0, $0xb8;
	[tilespmem:$0x10080] =	vst v63  }
0x63: {  	v3 =	vadd.s32 v1, v3;
	s23 =	simm.s32 $0xD080  }
0x64: {  	[tilespmem:s23], [sflag:$0x2] =	stream.indirect_vreg.gather [hbm4b:s6+s3], $0x80, v4, vm0, $0xb8;
	[tilespmem:$0x10080] =	vst v63  }
0x65: {  	s23 =	simm.s32 $0xD880  }
0x66: {  	[tilespmem:s23], [sflag:$0x2] =	stream.indirect_vreg.gather [hbm4b:s7+s3], $0x80, v4, vm0, $0xb8;
	[tilespmem:$0x10080] =	vst v63  }
0x67: {  	s23 =	simm.s32 $0xE080  }
0x68: {  	[tilespmem:s23], [sflag:$0x2] =	stream.indirect_vreg.gather [hbm4b:s2+s3], $0x80, v3, vm0, $0xb8;
	[tilespmem:$0x10080] =	vst v63  }
0x69: {  	s23 =	simm.s32 $0xE880  }
0x6a: {  	[tilespmem:s23], [sflag:$0x2] =	stream.indirect_vreg.gather [hbm4b:s5+s3], $0x80, v3, vm0, $0xb8;
	[tilespmem:$0x10080] =	vst v63  }
0x6b: {  	s23 =	simm.s32 $0xF080  }
0x6c: {  	[tilespmem:s23], [sflag:$0x2] =	stream.indirect_vreg.gather [hbm4b:s6+s3], $0x80, v3, vm0, $0xb8;
	[tilespmem:$0x10080] =	vst v63  }
0x6d: {  	s23 =	simm.s32 $0xF880  }
0x6e: {  	[tilespmem:s23], [sflag:$0x2] =	stream.indirect_vreg.gather [hbm4b:s7+s3], $0x80, v3, vm0, $0xb8;
	[tilespmem:$0x10080] =	vst v63  }
0x6f: {  	_ =	swait.ge [sflag:s9], $0x8000  }
0x70: {  	[sflag:s9] =	ssyncset.done $0x0  }
0x71: {  	s23 =	rddreg [dreg:$0x8];
	[sflag:s9] =	ssyncadd.s32 $0xFFFF8000  }
0x72: {  	[hbm4b:s23+s3] =	stream.linear.scatter [tilespmem:s26], [sflag:$0x3], $0x8000, $0x38;
	[tilespmem:$0x10080] =	vst v63  }
0x73: {  	_ =	swait.ge [sflag:s21], $0x8000  }
0x74: {  	[sflag:s21] =	ssyncset.done $0x0  }
0x75: {  	[sflag:s21] =	ssyncadd.s32 $0xFFFF8000  }
0x76: {  	v3 =	vld [tilespmem:$0x40];
	_ =	sdelay $0x4  }
0x77: {  	v60 =	vshll.u32 v3, $0x3  }
0x78: {  	v3 =	vand.u32 $0x7, v3;
	v4 =	vand.u32 $0xFFFFFFC0, v60  }
0x79: {  	v3 =	vor.u32 v3, v4  }
0x7a: {  	v4 =	vperm.xlane v3, v0;
	_ =	sdelay $0x1  }
0x7b: {  	v4 =	vadd.s32 v1, v4;
	_ =	sdelay $0x4  }
0x7c: {  	[tilespmem:s26], [sflag:$0x1] =	stream.indirect_vreg.gather [hbm4b:s2+s3], $0x80, v4, vm0, $0xb8;
	[tilespmem:$0x10080] =	vst v63  }
0x7d: {  	v3 =	vperm.xlane v3, v2  }
0x7e: {  	[tilespmem:s24], [sflag:$0x1] =	stream.indirect_vreg.gather [hbm4b:s5+s3], $0x80, v4, vm0, $0xb8;
	[tilespmem:$0x10080] =	vst v63  }
0x7f: {  	v3 =	vadd.s32 v1, v3  }
0x80: {  	[tilespmem:s25], [sflag:$0x1] =	stream.indirect_vreg.gather [hbm4b:s6+s3], $0x80, v4, vm0, $0xb8;
	[tilespmem:$0x10080] =	vst v63  }
0x81: {  	_ = 	snop  }
0x82: {  	[tilespmem:s28], [sflag:$0x1] =	stream.indirect_vreg.gather [hbm4b:s7+s3], $0x80, v4, vm0, $0xb8;
	[tilespmem:$0x10080] =	vst v63  }
0x83: {  	_ = 	snop  }
0x84: {  	[tilespmem:s29], [sflag:$0x1] =	stream.indirect_vreg.gather [hbm4b:s2+s3], $0x80, v3, vm0, $0xb8;
	[tilespmem:$0x10080] =	vst v63  }
0x85: {  	_ = 	snop  }
0x86: {  	[tilespmem:s30], [sflag:$0x1] =	stream.indirect_vreg.gather [hbm4b:s5+s3], $0x80, v3, vm0, $0xb8;
	[tilespmem:$0x10080] =	vst v63  }
0x87: {  	_ = 	snop  }
0x88: {  	[tilespmem:s31], [sflag:$0x1] =	stream.indirect_vreg.gather [hbm4b:s6+s3], $0x80, v3, vm0, $0xb8;
	[tilespmem:$0x10080] =	vst v63  }
0x89: {  	_ = 	snop  }
0x8a: {  	[tilespmem:s0], [sflag:$0x1] =	stream.indirect_vreg.gather [hbm4b:s7+s3], $0x80, v3, vm0, $0xb8;
	[tilespmem:$0x10080] =	vst v63  }
0x8b: {  	v3 =	vld [tilespmem:$0x50];
	_ =	sdelay $0x4  }
0x8c: {  	v61 =	vshll.u32 v3, $0x3  }
0x8d: {  	v3 =	vand.u32 $0x7, v3;
	v4 =	vand.u32 $0xFFFFFFC0, v61  }
0x8e: {  	v3 =	vor.u32 v3, v4  }
0x8f: {  	v4 =	vperm.xlane v3, v0;
	_ =	sdelay $0x1  }
0x90: {  	v4 =	vadd.s32 v1, v4;
	_ =	sdelay $0x4  }
0x91: {  	[tilespmem:s1], [sflag:$0x1] =	stream.indirect_vreg.gather [hbm4b:s2+s3], $0x80, v4, vm0, $0xb8;
	[tilespmem:$0x10080] =	vst v63  }
0x92: {  	v3 =	vperm.xlane v3, v2  }
0x93: {  	[tilespmem:s11], [sflag:$0x1] =	stream.indirect_vreg.gather [hbm4b:s5+s3], $0x80, v4, vm0, $0xb8;
	[tilespmem:$0x10080] =	vst v63  }
0x94: {  	v3 =	vadd.s32 v1, v3  }
0x95: {  	[tilespmem:s12], [sflag:$0x1] =	stream.indirect_vreg.gather [hbm4b:s6+s3], $0x80, v4, vm0, $0xb8;
	[tilespmem:$0x10080] =	vst v63  }
0x96: {  	_ = 	snop  }
0x97: {  	[tilespmem:s13], [sflag:$0x1] =	stream.indirect_vreg.gather [hbm4b:s7+s3], $0x80, v4, vm0, $0xb8;
	[tilespmem:$0x10080] =	vst v63  }
0x98: {  	_ = 	snop  }
0x99: {  	[tilespmem:s14], [sflag:$0x1] =	stream.indirect_vreg.gather [hbm4b:s2+s3], $0x80, v3, vm0, $0xb8;
	[tilespmem:$0x10080] =	vst v63  }
0x9a: {  	_ = 	snop  }
0x9b: {  	[tilespmem:s15], [sflag:$0x1] =	stream.indirect_vreg.gather [hbm4b:s5+s3], $0x80, v3, vm0, $0xb8;
	[tilespmem:$0x10080] =	vst v63  }
0x9c: {  	_ = 	snop  }
0x9d: {  	[tilespmem:s16], [sflag:$0x1] =	stream.indirect_vreg.gather [hbm4b:s6+s3], $0x80, v3, vm0, $0xb8;
	[tilespmem:$0x10080] =	vst v63  }
0x9e: {  	_ = 	snop  }
0x9f: {  	[tilespmem:s17], [sflag:$0x1] =	stream.indirect_vreg.gather [hbm4b:s7+s3], $0x80, v3, vm0, $0xb8;
	[tilespmem:$0x10080] =	vst v63  }
0xa0: {  	_ =	swait.ge [sflag:s4], $0x8000  }
0xa1: {  	[sflag:s4] =	ssyncset.done $0x0  }
0xa2: {  	s0 =	rddreg [dreg:$0x5];
	[sflag:s4] =	ssyncadd.s32 $0xFFFF8000  }
0xa3: {  	[hbm4b:s0+s3] =	stream.linear.scatter [tilespmem:s20], [sflag:$0x4], $0x8000, $0x38;
	[tilespmem:$0x10080] =	vst v63  }
0xa4: {  	_ =	swait.ge [sflag:s22], $0x8000  }
0xa5: {  	[sflag:s22] =	ssyncset.done $0x0  }
0xa6: {  	[sflag:s22] =	ssyncadd.s32 $0xFFFF8000  }
0xa7: {  	v3 =	vld [tilespmem:$0x60];
	_ =	sdelay $0x4  }
0xa8: {  	v62 =	vshll.u32 v3, $0x3  }
0xa9: {  	v3 =	vand.u32 $0x7, v3;
	v4 =	vand.u32 $0xFFFFFFC0, v62  }
0xaa: {  	v3 =	vor.u32 v3, v4  }
0xab: {  	v4 =	vperm.xlane v3, v0;
	_ =	sdelay $0x1  }
0xac: {  	v4 =	vadd.s32 v1, v4;
	_ =	sdelay $0x4  }
0xad: {  	[tilespmem:s20], [sflag:$0x2] =	stream.indirect_vreg.gather [hbm4b:s2+s3], $0x80, v4, vm0, $0xb8;
	[tilespmem:$0x10080] =	vst v63  }
0xae: {  	v3 =	vperm.xlane v3, v2  }
0xaf: {  	[tilespmem:s18], [sflag:$0x2] =	stream.indirect_vreg.gather [hbm4b:s5+s3], $0x80, v4, vm0, $0xb8;
	[tilespmem:$0x10080] =	vst v63  }
0xb0: {  	v3 =	vadd.s32 v1, v3  }
0xb1: {  	[tilespmem:s19], [sflag:$0x2] =	stream.indirect_vreg.gather [hbm4b:s6+s3], $0x80, v4, vm0, $0xb8;
	[tilespmem:$0x10080] =	vst v63  }
0xb2: {  	s23 =	simm.s32 $0x9880  }
0xb3: {  	[tilespmem:s23], [sflag:$0x2] =	stream.indirect_vreg.gather [hbm4b:s7+s3], $0x80, v4, vm0, $0xb8;
	[tilespmem:$0x10080] =	vst v63  }
0xb4: {  	_ = 	snop  }
0xb5: {  	[tilespmem:s10], [sflag:$0x2] =	stream.indirect_vreg.gather [hbm4b:s2+s3], $0x80, v3, vm0, $0xb8;
	[tilespmem:$0x10080] =	vst v63  }
0xb6: {  	s23 =	simm.s32 $0xA880  }
0xb7: {  	[tilespmem:s23], [sflag:$0x2] =	stream.indirect_vreg.gather [hbm4b:s5+s3], $0x80, v3, vm0, $0xb8;
	[tilespmem:$0x10080] =	vst v63  }
0xb8: {  	s10 =	simm.s32 $0xB080  }
0xb9: {  	[tilespmem:s10], [sflag:$0x2] =	stream.indirect_vreg.gather [hbm4b:s6+s3], $0x80, v3, vm0, $0xb8;
	[tilespmem:$0x10080] =	vst v63  }
0xba: {  	s23 =	simm.s32 $0xB880  }
0xbb: {  	[tilespmem:s23], [sflag:$0x2] =	stream.indirect_vreg.gather [hbm4b:s7+s3], $0x80, v3, vm0, $0xb8;
	[tilespmem:$0x10080] =	vst v63  }
0xbc: {  	v3 =	vld [tilespmem:$0x70];
	_ =	sdelay $0x4  }
0xbd: {  	v63 =	vshll.u32 v3, $0x3  }
0xbe: {  	v3 =	vand.u32 $0x7, v3;
	v4 =	vand.u32 $0xFFFFFFC0, v63  }
0xbf: {  	v3 =	vor.u32 v3, v4  }
0xc0: {  	v4 =	vperm.xlane v3, v0;
	_ =	sdelay $0x1  }
0xc1: {  	v4 =	vadd.s32 v1, v4;
	_ =	sdelay $0x3  }
0xc2: {  	s10 =	simm.s32 $0xC080  }
0xc3: {  	[tilespmem:s10], [sflag:$0x2] =	stream.indirect_vreg.gather [hbm4b:s2+s3], $0x80, v4, vm0, $0xb8;
	[tilespmem:$0x10080] =	vst v63  }
0xc4: {  	s23 =	simm.s32 $0xC880;
	v3 =	vperm.xlane v3, v2  }
0xc5: {  	[tilespmem:s23], [sflag:$0x2] =	stream.indirect_vreg.gather [hbm4b:s5+s3], $0x80, v4, vm0, $0xb8;
	[tilespmem:$0x10080] =	vst v63  }
0xc6: {  	v3 =	vadd.s32 v1, v3;
	s10 =	simm.s32 $0xD080  }
0xc7: {  	[tilespmem:s10], [sflag:$0x2] =	stream.indirect_vreg.gather [hbm4b:s6+s3], $0x80, v4, vm0, $0xb8;
	[tilespmem:$0x10080] =	vst v63  }
0xc8: {  	s23 =	simm.s32 $0xD880  }
0xc9: {  	[tilespmem:s23], [sflag:$0x2] =	stream.indirect_vreg.gather [hbm4b:s7+s3], $0x80, v4, vm0, $0xb8;
	[tilespmem:$0x10080] =	vst v63  }
0xca: {  	s10 =	simm.s32 $0xE080  }
0xcb: {  	[tilespmem:s10], [sflag:$0x2] =	stream.indirect_vreg.gather [hbm4b:s2+s3], $0x80, v3, vm0, $0xb8;
	[tilespmem:$0x10080] =	vst v63  }
0xcc: {  	s23 =	simm.s32 $0xE880  }
0xcd: {  	[tilespmem:s23], [sflag:$0x2] =	stream.indirect_vreg.gather [hbm4b:s5+s3], $0x80, v3, vm0, $0xb8;
	[tilespmem:$0x10080] =	vst v63  }
0xce: {  	s10 =	simm.s32 $0xF080  }
0xcf: {  	[tilespmem:s10], [sflag:$0x2] =	stream.indirect_vreg.gather [hbm4b:s6+s3], $0x80, v3, vm0, $0xb8;
	[tilespmem:$0x10080] =	vst v63  }
0xd0: {  	s23 =	simm.s32 $0xF880  }
0xd1: {  	[tilespmem:s23], [sflag:$0x2] =	stream.indirect_vreg.gather [hbm4b:s7+s3], $0x80, v3, vm0, $0xb8;
	[tilespmem:$0x10080] =	vst v63  }
0xd2: {  	_ =	swait.ge [sflag:s9], $0x8000  }
0xd3: {  	[sflag:s9] =	ssyncset.done $0x0  }
0xd4: {  	s0 =	rddreg [dreg:$0x6];
	[sflag:s9] =	ssyncadd.s32 $0xFFFF8000  }
0xd5: {  	[hbm4b:s0+s3] =	stream.linear.scatter [tilespmem:s26], [sflag:$0x3], $0x8000, $0x38;
	[tilespmem:$0x10080] =	vst v63  }
0xd6: {  	_ =	swait.ge [sflag:s4], $0x8000  }
0xd7: {  	[sflag:s4] =	ssyncset.done $0x0  }
0xd8: {  	s10 =	rddreg [dreg:$0x7];
	[sflag:s4] =	ssyncadd.s32 $0xFFFF8000  }
0xd9: {  	[hbm4b:s10+s3] =	stream.linear.scatter [tilespmem:s20], [sflag:$0x4], $0x8000, $0x38;
	[tilespmem:$0x10080] =	vst v63  }
0xda: {  	p0 =	sne.s32 s8, $0x1;
	_ =	swait.ge [sflag:s21], $0x8000  }
.Ltmp0:
0xdb: {  	[sflag:s21] =	ssyncset.done $0x0;
	(pc) =	sbr.rel @p0 .LBB2_1-.Ltmp0, $4  }
0xdc: {  	[sflag:s21] =	ssyncadd.s32 $0xFFFF8000  }
0xdd: {  	_ =	swait.ge [sflag:s22], $0x8000  }
0xde: {  	[sflag:s22] =	ssyncset.done $0x0  }
0xdf: {  	s8 =	sadd.s32 $0xFFFFFFFF, s8;
	[sflag:s22] =	ssyncadd.s32 $0xFFFF8000  }
0xe0: {  	_ =	sfence.sel $0x180000  }
0xe1: {  	[bflag:$0x0] =	sbarrier.arrive $0xFFFF  }
0xe2: {  	_ =	strace $0x90000047  }
0xe3: {  	s0 =	stileid.u32;
	[bflag:$0x2] =	sbarrier.arrive $0xFFFF  }
0xe4: {  	p0 =	sne.s32 s0, $0x0;
	s0 =	rddreg [dreg:$0x3]  }
0xe5: {  	s0 =	sadd.s32 @!p0 $0x100000, s0  }
0xe6: {  	[sflag:s0] =	ssyncadd.tile.s32 @!p0 $0x1;
	_ =	shalt  }
.Lfunc_end2:
_tile_overlayer_lowered:
.L_overlay_start_2:
0xe7: {  	(tag) =	ssettag $0x2  }
0xe8: {  	s0 =	rddreg [dreg:$0x0];
	s2 =	stileid.u32  }
0xe9: {  	s1 =	rddreg [dreg:$0x1];
	p0 =	sne.s32 s2, $0x0  }
0xea: {  	s3 =	rddreg [dreg:$0x2];
	[bflag:$0x3] =	sbarrier.arrive $0xFFFF;
	s2 =	simm.s32 @!p0 $0x1C05  }
0xeb: {  	[timem:s3], [sflag:s2] =	dma.local @!p0 [hbm:s0], s1  }
0xec: {  	s0 =	simm.s32 @!p0 $0x5  }
0xed: {  	_ =	swait.ge @!p0 [sflag:s0], s1  }
0xee: {  	s1 =	ssub.s32 @!p0 $0x0, s1;
	[sflag:s0] =	ssyncset.done @!p0 $0x0  }
0xef: {  	[sflag:s0] =	ssyncadd.s32 @!p0 s1  }
0xf0: {  	[bflag:$0x3] =	sbarrier.arrive $0xFFFF  }
0xf1: {  	_ =	shalt  }

// kernel: kernel.13.cloned.1.call-start
scs
__scs_entry_jumppad:
0x0: {  	(pc) =	sbr.rel $0x88, $3  }
0x1: {  	(tag) =	ssettag $0x0;
	lr =	simm.s32 $0x1  }
0x2: {  	[smem:$0x3F94] =	sst lr;
	_ =	strace $0xD0000000  }
0x3: {  	_ = 	snop  }
0x4: {  	_ = 	snop  }
0x5: {  	_ = 	snop  }
0x6: {  	_ = 	snop  }
0x7: {  	_ = 	snop  }
__scs_overlays_trampoline_lowered:
0x8: {  	[smem:$0x3FA3] =	sst s0  }
0x9: {  	[smem:$0x3FA4] =	sst s1  }
0xa: {  	[smem:$0x3FA5] =	sst s2  }
0xb: {  	[smem:$0x3FA6] =	sst s3  }
0xc: {  	[smem:$0x3FA7] =	sst s4  }
0xd: {  	[smem:$0x3FA8] =	sst s5  }
0xe: {  	[smem:$0x3FA9] =	sst s6  }
0xf: {  	[smem:$0x3FAA] =	sst s7  }
0x10: {  	[smem:$0x3FAB] =	sst s8  }
0x11: {  	[smem:$0x3FAC] =	sst s9;
	s0 =	simm.s32 @!p0 $0x0  }
0x12: {  	s1 =	sld [smem:$0x3F92];
	s0 =	simm.s32 @p0 $0x1  }
0x13: {  	[smem:$0x3FAD] =	sst s0;
	s0 =	simm.s32 @!p1 $0x0  }
0x14: {  	s2 =	sld [smem:$0x3F91];
	s0 =	simm.s32 @p1 $0x1  }
0x15: {  	[smem:$0x3FAE] =	sst s0;
	s0 =	simm.s32 @!p2 $0x0  }
0x16: {  	s3 =	sld [smem:$0x3FDB];
	s0 =	simm.s32 @p2 $0x1  }
0x17: {  	s4 =	simm.s32 $0x1BF5;
	[smem:$0x3FB0] =	sst s0  }
0x18: {  	s0 =	sld [smem:$0x3F93];
	_ =	swait.ge [sflag:s4], $0x0  }
0x19: {  	s7 =	sld [smem:$0x3F94]  }
0x1a: {  	s8 =	sadd.s32 $0xFFFFE003, lr  }
0x1b: {  	s9 =	sadd.s32 $0xFFFFFEF7, lr;
	s5 =	simm.s32 $0xFFFFFFFF;
	p2 =	slt.u32 s8, $0xFFFFF086  }
0x1c: {  	p1 =	slt.u32 s9, $0xF7A;
	s5 =	simm.s32 @!p2 $0x0  }
0x1d: {  	s5 =	simm.s32 @p1 $0x1;
	p0 =	seq.s32 s7, s2  }
0x1e: {  	s7 =	smul.u32 @!p0 $0xF7A, s2;
	p2 =	seq.s32 @!p0 s5, $0x0  }
0x1f: {  	s9 =	smul.u32 $0xF7A, s1;
	s8 =	simm.s32 @!p0 $0x1BF5;
	p2 =	por !p2, p0  }
0x20: {  	[sflag:s8] =	ssyncset.s32 @!p0 $0xFFFFF086;
	s6 =	sadd.s32 @!p0 s3, s7;
	s7 =	simm.s32 @!p0 $0x108  }
0x21: {  	s3 =	sadd.s32 s3, s9;
	s6 =	sadd.s32 @!p0 $0x88, s6;
	s7 =	simm.s32 @p2 $0x1082  }
0x22: {  	[simem:s7], [sflag:s8] =	dma.local @!p0 [hbm:s6], $0xF7A  }
0x23: {  	s9 =	sor.u32 $0xD0000000, s2;
	s6 =	simm.s32 $0x108;
	_ =	swait.ge @!p0 [sflag:s8], $0x0  }
0x24: {  	s3 =	sadd.s32 $0x88, s3;
	s6 =	simm.s32 @!p1 $0x1082;
	[sflag:s4] =	ssyncset.s32 $0xFFFFF086  }
0x25: {  	[simem:s6], [sflag:s4] =	dma.local [hbm:s3], $0xF7A  }
0x26: {  	[smem:$0x3F94] =	sst s1;
	(tag) =	ssettag s2;
	_ =	strace s9  }
0x27: {  	s1 =	sld [smem:$0x3FA4]  }
0x28: {  	s2 =	sld [smem:$0x3FA5]  }
0x29: {  	s4 =	sld [smem:$0x3FA7]  }
0x2a: {  	p0 =	seq.s32 s5, $0x0;
	s5 =	sld [smem:$0x3FA8]  }
0x2b: {  	s6 =	sld [smem:$0x3FA9]  }
0x2c: {  	s7 =	sld [smem:$0x3FAA]  }
0x2d: {  	s3 =	simm.s32 $0x108;
	s8 =	sld [smem:$0x3FAB]  }
0x2e: {  	s3 =	simm.s32 @!p0 $0x1082;
	s9 =	sld [smem:$0x3FAC]  }
0x2f: {  	lr =	sadd.s32 s0, s3;
	s0 =	sld [smem:$0x3FA3]  }
0x30: {  	s3 =	sld [smem:$0x3FA6]  }
0x31: {  	[smem:$0x3FAF] =	sst s10  }
0x32: {  	s10 =	sld [smem:$0x3FAD];
	_ =	sdelay $0x3  }
0x33: {  	p0 =	seq.s32 s10, $0x1;
	s10 =	sld [smem:$0x3FAF];
	_ =	sdelay $0x3  }
0x34: {  	[smem:$0x3FAF] =	sst s10  }
0x35: {  	s10 =	sld [smem:$0x3FAE];
	_ =	sdelay $0x3  }
0x36: {  	p1 =	seq.s32 s10, $0x1;
	s10 =	sld [smem:$0x3FAF];
	_ =	sdelay $0x3  }
0x37: {  	[smem:$0x3FAF] =	sst s10  }
0x38: {  	s10 =	sld [smem:$0x3FB0]  }
0x39: {  	_ = 	snop;
	(pc) =	sbr.ind lr, $3  }
0x3a: {  	_ = 	snop  }
0x3b: {  	_ = 	snop  }
0x3c: {  	p2 =	seq.s32 s10, $0x1;
	s10 =	sld [smem:$0x3FAF]  }
0x3d: {  	_ =	shalt  }
0x3e: {  	_ =	shalt  }
0x3f: {  	_ =	shalt  }
0x40: {  	_ =	shalt  }
0x41: {  	_ =	shalt  }
0x42: {  	_ =	shalt  }
0x43: {  	_ =	shalt  }
0x44: {  	_ =	shalt  }
0x45: {  	_ =	shalt  }
0x46: {  	_ =	shalt  }
0x47: {  	_ =	shalt  }
0x48: {  	_ =	shalt  }
0x49: {  	_ =	shalt  }
0x4a: {  	_ =	shalt  }
0x4b: {  	_ =	shalt  }
0x4c: {  	_ =	shalt  }
0x4d: {  	_ =	shalt  }
0x4e: {  	_ =	shalt  }
0x4f: {  	_ =	shalt  }
0x50: {  	_ =	shalt  }
0x51: {  	_ =	shalt  }
0x52: {  	_ =	shalt  }
0x53: {  	_ =	shalt  }
0x54: {  	_ =	shalt  }
0x55: {  	_ =	shalt  }
0x56: {  	_ =	shalt  }
0x57: {  	_ =	shalt  }
0x58: {  	_ =	shalt  }
0x59: {  	_ =	shalt  }
0x5a: {  	_ =	shalt  }
0x5b: {  	_ =	shalt  }
0x5c: {  	_ =	shalt  }
0x5d: {  	_ =	shalt  }
0x5e: {  	_ =	shalt  }
0x5f: {  	_ =	shalt  }
0x60: {  	_ =	shalt  }
0x61: {  	_ =	shalt  }
0x62: {  	_ =	shalt  }
0x63: {  	_ =	shalt  }
0x64: {  	_ =	shalt  }
0x65: {  	_ =	shalt  }
0x66: {  	_ =	shalt  }
0x67: {  	_ =	shalt  }
0x68: {  	_ =	shalt  }
0x69: {  	_ =	shalt  }
0x6a: {  	_ =	shalt  }
0x6b: {  	_ =	shalt  }
0x6c: {  	_ =	shalt  }
0x6d: {  	_ =	shalt  }
0x6e: {  	_ =	shalt  }
0x6f: {  	_ =	shalt  }
0x70: {  	_ =	shalt  }
0x71: {  	_ =	shalt  }
0x72: {  	_ =	shalt  }
0x73: {  	_ =	shalt  }
0x74: {  	_ =	shalt  }
0x75: {  	_ =	shalt  }
0x76: {  	_ =	shalt  }
0x77: {  	_ =	shalt  }
0x78: {  	_ =	shalt  }
0x79: {  	_ =	shalt  }
0x7a: {  	_ =	shalt  }
0x7b: {  	_ =	shalt  }
0x7c: {  	_ =	shalt  }
0x7d: {  	_ =	shalt  }
0x7e: {  	_ =	shalt  }
0x7f: {  	_ =	shalt  }
0x80: {  	_ =	shalt  }
0x81: {  	_ =	shalt  }
0x82: {  	_ =	shalt  }
0x83: {  	_ =	shalt  }
0x84: {  	_ =	shalt  }
0x85: {  	_ =	shalt  }
0x86: {  	_ =	shalt  }
0x87: {  	_ =	shalt  }
.Lfunc_end0:
.L_simem_size_0:
called_computation.1_lowered:
.L_overlay_start_0:
0x88: {  	s2 =	sld [smem:$0x3FD9]  }
0x89: {  	s3 =	sld [smem:$0x3FFE];
	_ =	sdelay $0x1  }
0x8a: {  	s1 =	srdreg.scid  }
0x8b: {  	s0 =	sand.u32 $0x1, s1  }
0x8c: {  	s17 =	sshll.u32 s0, $0xA;
	s2 =	sadd.s32 s3, s2  }
0x8d: {  	s2 =	sadd.s32 s2, s17  }
0x8e: {  	[smem:$0x3FBB] =	sst s2  }
0x8f: {  	_ = 	snop  }
0x90: {  	s18 =	sld [smem:$0x3FC7];
	(tm) =	ssettm $0x1  }
0x91: {  	s19 =	sld [smem:$0x3FFB];
	_ =	sdelay $0x3  }
0x92: {  	_ =	strace s19  }
0x93: {  	s2 =	sld [smem:$0x3FFC];
	_ =	sdelay $0x3  }
0x94: {  	_ =	strace s2  }
0x95: {  	s2 =	sld [smem:$0x3FFD];
	_ =	sdelay $0x3  }
0x96: {  	_ =	strace s2  }
0x97: {  	_ =	strace $0x8FFFFFFF  }
0x98: {  	s20 =	sld [smem:$0x3FDB];
	_ =	sdelay $0x1  }
0x99: {  	s4 =	simm.s32 $_scs_section_size  }
0x9a: {  	s5 =	simm.s32 $_size__tile_overlayer_lowered;
	s6 =	simm.s32 $_tile_overlayer_lowered  }
0x9b: {  	s7 =	simm.s32 $0x1BFF;
	s21 =	sshll.u32 s6, $0x1;
	s4 =	sadd.s32 s4, s20  }
0x9c: {  	s22 =	simm.s32 $0x0;
	s5 =	sshll.u32 s5, $0x1;
	s6 =	sadd.s32 s21, s4  }
0x9d: {  	[timem:s22], [sflag:s7] =	dma.local [hbm:s6], s5  }
0x9e: {  	_ =	swait.ge [sflag:s7], s5  }
0x9f: {  	s5 =	ssub.s32 $0x0, s5;
	[sflag:s7] =	ssyncset.done $0x0  }
0xa0: {  	[sflag:s7] =	ssyncadd.s32 s5;
	_ =	sdelay $0x1  }
0xa1: {  	s23 =	simm.s32 $0x1B8B  }
0xa2: {  	_ =	swait.ge [sflag:s23], $0x1  }
0xa3: {  	[sflag:s23] =	ssyncset.done $0x0  }
0xa4: {  	[sflag:s23] =	ssyncadd.s32 $0xFFFFFFFF  }
0xa5: {  	s5 =	sld [smem:$0x0]  }
0xa6: {  	s6 =	sand.u32 $0xFFFFFFFE, s1  }
0xa7: {  	p0 =	sne.s32 s1, s6  }
0xa8: {  	s6 =	sshll.u32 @p0 s6, $0xE  }
0xa9: {  	s6 =	sadd.s32 @p0 $0x11B8D, s6;
	s7 =	sshll.u32 @p0 s5, $0x11  }
0xaa: {  	s6 =	sor.u32 @p0 s7, s6  }
0xab: {  	[sflag:s6] =	ssyncadd.remote.s32 @p0 $0x1;
	_ =	sdelay $0x1  }
0xac: {  	s6 =	simm.s32 @p0 $0x1B8D  }
0xad: {  	_ =	swait.eq @p0 [sflag:s6], $0x1  }
0xae: {  	[sflag:s6] =	ssyncadd.s32 @p0 $0xFFFFFFFF  }
0xaf: {  	s7 =	sshll.u32 @!p0 s1, $0xE  }
0xb0: {  	s7 =	sor.u32 @!p0 $0x4000, s7;
	s6 =	simm.s32 @!p0 $0x1B8D  }
0xb1: {  	s5 =	sshll.u32 @!p0 s5, $0x11;
	s7 =	sadd.s32 @!p0 $0x11B8D, s7;
	_ =	swait.eq @!p0 [sflag:s6], $0x1  }
0xb2: {  	s5 =	sor.u32 @!p0 s5, s7;
	[sflag:s6] =	ssyncadd.s32 @!p0 $0xFFFFFFFF  }
0xb3: {  	s25 =	simm.s32 $0x1B8E;
	s24 =	sld [smem:$0x3FFE];
	[sflag:s5] =	ssyncadd.remote.s32 @!p0 $0x1  }
0xb4: {  	s26 =	simm.s32 $execute0_lowered;
	[smem:$0x3FD2] =	sst s25  }
0xb5: {  	s6 =	sshll.u32 s26, $0x1;
	_ =	strace $0x80000049;
	[dreg:$0x1] =	wrdreg $0xFFFFFFFF  }
0xb6: {  	s28 =	simm.s32 $_size_execute0_lowered;
	s4 =	sadd.s32 s4, s6;
	[dreg:$0x0] =	wrdreg $0x0  }
0xb7: {  	s6 =	sshll.u32 s28, $0x1;
	[dreg:$0x2] =	wrdreg s4  }
0xb8: {  	[dreg:$0x3] =	wrdreg s6  }
0xb9: {  	[dreg:$0x4] =	wrdreg $0xC0  }
0xba: {  	_ =	task [dreg:s22], $0x5FFFF  }
0xbb: {  	[dreg:$0x1] =	wrdreg $0xFFFFFFFF  }
0xbc: {  	[dreg:$0x0] =	wrdreg $0x60  }
0xbd: {  	[dreg:$0x2] =	wrdreg s24  }
0xbe: {  	[dreg:$0x3] =	wrdreg s18  }
0xbf: {  	[dreg:$0x4] =	wrdreg $0xA  }
0xc0: {  	_ =	task.clear_ibuf [dreg:s22], $0x5FFFF;
	_ =	strace $0x90000049  }
0xc1: {  	s29 =	simm.s32 $0xA;
	_ =	strace $0x8000004B  }
0xc2: {  	_ =	swait.ge [sflag:s29], $0x1  }
0xc3: {  	[sflag:s29] =	ssyncadd.s32 $0xFFFFFFFF  }
0xc4: {  	_ =	strace $0x9000004B  }
0xc5: {  	_ =	sfence  }
0xc6: {  	s30 =	sld [smem:$0x0];
	_ =	sdelay $0x2  }
0xc7: {  	s31 =	sshll.u32 s1, $0xD;
	s1 =	sshrl.u32 s1, $0x2  }
0xc8: {  	s4 =	sand.u32 $0x4000, s31;
	s1 =	sadd.s32 s1, s30  }
0xc9: {  	s0 =	sor.u32 s4, s0;
	s1 =	sshll.u32 s1, $0x11  }
0xca: {  	s0 =	sor.u32 s1, s0  }
0xcb: {  	s0 =	sadd.s32 $0x8F2B, s0  }
0xcc: {  	[sflag:s0] =	ssyncadd.remote.s32 $0x1  }
0xcd: {  	_ =	sfence.sel $0xFFFF  }
0xce: {  	[dreg:$0x0] =	wrdreg $0xFFFFFFFF;
	(pc) =	sbr.abs _section_cstart, $3  }
0xcf: {  	[dreg:$0x1] =	wrdreg $0xFFFFFFFF  }
0xd0: {  	_ =	task.clear_ibuf [dreg:s22], $0x2FFFF;
	_ =	strace $0x9FFFFFFF  }
0xd1: {  	(tm) =	ssettm $0x7FFFFFFF  }
tec
execute0_lowered:
.L_overlay_start_1:
0x0: {  	(tag) =	ssettag $0x1  }
0x1: {  	s0 =	rddreg [dreg:$0x0]  }
0x2: {  	s2 =	rddreg [dreg:$0x1];
	s1 =	srdreg.scid  }
0x3: {  	s4 =	stileid.u32;
	s3 =	simm.s32 $0x0;
	s8 =	simm.s32 $0x1  }
0x4: {  	s19 =	simm.s32 $0x3;
	s20 =	simm.s32 $0x2;
	s21 =	simm.s32 $0x4  }
0x5: {  	s23 =	simm.s32 $0x880;
	s24 =	simm.s32 $0x1080;
	s28 =	simm.s32 $0x2080  }
0x6: {  	s29 =	simm.s32 $0x2880;
	s30 =	simm.s32 $0x3080;
	s31 =	simm.s32 $0x3880  }
0x7: {  	s10 =	simm.s32 $0x5080;
	s11 =	simm.s32 $0x5880;
	s12 =	simm.s32 $0x6080  }
0x8: {  	s13 =	simm.s32 $0x6880;
	s14 =	simm.s32 $0x7080;
	s1 =	sand.u32 $0x1, s1  }
0x9: {  	s15 =	simm.s32 $0x7880;
	s4 =	sshll.u32 s4, $0x8;
	s5 =	sshll.u32 s1, $0x7  }
0xa: {  	s18 =	simm.s32 $0x8080;
	s16 =	simm.s32 $0x8880;
	s4 =	sor.u32 s5, s4  }
0xb: {  	s17 =	simm.s32 $0x9080;
	[smem:$0x7FF] =	sst s3;
	s5 =	sshrl.u32 s4, $0x3  }
0xc: {  	_ =	strace $0x8000004A;
	s4 =	sshll.u32 s4, $0x7;
	s5 =	sadd.s32 s5, s0  }
0xd: {  	s1 =	ssub.s32 $0x2, s1;
	s0 =	sadd.s32 s4, s0;
	s5 =	sadd.s32 $0x3200, s5  }
0xe: {  	s25 =	sshrl.u32 s1, $0x1;
	s26 =	sadd.s32 $0x3800, s0;
	[dreg:$0x3] =	wrdreg s5  }
0xf: {  	s1 =	ssub.s32 s1, s25;
	s6 =	sadd.s32 $0x4800, s0;
	[dreg:$0x4] =	wrdreg s26  }
0x10: {  	s25 =	simm.s32 $0x80;
	s7 =	sadd.s32 $0x5800, s0;
	[dreg:$0x5] =	wrdreg s6  }
0x11: {  	v2 =	vlaneseq.u32;
	s4 =	sadd.s32 $0x100, s2;
	s0 =	sadd.s32 $0x6800, s0;
	[dreg:$0x6] =	wrdreg s7  }
0x12: {  	vm0 =	vmmov $0xffff;
	v1 =	vshrl.u32 v2, $0x3;
	s5 =	sadd.s32 $0x200, s2;
	s6 =	sadd.s32 $0x300, s2;
	[dreg:$0x7] =	wrdreg s0  }
0x13: {  	v0 =	vand.u32 $0x7, v2;
	v2 =	vor.u32 $0x8, v2;
	v1 =	vmul.u32 $0x8, v1;
	s7 =	smax.u32 s1, $0x1;
	s26 =	simm.s32 $0x1880;
	s1 =	simm.s32 $0x4880  }
.LBB2_1:
0x14: {  	s22 =	rddreg [dreg:$0x3];
	s0 =	simm.s32 $0x5  }
0x15: {  	[tilespmem:s3], [sflag:$0x5] =	stream.linear.gather [hbm4b:s22+s3], $0x80, $0x38;
	[tilespmem:$0x10080] =	vst v63  }
0x16: {  	_ =	swait.ge [sflag:s0], $0x80  }
0x17: {  	[sflag:s0] =	ssyncset.done $0x0  }
0x18: {  	[sflag:s0] =	ssyncadd.s32 $0xFFFFFF80  }
0x19: {  	v3 =	vld [tilespmem:$0x0];
	_ =	sdelay $0x4  }
0x1a: {  	v4 =	vshll.u32 v3, $0x3  }
0x1b: {  	v3 =	vand.u32 $0x7, v3;
	v4 =	vand.u32 $0xFFFFFFC0, v4  }
0x1c: {  	v3 =	vor.u32 v3, v4  }
0x1d: {  	v4 =	vperm.xlane v3, v0;
	_ =	sdelay $0x1  }
0x1e: {  	v4 =	vadd.s32 v1, v4;
	_ =	sdelay $0x4  }
0x1f: {  	[tilespmem:s25], [sflag:$0x1] =	stream.indirect_vreg.gather [hbm4b:s2+s3], $0x80, v4, vm0, $0xb8;
	[tilespmem:$0x10080] =	vst v63  }
0x20: {  	v3 =	vperm.xlane v3, v2  }
0x21: {  	[tilespmem:s23], [sflag:$0x1] =	stream.indirect_vreg.gather [hbm4b:s4+s3], $0x80, v4, vm0, $0xb8;
	[tilespmem:$0x10080] =	vst v63  }
0x22: {  	v3 =	vadd.s32 v1, v3  }
0x23: {  	[tilespmem:s24], [sflag:$0x1] =	stream.indirect_vreg.gather [hbm4b:s5+s3], $0x80, v4, vm0, $0xb8;
	[tilespmem:$0x10080] =	vst v63  }
0x24: {  	_ = 	snop  }
0x25: {  	[tilespmem:s26], [sflag:$0x1] =	stream.indirect_vreg.gather [hbm4b:s6+s3], $0x80, v4, vm0, $0xb8;
	[tilespmem:$0x10080] =	vst v63  }
0x26: {  	_ = 	snop  }
0x27: {  	[tilespmem:s28], [sflag:$0x1] =	stream.indirect_vreg.gather [hbm4b:s2+s3], $0x80, v3, vm0, $0xb8;
	[tilespmem:$0x10080] =	vst v63  }
0x28: {  	_ = 	snop  }
0x29: {  	[tilespmem:s29], [sflag:$0x1] =	stream.indirect_vreg.gather [hbm4b:s4+s3], $0x80, v3, vm0, $0xb8;
	[tilespmem:$0x10080] =	vst v63  }
0x2a: {  	_ = 	snop  }
0x2b: {  	[tilespmem:s30], [sflag:$0x1] =	stream.indirect_vreg.gather [hbm4b:s5+s3], $0x80, v3, vm0, $0xb8;
	[tilespmem:$0x10080] =	vst v63  }
0x2c: {  	_ = 	snop  }
0x2d: {  	[tilespmem:s31], [sflag:$0x1] =	stream.indirect_vreg.gather [hbm4b:s6+s3], $0x80, v3, vm0, $0xb8;
	[tilespmem:$0x10080] =	vst v63  }
0x2e: {  	v3 =	vld [tilespmem:$0x10];
	_ =	sdelay $0x4  }
0x2f: {  	v57 =	vshll.u32 v3, $0x3  }
0x30: {  	v3 =	vand.u32 $0x7, v3;
	v4 =	vand.u32 $0xFFFFFFC0, v57  }
0x31: {  	v3 =	vor.u32 v3, v4  }
0x32: {  	v4 =	vperm.xlane v3, v0;
	_ =	sdelay $0x1  }
0x33: {  	v4 =	vadd.s32 v1, v4;
	_ =	sdelay $0x3  }
0x34: {  	s0 =	simm.s32 $0x4080  }
0x35: {  	[tilespmem:s0], [sflag:$0x1] =	stream.indirect_vreg.gather [hbm4b:s2+s3], $0x80, v4, vm0, $0xb8;
	[tilespmem:$0x10080] =	vst v63  }
0x36: {  	v3 =	vperm.xlane v3, v2  }
0x37: {  	[tilespmem:s1], [sflag:$0x1] =	stream.indirect_vreg.gather [hbm4b:s4+s3], $0x80, v4, vm0, $0xb8;
	[tilespmem:$0x10080] =	vst v63  }
0x38: {  	v3 =	vadd.s32 v1, v3  }
0x39: {  	[tilespmem:s10], [sflag:$0x1] =	stream.indirect_vreg.gather [hbm4b:s5+s3], $0x80, v4, vm0, $0xb8;
	[tilespmem:$0x10080] =	vst v63  }
0x3a: {  	_ = 	snop  }
0x3b: {  	[tilespmem:s11], [sflag:$0x1] =	stream.indirect_vreg.gather [hbm4b:s6+s3], $0x80, v4, vm0, $0xb8;
	[tilespmem:$0x10080] =	vst v63  }
0x3c: {  	_ = 	snop  }
0x3d: {  	[tilespmem:s12], [sflag:$0x1] =	stream.indirect_vreg.gather [hbm4b:s2+s3], $0x80, v3, vm0, $0xb8;
	[tilespmem:$0x10080] =	vst v63  }
0x3e: {  	_ = 	snop  }
0x3f: {  	[tilespmem:s13], [sflag:$0x1] =	stream.indirect_vreg.gather [hbm4b:s4+s3], $0x80, v3, vm0, $0xb8;
	[tilespmem:$0x10080] =	vst v63  }
0x40: {  	_ = 	snop  }
0x41: {  	[tilespmem:s14], [sflag:$0x1] =	stream.indirect_vreg.gather [hbm4b:s5+s3], $0x80, v3, vm0, $0xb8;
	[tilespmem:$0x10080] =	vst v63  }
0x42: {  	_ = 	snop  }
0x43: {  	[tilespmem:s15], [sflag:$0x1] =	stream.indirect_vreg.gather [hbm4b:s6+s3], $0x80, v3, vm0, $0xb8;
	[tilespmem:$0x10080] =	vst v63  }
0x44: {  	v3 =	vld [tilespmem:$0x20];
	_ =	sdelay $0x4  }
0x45: {  	v58 =	vshll.u32 v3, $0x3  }
0x46: {  	v3 =	vand.u32 $0x7, v3;
	v4 =	vand.u32 $0xFFFFFFC0, v58  }
0x47: {  	v3 =	vor.u32 v3, v4  }
0x48: {  	v4 =	vperm.xlane v3, v0;
	_ =	sdelay $0x1  }
0x49: {  	v4 =	vadd.s32 v1, v4;
	_ =	sdelay $0x4  }
0x4a: {  	[tilespmem:s18], [sflag:$0x2] =	stream.indirect_vreg.gather [hbm4b:s2+s3], $0x80, v4, vm0, $0xb8;
	[tilespmem:$0x10080] =	vst v63  }
0x4b: {  	v3 =	vperm.xlane v3, v2  }
0x4c: {  	[tilespmem:s16], [sflag:$0x2] =	stream.indirect_vreg.gather [hbm4b:s4+s3], $0x80, v4, vm0, $0xb8;
	[tilespmem:$0x10080] =	vst v63  }
0x4d: {  	v3 =	vadd.s32 v1, v3  }
0x4e: {  	[tilespmem:s17], [sflag:$0x2] =	stream.indirect_vreg.gather [hbm4b:s5+s3], $0x80, v4, vm0, $0xb8;
	[tilespmem:$0x10080] =	vst v63  }
0x4f: {  	s9 =	simm.s32 $0x9880  }
0x50: {  	[tilespmem:s9], [sflag:$0x2] =	stream.indirect_vreg.gather [hbm4b:s6+s3], $0x80, v4, vm0, $0xb8;
	[tilespmem:$0x10080] =	vst v63  }
0x51: {  	s9 =	simm.s32 $0xA080  }
0x52: {  	[tilespmem:s9], [sflag:$0x2] =	stream.indirect_vreg.gather [hbm4b:s2+s3], $0x80, v3, vm0, $0xb8;
	[tilespmem:$0x10080] =	vst v63  }
0x53: {  	s22 =	simm.s32 $0xA880  }
0x54: {  	[tilespmem:s22], [sflag:$0x2] =	stream.indirect_vreg.gather [hbm4b:s4+s3], $0x80, v3, vm0, $0xb8;
	[tilespmem:$0x10080] =	vst v63  }
0x55: {  	s22 =	simm.s32 $0xB080  }
0x56: {  	[tilespmem:s22], [sflag:$0x2] =	stream.indirect_vreg.gather [hbm4b:s5+s3], $0x80, v3, vm0, $0xb8;
	[tilespmem:$0x10080] =	vst v63  }
0x57: {  	s22 =	simm.s32 $0xB880  }
0x58: {  	[tilespmem:s22], [sflag:$0x2] =	stream.indirect_vreg.gather [hbm4b:s6+s3], $0x80, v3, vm0, $0xb8;
	[tilespmem:$0x10080] =	vst v63  }
0x59: {  	v3 =	vld [tilespmem:$0x30];
	_ =	sdelay $0x4  }
0x5a: {  	v59 =	vshll.u32 v3, $0x3  }
0x5b: {  	v3 =	vand.u32 $0x7, v3;
	v4 =	vand.u32 $0xFFFFFFC0, v59  }
0x5c: {  	v3 =	vor.u32 v3, v4  }
0x5d: {  	v4 =	vperm.xlane v3, v0;
	_ =	sdelay $0x1  }
0x5e: {  	v4 =	vadd.s32 v1, v4;
	_ =	sdelay $0x3  }
0x5f: {  	s22 =	simm.s32 $0xC080  }
0x60: {  	[tilespmem:s22], [sflag:$0x2] =	stream.indirect_vreg.gather [hbm4b:s2+s3], $0x80, v4, vm0, $0xb8;
	[tilespmem:$0x10080] =	vst v63  }
0x61: {  	v3 =	vperm.xlane v3, v2;
	s22 =	simm.s32 $0xC880  }
0x62: {  	[tilespmem:s22], [sflag:$0x2] =	stream.indirect_vreg.gather [hbm4b:s4+s3], $0x80, v4, vm0, $0xb8;
	[tilespmem:$0x10080] =	vst v63  }
0x63: {  	v3 =	vadd.s32 v1, v3;
	s22 =	simm.s32 $0xD080  }
0x64: {  	[tilespmem:s22], [sflag:$0x2] =	stream.indirect_vreg.gather [hbm4b:s5+s3], $0x80, v4, vm0, $0xb8;
	[tilespmem:$0x10080] =	vst v63  }
0x65: {  	s22 =	simm.s32 $0xD880  }
0x66: {  	[tilespmem:s22], [sflag:$0x2] =	stream.indirect_vreg.gather [hbm4b:s6+s3], $0x80, v4, vm0, $0xb8;
	[tilespmem:$0x10080] =	vst v63  }
0x67: {  	s22 =	simm.s32 $0xE080  }
0x68: {  	[tilespmem:s22], [sflag:$0x2] =	stream.indirect_vreg.gather [hbm4b:s2+s3], $0x80, v3, vm0, $0xb8;
	[tilespmem:$0x10080] =	vst v63  }
0x69: {  	s22 =	simm.s32 $0xE880  }
0x6a: {  	[tilespmem:s22], [sflag:$0x2] =	stream.indirect_vreg.gather [hbm4b:s4+s3], $0x80, v3, vm0, $0xb8;
	[tilespmem:$0x10080] =	vst v63  }
0x6b: {  	s22 =	simm.s32 $0xF080  }
0x6c: {  	[tilespmem:s22], [sflag:$0x2] =	stream.indirect_vreg.gather [hbm4b:s5+s3], $0x80, v3, vm0, $0xb8;
	[tilespmem:$0x10080] =	vst v63  }
0x6d: {  	s22 =	simm.s32 $0xF880  }
0x6e: {  	[tilespmem:s22], [sflag:$0x2] =	stream.indirect_vreg.gather [hbm4b:s6+s3], $0x80, v3, vm0, $0xb8;
	[tilespmem:$0x10080] =	vst v63  }
0x6f: {  	_ =	swait.ge [sflag:s8], $0x8000  }
0x70: {  	[sflag:s8] =	ssyncset.done $0x0  }
0x71: {  	s22 =	rddreg [dreg:$0x4];
	[sflag:s8] =	ssyncadd.s32 $0xFFFF8000  }
0x72: {  	[hbm4b:s22+s3] =	stream.linear.scatter [tilespmem:s25], [sflag:$0x3], $0x8000, $0x38;
	[tilespmem:$0x10080] =	vst v63  }
0x73: {  	_ =	swait.ge [sflag:s19], $0x8000  }
0x74: {  	[sflag:s19] =	ssyncset.done $0x0  }
0x75: {  	[sflag:s19] =	ssyncadd.s32 $0xFFFF8000  }
0x76: {  	v3 =	vld [tilespmem:$0x40];
	_ =	sdelay $0x4  }
0x77: {  	v60 =	vshll.u32 v3, $0x3  }
0x78: {  	v3 =	vand.u32 $0x7, v3;
	v4 =	vand.u32 $0xFFFFFFC0, v60  }
0x79: {  	v3 =	vor.u32 v3, v4  }
0x7a: {  	v4 =	vperm.xlane v3, v0;
	_ =	sdelay $0x1  }
0x7b: {  	v4 =	vadd.s32 v1, v4;
	_ =	sdelay $0x4  }
0x7c: {  	[tilespmem:s25], [sflag:$0x1] =	stream.indirect_vreg.gather [hbm4b:s2+s3], $0x80, v4, vm0, $0xb8;
	[tilespmem:$0x10080] =	vst v63  }
0x7d: {  	v3 =	vperm.xlane v3, v2  }
0x7e: {  	[tilespmem:s23], [sflag:$0x1] =	stream.indirect_vreg.gather [hbm4b:s4+s3], $0x80, v4, vm0, $0xb8;
	[tilespmem:$0x10080] =	vst v63  }
0x7f: {  	v3 =	vadd.s32 v1, v3  }
0x80: {  	[tilespmem:s24], [sflag:$0x1] =	stream.indirect_vreg.gather [hbm4b:s5+s3], $0x80, v4, vm0, $0xb8;
	[tilespmem:$0x10080] =	vst v63  }
0x81: {  	_ = 	snop  }
0x82: {  	[tilespmem:s26], [sflag:$0x1] =	stream.indirect_vreg.gather [hbm4b:s6+s3], $0x80, v4, vm0, $0xb8;
	[tilespmem:$0x10080] =	vst v63  }
0x83: {  	_ = 	snop  }
0x84: {  	[tilespmem:s28], [sflag:$0x1] =	stream.indirect_vreg.gather [hbm4b:s2+s3], $0x80, v3, vm0, $0xb8;
	[tilespmem:$0x10080] =	vst v63  }
0x85: {  	_ = 	snop  }
0x86: {  	[tilespmem:s29], [sflag:$0x1] =	stream.indirect_vreg.gather [hbm4b:s4+s3], $0x80, v3, vm0, $0xb8;
	[tilespmem:$0x10080] =	vst v63  }
0x87: {  	_ = 	snop  }
0x88: {  	[tilespmem:s30], [sflag:$0x1] =	stream.indirect_vreg.gather [hbm4b:s5+s3], $0x80, v3, vm0, $0xb8;
	[tilespmem:$0x10080] =	vst v63  }
0x89: {  	_ = 	snop  }
0x8a: {  	[tilespmem:s31], [sflag:$0x1] =	stream.indirect_vreg.gather [hbm4b:s6+s3], $0x80, v3, vm0, $0xb8;
	[tilespmem:$0x10080] =	vst v63  }
0x8b: {  	v3 =	vld [tilespmem:$0x50];
	_ =	sdelay $0x4  }
0x8c: {  	v61 =	vshll.u32 v3, $0x3  }
0x8d: {  	v3 =	vand.u32 $0x7, v3;
	v4 =	vand.u32 $0xFFFFFFC0, v61  }
0x8e: {  	v3 =	vor.u32 v3, v4  }
0x8f: {  	v4 =	vperm.xlane v3, v0;
	_ =	sdelay $0x1  }
0x90: {  	v4 =	vadd.s32 v1, v4;
	_ =	sdelay $0x4  }
0x91: {  	[tilespmem:s0], [sflag:$0x1] =	stream.indirect_vreg.gather [hbm4b:s2+s3], $0x80, v4, vm0, $0xb8;
	[tilespmem:$0x10080] =	vst v63  }
0x92: {  	v3 =	vperm.xlane v3, v2  }
0x93: {  	[tilespmem:s1], [sflag:$0x1] =	stream.indirect_vreg.gather [hbm4b:s4+s3], $0x80, v4, vm0, $0xb8;
	[tilespmem:$0x10080] =	vst v63  }
0x94: {  	v3 =	vadd.s32 v1, v3  }
0x95: {  	[tilespmem:s10], [sflag:$0x1] =	stream.indirect_vreg.gather [hbm4b:s5+s3], $0x80, v4, vm0, $0xb8;
	[tilespmem:$0x10080] =	vst v63  }
0x96: {  	_ = 	snop  }
0x97: {  	[tilespmem:s11], [sflag:$0x1] =	stream.indirect_vreg.gather [hbm4b:s6+s3], $0x80, v4, vm0, $0xb8;
	[tilespmem:$0x10080] =	vst v63  }
0x98: {  	_ = 	snop  }
0x99: {  	[tilespmem:s12], [sflag:$0x1] =	stream.indirect_vreg.gather [hbm4b:s2+s3], $0x80, v3, vm0, $0xb8;
	[tilespmem:$0x10080] =	vst v63  }
0x9a: {  	_ = 	snop  }
0x9b: {  	[tilespmem:s13], [sflag:$0x1] =	stream.indirect_vreg.gather [hbm4b:s4+s3], $0x80, v3, vm0, $0xb8;
	[tilespmem:$0x10080] =	vst v63  }
0x9c: {  	_ = 	snop  }
0x9d: {  	[tilespmem:s14], [sflag:$0x1] =	stream.indirect_vreg.gather [hbm4b:s5+s3], $0x80, v3, vm0, $0xb8;
	[tilespmem:$0x10080] =	vst v63  }
0x9e: {  	_ = 	snop  }
0x9f: {  	[tilespmem:s15], [sflag:$0x1] =	stream.indirect_vreg.gather [hbm4b:s6+s3], $0x80, v3, vm0, $0xb8;
	[tilespmem:$0x10080] =	vst v63  }
0xa0: {  	_ =	swait.ge [sflag:s20], $0x8000  }
0xa1: {  	[sflag:s20] =	ssyncset.done $0x0  }
0xa2: {  	s0 =	rddreg [dreg:$0x5];
	[sflag:s20] =	ssyncadd.s32 $0xFFFF8000  }
0xa3: {  	[hbm4b:s0+s3] =	stream.linear.scatter [tilespmem:s18], [sflag:$0x4], $0x8000, $0x38;
	[tilespmem:$0x10080] =	vst v63  }
0xa4: {  	_ =	swait.ge [sflag:s21], $0x8000  }
0xa5: {  	[sflag:s21] =	ssyncset.done $0x0  }
0xa6: {  	[sflag:s21] =	ssyncadd.s32 $0xFFFF8000  }
0xa7: {  	v3 =	vld [tilespmem:$0x60];
	_ =	sdelay $0x4  }
0xa8: {  	v62 =	vshll.u32 v3, $0x3  }
0xa9: {  	v3 =	vand.u32 $0x7, v3;
	v4 =	vand.u32 $0xFFFFFFC0, v62  }
0xaa: {  	v3 =	vor.u32 v3, v4  }
0xab: {  	v4 =	vperm.xlane v3, v0;
	_ =	sdelay $0x1  }
0xac: {  	v4 =	vadd.s32 v1, v4;
	_ =	sdelay $0x4  }
0xad: {  	[tilespmem:s18], [sflag:$0x2] =	stream.indirect_vreg.gather [hbm4b:s2+s3], $0x80, v4, vm0, $0xb8;
	[tilespmem:$0x10080] =	vst v63  }
0xae: {  	v3 =	vperm.xlane v3, v2  }
0xaf: {  	[tilespmem:s16], [sflag:$0x2] =	stream.indirect_vreg.gather [hbm4b:s4+s3], $0x80, v4, vm0, $0xb8;
	[tilespmem:$0x10080] =	vst v63  }
0xb0: {  	v3 =	vadd.s32 v1, v3  }
0xb1: {  	[tilespmem:s17], [sflag:$0x2] =	stream.indirect_vreg.gather [hbm4b:s5+s3], $0x80, v4, vm0, $0xb8;
	[tilespmem:$0x10080] =	vst v63  }
0xb2: {  	s22 =	simm.s32 $0x9880  }
0xb3: {  	[tilespmem:s22], [sflag:$0x2] =	stream.indirect_vreg.gather [hbm4b:s6+s3], $0x80, v4, vm0, $0xb8;
	[tilespmem:$0x10080] =	vst v63  }
0xb4: {  	_ = 	snop  }
0xb5: {  	[tilespmem:s9], [sflag:$0x2] =	stream.indirect_vreg.gather [hbm4b:s2+s3], $0x80, v3, vm0, $0xb8;
	[tilespmem:$0x10080] =	vst v63  }
0xb6: {  	s22 =	simm.s32 $0xA880  }
0xb7: {  	[tilespmem:s22], [sflag:$0x2] =	stream.indirect_vreg.gather [hbm4b:s4+s3], $0x80, v3, vm0, $0xb8;
	[tilespmem:$0x10080] =	vst v63  }
0xb8: {  	s9 =	simm.s32 $0xB080  }
0xb9: {  	[tilespmem:s9], [sflag:$0x2] =	stream.indirect_vreg.gather [hbm4b:s5+s3], $0x80, v3, vm0, $0xb8;
	[tilespmem:$0x10080] =	vst v63  }
0xba: {  	s22 =	simm.s32 $0xB880  }
0xbb: {  	[tilespmem:s22], [sflag:$0x2] =	stream.indirect_vreg.gather [hbm4b:s6+s3], $0x80, v3, vm0, $0xb8;
	[tilespmem:$0x10080] =	vst v63  }
0xbc: {  	v3 =	vld [tilespmem:$0x70];
	_ =	sdelay $0x4  }
0xbd: {  	v63 =	vshll.u32 v3, $0x3  }
0xbe: {  	v3 =	vand.u32 $0x7, v3;
	v4 =	vand.u32 $0xFFFFFFC0, v63  }
0xbf: {  	v3 =	vor.u32 v3, v4  }
0xc0: {  	v4 =	vperm.xlane v3, v0;
	_ =	sdelay $0x1  }
0xc1: {  	v4 =	vadd.s32 v1, v4;
	_ =	sdelay $0x3  }
0xc2: {  	s9 =	simm.s32 $0xC080  }
0xc3: {  	[tilespmem:s9], [sflag:$0x2] =	stream.indirect_vreg.gather [hbm4b:s2+s3], $0x80, v4, vm0, $0xb8;
	[tilespmem:$0x10080] =	vst v63  }
0xc4: {  	s22 =	simm.s32 $0xC880;
	v3 =	vperm.xlane v3, v2  }
0xc5: {  	[tilespmem:s22], [sflag:$0x2] =	stream.indirect_vreg.gather [hbm4b:s4+s3], $0x80, v4, vm0, $0xb8;
	[tilespmem:$0x10080] =	vst v63  }
0xc6: {  	v3 =	vadd.s32 v1, v3;
	s9 =	simm.s32 $0xD080  }
0xc7: {  	[tilespmem:s9], [sflag:$0x2] =	stream.indirect_vreg.gather [hbm4b:s5+s3], $0x80, v4, vm0, $0xb8;
	[tilespmem:$0x10080] =	vst v63  }
0xc8: {  	s22 =	simm.s32 $0xD880  }
0xc9: {  	[tilespmem:s22], [sflag:$0x2] =	stream.indirect_vreg.gather [hbm4b:s6+s3], $0x80, v4, vm0, $0xb8;
	[tilespmem:$0x10080] =	vst v63  }
0xca: {  	s9 =	simm.s32 $0xE080  }
0xcb: {  	[tilespmem:s9], [sflag:$0x2] =	stream.indirect_vreg.gather [hbm4b:s2+s3], $0x80, v3, vm0, $0xb8;
	[tilespmem:$0x10080] =	vst v63  }
0xcc: {  	s22 =	simm.s32 $0xE880  }
0xcd: {  	[tilespmem:s22], [sflag:$0x2] =	stream.indirect_vreg.gather [hbm4b:s4+s3], $0x80, v3, vm0, $0xb8;
	[tilespmem:$0x10080] =	vst v63  }
0xce: {  	s9 =	simm.s32 $0xF080  }
0xcf: {  	[tilespmem:s9], [sflag:$0x2] =	stream.indirect_vreg.gather [hbm4b:s5+s3], $0x80, v3, vm0, $0xb8;
	[tilespmem:$0x10080] =	vst v63  }
0xd0: {  	s22 =	simm.s32 $0xF880  }
0xd1: {  	[tilespmem:s22], [sflag:$0x2] =	stream.indirect_vreg.gather [hbm4b:s6+s3], $0x80, v3, vm0, $0xb8;
	[tilespmem:$0x10080] =	vst v63  }
0xd2: {  	_ =	swait.ge [sflag:s8], $0x8000  }
0xd3: {  	[sflag:s8] =	ssyncset.done $0x0  }
0xd4: {  	s0 =	rddreg [dreg:$0x6];
	[sflag:s8] =	ssyncadd.s32 $0xFFFF8000  }
0xd5: {  	[hbm4b:s0+s3] =	stream.linear.scatter [tilespmem:s25], [sflag:$0x3], $0x8000, $0x38;
	[tilespmem:$0x10080] =	vst v63  }
0xd6: {  	_ =	swait.ge [sflag:s20], $0x8000  }
0xd7: {  	[sflag:s20] =	ssyncset.done $0x0  }
0xd8: {  	s9 =	rddreg [dreg:$0x7];
	[sflag:s20] =	ssyncadd.s32 $0xFFFF8000  }
0xd9: {  	[hbm4b:s9+s3] =	stream.linear.scatter [tilespmem:s18], [sflag:$0x4], $0x8000, $0x38;
	[tilespmem:$0x10080] =	vst v63  }
0xda: {  	p0 =	sne.s32 s7, $0x1;
	_ =	swait.ge [sflag:s19], $0x8000  }
.Ltmp0:
0xdb: {  	[sflag:s19] =	ssyncset.done $0x0;
	(pc) =	sbr.rel @p0 .LBB2_1-.Ltmp0, $4  }
0xdc: {  	[sflag:s19] =	ssyncadd.s32 $0xFFFF8000  }
0xdd: {  	_ =	swait.ge [sflag:s21], $0x8000  }
0xde: {  	[sflag:s21] =	ssyncset.done $0x0  }
0xdf: {  	s7 =	sadd.s32 $0xFFFFFFFF, s7;
	[sflag:s21] =	ssyncadd.s32 $0xFFFF8000  }
0xe0: {  	_ =	sfence.sel $0x180000  }
0xe1: {  	[bflag:$0x0] =	sbarrier.arrive $0xFFFF  }
0xe2: {  	_ =	strace $0x9000004A  }
0xe3: {  	s0 =	stileid.u32;
	[bflag:$0x2] =	sbarrier.arrive $0xFFFF  }
0xe4: {  	p0 =	sne.s32 s0, $0x0;
	s0 =	rddreg [dreg:$0x2]  }
0xe5: {  	s0 =	sadd.s32 @!p0 $0x100000, s0  }
0xe6: {  	[sflag:s0] =	ssyncadd.tile.s32 @!p0 $0x1;
	_ =	shalt  }
.Lfunc_end2:
_tile_overlayer_lowered:
.L_overlay_start_2:
0xe7: {  	(tag) =	ssettag $0x2  }
0xe8: {  	s0 =	rddreg [dreg:$0x0];
	s2 =	stileid.u32  }
0xe9: {  	s1 =	rddreg [dreg:$0x1];
	p0 =	sne.s32 s2, $0x0  }
0xea: {  	s3 =	rddreg [dreg:$0x2];
	[bflag:$0x3] =	sbarrier.arrive $0xFFFF;
	s2 =	simm.s32 @!p0 $0x1C05  }
0xeb: {  	[timem:s3], [sflag:s2] =	dma.local @!p0 [hbm:s0], s1  }
0xec: {  	s0 =	simm.s32 @!p0 $0x5  }
0xed: {  	_ =	swait.ge @!p0 [sflag:s0], s1  }
0xee: {  	s1 =	ssub.s32 @!p0 $0x0, s1;
	[sflag:s0] =	ssyncset.done @!p0 $0x0  }
0xef: {  	[sflag:s0] =	ssyncadd.s32 @!p0 s1  }
0xf0: {  	[bflag:$0x3] =	sbarrier.arrive $0xFFFF  }
0xf1: {  	_ =	shalt  }

// kernel: kernel.16.cloned.1.call-start
scs
__scs_entry_jumppad:
0x0: {  	(pc) =	sbr.rel $0x88, $3  }
0x1: {  	(tag) =	ssettag $0x0;
	lr =	simm.s32 $0x1  }
0x2: {  	[smem:$0x3F94] =	sst lr;
	_ =	strace $0xD0000000  }
0x3: {  	_ = 	snop  }
0x4: {  	_ = 	snop  }
0x5: {  	_ = 	snop  }
0x6: {  	_ = 	snop  }
0x7: {  	_ = 	snop  }
__scs_overlays_trampoline_lowered:
0x8: {  	[smem:$0x3FA3] =	sst s0  }
0x9: {  	[smem:$0x3FA4] =	sst s1  }
0xa: {  	[smem:$0x3FA5] =	sst s2  }
0xb: {  	[smem:$0x3FA6] =	sst s3  }
0xc: {  	[smem:$0x3FA7] =	sst s4  }
0xd: {  	[smem:$0x3FA8] =	sst s5  }
0xe: {  	[smem:$0x3FA9] =	sst s6  }
0xf: {  	[smem:$0x3FAA] =	sst s7  }
0x10: {  	[smem:$0x3FAB] =	sst s8  }
0x11: {  	[smem:$0x3FAC] =	sst s9;
	s0 =	simm.s32 @!p0 $0x0  }
0x12: {  	s1 =	sld [smem:$0x3F92];
	s0 =	simm.s32 @p0 $0x1  }
0x13: {  	[smem:$0x3FAD] =	sst s0;
	s0 =	simm.s32 @!p1 $0x0  }
0x14: {  	s2 =	sld [smem:$0x3F91];
	s0 =	simm.s32 @p1 $0x1  }
0x15: {  	[smem:$0x3FAE] =	sst s0;
	s0 =	simm.s32 @!p2 $0x0  }
0x16: {  	s3 =	sld [smem:$0x3FDB];
	s0 =	simm.s32 @p2 $0x1  }
0x17: {  	s4 =	simm.s32 $0x1BF5;
	[smem:$0x3FB0] =	sst s0  }
0x18: {  	s0 =	sld [smem:$0x3F93];
	_ =	swait.ge [sflag:s4], $0x0  }
0x19: {  	s7 =	sld [smem:$0x3F94]  }
0x1a: {  	s8 =	sadd.s32 $0xFFFFE003, lr  }
0x1b: {  	s9 =	sadd.s32 $0xFFFFFEF7, lr;
	s5 =	simm.s32 $0xFFFFFFFF;
	p2 =	slt.u32 s8, $0xFFFFF086  }
0x1c: {  	p1 =	slt.u32 s9, $0xF7A;
	s5 =	simm.s32 @!p2 $0x0  }
0x1d: {  	s5 =	simm.s32 @p1 $0x1;
	p0 =	seq.s32 s7, s2  }
0x1e: {  	s7 =	smul.u32 @!p0 $0xF7A, s2;
	p2 =	seq.s32 @!p0 s5, $0x0  }
0x1f: {  	s9 =	smul.u32 $0xF7A, s1;
	s8 =	simm.s32 @!p0 $0x1BF5;
	p2 =	por !p2, p0  }
0x20: {  	[sflag:s8] =	ssyncset.s32 @!p0 $0xFFFFF086;
	s6 =	sadd.s32 @!p0 s3, s7;
	s7 =	simm.s32 @!p0 $0x108  }
0x21: {  	s3 =	sadd.s32 s3, s9;
	s6 =	sadd.s32 @!p0 $0x88, s6;
	s7 =	simm.s32 @p2 $0x1082  }
0x22: {  	[simem:s7], [sflag:s8] =	dma.local @!p0 [hbm:s6], $0xF7A  }
0x23: {  	s9 =	sor.u32 $0xD0000000, s2;
	s6 =	simm.s32 $0x108;
	_ =	swait.ge @!p0 [sflag:s8], $0x0  }
0x24: {  	s3 =	sadd.s32 $0x88, s3;
	s6 =	simm.s32 @!p1 $0x1082;
	[sflag:s4] =	ssyncset.s32 $0xFFFFF086  }
0x25: {  	[simem:s6], [sflag:s4] =	dma.local [hbm:s3], $0xF7A  }
0x26: {  	[smem:$0x3F94] =	sst s1;
	(tag) =	ssettag s2;
	_ =	strace s9  }
0x27: {  	s1 =	sld [smem:$0x3FA4]  }
0x28: {  	s2 =	sld [smem:$0x3FA5]  }
0x29: {  	s4 =	sld [smem:$0x3FA7]  }
0x2a: {  	p0 =	seq.s32 s5, $0x0;
	s5 =	sld [smem:$0x3FA8]  }
0x2b: {  	s6 =	sld [smem:$0x3FA9]  }
0x2c: {  	s7 =	sld [smem:$0x3FAA]  }
0x2d: {  	s3 =	simm.s32 $0x108;
	s8 =	sld [smem:$0x3FAB]  }
0x2e: {  	s3 =	simm.s32 @!p0 $0x1082;
	s9 =	sld [smem:$0x3FAC]  }
0x2f: {  	lr =	sadd.s32 s0, s3;
	s0 =	sld [smem:$0x3FA3]  }
0x30: {  	s3 =	sld [smem:$0x3FA6]  }
0x31: {  	[smem:$0x3FAF] =	sst s10  }
0x32: {  	s10 =	sld [smem:$0x3FAD];
	_ =	sdelay $0x3  }
0x33: {  	p0 =	seq.s32 s10, $0x1;
	s10 =	sld [smem:$0x3FAF];
	_ =	sdelay $0x3  }
0x34: {  	[smem:$0x3FAF] =	sst s10  }
0x35: {  	s10 =	sld [smem:$0x3FAE];
	_ =	sdelay $0x3  }
0x36: {  	p1 =	seq.s32 s10, $0x1;
	s10 =	sld [smem:$0x3FAF];
	_ =	sdelay $0x3  }
0x37: {  	[smem:$0x3FAF] =	sst s10  }
0x38: {  	s10 =	sld [smem:$0x3FB0]  }
0x39: {  	_ = 	snop;
	(pc) =	sbr.ind lr, $3  }
0x3a: {  	_ = 	snop  }
0x3b: {  	_ = 	snop  }
0x3c: {  	p2 =	seq.s32 s10, $0x1;
	s10 =	sld [smem:$0x3FAF]  }
0x3d: {  	_ =	shalt  }
0x3e: {  	_ =	shalt  }
0x3f: {  	_ =	shalt  }
0x40: {  	_ =	shalt  }
0x41: {  	_ =	shalt  }
0x42: {  	_ =	shalt  }
0x43: {  	_ =	shalt  }
0x44: {  	_ =	shalt  }
0x45: {  	_ =	shalt  }
0x46: {  	_ =	shalt  }
0x47: {  	_ =	shalt  }
0x48: {  	_ =	shalt  }
0x49: {  	_ =	shalt  }
0x4a: {  	_ =	shalt  }
0x4b: {  	_ =	shalt  }
0x4c: {  	_ =	shalt  }
0x4d: {  	_ =	shalt  }
0x4e: {  	_ =	shalt  }
0x4f: {  	_ =	shalt  }
0x50: {  	_ =	shalt  }
0x51: {  	_ =	shalt  }
0x52: {  	_ =	shalt  }
0x53: {  	_ =	shalt  }
0x54: {  	_ =	shalt  }
0x55: {  	_ =	shalt  }
0x56: {  	_ =	shalt  }
0x57: {  	_ =	shalt  }
0x58: {  	_ =	shalt  }
0x59: {  	_ =	shalt  }
0x5a: {  	_ =	shalt  }
0x5b: {  	_ =	shalt  }
0x5c: {  	_ =	shalt  }
0x5d: {  	_ =	shalt  }
0x5e: {  	_ =	shalt  }
0x5f: {  	_ =	shalt  }
0x60: {  	_ =	shalt  }
0x61: {  	_ =	shalt  }
0x62: {  	_ =	shalt  }
0x63: {  	_ =	shalt  }
0x64: {  	_ =	shalt  }
0x65: {  	_ =	shalt  }
0x66: {  	_ =	shalt  }
0x67: {  	_ =	shalt  }
0x68: {  	_ =	shalt  }
0x69: {  	_ =	shalt  }
0x6a: {  	_ =	shalt  }
0x6b: {  	_ =	shalt  }
0x6c: {  	_ =	shalt  }
0x6d: {  	_ =	shalt  }
0x6e: {  	_ =	shalt  }
0x6f: {  	_ =	shalt  }
0x70: {  	_ =	shalt  }
0x71: {  	_ =	shalt  }
0x72: {  	_ =	shalt  }
0x73: {  	_ =	shalt  }
0x74: {  	_ =	shalt  }
0x75: {  	_ =	shalt  }
0x76: {  	_ =	shalt  }
0x77: {  	_ =	shalt  }
0x78: {  	_ =	shalt  }
0x79: {  	_ =	shalt  }
0x7a: {  	_ =	shalt  }
0x7b: {  	_ =	shalt  }
0x7c: {  	_ =	shalt  }
0x7d: {  	_ =	shalt  }
0x7e: {  	_ =	shalt  }
0x7f: {  	_ =	shalt  }
0x80: {  	_ =	shalt  }
0x81: {  	_ =	shalt  }
0x82: {  	_ =	shalt  }
0x83: {  	_ =	shalt  }
0x84: {  	_ =	shalt  }
0x85: {  	_ =	shalt  }
0x86: {  	_ =	shalt  }
0x87: {  	_ =	shalt  }
.Lfunc_end0:
.L_simem_size_0:
called_computation.2_lowered:
.L_overlay_start_0:
0x88: {  	s2 =	sld [smem:$0x3FD9]  }
0x89: {  	s3 =	sld [smem:$0x3FFE];
	_ =	sdelay $0x1  }
0x8a: {  	s1 =	srdreg.scid  }
0x8b: {  	s0 =	sand.u32 $0x1, s1  }
0x8c: {  	s17 =	sshll.u32 s0, $0xA;
	s2 =	sadd.s32 s3, s2  }
0x8d: {  	s2 =	sadd.s32 s2, s17  }
0x8e: {  	[smem:$0x3FBB] =	sst s2  }
0x8f: {  	_ = 	snop  }
0x90: {  	s18 =	sld [smem:$0x3FC7];
	(tm) =	ssettm $0x1  }
0x91: {  	s19 =	sld [smem:$0x3FFB];
	_ =	sdelay $0x3  }
0x92: {  	_ =	strace s19  }
0x93: {  	s2 =	sld [smem:$0x3FFC];
	_ =	sdelay $0x3  }
0x94: {  	_ =	strace s2  }
0x95: {  	s2 =	sld [smem:$0x3FFD];
	_ =	sdelay $0x3  }
0x96: {  	_ =	strace s2  }
0x97: {  	_ =	strace $0x8FFFFFFF  }
0x98: {  	s20 =	sld [smem:$0x3FDB];
	_ =	sdelay $0x1  }
0x99: {  	s4 =	simm.s32 $_scs_section_size  }
0x9a: {  	s5 =	simm.s32 $_size__tile_overlayer_lowered;
	s6 =	simm.s32 $_tile_overlayer_lowered  }
0x9b: {  	s7 =	simm.s32 $0x1BFF;
	s21 =	sshll.u32 s6, $0x1;
	s4 =	sadd.s32 s4, s20  }
0x9c: {  	s22 =	simm.s32 $0x0;
	s5 =	sshll.u32 s5, $0x1;
	s6 =	sadd.s32 s21, s4  }
0x9d: {  	[timem:s22], [sflag:s7] =	dma.local [hbm:s6], s5  }
0x9e: {  	_ =	swait.ge [sflag:s7], s5  }
0x9f: {  	s5 =	ssub.s32 $0x0, s5;
	[sflag:s7] =	ssyncset.done $0x0  }
0xa0: {  	[sflag:s7] =	ssyncadd.s32 s5;
	_ =	sdelay $0x1  }
0xa1: {  	s23 =	simm.s32 $0x1B8B  }
0xa2: {  	_ =	swait.ge [sflag:s23], $0x1  }
0xa3: {  	[sflag:s23] =	ssyncset.done $0x0  }
0xa4: {  	[sflag:s23] =	ssyncadd.s32 $0xFFFFFFFF  }
0xa5: {  	s5 =	sld [smem:$0x0]  }
0xa6: {  	s6 =	sand.u32 $0xFFFFFFFE, s1  }
0xa7: {  	p0 =	sne.s32 s1, s6  }
0xa8: {  	s6 =	sshll.u32 @p0 s6, $0xE  }
0xa9: {  	s6 =	sadd.s32 @p0 $0x11B8D, s6;
	s7 =	sshll.u32 @p0 s5, $0x11  }
0xaa: {  	s6 =	sor.u32 @p0 s7, s6  }
0xab: {  	[sflag:s6] =	ssyncadd.remote.s32 @p0 $0x1;
	_ =	sdelay $0x1  }
0xac: {  	s6 =	simm.s32 @p0 $0x1B8D  }
0xad: {  	_ =	swait.eq @p0 [sflag:s6], $0x1  }
0xae: {  	[sflag:s6] =	ssyncadd.s32 @p0 $0xFFFFFFFF  }
0xaf: {  	s7 =	sshll.u32 @!p0 s1, $0xE  }
0xb0: {  	s7 =	sor.u32 @!p0 $0x4000, s7;
	s6 =	simm.s32 @!p0 $0x1B8D  }
0xb1: {  	s5 =	sshll.u32 @!p0 s5, $0x11;
	s7 =	sadd.s32 @!p0 $0x11B8D, s7;
	_ =	swait.eq @!p0 [sflag:s6], $0x1  }
0xb2: {  	s5 =	sor.u32 @!p0 s5, s7;
	[sflag:s6] =	ssyncadd.s32 @!p0 $0xFFFFFFFF  }
0xb3: {  	s25 =	simm.s32 $0x1B8E;
	s24 =	sld [smem:$0x3FFE];
	[sflag:s5] =	ssyncadd.remote.s32 @!p0 $0x1  }
0xb4: {  	s26 =	simm.s32 $execute0_lowered;
	[smem:$0x3FD2] =	sst s25  }
0xb5: {  	s6 =	sshll.u32 s26, $0x1;
	_ =	strace $0x8000004C;
	[dreg:$0x1] =	wrdreg $0xFFFFFFFF  }
0xb6: {  	s28 =	simm.s32 $_size_execute0_lowered;
	s4 =	sadd.s32 s4, s6;
	[dreg:$0x0] =	wrdreg $0x0  }
0xb7: {  	s6 =	sshll.u32 s28, $0x1;
	[dreg:$0x2] =	wrdreg s4  }
0xb8: {  	[dreg:$0x3] =	wrdreg s6  }
0xb9: {  	[dreg:$0x4] =	wrdreg $0xC0  }
0xba: {  	_ =	task [dreg:s22], $0x5FFFF  }
0xbb: {  	[dreg:$0x1] =	wrdreg $0xFFFFFFFF  }
0xbc: {  	[dreg:$0x0] =	wrdreg $0x60  }
0xbd: {  	[dreg:$0x2] =	wrdreg s24  }
0xbe: {  	[dreg:$0x3] =	wrdreg s18  }
0xbf: {  	[dreg:$0x4] =	wrdreg $0xB  }
0xc0: {  	_ =	task.clear_ibuf [dreg:s22], $0x5FFFF;
	_ =	strace $0x9000004C  }
0xc1: {  	s29 =	simm.s32 $0xB;
	_ =	strace $0x8000004E  }
0xc2: {  	_ =	swait.ge [sflag:s29], $0x1  }
0xc3: {  	[sflag:s29] =	ssyncadd.s32 $0xFFFFFFFF  }
0xc4: {  	_ =	strace $0x9000004E  }
0xc5: {  	_ =	sfence  }
0xc6: {  	s30 =	sld [smem:$0x0];
	_ =	sdelay $0x2  }
0xc7: {  	s31 =	sshll.u32 s1, $0xD;
	s1 =	sshrl.u32 s1, $0x2  }
0xc8: {  	s4 =	sand.u32 $0x4000, s31;
	s1 =	sadd.s32 s1, s30  }
0xc9: {  	s0 =	sor.u32 s4, s0;
	s1 =	sshll.u32 s1, $0x11  }
0xca: {  	s0 =	sor.u32 s1, s0  }
0xcb: {  	s0 =	sadd.s32 $0x8F2B, s0  }
0xcc: {  	[sflag:s0] =	ssyncadd.remote.s32 $0x1  }
0xcd: {  	_ =	sfence.sel $0xFFFF  }
0xce: {  	[dreg:$0x0] =	wrdreg $0xFFFFFFFF;
	(pc) =	sbr.abs _section_cstart, $3  }
0xcf: {  	[dreg:$0x1] =	wrdreg $0xFFFFFFFF  }
0xd0: {  	_ =	task.clear_ibuf [dreg:s22], $0x2FFFF;
	_ =	strace $0x9FFFFFFF  }
0xd1: {  	(tm) =	ssettm $0x7FFFFFFF  }
tec
execute0_lowered:
.L_overlay_start_1:
0x0: {  	(tag) =	ssettag $0x1  }
0x1: {  	s0 =	rddreg [dreg:$0x0]  }
0x2: {  	s2 =	rddreg [dreg:$0x1];
	s1 =	srdreg.scid  }
0x3: {  	s4 =	stileid.u32;
	s3 =	simm.s32 $0x0;
	s8 =	simm.s32 $0x1  }
0x4: {  	s19 =	simm.s32 $0x3;
	s20 =	simm.s32 $0x2;
	s21 =	simm.s32 $0x4  }
0x5: {  	s23 =	simm.s32 $0x880;
	s24 =	simm.s32 $0x1080;
	s28 =	simm.s32 $0x2080  }
0x6: {  	s29 =	simm.s32 $0x2880;
	s30 =	simm.s32 $0x3080;
	s31 =	simm.s32 $0x3880  }
0x7: {  	s10 =	simm.s32 $0x5080;
	s11 =	simm.s32 $0x5880;
	s12 =	simm.s32 $0x6080  }
0x8: {  	s13 =	simm.s32 $0x6880;
	s14 =	simm.s32 $0x7080;
	s1 =	sand.u32 $0x1, s1  }
0x9: {  	s15 =	simm.s32 $0x7880;
	s4 =	sshll.u32 s4, $0x8;
	s5 =	sshll.u32 s1, $0x7  }
0xa: {  	s18 =	simm.s32 $0x8080;
	s16 =	simm.s32 $0x8880;
	s4 =	sor.u32 s5, s4  }
0xb: {  	s17 =	simm.s32 $0x9080;
	[smem:$0x7FF] =	sst s3;
	s5 =	sshrl.u32 s4, $0x3  }
0xc: {  	_ =	strace $0x8000004D;
	s4 =	sshll.u32 s4, $0x7;
	s5 =	sadd.s32 s5, s0  }
0xd: {  	s1 =	ssub.s32 $0x2, s1;
	s0 =	sadd.s32 s4, s0;
	s5 =	sadd.s32 $0x3400, s5  }
0xe: {  	s25 =	sshrl.u32 s1, $0x1;
	s26 =	sadd.s32 $0x83800, s0;
	[dreg:$0x3] =	wrdreg s5  }
0xf: {  	s1 =	ssub.s32 s1, s25;
	s6 =	sadd.s32 $0x84800, s0;
	[dreg:$0x4] =	wrdreg s26  }
0x10: {  	s25 =	simm.s32 $0x80;
	s7 =	sadd.s32 $0x85800, s0;
	[dreg:$0x5] =	wrdreg s6  }
0x11: {  	v2 =	vlaneseq.u32;
	s4 =	sadd.s32 $0x100, s2;
	s0 =	sadd.s32 $0x86800, s0;
	[dreg:$0x6] =	wrdreg s7  }
0x12: {  	vm0 =	vmmov $0xffff;
	v1 =	vshrl.u32 v2, $0x3;
	s5 =	sadd.s32 $0x200, s2;
	s6 =	sadd.s32 $0x300, s2;
	[dreg:$0x7] =	wrdreg s0  }
0x13: {  	v0 =	vand.u32 $0x7, v2;
	v2 =	vor.u32 $0x8, v2;
	v1 =	vmul.u32 $0x8, v1;
	s7 =	smax.u32 s1, $0x1;
	s26 =	simm.s32 $0x1880;
	s1 =	simm.s32 $0x4880  }
.LBB2_1:
0x14: {  	s22 =	rddreg [dreg:$0x3];
	s0 =	simm.s32 $0x5  }
0x15: {  	[tilespmem:s3], [sflag:$0x5] =	stream.linear.gather [hbm4b:s22+s3], $0x80, $0x38;
	[tilespmem:$0x10080] =	vst v63  }
0x16: {  	_ =	swait.ge [sflag:s0], $0x80  }
0x17: {  	[sflag:s0] =	ssyncset.done $0x0  }
0x18: {  	[sflag:s0] =	ssyncadd.s32 $0xFFFFFF80  }
0x19: {  	v3 =	vld [tilespmem:$0x0];
	_ =	sdelay $0x4  }
0x1a: {  	v4 =	vshll.u32 v3, $0x3  }
0x1b: {  	v3 =	vand.u32 $0x7, v3;
	v4 =	vand.u32 $0xFFFFFFC0, v4  }
0x1c: {  	v3 =	vor.u32 v3, v4  }
0x1d: {  	v4 =	vperm.xlane v3, v0;
	_ =	sdelay $0x1  }
0x1e: {  	v4 =	vadd.s32 v1, v4;
	_ =	sdelay $0x4  }
0x1f: {  	[tilespmem:s25], [sflag:$0x1] =	stream.indirect_vreg.gather [hbm4b:s2+s3], $0x80, v4, vm0, $0xb8;
	[tilespmem:$0x10080] =	vst v63  }
0x20: {  	v3 =	vperm.xlane v3, v2  }
0x21: {  	[tilespmem:s23], [sflag:$0x1] =	stream.indirect_vreg.gather [hbm4b:s4+s3], $0x80, v4, vm0, $0xb8;
	[tilespmem:$0x10080] =	vst v63  }
0x22: {  	v3 =	vadd.s32 v1, v3  }
0x23: {  	[tilespmem:s24], [sflag:$0x1] =	stream.indirect_vreg.gather [hbm4b:s5+s3], $0x80, v4, vm0, $0xb8;
	[tilespmem:$0x10080] =	vst v63  }
0x24: {  	_ = 	snop  }
0x25: {  	[tilespmem:s26], [sflag:$0x1] =	stream.indirect_vreg.gather [hbm4b:s6+s3], $0x80, v4, vm0, $0xb8;
	[tilespmem:$0x10080] =	vst v63  }
0x26: {  	_ = 	snop  }
0x27: {  	[tilespmem:s28], [sflag:$0x1] =	stream.indirect_vreg.gather [hbm4b:s2+s3], $0x80, v3, vm0, $0xb8;
	[tilespmem:$0x10080] =	vst v63  }
0x28: {  	_ = 	snop  }
0x29: {  	[tilespmem:s29], [sflag:$0x1] =	stream.indirect_vreg.gather [hbm4b:s4+s3], $0x80, v3, vm0, $0xb8;
	[tilespmem:$0x10080] =	vst v63  }
0x2a: {  	_ = 	snop  }
0x2b: {  	[tilespmem:s30], [sflag:$0x1] =	stream.indirect_vreg.gather [hbm4b:s5+s3], $0x80, v3, vm0, $0xb8;
	[tilespmem:$0x10080] =	vst v63  }
0x2c: {  	_ = 	snop  }
0x2d: {  	[tilespmem:s31], [sflag:$0x1] =	stream.indirect_vreg.gather [hbm4b:s6+s3], $0x80, v3, vm0, $0xb8;
	[tilespmem:$0x10080] =	vst v63  }
0x2e: {  	v3 =	vld [tilespmem:$0x10];
	_ =	sdelay $0x4  }
0x2f: {  	v57 =	vshll.u32 v3, $0x3  }
0x30: {  	v3 =	vand.u32 $0x7, v3;
	v4 =	vand.u32 $0xFFFFFFC0, v57  }
0x31: {  	v3 =	vor.u32 v3, v4  }
0x32: {  	v4 =	vperm.xlane v3, v0;
	_ =	sdelay $0x1  }
0x33: {  	v4 =	vadd.s32 v1, v4;
	_ =	sdelay $0x3  }
0x34: {  	s0 =	simm.s32 $0x4080  }
0x35: {  	[tilespmem:s0], [sflag:$0x1] =	stream.indirect_vreg.gather [hbm4b:s2+s3], $0x80, v4, vm0, $0xb8;
	[tilespmem:$0x10080] =	vst v63  }
0x36: {  	v3 =	vperm.xlane v3, v2  }
0x37: {  	[tilespmem:s1], [sflag:$0x1] =	stream.indirect_vreg.gather [hbm4b:s4+s3], $0x80, v4, vm0, $0xb8;
	[tilespmem:$0x10080] =	vst v63  }
0x38: {  	v3 =	vadd.s32 v1, v3  }
0x39: {  	[tilespmem:s10], [sflag:$0x1] =	stream.indirect_vreg.gather [hbm4b:s5+s3], $0x80, v4, vm0, $0xb8;
	[tilespmem:$0x10080] =	vst v63  }
0x3a: {  	_ = 	snop  }
0x3b: {  	[tilespmem:s11], [sflag:$0x1] =	stream.indirect_vreg.gather [hbm4b:s6+s3], $0x80, v4, vm0, $0xb8;
	[tilespmem:$0x10080] =	vst v63  }
0x3c: {  	_ = 	snop  }
0x3d: {  	[tilespmem:s12], [sflag:$0x1] =	stream.indirect_vreg.gather [hbm4b:s2+s3], $0x80, v3, vm0, $0xb8;
	[tilespmem:$0x10080] =	vst v63  }
0x3e: {  	_ = 	snop  }
0x3f: {  	[tilespmem:s13], [sflag:$0x1] =	stream.indirect_vreg.gather [hbm4b:s4+s3], $0x80, v3, vm0, $0xb8;
	[tilespmem:$0x10080] =	vst v63  }
0x40: {  	_ = 	snop  }
0x41: {  	[tilespmem:s14], [sflag:$0x1] =	stream.indirect_vreg.gather [hbm4b:s5+s3], $0x80, v3, vm0, $0xb8;
	[tilespmem:$0x10080] =	vst v63  }
0x42: {  	_ = 	snop  }
0x43: {  	[tilespmem:s15], [sflag:$0x1] =	stream.indirect_vreg.gather [hbm4b:s6+s3], $0x80, v3, vm0, $0xb8;
	[tilespmem:$0x10080] =	vst v63  }
0x44: {  	v3 =	vld [tilespmem:$0x20];
	_ =	sdelay $0x4  }
0x45: {  	v58 =	vshll.u32 v3, $0x3  }
0x46: {  	v3 =	vand.u32 $0x7, v3;
	v4 =	vand.u32 $0xFFFFFFC0, v58  }
0x47: {  	v3 =	vor.u32 v3, v4  }
0x48: {  	v4 =	vperm.xlane v3, v0;
	_ =	sdelay $0x1  }
0x49: {  	v4 =	vadd.s32 v1, v4;
	_ =	sdelay $0x4  }
0x4a: {  	[tilespmem:s18], [sflag:$0x2] =	stream.indirect_vreg.gather [hbm4b:s2+s3], $0x80, v4, vm0, $0xb8;
	[tilespmem:$0x10080] =	vst v63  }
0x4b: {  	v3 =	vperm.xlane v3, v2  }
0x4c: {  	[tilespmem:s16], [sflag:$0x2] =	stream.indirect_vreg.gather [hbm4b:s4+s3], $0x80, v4, vm0, $0xb8;
	[tilespmem:$0x10080] =	vst v63  }
0x4d: {  	v3 =	vadd.s32 v1, v3  }
0x4e: {  	[tilespmem:s17], [sflag:$0x2] =	stream.indirect_vreg.gather [hbm4b:s5+s3], $0x80, v4, vm0, $0xb8;
	[tilespmem:$0x10080] =	vst v63  }
0x4f: {  	s9 =	simm.s32 $0x9880  }
0x50: {  	[tilespmem:s9], [sflag:$0x2] =	stream.indirect_vreg.gather [hbm4b:s6+s3], $0x80, v4, vm0, $0xb8;
	[tilespmem:$0x10080] =	vst v63  }
0x51: {  	s9 =	simm.s32 $0xA080  }
0x52: {  	[tilespmem:s9], [sflag:$0x2] =	stream.indirect_vreg.gather [hbm4b:s2+s3], $0x80, v3, vm0, $0xb8;
	[tilespmem:$0x10080] =	vst v63  }
0x53: {  	s22 =	simm.s32 $0xA880  }
0x54: {  	[tilespmem:s22], [sflag:$0x2] =	stream.indirect_vreg.gather [hbm4b:s4+s3], $0x80, v3, vm0, $0xb8;
	[tilespmem:$0x10080] =	vst v63  }
0x55: {  	s22 =	simm.s32 $0xB080  }
0x56: {  	[tilespmem:s22], [sflag:$0x2] =	stream.indirect_vreg.gather [hbm4b:s5+s3], $0x80, v3, vm0, $0xb8;
	[tilespmem:$0x10080] =	vst v63  }
0x57: {  	s22 =	simm.s32 $0xB880  }
0x58: {  	[tilespmem:s22], [sflag:$0x2] =	stream.indirect_vreg.gather [hbm4b:s6+s3], $0x80, v3, vm0, $0xb8;
	[tilespmem:$0x10080] =	vst v63  }
0x59: {  	v3 =	vld [tilespmem:$0x30];
	_ =	sdelay $0x4  }
0x5a: {  	v59 =	vshll.u32 v3, $0x3  }
0x5b: {  	v3 =	vand.u32 $0x7, v3;
	v4 =	vand.u32 $0xFFFFFFC0, v59  }
0x5c: {  	v3 =	vor.u32 v3, v4  }
0x5d: {  	v4 =	vperm.xlane v3, v0;
	_ =	sdelay $0x1  }
0x5e: {  	v4 =	vadd.s32 v1, v4;
	_ =	sdelay $0x3  }
0x5f: {  	s22 =	simm.s32 $0xC080  }
0x60: {  	[tilespmem:s22], [sflag:$0x2] =	stream.indirect_vreg.gather [hbm4b:s2+s3], $0x80, v4, vm0, $0xb8;
	[tilespmem:$0x10080] =	vst v63  }
0x61: {  	v3 =	vperm.xlane v3, v2;
	s22 =	simm.s32 $0xC880  }
0x62: {  	[tilespmem:s22], [sflag:$0x2] =	stream.indirect_vreg.gather [hbm4b:s4+s3], $0x80, v4, vm0, $0xb8;
	[tilespmem:$0x10080] =	vst v63  }
0x63: {  	v3 =	vadd.s32 v1, v3;
	s22 =	simm.s32 $0xD080  }
0x64: {  	[tilespmem:s22], [sflag:$0x2] =	stream.indirect_vreg.gather [hbm4b:s5+s3], $0x80, v4, vm0, $0xb8;
	[tilespmem:$0x10080] =	vst v63  }
0x65: {  	s22 =	simm.s32 $0xD880  }
0x66: {  	[tilespmem:s22], [sflag:$0x2] =	stream.indirect_vreg.gather [hbm4b:s6+s3], $0x80, v4, vm0, $0xb8;
	[tilespmem:$0x10080] =	vst v63  }
0x67: {  	s22 =	simm.s32 $0xE080  }
0x68: {  	[tilespmem:s22], [sflag:$0x2] =	stream.indirect_vreg.gather [hbm4b:s2+s3], $0x80, v3, vm0, $0xb8;
	[tilespmem:$0x10080] =	vst v63  }
0x69: {  	s22 =	simm.s32 $0xE880  }
0x6a: {  	[tilespmem:s22], [sflag:$0x2] =	stream.indirect_vreg.gather [hbm4b:s4+s3], $0x80, v3, vm0, $0xb8;
	[tilespmem:$0x10080] =	vst v63  }
0x6b: {  	s22 =	simm.s32 $0xF080  }
0x6c: {  	[tilespmem:s22], [sflag:$0x2] =	stream.indirect_vreg.gather [hbm4b:s5+s3], $0x80, v3, vm0, $0xb8;
	[tilespmem:$0x10080] =	vst v63  }
0x6d: {  	s22 =	simm.s32 $0xF880  }
0x6e: {  	[tilespmem:s22], [sflag:$0x2] =	stream.indirect_vreg.gather [hbm4b:s6+s3], $0x80, v3, vm0, $0xb8;
	[tilespmem:$0x10080] =	vst v63  }
0x6f: {  	_ =	swait.ge [sflag:s8], $0x8000  }
0x70: {  	[sflag:s8] =	ssyncset.done $0x0  }
0x71: {  	s22 =	rddreg [dreg:$0x4];
	[sflag:s8] =	ssyncadd.s32 $0xFFFF8000  }
0x72: {  	[hbm4b:s22+s3] =	stream.linear.scatter [tilespmem:s25], [sflag:$0x3], $0x8000, $0x38;
	[tilespmem:$0x10080] =	vst v63  }
0x73: {  	_ =	swait.ge [sflag:s19], $0x8000  }
0x74: {  	[sflag:s19] =	ssyncset.done $0x0  }
0x75: {  	[sflag:s19] =	ssyncadd.s32 $0xFFFF8000  }
0x76: {  	v3 =	vld [tilespmem:$0x40];
	_ =	sdelay $0x4  }
0x77: {  	v60 =	vshll.u32 v3, $0x3  }
0x78: {  	v3 =	vand.u32 $0x7, v3;
	v4 =	vand.u32 $0xFFFFFFC0, v60  }
0x79: {  	v3 =	vor.u32 v3, v4  }
0x7a: {  	v4 =	vperm.xlane v3, v0;
	_ =	sdelay $0x1  }
0x7b: {  	v4 =	vadd.s32 v1, v4;
	_ =	sdelay $0x4  }
0x7c: {  	[tilespmem:s25], [sflag:$0x1] =	stream.indirect_vreg.gather [hbm4b:s2+s3], $0x80, v4, vm0, $0xb8;
	[tilespmem:$0x10080] =	vst v63  }
0x7d: {  	v3 =	vperm.xlane v3, v2  }
0x7e: {  	[tilespmem:s23], [sflag:$0x1] =	stream.indirect_vreg.gather [hbm4b:s4+s3], $0x80, v4, vm0, $0xb8;
	[tilespmem:$0x10080] =	vst v63  }
0x7f: {  	v3 =	vadd.s32 v1, v3  }
0x80: {  	[tilespmem:s24], [sflag:$0x1] =	stream.indirect_vreg.gather [hbm4b:s5+s3], $0x80, v4, vm0, $0xb8;
	[tilespmem:$0x10080] =	vst v63  }
0x81: {  	_ = 	snop  }
0x82: {  	[tilespmem:s26], [sflag:$0x1] =	stream.indirect_vreg.gather [hbm4b:s6+s3], $0x80, v4, vm0, $0xb8;
	[tilespmem:$0x10080] =	vst v63  }
0x83: {  	_ = 	snop  }
0x84: {  	[tilespmem:s28], [sflag:$0x1] =	stream.indirect_vreg.gather [hbm4b:s2+s3], $0x80, v3, vm0, $0xb8;
	[tilespmem:$0x10080] =	vst v63  }
0x85: {  	_ = 	snop  }
0x86: {  	[tilespmem:s29], [sflag:$0x1] =	stream.indirect_vreg.gather [hbm4b:s4+s3], $0x80, v3, vm0, $0xb8;
	[tilespmem:$0x10080] =	vst v63  }
0x87: {  	_ = 	snop  }
0x88: {  	[tilespmem:s30], [sflag:$0x1] =	stream.indirect_vreg.gather [hbm4b:s5+s3], $0x80, v3, vm0, $0xb8;
	[tilespmem:$0x10080] =	vst v63  }
0x89: {  	_ = 	snop  }
0x8a: {  	[tilespmem:s31], [sflag:$0x1] =	stream.indirect_vreg.gather [hbm4b:s6+s3], $0x80, v3, vm0, $0xb8;
	[tilespmem:$0x10080] =	vst v63  }
0x8b: {  	v3 =	vld [tilespmem:$0x50];
	_ =	sdelay $0x4  }
0x8c: {  	v61 =	vshll.u32 v3, $0x3  }
0x8d: {  	v3 =	vand.u32 $0x7, v3;
	v4 =	vand.u32 $0xFFFFFFC0, v61  }
0x8e: {  	v3 =	vor.u32 v3, v4  }
0x8f: {  	v4 =	vperm.xlane v3, v0;
	_ =	sdelay $0x1  }
0x90: {  	v4 =	vadd.s32 v1, v4;
	_ =	sdelay $0x4  }
0x91: {  	[tilespmem:s0], [sflag:$0x1] =	stream.indirect_vreg.gather [hbm4b:s2+s3], $0x80, v4, vm0, $0xb8;
	[tilespmem:$0x10080] =	vst v63  }
0x92: {  	v3 =	vperm.xlane v3, v2  }
0x93: {  	[tilespmem:s1], [sflag:$0x1] =	stream.indirect_vreg.gather [hbm4b:s4+s3], $0x80, v4, vm0, $0xb8;
	[tilespmem:$0x10080] =	vst v63  }
0x94: {  	v3 =	vadd.s32 v1, v3  }
0x95: {  	[tilespmem:s10], [sflag:$0x1] =	stream.indirect_vreg.gather [hbm4b:s5+s3], $0x80, v4, vm0, $0xb8;
	[tilespmem:$0x10080] =	vst v63  }
0x96: {  	_ = 	snop  }
0x97: {  	[tilespmem:s11], [sflag:$0x1] =	stream.indirect_vreg.gather [hbm4b:s6+s3], $0x80, v4, vm0, $0xb8;
	[tilespmem:$0x10080] =	vst v63  }
0x98: {  	_ = 	snop  }
0x99: {  	[tilespmem:s12], [sflag:$0x1] =	stream.indirect_vreg.gather [hbm4b:s2+s3], $0x80, v3, vm0, $0xb8;
	[tilespmem:$0x10080] =	vst v63  }
0x9a: {  	_ = 	snop  }
0x9b: {  	[tilespmem:s13], [sflag:$0x1] =	stream.indirect_vreg.gather [hbm4b:s4+s3], $0x80, v3, vm0, $0xb8;
	[tilespmem:$0x10080] =	vst v63  }
0x9c: {  	_ = 	snop  }
0x9d: {  	[tilespmem:s14], [sflag:$0x1] =	stream.indirect_vreg.gather [hbm4b:s5+s3], $0x80, v3, vm0, $0xb8;
	[tilespmem:$0x10080] =	vst v63  }
0x9e: {  	_ = 	snop  }
0x9f: {  	[tilespmem:s15], [sflag:$0x1] =	stream.indirect_vreg.gather [hbm4b:s6+s3], $0x80, v3, vm0, $0xb8;
	[tilespmem:$0x10080] =	vst v63  }
0xa0: {  	_ =	swait.ge [sflag:s20], $0x8000  }
0xa1: {  	[sflag:s20] =	ssyncset.done $0x0  }
0xa2: {  	s0 =	rddreg [dreg:$0x5];
	[sflag:s20] =	ssyncadd.s32 $0xFFFF8000  }
0xa3: {  	[hbm4b:s0+s3] =	stream.linear.scatter [tilespmem:s18], [sflag:$0x4], $0x8000, $0x38;
	[tilespmem:$0x10080] =	vst v63  }
0xa4: {  	_ =	swait.ge [sflag:s21], $0x8000  }
0xa5: {  	[sflag:s21] =	ssyncset.done $0x0  }
0xa6: {  	[sflag:s21] =	ssyncadd.s32 $0xFFFF8000  }
0xa7: {  	v3 =	vld [tilespmem:$0x60];
	_ =	sdelay $0x4  }
0xa8: {  	v62 =	vshll.u32 v3, $0x3  }
0xa9: {  	v3 =	vand.u32 $0x7, v3;
	v4 =	vand.u32 $0xFFFFFFC0, v62  }
0xaa: {  	v3 =	vor.u32 v3, v4  }
0xab: {  	v4 =	vperm.xlane v3, v0;
	_ =	sdelay $0x1  }
0xac: {  	v4 =	vadd.s32 v1, v4;
	_ =	sdelay $0x4  }
0xad: {  	[tilespmem:s18], [sflag:$0x2] =	stream.indirect_vreg.gather [hbm4b:s2+s3], $0x80, v4, vm0, $0xb8;
	[tilespmem:$0x10080] =	vst v63  }
0xae: {  	v3 =	vperm.xlane v3, v2  }
0xaf: {  	[tilespmem:s16], [sflag:$0x2] =	stream.indirect_vreg.gather [hbm4b:s4+s3], $0x80, v4, vm0, $0xb8;
	[tilespmem:$0x10080] =	vst v63  }
0xb0: {  	v3 =	vadd.s32 v1, v3  }
0xb1: {  	[tilespmem:s17], [sflag:$0x2] =	stream.indirect_vreg.gather [hbm4b:s5+s3], $0x80, v4, vm0, $0xb8;
	[tilespmem:$0x10080] =	vst v63  }
0xb2: {  	s22 =	simm.s32 $0x9880  }
0xb3: {  	[tilespmem:s22], [sflag:$0x2] =	stream.indirect_vreg.gather [hbm4b:s6+s3], $0x80, v4, vm0, $0xb8;
	[tilespmem:$0x10080] =	vst v63  }
0xb4: {  	_ = 	snop  }
0xb5: {  	[tilespmem:s9], [sflag:$0x2] =	stream.indirect_vreg.gather [hbm4b:s2+s3], $0x80, v3, vm0, $0xb8;
	[tilespmem:$0x10080] =	vst v63  }
0xb6: {  	s22 =	simm.s32 $0xA880  }
0xb7: {  	[tilespmem:s22], [sflag:$0x2] =	stream.indirect_vreg.gather [hbm4b:s4+s3], $0x80, v3, vm0, $0xb8;
	[tilespmem:$0x10080] =	vst v63  }
0xb8: {  	s9 =	simm.s32 $0xB080  }
0xb9: {  	[tilespmem:s9], [sflag:$0x2] =	stream.indirect_vreg.gather [hbm4b:s5+s3], $0x80, v3, vm0, $0xb8;
	[tilespmem:$0x10080] =	vst v63  }
0xba: {  	s22 =	simm.s32 $0xB880  }
0xbb: {  	[tilespmem:s22], [sflag:$0x2] =	stream.indirect_vreg.gather [hbm4b:s6+s3], $0x80, v3, vm0, $0xb8;
	[tilespmem:$0x10080] =	vst v63  }
0xbc: {  	v3 =	vld [tilespmem:$0x70];
	_ =	sdelay $0x4  }
0xbd: {  	v63 =	vshll.u32 v3, $0x3  }
0xbe: {  	v3 =	vand.u32 $0x7, v3;
	v4 =	vand.u32 $0xFFFFFFC0, v63  }
0xbf: {  	v3 =	vor.u32 v3, v4  }
0xc0: {  	v4 =	vperm.xlane v3, v0;
	_ =	sdelay $0x1  }
0xc1: {  	v4 =	vadd.s32 v1, v4;
	_ =	sdelay $0x3  }
0xc2: {  	s9 =	simm.s32 $0xC080  }
0xc3: {  	[tilespmem:s9], [sflag:$0x2] =	stream.indirect_vreg.gather [hbm4b:s2+s3], $0x80, v4, vm0, $0xb8;
	[tilespmem:$0x10080] =	vst v63  }
0xc4: {  	s22 =	simm.s32 $0xC880;
	v3 =	vperm.xlane v3, v2  }
0xc5: {  	[tilespmem:s22], [sflag:$0x2] =	stream.indirect_vreg.gather [hbm4b:s4+s3], $0x80, v4, vm0, $0xb8;
	[tilespmem:$0x10080] =	vst v63  }
0xc6: {  	v3 =	vadd.s32 v1, v3;
	s9 =	simm.s32 $0xD080  }
0xc7: {  	[tilespmem:s9], [sflag:$0x2] =	stream.indirect_vreg.gather [hbm4b:s5+s3], $0x80, v4, vm0, $0xb8;
	[tilespmem:$0x10080] =	vst v63  }
0xc8: {  	s22 =	simm.s32 $0xD880  }
0xc9: {  	[tilespmem:s22], [sflag:$0x2] =	stream.indirect_vreg.gather [hbm4b:s6+s3], $0x80, v4, vm0, $0xb8;
	[tilespmem:$0x10080] =	vst v63  }
0xca: {  	s9 =	simm.s32 $0xE080  }
0xcb: {  	[tilespmem:s9], [sflag:$0x2] =	stream.indirect_vreg.gather [hbm4b:s2+s3], $0x80, v3, vm0, $0xb8;
	[tilespmem:$0x10080] =	vst v63  }
0xcc: {  	s22 =	simm.s32 $0xE880  }
0xcd: {  	[tilespmem:s22], [sflag:$0x2] =	stream.indirect_vreg.gather [hbm4b:s4+s3], $0x80, v3, vm0, $0xb8;
	[tilespmem:$0x10080] =	vst v63  }
0xce: {  	s9 =	simm.s32 $0xF080  }
0xcf: {  	[tilespmem:s9], [sflag:$0x2] =	stream.indirect_vreg.gather [hbm4b:s5+s3], $0x80, v3, vm0, $0xb8;
	[tilespmem:$0x10080] =	vst v63  }
0xd0: {  	s22 =	simm.s32 $0xF880  }
0xd1: {  	[tilespmem:s22], [sflag:$0x2] =	stream.indirect_vreg.gather [hbm4b:s6+s3], $0x80, v3, vm0, $0xb8;
	[tilespmem:$0x10080] =	vst v63  }
0xd2: {  	_ =	swait.ge [sflag:s8], $0x8000  }
0xd3: {  	[sflag:s8] =	ssyncset.done $0x0  }
0xd4: {  	s0 =	rddreg [dreg:$0x6];
	[sflag:s8] =	ssyncadd.s32 $0xFFFF8000  }
0xd5: {  	[hbm4b:s0+s3] =	stream.linear.scatter [tilespmem:s25], [sflag:$0x3], $0x8000, $0x38;
	[tilespmem:$0x10080] =	vst v63  }
0xd6: {  	_ =	swait.ge [sflag:s20], $0x8000  }
0xd7: {  	[sflag:s20] =	ssyncset.done $0x0  }
0xd8: {  	s9 =	rddreg [dreg:$0x7];
	[sflag:s20] =	ssyncadd.s32 $0xFFFF8000  }
0xd9: {  	[hbm4b:s9+s3] =	stream.linear.scatter [tilespmem:s18], [sflag:$0x4], $0x8000, $0x38;
	[tilespmem:$0x10080] =	vst v63  }
0xda: {  	p0 =	sne.s32 s7, $0x1;
	_ =	swait.ge [sflag:s19], $0x8000  }
.Ltmp0:
0xdb: {  	[sflag:s19] =	ssyncset.done $0x0;
	(pc) =	sbr.rel @p0 .LBB2_1-.Ltmp0, $4  }
0xdc: {  	[sflag:s19] =	ssyncadd.s32 $0xFFFF8000  }
0xdd: {  	_ =	swait.ge [sflag:s21], $0x8000  }
0xde: {  	[sflag:s21] =	ssyncset.done $0x0  }
0xdf: {  	s7 =	sadd.s32 $0xFFFFFFFF, s7;
	[sflag:s21] =	ssyncadd.s32 $0xFFFF8000  }
0xe0: {  	_ =	sfence.sel $0x180000  }
0xe1: {  	[bflag:$0x0] =	sbarrier.arrive $0xFFFF  }
0xe2: {  	_ =	strace $0x9000004D  }
0xe3: {  	s0 =	stileid.u32;
	[bflag:$0x2] =	sbarrier.arrive $0xFFFF  }
0xe4: {  	p0 =	sne.s32 s0, $0x0;
	s0 =	rddreg [dreg:$0x2]  }
0xe5: {  	s0 =	sadd.s32 @!p0 $0x100000, s0  }
0xe6: {  	[sflag:s0] =	ssyncadd.tile.s32 @!p0 $0x1;
	_ =	shalt  }
.Lfunc_end2:
_tile_overlayer_lowered:
.L_overlay_start_2:
0xe7: {  	(tag) =	ssettag $0x2  }
0xe8: {  	s0 =	rddreg [dreg:$0x0];
	s2 =	stileid.u32  }
0xe9: {  	s1 =	rddreg [dreg:$0x1];
	p0 =	sne.s32 s2, $0x0  }
0xea: {  	s3 =	rddreg [dreg:$0x2];
	[bflag:$0x3] =	sbarrier.arrive $0xFFFF;
	s2 =	simm.s32 @!p0 $0x1C05  }
0xeb: {  	[timem:s3], [sflag:s2] =	dma.local @!p0 [hbm:s0], s1  }
0xec: {  	s0 =	simm.s32 @!p0 $0x5  }
0xed: {  	_ =	swait.ge @!p0 [sflag:s0], s1  }
0xee: {  	s1 =	ssub.s32 @!p0 $0x0, s1;
	[sflag:s0] =	ssyncset.done @!p0 $0x0  }
0xef: {  	[sflag:s0] =	ssyncadd.s32 @!p0 s1  }
0xf0: {  	[bflag:$0x3] =	sbarrier.arrive $0xFFFF  }
0xf1: {  	_ =	shalt  }

// kernel: kernel.19.cloned.1.call-start
scs
__scs_entry_jumppad:
0x0: {  	(pc) =	sbr.rel $0x88, $3  }
0x1: {  	(tag) =	ssettag $0x0;
	lr =	simm.s32 $0x1  }
0x2: {  	[smem:$0x3F94] =	sst lr;
	_ =	strace $0xD0000000  }
0x3: {  	_ = 	snop  }
0x4: {  	_ = 	snop  }
0x5: {  	_ = 	snop  }
0x6: {  	_ = 	snop  }
0x7: {  	_ = 	snop  }
__scs_overlays_trampoline_lowered:
0x8: {  	[smem:$0x3FA3] =	sst s0  }
0x9: {  	[smem:$0x3FA4] =	sst s1  }
0xa: {  	[smem:$0x3FA5] =	sst s2  }
0xb: {  	[smem:$0x3FA6] =	sst s3  }
0xc: {  	[smem:$0x3FA7] =	sst s4  }
0xd: {  	[smem:$0x3FA8] =	sst s5  }
0xe: {  	[smem:$0x3FA9] =	sst s6  }
0xf: {  	[smem:$0x3FAA] =	sst s7  }
0x10: {  	[smem:$0x3FAB] =	sst s8  }
0x11: {  	[smem:$0x3FAC] =	sst s9;
	s0 =	simm.s32 @!p0 $0x0  }
0x12: {  	s1 =	sld [smem:$0x3F92];
	s0 =	simm.s32 @p0 $0x1  }
0x13: {  	[smem:$0x3FAD] =	sst s0;
	s0 =	simm.s32 @!p1 $0x0  }
0x14: {  	s2 =	sld [smem:$0x3F91];
	s0 =	simm.s32 @p1 $0x1  }
0x15: {  	[smem:$0x3FAE] =	sst s0;
	s0 =	simm.s32 @!p2 $0x0  }
0x16: {  	s3 =	sld [smem:$0x3FDB];
	s0 =	simm.s32 @p2 $0x1  }
0x17: {  	s4 =	simm.s32 $0x1BF5;
	[smem:$0x3FB0] =	sst s0  }
0x18: {  	s0 =	sld [smem:$0x3F93];
	_ =	swait.ge [sflag:s4], $0x0  }
0x19: {  	s7 =	sld [smem:$0x3F94]  }
0x1a: {  	s8 =	sadd.s32 $0xFFFFE003, lr  }
0x1b: {  	s9 =	sadd.s32 $0xFFFFFEF7, lr;
	s5 =	simm.s32 $0xFFFFFFFF;
	p2 =	slt.u32 s8, $0xFFFFF086  }
0x1c: {  	p1 =	slt.u32 s9, $0xF7A;
	s5 =	simm.s32 @!p2 $0x0  }
0x1d: {  	s5 =	simm.s32 @p1 $0x1;
	p0 =	seq.s32 s7, s2  }
0x1e: {  	s7 =	smul.u32 @!p0 $0xF7A, s2;
	p2 =	seq.s32 @!p0 s5, $0x0  }
0x1f: {  	s9 =	smul.u32 $0xF7A, s1;
	s8 =	simm.s32 @!p0 $0x1BF5;
	p2 =	por !p2, p0  }
0x20: {  	[sflag:s8] =	ssyncset.s32 @!p0 $0xFFFFF086;
	s6 =	sadd.s32 @!p0 s3, s7;
	s7 =	simm.s32 @!p0 $0x108  }
0x21: {  	s3 =	sadd.s32 s3, s9;
	s6 =	sadd.s32 @!p0 $0x88, s6;
	s7 =	simm.s32 @p2 $0x1082  }
0x22: {  	[simem:s7], [sflag:s8] =	dma.local @!p0 [hbm:s6], $0xF7A  }
0x23: {  	s9 =	sor.u32 $0xD0000000, s2;
	s6 =	simm.s32 $0x108;
	_ =	swait.ge @!p0 [sflag:s8], $0x0  }
0x24: {  	s3 =	sadd.s32 $0x88, s3;
	s6 =	simm.s32 @!p1 $0x1082;
	[sflag:s4] =	ssyncset.s32 $0xFFFFF086  }
0x25: {  	[simem:s6], [sflag:s4] =	dma.local [hbm:s3], $0xF7A  }
0x26: {  	[smem:$0x3F94] =	sst s1;
	(tag) =	ssettag s2;
	_ =	strace s9  }
0x27: {  	s1 =	sld [smem:$0x3FA4]  }
0x28: {  	s2 =	sld [smem:$0x3FA5]  }
0x29: {  	s4 =	sld [smem:$0x3FA7]  }
0x2a: {  	p0 =	seq.s32 s5, $0x0;
	s5 =	sld [smem:$0x3FA8]  }
0x2b: {  	s6 =	sld [smem:$0x3FA9]  }
0x2c: {  	s7 =	sld [smem:$0x3FAA]  }
0x2d: {  	s3 =	simm.s32 $0x108;
	s8 =	sld [smem:$0x3FAB]  }
0x2e: {  	s3 =	simm.s32 @!p0 $0x1082;
	s9 =	sld [smem:$0x3FAC]  }
0x2f: {  	lr =	sadd.s32 s0, s3;
	s0 =	sld [smem:$0x3FA3]  }
0x30: {  	s3 =	sld [smem:$0x3FA6]  }
0x31: {  	[smem:$0x3FAF] =	sst s10  }
0x32: {  	s10 =	sld [smem:$0x3FAD];
	_ =	sdelay $0x3  }
0x33: {  	p0 =	seq.s32 s10, $0x1;
	s10 =	sld [smem:$0x3FAF];
	_ =	sdelay $0x3  }
0x34: {  	[smem:$0x3FAF] =	sst s10  }
0x35: {  	s10 =	sld [smem:$0x3FAE];
	_ =	sdelay $0x3  }
0x36: {  	p1 =	seq.s32 s10, $0x1;
	s10 =	sld [smem:$0x3FAF];
	_ =	sdelay $0x3  }
0x37: {  	[smem:$0x3FAF] =	sst s10  }
0x38: {  	s10 =	sld [smem:$0x3FB0]  }
0x39: {  	_ = 	snop;
	(pc) =	sbr.ind lr, $3  }
0x3a: {  	_ = 	snop  }
0x3b: {  	_ = 	snop  }
0x3c: {  	p2 =	seq.s32 s10, $0x1;
	s10 =	sld [smem:$0x3FAF]  }
0x3d: {  	_ =	shalt  }
0x3e: {  	_ =	shalt  }
0x3f: {  	_ =	shalt  }
0x40: {  	_ =	shalt  }
0x41: {  	_ =	shalt  }
0x42: {  	_ =	shalt  }
0x43: {  	_ =	shalt  }
0x44: {  	_ =	shalt  }
0x45: {  	_ =	shalt  }
0x46: {  	_ =	shalt  }
0x47: {  	_ =	shalt  }
0x48: {  	_ =	shalt  }
0x49: {  	_ =	shalt  }
0x4a: {  	_ =	shalt  }
0x4b: {  	_ =	shalt  }
0x4c: {  	_ =	shalt  }
0x4d: {  	_ =	shalt  }
0x4e: {  	_ =	shalt  }
0x4f: {  	_ =	shalt  }
0x50: {  	_ =	shalt  }
0x51: {  	_ =	shalt  }
0x52: {  	_ =	shalt  }
0x53: {  	_ =	shalt  }
0x54: {  	_ =	shalt  }
0x55: {  	_ =	shalt  }
0x56: {  	_ =	shalt  }
0x57: {  	_ =	shalt  }
0x58: {  	_ =	shalt  }
0x59: {  	_ =	shalt  }
0x5a: {  	_ =	shalt  }
0x5b: {  	_ =	shalt  }
0x5c: {  	_ =	shalt  }
0x5d: {  	_ =	shalt  }
0x5e: {  	_ =	shalt  }
0x5f: {  	_ =	shalt  }
0x60: {  	_ =	shalt  }
0x61: {  	_ =	shalt  }
0x62: {  	_ =	shalt  }
0x63: {  	_ =	shalt  }
0x64: {  	_ =	shalt  }
0x65: {  	_ =	shalt  }
0x66: {  	_ =	shalt  }
0x67: {  	_ =	shalt  }
0x68: {  	_ =	shalt  }
0x69: {  	_ =	shalt  }
0x6a: {  	_ =	shalt  }
0x6b: {  	_ =	shalt  }
0x6c: {  	_ =	shalt  }
0x6d: {  	_ =	shalt  }
0x6e: {  	_ =	shalt  }
0x6f: {  	_ =	shalt  }
0x70: {  	_ =	shalt  }
0x71: {  	_ =	shalt  }
0x72: {  	_ =	shalt  }
0x73: {  	_ =	shalt  }
0x74: {  	_ =	shalt  }
0x75: {  	_ =	shalt  }
0x76: {  	_ =	shalt  }
0x77: {  	_ =	shalt  }
0x78: {  	_ =	shalt  }
0x79: {  	_ =	shalt  }
0x7a: {  	_ =	shalt  }
0x7b: {  	_ =	shalt  }
0x7c: {  	_ =	shalt  }
0x7d: {  	_ =	shalt  }
0x7e: {  	_ =	shalt  }
0x7f: {  	_ =	shalt  }
0x80: {  	_ =	shalt  }
0x81: {  	_ =	shalt  }
0x82: {  	_ =	shalt  }
0x83: {  	_ =	shalt  }
0x84: {  	_ =	shalt  }
0x85: {  	_ =	shalt  }
0x86: {  	_ =	shalt  }
0x87: {  	_ =	shalt  }
.Lfunc_end0:
.L_simem_size_0:
called_computation.3_lowered:
.L_overlay_start_0:
0x88: {  	s2 =	sld [smem:$0x3FD9]  }
0x89: {  	s3 =	sld [smem:$0x3FFE];
	_ =	sdelay $0x1  }
0x8a: {  	s1 =	srdreg.scid  }
0x8b: {  	s0 =	sand.u32 $0x1, s1  }
0x8c: {  	s17 =	sshll.u32 s0, $0xA;
	s2 =	sadd.s32 s3, s2  }
0x8d: {  	s2 =	sadd.s32 s2, s17  }
0x8e: {  	[smem:$0x3FBB] =	sst s2  }
0x8f: {  	_ = 	snop  }
0x90: {  	s18 =	sld [smem:$0x3FC7];
	(tm) =	ssettm $0x1  }
0x91: {  	s19 =	sld [smem:$0x3FFB];
	_ =	sdelay $0x3  }
0x92: {  	_ =	strace s19  }
0x93: {  	s2 =	sld [smem:$0x3FFC];
	_ =	sdelay $0x3  }
0x94: {  	_ =	strace s2  }
0x95: {  	s2 =	sld [smem:$0x3FFD];
	_ =	sdelay $0x3  }
0x96: {  	_ =	strace s2  }
0x97: {  	_ =	strace $0x8FFFFFFF  }
0x98: {  	s20 =	sld [smem:$0x3FDB];
	_ =	sdelay $0x1  }
0x99: {  	s4 =	simm.s32 $_scs_section_size  }
0x9a: {  	s5 =	simm.s32 $_size__tile_overlayer_lowered;
	s6 =	simm.s32 $_tile_overlayer_lowered  }
0x9b: {  	s7 =	simm.s32 $0x1BFF;
	s21 =	sshll.u32 s6, $0x1;
	s4 =	sadd.s32 s4, s20  }
0x9c: {  	s22 =	simm.s32 $0x0;
	s5 =	sshll.u32 s5, $0x1;
	s6 =	sadd.s32 s21, s4  }
0x9d: {  	[timem:s22], [sflag:s7] =	dma.local [hbm:s6], s5  }
0x9e: {  	_ =	swait.ge [sflag:s7], s5  }
0x9f: {  	s5 =	ssub.s32 $0x0, s5;
	[sflag:s7] =	ssyncset.done $0x0  }
0xa0: {  	[sflag:s7] =	ssyncadd.s32 s5;
	_ =	sdelay $0x1  }
0xa1: {  	s23 =	simm.s32 $0x1B8B  }
0xa2: {  	_ =	swait.ge [sflag:s23], $0x1  }
0xa3: {  	[sflag:s23] =	ssyncset.done $0x0  }
0xa4: {  	[sflag:s23] =	ssyncadd.s32 $0xFFFFFFFF  }
0xa5: {  	s5 =	sld [smem:$0x0]  }
0xa6: {  	s6 =	sand.u32 $0xFFFFFFFE, s1  }
0xa7: {  	p0 =	sne.s32 s1, s6  }
0xa8: {  	s6 =	sshll.u32 @p0 s6, $0xE  }
0xa9: {  	s6 =	sadd.s32 @p0 $0x11B8D, s6;
	s7 =	sshll.u32 @p0 s5, $0x11  }
0xaa: {  	s6 =	sor.u32 @p0 s7, s6  }
0xab: {  	[sflag:s6] =	ssyncadd.remote.s32 @p0 $0x1;
	_ =	sdelay $0x1  }
0xac: {  	s6 =	simm.s32 @p0 $0x1B8D  }
0xad: {  	_ =	swait.eq @p0 [sflag:s6], $0x1  }
0xae: {  	[sflag:s6] =	ssyncadd.s32 @p0 $0xFFFFFFFF  }
0xaf: {  	s7 =	sshll.u32 @!p0 s1, $0xE  }
0xb0: {  	s7 =	sor.u32 @!p0 $0x4000, s7;
	s6 =	simm.s32 @!p0 $0x1B8D  }
0xb1: {  	s5 =	sshll.u32 @!p0 s5, $0x11;
	s7 =	sadd.s32 @!p0 $0x11B8D, s7;
	_ =	swait.eq @!p0 [sflag:s6], $0x1  }
0xb2: {  	s5 =	sor.u32 @!p0 s5, s7;
	[sflag:s6] =	ssyncadd.s32 @!p0 $0xFFFFFFFF  }
0xb3: {  	s25 =	simm.s32 $0x1B8E;
	s24 =	sld [smem:$0x3FFE];
	[sflag:s5] =	ssyncadd.remote.s32 @!p0 $0x1  }
0xb4: {  	s26 =	simm.s32 $execute0_lowered;
	[smem:$0x3FD2] =	sst s25  }
0xb5: {  	s6 =	sshll.u32 s26, $0x1;
	_ =	strace $0x8000004F;
	[dreg:$0x1] =	wrdreg $0xFFFFFFFF  }
0xb6: {  	s28 =	simm.s32 $_size_execute0_lowered;
	s4 =	sadd.s32 s4, s6;
	[dreg:$0x0] =	wrdreg $0x0  }
0xb7: {  	s6 =	sshll.u32 s28, $0x1;
	[dreg:$0x2] =	wrdreg s4  }
0xb8: {  	[dreg:$0x3] =	wrdreg s6  }
0xb9: {  	[dreg:$0x4] =	wrdreg $0xC0  }
0xba: {  	_ =	task [dreg:s22], $0x5FFFF  }
0xbb: {  	[dreg:$0x1] =	wrdreg $0xFFFFFFFF  }
0xbc: {  	[dreg:$0x0] =	wrdreg $0x60  }
0xbd: {  	[dreg:$0x2] =	wrdreg s24  }
0xbe: {  	[dreg:$0x3] =	wrdreg s18  }
0xbf: {  	[dreg:$0x4] =	wrdreg $0xC  }
0xc0: {  	_ =	task.clear_ibuf [dreg:s22], $0x5FFFF;
	_ =	strace $0x9000004F  }
0xc1: {  	s29 =	simm.s32 $0xC;
	_ =	strace $0x80000051  }
0xc2: {  	_ =	swait.ge [sflag:s29], $0x1  }
0xc3: {  	[sflag:s29] =	ssyncadd.s32 $0xFFFFFFFF  }
0xc4: {  	_ =	strace $0x90000051  }
0xc5: {  	_ =	sfence  }
0xc6: {  	s30 =	sld [smem:$0x0];
	_ =	sdelay $0x2  }
0xc7: {  	s31 =	sshll.u32 s1, $0xD;
	s1 =	sshrl.u32 s1, $0x2  }
0xc8: {  	s4 =	sand.u32 $0x4000, s31;
	s1 =	sadd.s32 s1, s30  }
0xc9: {  	s0 =	sor.u32 s4, s0;
	s1 =	sshll.u32 s1, $0x11  }
0xca: {  	s0 =	sor.u32 s1, s0  }
0xcb: {  	s0 =	sadd.s32 $0x8F2B, s0  }
0xcc: {  	[sflag:s0] =	ssyncadd.remote.s32 $0x1  }
0xcd: {  	_ =	sfence.sel $0xFFFF  }
0xce: {  	[dreg:$0x0] =	wrdreg $0xFFFFFFFF;
	(pc) =	sbr.abs _section_cstart, $3  }
0xcf: {  	[dreg:$0x1] =	wrdreg $0xFFFFFFFF  }
0xd0: {  	_ =	task.clear_ibuf [dreg:s22], $0x2FFFF;
	_ =	strace $0x9FFFFFFF  }
0xd1: {  	(tm) =	ssettm $0x7FFFFFFF  }
tec
execute0_lowered:
.L_overlay_start_1:
0x0: {  	(tag) =	ssettag $0x1  }
0x1: {  	s0 =	rddreg [dreg:$0x0]  }
0x2: {  	s2 =	rddreg [dreg:$0x1];
	s1 =	srdreg.scid  }
0x3: {  	s4 =	stileid.u32;
	s3 =	simm.s32 $0x0;
	s8 =	simm.s32 $0x1  }
0x4: {  	s19 =	simm.s32 $0x3;
	s20 =	simm.s32 $0x2;
	s21 =	simm.s32 $0x4  }
0x5: {  	s23 =	simm.s32 $0x880;
	s24 =	simm.s32 $0x1080;
	s28 =	simm.s32 $0x2080  }
0x6: {  	s29 =	simm.s32 $0x2880;
	s30 =	simm.s32 $0x3080;
	s31 =	simm.s32 $0x3880  }
0x7: {  	s10 =	simm.s32 $0x5080;
	s11 =	simm.s32 $0x5880;
	s12 =	simm.s32 $0x6080  }
0x8: {  	s13 =	simm.s32 $0x6880;
	s14 =	simm.s32 $0x7080;
	s1 =	sand.u32 $0x1, s1  }
0x9: {  	s15 =	simm.s32 $0x7880;
	s4 =	sshll.u32 s4, $0x8;
	s5 =	sshll.u32 s1, $0x7  }
0xa: {  	s18 =	simm.s32 $0x8080;
	s16 =	simm.s32 $0x8880;
	s4 =	sor.u32 s5, s4  }
0xb: {  	s17 =	simm.s32 $0x9080;
	[smem:$0x7FF] =	sst s3;
	s5 =	sshrl.u32 s4, $0x3  }
0xc: {  	_ =	strace $0x80000050;
	s4 =	sshll.u32 s4, $0x7;
	s5 =	sadd.s32 s5, s0  }
0xd: {  	s1 =	ssub.s32 $0x2, s1;
	s0 =	sadd.s32 s4, s0;
	s5 =	sadd.s32 $0x3600, s5  }
0xe: {  	s25 =	sshrl.u32 s1, $0x1;
	s26 =	sadd.s32 $0x103800, s0;
	[dreg:$0x3] =	wrdreg s5  }
0xf: {  	s1 =	ssub.s32 s1, s25;
	s6 =	sadd.s32 $0x104800, s0;
	[dreg:$0x4] =	wrdreg s26  }
0x10: {  	s25 =	simm.s32 $0x80;
	s7 =	sadd.s32 $0x105800, s0;
	[dreg:$0x5] =	wrdreg s6  }
0x11: {  	v2 =	vlaneseq.u32;
	s4 =	sadd.s32 $0x100, s2;
	s0 =	sadd.s32 $0x106800, s0;
	[dreg:$0x6] =	wrdreg s7  }
0x12: {  	vm0 =	vmmov $0xffff;
	v1 =	vshrl.u32 v2, $0x3;
	s5 =	sadd.s32 $0x200, s2;
	s6 =	sadd.s32 $0x300, s2;
	[dreg:$0x7] =	wrdreg s0  }
0x13: {  	v0 =	vand.u32 $0x7, v2;
	v2 =	vor.u32 $0x8, v2;
	v1 =	vmul.u32 $0x8, v1;
	s7 =	smax.u32 s1, $0x1;
	s26 =	simm.s32 $0x1880;
	s1 =	simm.s32 $0x4880  }
.LBB2_1:
0x14: {  	s22 =	rddreg [dreg:$0x3];
	s0 =	simm.s32 $0x5  }
0x15: {  	[tilespmem:s3], [sflag:$0x5] =	stream.linear.gather [hbm4b:s22+s3], $0x80, $0x38;
	[tilespmem:$0x10080] =	vst v63  }
0x16: {  	_ =	swait.ge [sflag:s0], $0x80  }
0x17: {  	[sflag:s0] =	ssyncset.done $0x0  }
0x18: {  	[sflag:s0] =	ssyncadd.s32 $0xFFFFFF80  }
0x19: {  	v3 =	vld [tilespmem:$0x0];
	_ =	sdelay $0x4  }
0x1a: {  	v4 =	vshll.u32 v3, $0x3  }
0x1b: {  	v3 =	vand.u32 $0x7, v3;
	v4 =	vand.u32 $0xFFFFFFC0, v4  }
0x1c: {  	v3 =	vor.u32 v3, v4  }
0x1d: {  	v4 =	vperm.xlane v3, v0;
	_ =	sdelay $0x1  }
0x1e: {  	v4 =	vadd.s32 v1, v4;
	_ =	sdelay $0x4  }
0x1f: {  	[tilespmem:s25], [sflag:$0x1] =	stream.indirect_vreg.gather [hbm4b:s2+s3], $0x80, v4, vm0, $0xb8;
	[tilespmem:$0x10080] =	vst v63  }
0x20: {  	v3 =	vperm.xlane v3, v2  }
0x21: {  	[tilespmem:s23], [sflag:$0x1] =	stream.indirect_vreg.gather [hbm4b:s4+s3], $0x80, v4, vm0, $0xb8;
	[tilespmem:$0x10080] =	vst v63  }
0x22: {  	v3 =	vadd.s32 v1, v3  }
0x23: {  	[tilespmem:s24], [sflag:$0x1] =	stream.indirect_vreg.gather [hbm4b:s5+s3], $0x80, v4, vm0, $0xb8;
	[tilespmem:$0x10080] =	vst v63  }
0x24: {  	_ = 	snop  }
0x25: {  	[tilespmem:s26], [sflag:$0x1] =	stream.indirect_vreg.gather [hbm4b:s6+s3], $0x80, v4, vm0, $0xb8;
	[tilespmem:$0x10080] =	vst v63  }
0x26: {  	_ = 	snop  }
0x27: {  	[tilespmem:s28], [sflag:$0x1] =	stream.indirect_vreg.gather [hbm4b:s2+s3], $0x80, v3, vm0, $0xb8;
	[tilespmem:$0x10080] =	vst v63  }
0x28: {  	_ = 	snop  }
0x29: {  	[tilespmem:s29], [sflag:$0x1] =	stream.indirect_vreg.gather [hbm4b:s4+s3], $0x80, v3, vm0, $0xb8;
	[tilespmem:$0x10080] =	vst v63  }
0x2a: {  	_ = 	snop  }
0x2b: {  	[tilespmem:s30], [sflag:$0x1] =	stream.indirect_vreg.gather [hbm4b:s5+s3], $0x80, v3, vm0, $0xb8;
	[tilespmem:$0x10080] =	vst v63  }
0x2c: {  	_ = 	snop  }
0x2d: {  	[tilespmem:s31], [sflag:$0x1] =	stream.indirect_vreg.gather [hbm4b:s6+s3], $0x80, v3, vm0, $0xb8;
	[tilespmem:$0x10080] =	vst v63  }
0x2e: {  	v3 =	vld [tilespmem:$0x10];
	_ =	sdelay $0x4  }
0x2f: {  	v57 =	vshll.u32 v3, $0x3  }
0x30: {  	v3 =	vand.u32 $0x7, v3;
	v4 =	vand.u32 $0xFFFFFFC0, v57  }
0x31: {  	v3 =	vor.u32 v3, v4  }
0x32: {  	v4 =	vperm.xlane v3, v0;
	_ =	sdelay $0x1  }
0x33: {  	v4 =	vadd.s32 v1, v4;
	_ =	sdelay $0x3  }
0x34: {  	s0 =	simm.s32 $0x4080  }
0x35: {  	[tilespmem:s0], [sflag:$0x1] =	stream.indirect_vreg.gather [hbm4b:s2+s3], $0x80, v4, vm0, $0xb8;
	[tilespmem:$0x10080] =	vst v63  }
0x36: {  	v3 =	vperm.xlane v3, v2  }
0x37: {  	[tilespmem:s1], [sflag:$0x1] =	stream.indirect_vreg.gather [hbm4b:s4+s3], $0x80, v4, vm0, $0xb8;
	[tilespmem:$0x10080] =	vst v63  }
0x38: {  	v3 =	vadd.s32 v1, v3  }
0x39: {  	[tilespmem:s10], [sflag:$0x1] =	stream.indirect_vreg.gather [hbm4b:s5+s3], $0x80, v4, vm0, $0xb8;
	[tilespmem:$0x10080] =	vst v63  }
0x3a: {  	_ = 	snop  }
0x3b: {  	[tilespmem:s11], [sflag:$0x1] =	stream.indirect_vreg.gather [hbm4b:s6+s3], $0x80, v4, vm0, $0xb8;
	[tilespmem:$0x10080] =	vst v63  }
0x3c: {  	_ = 	snop  }
0x3d: {  	[tilespmem:s12], [sflag:$0x1] =	stream.indirect_vreg.gather [hbm4b:s2+s3], $0x80, v3, vm0, $0xb8;
	[tilespmem:$0x10080] =	vst v63  }
0x3e: {  	_ = 	snop  }
0x3f: {  	[tilespmem:s13], [sflag:$0x1] =	stream.indirect_vreg.gather [hbm4b:s4+s3], $0x80, v3, vm0, $0xb8;
	[tilespmem:$0x10080] =	vst v63  }
0x40: {  	_ = 	snop  }
0x41: {  	[tilespmem:s14], [sflag:$0x1] =	stream.indirect_vreg.gather [hbm4b:s5+s3], $0x80, v3, vm0, $0xb8;
	[tilespmem:$0x10080] =	vst v63  }
0x42: {  	_ = 	snop  }
0x43: {  	[tilespmem:s15], [sflag:$0x1] =	stream.indirect_vreg.gather [hbm4b:s6+s3], $0x80, v3, vm0, $0xb8;
	[tilespmem:$0x10080] =	vst v63  }
0x44: {  	v3 =	vld [tilespmem:$0x20];
	_ =	sdelay $0x4  }
0x45: {  	v58 =	vshll.u32 v3, $0x3  }
0x46: {  	v3 =	vand.u32 $0x7, v3;
	v4 =	vand.u32 $0xFFFFFFC0, v58  }
0x47: {  	v3 =	vor.u32 v3, v4  }
0x48: {  	v4 =	vperm.xlane v3, v0;
	_ =	sdelay $0x1  }
0x49: {  	v4 =	vadd.s32 v1, v4;
	_ =	sdelay $0x4  }
0x4a: {  	[tilespmem:s18], [sflag:$0x2] =	stream.indirect_vreg.gather [hbm4b:s2+s3], $0x80, v4, vm0, $0xb8;
	[tilespmem:$0x10080] =	vst v63  }
0x4b: {  	v3 =	vperm.xlane v3, v2  }
0x4c: {  	[tilespmem:s16], [sflag:$0x2] =	stream.indirect_vreg.gather [hbm4b:s4+s3], $0x80, v4, vm0, $0xb8;
	[tilespmem:$0x10080] =	vst v63  }
0x4d: {  	v3 =	vadd.s32 v1, v3  }
0x4e: {  	[tilespmem:s17], [sflag:$0x2] =	stream.indirect_vreg.gather [hbm4b:s5+s3], $0x80, v4, vm0, $0xb8;
	[tilespmem:$0x10080] =	vst v63  }
0x4f: {  	s9 =	simm.s32 $0x9880  }
0x50: {  	[tilespmem:s9], [sflag:$0x2] =	stream.indirect_vreg.gather [hbm4b:s6+s3], $0x80, v4, vm0, $0xb8;
	[tilespmem:$0x10080] =	vst v63  }
0x51: {  	s9 =	simm.s32 $0xA080  }
0x52: {  	[tilespmem:s9], [sflag:$0x2] =	stream.indirect_vreg.gather [hbm4b:s2+s3], $0x80, v3, vm0, $0xb8;
	[tilespmem:$0x10080] =	vst v63  }
0x53: {  	s22 =	simm.s32 $0xA880  }
0x54: {  	[tilespmem:s22], [sflag:$0x2] =	stream.indirect_vreg.gather [hbm4b:s4+s3], $0x80, v3, vm0, $0xb8;
	[tilespmem:$0x10080] =	vst v63  }
0x55: {  	s22 =	simm.s32 $0xB080  }
0x56: {  	[tilespmem:s22], [sflag:$0x2] =	stream.indirect_vreg.gather [hbm4b:s5+s3], $0x80, v3, vm0, $0xb8;
	[tilespmem:$0x10080] =	vst v63  }
0x57: {  	s22 =	simm.s32 $0xB880  }
0x58: {  	[tilespmem:s22], [sflag:$0x2] =	stream.indirect_vreg.gather [hbm4b:s6+s3], $0x80, v3, vm0, $0xb8;
	[tilespmem:$0x10080] =	vst v63  }
0x59: {  	v3 =	vld [tilespmem:$0x30];
	_ =	sdelay $0x4  }
0x5a: {  	v59 =	vshll.u32 v3, $0x3  }
0x5b: {  	v3 =	vand.u32 $0x7, v3;
	v4 =	vand.u32 $0xFFFFFFC0, v59  }
0x5c: {  	v3 =	vor.u32 v3, v4  }
0x5d: {  	v4 =	vperm.xlane v3, v0;
	_ =	sdelay $0x1  }
0x5e: {  	v4 =	vadd.s32 v1, v4;
	_ =	sdelay $0x3  }
0x5f: {  	s22 =	simm.s32 $0xC080  }
0x60: {  	[tilespmem:s22], [sflag:$0x2] =	stream.indirect_vreg.gather [hbm4b:s2+s3], $0x80, v4, vm0, $0xb8;
	[tilespmem:$0x10080] =	vst v63  }
0x61: {  	v3 =	vperm.xlane v3, v2;
	s22 =	simm.s32 $0xC880  }
0x62: {  	[tilespmem:s22], [sflag:$0x2] =	stream.indirect_vreg.gather [hbm4b:s4+s3], $0x80, v4, vm0, $0xb8;
	[tilespmem:$0x10080] =	vst v63  }
0x63: {  	v3 =	vadd.s32 v1, v3;
	s22 =	simm.s32 $0xD080  }
0x64: {  	[tilespmem:s22], [sflag:$0x2] =	stream.indirect_vreg.gather [hbm4b:s5+s3], $0x80, v4, vm0, $0xb8;
	[tilespmem:$0x10080] =	vst v63  }
0x65: {  	s22 =	simm.s32 $0xD880  }
0x66: {  	[tilespmem:s22], [sflag:$0x2] =	stream.indirect_vreg.gather [hbm4b:s6+s3], $0x80, v4, vm0, $0xb8;
	[tilespmem:$0x10080] =	vst v63  }
0x67: {  	s22 =	simm.s32 $0xE080  }
0x68: {  	[tilespmem:s22], [sflag:$0x2] =	stream.indirect_vreg.gather [hbm4b:s2+s3], $0x80, v3, vm0, $0xb8;
	[tilespmem:$0x10080] =	vst v63  }
0x69: {  	s22 =	simm.s32 $0xE880  }
0x6a: {  	[tilespmem:s22], [sflag:$0x2] =	stream.indirect_vreg.gather [hbm4b:s4+s3], $0x80, v3, vm0, $0xb8;
	[tilespmem:$0x10080] =	vst v63  }
0x6b: {  	s22 =	simm.s32 $0xF080  }
0x6c: {  	[tilespmem:s22], [sflag:$0x2] =	stream.indirect_vreg.gather [hbm4b:s5+s3], $0x80, v3, vm0, $0xb8;
	[tilespmem:$0x10080] =	vst v63  }
0x6d: {  	s22 =	simm.s32 $0xF880  }
0x6e: {  	[tilespmem:s22], [sflag:$0x2] =	stream.indirect_vreg.gather [hbm4b:s6+s3], $0x80, v3, vm0, $0xb8;
	[tilespmem:$0x10080] =	vst v63  }
0x6f: {  	_ =	swait.ge [sflag:s8], $0x8000  }
0x70: {  	[sflag:s8] =	ssyncset.done $0x0  }
0x71: {  	s22 =	rddreg [dreg:$0x4];
	[sflag:s8] =	ssyncadd.s32 $0xFFFF8000  }
0x72: {  	[hbm4b:s22+s3] =	stream.linear.scatter [tilespmem:s25], [sflag:$0x3], $0x8000, $0x38;
	[tilespmem:$0x10080] =	vst v63  }
0x73: {  	_ =	swait.ge [sflag:s19], $0x8000  }
0x74: {  	[sflag:s19] =	ssyncset.done $0x0  }
0x75: {  	[sflag:s19] =	ssyncadd.s32 $0xFFFF8000  }
0x76: {  	v3 =	vld [tilespmem:$0x40];
	_ =	sdelay $0x4  }
0x77: {  	v60 =	vshll.u32 v3, $0x3  }
0x78: {  	v3 =	vand.u32 $0x7, v3;
	v4 =	vand.u32 $0xFFFFFFC0, v60  }
0x79: {  	v3 =	vor.u32 v3, v4  }
0x7a: {  	v4 =	vperm.xlane v3, v0;
	_ =	sdelay $0x1  }
0x7b: {  	v4 =	vadd.s32 v1, v4;
	_ =	sdelay $0x4  }
0x7c: {  	[tilespmem:s25], [sflag:$0x1] =	stream.indirect_vreg.gather [hbm4b:s2+s3], $0x80, v4, vm0, $0xb8;
	[tilespmem:$0x10080] =	vst v63  }
0x7d: {  	v3 =	vperm.xlane v3, v2  }
0x7e: {  	[tilespmem:s23], [sflag:$0x1] =	stream.indirect_vreg.gather [hbm4b:s4+s3], $0x80, v4, vm0, $0xb8;
	[tilespmem:$0x10080] =	vst v63  }
0x7f: {  	v3 =	vadd.s32 v1, v3  }
0x80: {  	[tilespmem:s24], [sflag:$0x1] =	stream.indirect_vreg.gather [hbm4b:s5+s3], $0x80, v4, vm0, $0xb8;
	[tilespmem:$0x10080] =	vst v63  }
0x81: {  	_ = 	snop  }
0x82: {  	[tilespmem:s26], [sflag:$0x1] =	stream.indirect_vreg.gather [hbm4b:s6+s3], $0x80, v4, vm0, $0xb8;
	[tilespmem:$0x10080] =	vst v63  }
0x83: {  	_ = 	snop  }
0x84: {  	[tilespmem:s28], [sflag:$0x1] =	stream.indirect_vreg.gather [hbm4b:s2+s3], $0x80, v3, vm0, $0xb8;
	[tilespmem:$0x10080] =	vst v63  }
0x85: {  	_ = 	snop  }
0x86: {  	[tilespmem:s29], [sflag:$0x1] =	stream.indirect_vreg.gather [hbm4b:s4+s3], $0x80, v3, vm0, $0xb8;
	[tilespmem:$0x10080] =	vst v63  }
0x87: {  	_ = 	snop  }
0x88: {  	[tilespmem:s30], [sflag:$0x1] =	stream.indirect_vreg.gather [hbm4b:s5+s3], $0x80, v3, vm0, $0xb8;
	[tilespmem:$0x10080] =	vst v63  }
0x89: {  	_ = 	snop  }
0x8a: {  	[tilespmem:s31], [sflag:$0x1] =	stream.indirect_vreg.gather [hbm4b:s6+s3], $0x80, v3, vm0, $0xb8;
	[tilespmem:$0x10080] =	vst v63  }
0x8b: {  	v3 =	vld [tilespmem:$0x50];
	_ =	sdelay $0x4  }
0x8c: {  	v61 =	vshll.u32 v3, $0x3  }
0x8d: {  	v3 =	vand.u32 $0x7, v3;
	v4 =	vand.u32 $0xFFFFFFC0, v61  }
0x8e: {  	v3 =	vor.u32 v3, v4  }
0x8f: {  	v4 =	vperm.xlane v3, v0;
	_ =	sdelay $0x1  }
0x90: {  	v4 =	vadd.s32 v1, v4;
	_ =	sdelay $0x4  }
0x91: {  	[tilespmem:s0], [sflag:$0x1] =	stream.indirect_vreg.gather [hbm4b:s2+s3], $0x80, v4, vm0, $0xb8;
	[tilespmem:$0x10080] =	vst v63  }
0x92: {  	v3 =	vperm.xlane v3, v2  }
0x93: {  	[tilespmem:s1], [sflag:$0x1] =	stream.indirect_vreg.gather [hbm4b:s4+s3], $0x80, v4, vm0, $0xb8;
	[tilespmem:$0x10080] =	vst v63  }
0x94: {  	v3 =	vadd.s32 v1, v3  }
0x95: {  	[tilespmem:s10], [sflag:$0x1] =	stream.indirect_vreg.gather [hbm4b:s5+s3], $0x80, v4, vm0, $0xb8;
	[tilespmem:$0x10080] =	vst v63  }
0x96: {  	_ = 	snop  }
0x97: {  	[tilespmem:s11], [sflag:$0x1] =	stream.indirect_vreg.gather [hbm4b:s6+s3], $0x80, v4, vm0, $0xb8;
	[tilespmem:$0x10080] =	vst v63  }
0x98: {  	_ = 	snop  }
0x99: {  	[tilespmem:s12], [sflag:$0x1] =	stream.indirect_vreg.gather [hbm4b:s2+s3], $0x80, v3, vm0, $0xb8;
	[tilespmem:$0x10080] =	vst v63  }
0x9a: {  	_ = 	snop  }
0x9b: {  	[tilespmem:s13], [sflag:$0x1] =	stream.indirect_vreg.gather [hbm4b:s4+s3], $0x80, v3, vm0, $0xb8;
	[tilespmem:$0x10080] =	vst v63  }
0x9c: {  	_ = 	snop  }
0x9d: {  	[tilespmem:s14], [sflag:$0x1] =	stream.indirect_vreg.gather [hbm4b:s5+s3], $0x80, v3, vm0, $0xb8;
	[tilespmem:$0x10080] =	vst v63  }
0x9e: {  	_ = 	snop  }
0x9f: {  	[tilespmem:s15], [sflag:$0x1] =	stream.indirect_vreg.gather [hbm4b:s6+s3], $0x80, v3, vm0, $0xb8;
	[tilespmem:$0x10080] =	vst v63  }
0xa0: {  	_ =	swait.ge [sflag:s20], $0x8000  }
0xa1: {  	[sflag:s20] =	ssyncset.done $0x0  }
0xa2: {  	s0 =	rddreg [dreg:$0x5];
	[sflag:s20] =	ssyncadd.s32 $0xFFFF8000  }
0xa3: {  	[hbm4b:s0+s3] =	stream.linear.scatter [tilespmem:s18], [sflag:$0x4], $0x8000, $0x38;
	[tilespmem:$0x10080] =	vst v63  }
0xa4: {  	_ =	swait.ge [sflag:s21], $0x8000  }
0xa5: {  	[sflag:s21] =	ssyncset.done $0x0  }
0xa6: {  	[sflag:s21] =	ssyncadd.s32 $0xFFFF8000  }
0xa7: {  	v3 =	vld [tilespmem:$0x60];
	_ =	sdelay $0x4  }
0xa8: {  	v62 =	vshll.u32 v3, $0x3  }
0xa9: {  	v3 =	vand.u32 $0x7, v3;
	v4 =	vand.u32 $0xFFFFFFC0, v62  }
0xaa: {  	v3 =	vor.u32 v3, v4  }
0xab: {  	v4 =	vperm.xlane v3, v0;
	_ =	sdelay $0x1  }
0xac: {  	v4 =	vadd.s32 v1, v4;
	_ =	sdelay $0x4  }
0xad: {  	[tilespmem:s18], [sflag:$0x2] =	stream.indirect_vreg.gather [hbm4b:s2+s3], $0x80, v4, vm0, $0xb8;
	[tilespmem:$0x10080] =	vst v63  }
0xae: {  	v3 =	vperm.xlane v3, v2  }
0xaf: {  	[tilespmem:s16], [sflag:$0x2] =	stream.indirect_vreg.gather [hbm4b:s4+s3], $0x80, v4, vm0, $0xb8;
	[tilespmem:$0x10080] =	vst v63  }
0xb0: {  	v3 =	vadd.s32 v1, v3  }
0xb1: {  	[tilespmem:s17], [sflag:$0x2] =	stream.indirect_vreg.gather [hbm4b:s5+s3], $0x80, v4, vm0, $0xb8;
	[tilespmem:$0x10080] =	vst v63  }
0xb2: {  	s22 =	simm.s32 $0x9880  }
0xb3: {  	[tilespmem:s22], [sflag:$0x2] =	stream.indirect_vreg.gather [hbm4b:s6+s3], $0x80, v4, vm0, $0xb8;
	[tilespmem:$0x10080] =	vst v63  }
0xb4: {  	_ = 	snop  }
0xb5: {  	[tilespmem:s9], [sflag:$0x2] =	stream.indirect_vreg.gather [hbm4b:s2+s3], $0x80, v3, vm0, $0xb8;
	[tilespmem:$0x10080] =	vst v63  }
0xb6: {  	s22 =	simm.s32 $0xA880  }
0xb7: {  	[tilespmem:s22], [sflag:$0x2] =	stream.indirect_vreg.gather [hbm4b:s4+s3], $0x80, v3, vm0, $0xb8;
	[tilespmem:$0x10080] =	vst v63  }
0xb8: {  	s9 =	simm.s32 $0xB080  }
0xb9: {  	[tilespmem:s9], [sflag:$0x2] =	stream.indirect_vreg.gather [hbm4b:s5+s3], $0x80, v3, vm0, $0xb8;
	[tilespmem:$0x10080] =	vst v63  }
0xba: {  	s22 =	simm.s32 $0xB880  }
0xbb: {  	[tilespmem:s22], [sflag:$0x2] =	stream.indirect_vreg.gather [hbm4b:s6+s3], $0x80, v3, vm0, $0xb8;
	[tilespmem:$0x10080] =	vst v63  }
0xbc: {  	v3 =	vld [tilespmem:$0x70];
	_ =	sdelay $0x4  }
0xbd: {  	v63 =	vshll.u32 v3, $0x3  }
0xbe: {  	v3 =	vand.u32 $0x7, v3;
	v4 =	vand.u32 $0xFFFFFFC0, v63  }
0xbf: {  	v3 =	vor.u32 v3, v4  }
0xc0: {  	v4 =	vperm.xlane v3, v0;
	_ =	sdelay $0x1  }
0xc1: {  	v4 =	vadd.s32 v1, v4;
	_ =	sdelay $0x3  }
0xc2: {  	s9 =	simm.s32 $0xC080  }
0xc3: {  	[tilespmem:s9], [sflag:$0x2] =	stream.indirect_vreg.gather [hbm4b:s2+s3], $0x80, v4, vm0, $0xb8;
	[tilespmem:$0x10080] =	vst v63  }
0xc4: {  	s22 =	simm.s32 $0xC880;
	v3 =	vperm.xlane v3, v2  }
0xc5: {  	[tilespmem:s22], [sflag:$0x2] =	stream.indirect_vreg.gather [hbm4b:s4+s3], $0x80, v4, vm0, $0xb8;
	[tilespmem:$0x10080] =	vst v63  }
0xc6: {  	v3 =	vadd.s32 v1, v3;
	s9 =	simm.s32 $0xD080  }
0xc7: {  	[tilespmem:s9], [sflag:$0x2] =	stream.indirect_vreg.gather [hbm4b:s5+s3], $0x80, v4, vm0, $0xb8;
	[tilespmem:$0x10080] =	vst v63  }
0xc8: {  	s22 =	simm.s32 $0xD880  }
0xc9: {  	[tilespmem:s22], [sflag:$0x2] =	stream.indirect_vreg.gather [hbm4b:s6+s3], $0x80, v4, vm0, $0xb8;
	[tilespmem:$0x10080] =	vst v63  }
0xca: {  	s9 =	simm.s32 $0xE080  }
0xcb: {  	[tilespmem:s9], [sflag:$0x2] =	stream.indirect_vreg.gather [hbm4b:s2+s3], $0x80, v3, vm0, $0xb8;
	[tilespmem:$0x10080] =	vst v63  }
0xcc: {  	s22 =	simm.s32 $0xE880  }
0xcd: {  	[tilespmem:s22], [sflag:$0x2] =	stream.indirect_vreg.gather [hbm4b:s4+s3], $0x80, v3, vm0, $0xb8;
	[tilespmem:$0x10080] =	vst v63  }
0xce: {  	s9 =	simm.s32 $0xF080  }
0xcf: {  	[tilespmem:s9], [sflag:$0x2] =	stream.indirect_vreg.gather [hbm4b:s5+s3], $0x80, v3, vm0, $0xb8;
	[tilespmem:$0x10080] =	vst v63  }
0xd0: {  	s22 =	simm.s32 $0xF880  }
0xd1: {  	[tilespmem:s22], [sflag:$0x2] =	stream.indirect_vreg.gather [hbm4b:s6+s3], $0x80, v3, vm0, $0xb8;
	[tilespmem:$0x10080] =	vst v63  }
0xd2: {  	_ =	swait.ge [sflag:s8], $0x8000  }
0xd3: {  	[sflag:s8] =	ssyncset.done $0x0  }
0xd4: {  	s0 =	rddreg [dreg:$0x6];
	[sflag:s8] =	ssyncadd.s32 $0xFFFF8000  }
0xd5: {  	[hbm4b:s0+s3] =	stream.linear.scatter [tilespmem:s25], [sflag:$0x3], $0x8000, $0x38;
	[tilespmem:$0x10080] =	vst v63  }
0xd6: {  	_ =	swait.ge [sflag:s20], $0x8000  }
0xd7: {  	[sflag:s20] =	ssyncset.done $0x0  }
0xd8: {  	s9 =	rddreg [dreg:$0x7];
	[sflag:s20] =	ssyncadd.s32 $0xFFFF8000  }
0xd9: {  	[hbm4b:s9+s3] =	stream.linear.scatter [tilespmem:s18], [sflag:$0x4], $0x8000, $0x38;
	[tilespmem:$0x10080] =	vst v63  }
0xda: {  	p0 =	sne.s32 s7, $0x1;
	_ =	swait.ge [sflag:s19], $0x8000  }
.Ltmp0:
0xdb: {  	[sflag:s19] =	ssyncset.done $0x0;
	(pc) =	sbr.rel @p0 .LBB2_1-.Ltmp0, $4  }
0xdc: {  	[sflag:s19] =	ssyncadd.s32 $0xFFFF8000  }
0xdd: {  	_ =	swait.ge [sflag:s21], $0x8000  }
0xde: {  	[sflag:s21] =	ssyncset.done $0x0  }
0xdf: {  	s7 =	sadd.s32 $0xFFFFFFFF, s7;
	[sflag:s21] =	ssyncadd.s32 $0xFFFF8000  }
0xe0: {  	_ =	sfence.sel $0x180000  }
0xe1: {  	[bflag:$0x0] =	sbarrier.arrive $0xFFFF  }
0xe2: {  	_ =	strace $0x90000050  }
0xe3: {  	s0 =	stileid.u32;
	[bflag:$0x2] =	sbarrier.arrive $0xFFFF  }
0xe4: {  	p0 =	sne.s32 s0, $0x0;
	s0 =	rddreg [dreg:$0x2]  }
0xe5: {  	s0 =	sadd.s32 @!p0 $0x100000, s0  }
0xe6: {  	[sflag:s0] =	ssyncadd.tile.s32 @!p0 $0x1;
	_ =	shalt  }
.Lfunc_end2:
_tile_overlayer_lowered:
.L_overlay_start_2:
0xe7: {  	(tag) =	ssettag $0x2  }
0xe8: {  	s0 =	rddreg [dreg:$0x0];
	s2 =	stileid.u32  }
0xe9: {  	s1 =	rddreg [dreg:$0x1];
	p0 =	sne.s32 s2, $0x0  }
0xea: {  	s3 =	rddreg [dreg:$0x2];
	[bflag:$0x3] =	sbarrier.arrive $0xFFFF;
	s2 =	simm.s32 @!p0 $0x1C05  }
0xeb: {  	[timem:s3], [sflag:s2] =	dma.local @!p0 [hbm:s0], s1  }
0xec: {  	s0 =	simm.s32 @!p0 $0x5  }
0xed: {  	_ =	swait.ge @!p0 [sflag:s0], s1  }
0xee: {  	s1 =	ssub.s32 @!p0 $0x0, s1;
	[sflag:s0] =	ssyncset.done @!p0 $0x0  }
0xef: {  	[sflag:s0] =	ssyncadd.s32 @!p0 s1  }
0xf0: {  	[bflag:$0x3] =	sbarrier.arrive $0xFFFF  }
0xf1: {  	_ =	shalt  }

</sc_bundles>
